<compile_context>
chip_gen: v7x
topology: tpu7x:2x2x1
jax: 0.10.2.dev20260603
libtpu: 0.0.44.dev20260713+nightly
codegen_flags: <defaults>
</compile_context>

<pallas_src>
import functools

import jax
import jax.numpy as jnp
from jax import lax
from jax.experimental import pallas as pl
from jax.experimental.pallas import tpu as pltpu
from jax.experimental.pallas import tpu_sc as plsc

_N = 10000
_E = 320000
_D_IN = 128
_D_H = 256
_D_OUT = 2

_C1 = 64
_NS1 = 4
_R1 = 80
_CHUNK = 128
_K2 = 80
_E_PAD1 = 16 * _R1 * _NS1 * _C1
_E_PAD2 = 32 * _K2 * _CHUNK
_N2 = 10240
_W1 = 64
_W2 = 16
_RPS = _N2 // 16
_NSLOT = 8

_mesh = plsc.VectorSubcoreMesh(core_axis_name="c", subcore_axis_name="s")
_sc_params = pltpu.CompilerParams(use_tc_tiling_on_sc=False)


def _fill_rows(buf, value):
    n, w = buf.shape
    vec = jnp.full((16,), value, jnp.float32)

    def row(i, carry):
        for j in range(w // 16):
            buf[i, pl.ds(j * 16, 16)] = vec
        return carry

    lax.fori_loop(0, n, row, 0)


def _blast_stripe(buf, acc_sh, s):
    n = buf.shape[0]
    for t in range(_RPS // n):
        pltpu.sync_copy(buf, acc_sh.at[pl.ds(s * _RPS + t * n, n)])


def _edge_rounds(table, src_v, dst_v, bufs, acc_sh, sem_g, sem_s, nchunks,
                 cnt_cb=None, cnt_drain=None):
    nrounds = nchunks // _NSLOT

    for j in range(_NSLOT):
        pltpu.async_copy(table.at[src_v.at[j]], bufs[j], sem_g)

    def body(i, carry):
        k0 = i * _NSLOT
        for j in range(_NSLOT):
            k = k0 + j
            pltpu.make_async_copy(table.at[src_v.at[k]], bufs[j], sem_g).wait()
            pltpu.async_copy(bufs[j], acc_sh.at[dst_v.at[k]], sem_s, add=True)
            if cnt_cb is not None:
                cnt_cb(j, k)
        for j in range(_NSLOT):
            pltpu.make_async_copy(
                bufs[j], acc_sh.at[dst_v.at[k0 + j]], sem_s).wait()
        if cnt_drain is not None:
            cnt_drain(k0)

        @pl.when(i < nrounds - 1)
        def _():
            for j in range(_NSLOT):
                pltpu.async_copy(
                    table.at[src_v.at[k0 + _NSLOT + j]], bufs[j], sem_g)

        return carry

    lax.fori_loop(0, nrounds, body, 0)


@functools.partial(
    pl.kernel,
    mesh=_mesh,
    compiler_params=_sc_params,
    out_type=(
        jax.ShapeDtypeStruct((_N2, _W1), jnp.float32),
        jax.ShapeDtypeStruct((_N2, _W1), jnp.float32),
        jax.ShapeDtypeStruct((2, _N2, _W2), jnp.float32),
    ),
    scratch_types=[
        [pltpu.VMEM((_NS1, _C1), jnp.int32)] * 4,
        [pltpu.VMEM((_C1, _W1), jnp.float32)] * (2 * _NS1),
        pltpu.VMEM((_C1, _W2), jnp.float32),
        pltpu.VMEM((64, _W2), jnp.float32),
        pltpu.VMEM_SHARED((_N2, _W1), jnp.float32),
        pltpu.VMEM_SHARED((_N2, _W2), jnp.float32),
        pltpu.VMEM_SHARED((_N2, _W1), jnp.float32),
        [pltpu.SemaphoreType.DMA] * 2,
        [pltpu.SemaphoreType.DMA] * 2,
        pltpu.SemaphoreType.DMA,
        pltpu.SemaphoreType.DMA,
    ],
)
def _sc_pass1(x_hbm, sidx_hbm, didx_hbm, out_lo, out_hi, out_cnt,
              ibanks_flat, bufs_flat, ones_v, zeros_v, acc_sh, cnt_sh, tbl_sh,
              sem_i, sem_g, sem_s, sem_c):
    c = lax.axis_index("c")
    s = lax.axis_index("s")
    bufs = [bufs_flat[:_NS1], bufs_flat[_NS1:]]
    sbank = ibanks_flat[:2]
    dbank = ibanks_flat[2:]

    cols = pl.ds(c * _W1, _W1)

    def stage_chunk(r0, buf):
        pltpu.sync_copy(x_hbm.at[pl.ds(r0, buf.shape[0]), cols], buf)
        pltpu.sync_copy(buf, tbl_sh.at[pl.ds(r0, buf.shape[0])])

    @pl.when(s < 15)
    def _():
        for t in range(_RPS // _C1):
            stage_chunk(s * _RPS + t * _C1, bufs[1][0])

    @pl.when(s == 15)
    def _():
        for t in range((_N - 15 * _RPS) // _C1):
            stage_chunk(15 * _RPS + t * _C1, bufs[1][0])
        stage_chunk(_N - 16, bufs[1][0].at[pl.ds(0, 16)])

    _fill_rows(bufs[0][0], 0.0)
    _fill_rows(ones_v, 1.0)
    _fill_rows(zeros_v, 0.0)
    _blast_stripe(bufs[0][0], acc_sh, s)
    _blast_stripe(zeros_v, cnt_sh, s)
    plsc.subcore_barrier()

    def run(table):
        pltpu.sync_copy(sidx_hbm.at[s, 0], sbank[0])
        pltpu.sync_copy(didx_hbm.at[s, 0], dbank[0])
        for j in range(_NS1):
            pltpu.async_copy(table.at[sbank[0].at[j]], bufs[0][j], sem_g[0])
        pltpu.async_copy(sidx_hbm.at[s, 1], sbank[1], sem_i[1])
        pltpu.async_copy(didx_hbm.at[s, 1], dbank[1], sem_i[1])

        def half_round(r, x):
            y = 1 - x

            @pl.when(r + 1 < _R1)
            def _():
                pltpu.make_async_copy(
                    sidx_hbm.at[s, 0], sbank[y], sem_i[y]).wait()
                pltpu.make_async_copy(
                    didx_hbm.at[s, 0], dbank[y], sem_i[y]).wait()
                for j in range(_NS1):
                    pltpu.async_copy(
                        table.at[sbank[y].at[j]], bufs[y][j], sem_g[y])

            for j in range(_NS1):
                pltpu.make_async_copy(
                    table.at[sbank[x].at[j]], bufs[x][j], sem_g[x]).wait()
                pltpu.async_copy(
                    bufs[x][j], acc_sh.at[dbank[x].at[j]], sem_s, add=True)

                @pl.when(c == j % 2)
                def _():
                    pltpu.async_copy(
                        ones_v, cnt_sh.at[dbank[x].at[j]], sem_c, add=True)

            for j in range(_NS1):
                pltpu.make_async_copy(
                    bufs[x][j], acc_sh.at[dbank[x].at[j]], sem_s).wait()
            for _unused in range(_NS1 // 2):
                pltpu.make_async_copy(
                    ones_v, cnt_sh.at[dbank[x].at[0]], sem_c).wait()

            @pl.when(r + 2 < _R1)
            def _():
                pltpu.async_copy(sidx_hbm.at[s, r + 2], sbank[x], sem_i[x])
                pltpu.async_copy(didx_hbm.at[s, r + 2], dbank[x], sem_i[x])

        def body(i, carry):
            half_round(2 * i, 0)
            half_round(2 * i + 1, 1)
            return carry

        lax.fori_loop(0, _R1 // 2, body, 0)

    run(tbl_sh)

    plsc.subcore_barrier()

    rows = pl.ds(s * _RPS, _RPS)

    @pl.when(c == 0)
    def _():
        pltpu.sync_copy(acc_sh.at[rows], out_lo.at[rows])

    @pl.when(c == 1)
    def _():
        pltpu.sync_copy(acc_sh.at[rows], out_hi.at[rows])

    pltpu.sync_copy(cnt_sh.at[rows], out_cnt.at[c, rows])


@functools.partial(
    pl.kernel,
    mesh=_mesh,
    compiler_params=_sc_params,
    out_type=jax.ShapeDtypeStruct((2, _N2, _W2), jnp.float32),
    scratch_types=[
        pltpu.VMEM((_K2, _CHUNK), jnp.int32),
        pltpu.VMEM((_K2, _CHUNK), jnp.int32),
        [pltpu.VMEM((_CHUNK, _W2), jnp.float32)] * _NSLOT,
        pltpu.VMEM_SHARED((_N2, _W2), jnp.float32),
        pltpu.VMEM_SHARED((_N2, _W2), jnp.float32),
        pltpu.SemaphoreType.DMA,
        pltpu.SemaphoreType.DMA,
    ],
)
def _sc_pass2(q_hbm, src_hbm, dst_hbm, out_hbm,
              src_v, dst_v, bufs, acc_sh, tbl_sh, sem_g, sem_s):
    c = lax.axis_index("c")
    s = lax.axis_index("s")
    wid = s * 2 + c

    pltpu.sync_copy(src_hbm.at[pl.ds(wid * _K2, _K2)], src_v)
    pltpu.sync_copy(dst_hbm.at[pl.ds(wid * _K2, _K2)], dst_v)
    def stage_chunk(r0, buf):
        pltpu.sync_copy(q_hbm.at[pl.ds(r0, buf.shape[0])], buf)
        pltpu.sync_copy(buf, tbl_sh.at[pl.ds(r0, buf.shape[0])])

    @pl.when(s < 15)
    def _():
        for t in range(_RPS // _CHUNK):
            stage_chunk(s * _RPS + t * _CHUNK, bufs[1])

    @pl.when(s == 15)
    def _():
        for t in range((_N - 15 * _RPS) // _CHUNK):
            stage_chunk(15 * _RPS + t * _CHUNK, bufs[1])
        stage_chunk(_N - 16, bufs[1].at[pl.ds(0, 16)])
    _fill_rows(bufs[0], 0.0)
    _blast_stripe(bufs[0], acc_sh, s)
    plsc.subcore_barrier()

    _edge_rounds(tbl_sh, src_v, dst_v, bufs, acc_sh, sem_g, sem_s, _K2)

    plsc.subcore_barrier()
    rows = pl.ds(s * _RPS, _RPS)
    pltpu.sync_copy(acc_sh.at[rows], out_hbm.at[c, rows])


_R = 400


def _dense_body(lo_ref, hi_ref, cnt_ref, x_ref, wlo_ref, whi_ref, wrst_ref,
                b1_ref, gamma_ref, beta_ref, w2_ref, b2_ref,
                q0_ref, r_ref):
    cnt = cnt_ref[0, :, 0:1] + cnt_ref[1, :, 0:1]
    inv = 1.0 / jnp.maximum(cnt, 1.0)
    x1 = (jnp.dot(lo_ref[...] * inv, wlo_ref[...],
                  preferred_element_type=jnp.float32)
          + jnp.dot(hi_ref[...] * inv, whi_ref[...],
                    preferred_element_type=jnp.float32)
          + jnp.dot(x_ref[...], wrst_ref[...],
                    preferred_element_type=jnp.float32)
          + b1_ref[...])
    mu = jnp.mean(x1, axis=-1, keepdims=True)
    var = jnp.mean((x1 - mu) ** 2, axis=-1, keepdims=True)
    xn = (x1 - mu) * lax.rsqrt(var + 1e-5) * gamma_ref[...] + beta_ref[...]
    h = jnp.where(xn > 0, xn, jnp.exp(xn) - 1.0)
    qr = jnp.dot(h, w2_ref[...], preferred_element_type=jnp.float32) \
        + b2_ref[...]
    q0_ref[...] = qr[:, :_W2]
    r_ref[...] = qr[:, _W2:]


def _combine_body(acc2_ref, cnt_ref, r_ref, out_ref):
    cnt = cnt_ref[0, :, 0:1] + cnt_ref[1, :, 0:1]
    inv = 1.0 / jnp.maximum(cnt, 1.0)
    res = (acc2_ref[0] + acc2_ref[1]) * inv + r_ref[...]
    out_ref[...] = res[:, :_D_OUT]


def kernel(x, edge_index, Wl1, bl1, Wr1, Ws, bs, gamma, beta, Wl2, bl2, Wr2):
    src = edge_index[0]
    dst = edge_index[1]
    pad1 = _E_PAD1 - _E
    src_p = jnp.concatenate([src, jnp.zeros((pad1,), jnp.int32)])
    dst_p = jnp.concatenate([dst, jnp.full((pad1,), _N, jnp.int32)])
    src2d = src_p.reshape(32 * _K2, _CHUNK)
    dst2d = dst_p.reshape(32 * _K2, _CHUNK)
    src4 = src_p.reshape(16, _R1, _NS1, _C1)
    dst4 = dst_p.reshape(16, _R1, _NS1, _C1)

    acc_lo, acc_hi, cnt2 = _sc_pass1(x, src4, dst4)

    wl1t = Wl1.T
    wlo = wl1t[:64]
    whi = wl1t[64:128]
    wrst = (Wr1 + Ws).T
    b1 = (bl1 + bs).reshape(1, _D_H)
    g2 = gamma.reshape(1, _D_H)
    be2 = beta.reshape(1, _D_H)
    w2 = jnp.zeros((_D_H, 2 * _W2), jnp.float32)
    w2 = w2.at[:, 0:_D_OUT].set(Wl2.T).at[:, _W2:_W2 + _D_OUT].set(Wr2.T)
    b2 = jnp.zeros((1, 2 * _W2), jnp.float32)
    b2 = b2.at[0, _W2:_W2 + _D_OUT].set(bl2)

    grid = (_N // _R,)
    q0p, rp = pl.pallas_call(
        _dense_body,
        grid=grid,
        in_specs=[
            pl.BlockSpec((_R, _W1), lambda i: (i, 0)),
            pl.BlockSpec((_R, _W1), lambda i: (i, 0)),
            pl.BlockSpec((2, _R, _W2), lambda i: (0, i, 0)),
            pl.BlockSpec((_R, _D_IN), lambda i: (i, 0)),
            pl.BlockSpec((_W1, _D_H), lambda i: (0, 0)),
            pl.BlockSpec((_W1, _D_H), lambda i: (0, 0)),
            pl.BlockSpec((_D_IN, _D_H), lambda i: (0, 0)),
            pl.BlockSpec((1, _D_H), lambda i: (0, 0)),
            pl.BlockSpec((1, _D_H), lambda i: (0, 0)),
            pl.BlockSpec((1, _D_H), lambda i: (0, 0)),
            pl.BlockSpec((_D_H, 2 * _W2), lambda i: (0, 0)),
            pl.BlockSpec((1, 2 * _W2), lambda i: (0, 0)),
        ],
        out_specs=[
            pl.BlockSpec((_R, _W2), lambda i: (i, 0)),
            pl.BlockSpec((_R, _W2), lambda i: (i, 0)),
        ],
        out_shape=[
            jax.ShapeDtypeStruct((_N, _W2), jnp.float32),
            jax.ShapeDtypeStruct((_N, _W2), jnp.float32),
        ],
    )(acc_lo, acc_hi, cnt2, x, wlo, whi, wrst, b1, g2, be2, w2, b2)

    acc2 = _sc_pass2(q0p, src2d, dst2d)

    outp = pl.pallas_call(
        _combine_body,
        grid=grid,
        in_specs=[
            pl.BlockSpec((2, _R, _W2), lambda i: (0, i, 0)),
            pl.BlockSpec((2, _R, _W2), lambda i: (0, i, 0)),
            pl.BlockSpec((_R, _W2), lambda i: (i, 0)),
        ],
        out_specs=pl.BlockSpec((_R, _D_OUT), lambda i: (i, 0)),
        out_shape=jax.ShapeDtypeStruct((_N, _D_OUT), jnp.float32),
    )(acc2, cnt2, rp)

    return outp

# --- scband reference (transcript-rebuilt; emitter-appended) ---
"""Pipeline reference for scband-gene-sage-71373766525394 (READ-ONLY COPY).

The authoritative reference and input builder live on the scoring server;
editing this copy changes nothing except your own understanding.
"""

import jax, jax.numpy as jnp
import numpy as np

N = 10000
E = 320000
D_IN = 128
D_H = 256
D_OUT = 2


def setup_inputs(seed: int = 0) -> dict:
    key = jax.random.key(seed)
    ks = jax.random.split(key, 13)
    x = jax.random.normal(ks[0], (N, D_IN), dtype=jnp.float32)
    edge_index = jax.random.randint(ks[1], (2, E), 0, N, dtype=jnp.int32)

    def glorot(k, shape):
        fan_in = shape[-1]
        return jax.random.normal(k, shape, dtype=jnp.float32) * (1.0 / np.sqrt(fan_in))

    # SAGEConv1: lin_l (aggregated neighbors, with bias), lin_r (root, no bias)
    Wl1 = glorot(ks[2], (D_H, D_IN))
    bl1 = jnp.zeros((D_H,), dtype=jnp.float32)
    Wr1 = glorot(ks[3], (D_H, D_IN))
    # skip linear
    Ws = glorot(ks[4], (D_H, D_IN))
    bs = jnp.zeros((D_H,), dtype=jnp.float32)
    # LayerNorm
    gamma = jnp.ones((D_H,), dtype=jnp.float32)
    beta = jnp.zeros((D_H,), dtype=jnp.float32)
    # SAGEConv2
    Wl2 = glorot(ks[5], (D_OUT, D_H))
    bl2 = jnp.zeros((D_OUT,), dtype=jnp.float32)
    Wr2 = glorot(ks[6], (D_OUT, D_H))

    return {"x": x, "edge_index": edge_index, "Wl1": Wl1, "bl1": bl1, "Wr1": Wr1,
            "Ws": Ws, "bs": bs, "gamma": gamma, "beta": beta,
            "Wl2": Wl2, "bl2": bl2, "Wr2": Wr2}


def _sage_conv(x, src, dst, Wl, bl, Wr, num_nodes):
    # PyG SAGEConv with mean aggregation:
    # out = lin_l(mean_{j in N(i)} x_j) + lin_r(x_i)
    msg = jnp.take(x, src, axis=0)
    agg = jax.ops.segment_sum(msg, dst, num_segments=num_nodes)
    cnt = jax.ops.segment_sum(jnp.ones((src.shape[0], 1), dtype=x.dtype), dst, num_segments=num_nodes)
    mean = agg / jnp.clip(cnt, 1.0, None)
    return mean @ Wl.T + bl + x @ Wr.T


def _layer_norm(x, gamma, beta, eps=1e-5):
    mu = jnp.mean(x, axis=-1, keepdims=True)
    var = jnp.mean((x - mu) ** 2, axis=-1, keepdims=True)
    return (x - mu) / jnp.sqrt(var + eps) * gamma + beta


def reference(x, edge_index, Wl1, bl1, Wr1, Ws, bs, gamma, beta, Wl2, bl2, Wr2):
    src = edge_index[0]
    dst = edge_index[1]
    x1 = _sage_conv(x, src, dst, Wl1, bl1, Wr1, N) + (x @ Ws.T + bs)
    h = jax.nn.elu(_layer_norm(x1, gamma, beta))
    out = _sage_conv(h, src, dst, Wl2, bl2, Wr2, N)
    return out

if __name__ == "__main__":
    import jax
    _d = setup_inputs()
    print(jax.jit(kernel)(*tuple(_d.values())))

</pallas_src>

<mosaic_0001>
#map = affine_map<(d0, d1) -> (0, 0)>
#map1 = affine_map<(d0, d1) -> (0, 0, 0, 0)>
#map2 = affine_map<(d0, d1) -> (0, 0, 0)>
module attributes {stable_mosaic.version = 14 : i64} {
  func.func @_sc_pass1(%arg0: i32, %arg1: i32, %arg2: memref<10000x128xf32, #tpu.memory_space<hbm>>, %arg3: memref<16x80x4x64xi32, #tpu.memory_space<hbm>>, %arg4: memref<16x80x4x64xi32, #tpu.memory_space<hbm>>, %arg5: memref<10240x64xf32, #tpu.memory_space<hbm>>, %arg6: memref<10240x64xf32, #tpu.memory_space<hbm>>, %arg7: memref<2x10240x16xf32, #tpu.memory_space<hbm>>, %arg8: memref<4x64xi32, #tpu.memory_space<vmem>>, %arg9: memref<4x64xi32, #tpu.memory_space<vmem>>, %arg10: memref<4x64xi32, #tpu.memory_space<vmem>>, %arg11: memref<4x64xi32, #tpu.memory_space<vmem>>, %arg12: memref<64x64xf32, #tpu.memory_space<vmem>>, %arg13: memref<64x64xf32, #tpu.memory_space<vmem>>, %arg14: memref<64x64xf32, #tpu.memory_space<vmem>>, %arg15: memref<64x64xf32, #tpu.memory_space<vmem>>, %arg16: memref<64x64xf32, #tpu.memory_space<vmem>>, %arg17: memref<64x64xf32, #tpu.memory_space<vmem>>, %arg18: memref<64x64xf32, #tpu.memory_space<vmem>>, %arg19: memref<64x64xf32, #tpu.memory_space<vmem>>, %arg20: memref<64x16xf32, #tpu.memory_space<vmem>>, %arg21: memref<64x16xf32, #tpu.memory_space<vmem>>, %arg22: memref<10240x64xf32, #tpu.memory_space<vmem_shared>>, %arg23: memref<10240x16xf32, #tpu.memory_space<vmem_shared>>, %arg24: memref<10240x64xf32, #tpu.memory_space<vmem_shared>>, %arg25: memref<!tpu.dma_semaphore, #tpu.memory_space<semaphore_mem>>, %arg26: memref<!tpu.dma_semaphore, #tpu.memory_space<semaphore_mem>>, %arg27: memref<!tpu.dma_semaphore, #tpu.memory_space<semaphore_mem>>, %arg28: memref<!tpu.dma_semaphore, #tpu.memory_space<semaphore_mem>>, %arg29: memref<!tpu.dma_semaphore, #tpu.memory_space<semaphore_mem>>, %arg30: memref<!tpu.dma_semaphore, #tpu.memory_space<semaphore_mem>>) attributes {dimension_semantics = [#tpu.dimension_semantics<core_parallel>, #tpu.dimension_semantics<subcore_parallel>], iteration_bounds = array<i64: 2, 16>, scalar_prefetch = 0 : i64, scratch_operands = 23 : i64, tpu.core_type = #tpu.core_type<sc_vector_subcore>, window_params = [{transform_indices = #map}, {transform_indices = #map1}, {transform_indices = #map1}, {transform_indices = #map}, {transform_indices = #map}, {transform_indices = #map2}]} {
    %mul3A = arith.constant 64 : i32
    %mul3A_0 = arith.muli %arg0, %mul3A : i32
    %lt3A = arith.constant 15 : i32
    %lt3A_1 = arith.cmpi slt, %arg1, %lt3A : i32
    %convert_element_type3A = arith.extui %lt3A_1 : i1 to i32
    %cond3A = arith.constant 0 : i32
    %cond3A_2 = arith.cmpi ne, %convert_element_type3A, %cond3A : i32
    scf.if %cond3A_2 {
      %mul3A_173 = arith.constant 640 : i32
      %mul3A_174 = arith.muli %arg1, %mul3A_173 : i32
      %add3A_175 = arith.constant 0 : i32
      %add3A_176 = arith.addi %mul3A_174, %add3A_175 : i32
      "tpu.region"() ({
        %run_scoped3A_213 = tpu.sem_alloc : memref<!tpu.dma_semaphore, #tpu.memory_space<semaphore_mem>>
        %dma_start3A_214 = tpu.memref_slice %arg2[%add3A_176, %mul3A_0] : memref<10000x128xf32, #tpu.memory_space<hbm>> -> memref<64x64xf32, #tpu.memory_space<hbm>>
        %dma_start3A_215 = tpu.memref_slice %arg2[%add3A_176, %mul3A_0] : memref<10000x128xf32, #tpu.memory_space<hbm>> -> memref<64x64xf32, #tpu.memory_space<hbm>>
        tpu.enqueue_dma source(%dma_start3A_215 : memref<64x64xf32, #tpu.memory_space<hbm>>) target(%arg16 : memref<64x64xf32, #tpu.memory_space<vmem>>) target_semaphore(%run_scoped3A_213 : memref<!tpu.dma_semaphore, #tpu.memory_space<semaphore_mem>>)
        %dma_wait3A = tpu.memref_slice %arg2[%add3A_176, %mul3A_0] : memref<10000x128xf32, #tpu.memory_space<hbm>> -> memref<64x64xf32, #tpu.memory_space<hbm>>
        %dma_wait3A_216 = tpu.memref_slice %arg2[%add3A_176, %mul3A_0] : memref<10000x128xf32, #tpu.memory_space<hbm>> -> memref<64x64xf32, #tpu.memory_space<hbm>>
        tpu.wait_dma2 semaphore(%run_scoped3A_213 : memref<!tpu.dma_semaphore, #tpu.memory_space<semaphore_mem>>) src(%dma_wait3A_216 : memref<64x64xf32, #tpu.memory_space<hbm>>) dst(%arg16 : memref<64x64xf32, #tpu.memory_space<vmem>>)
        tpu.yield
      }) : () -> ()
      "tpu.region"() ({
        %run_scoped3A_213 = tpu.sem_alloc : memref<!tpu.dma_semaphore, #tpu.memory_space<semaphore_mem>>
        %dma_start3A_214 = arith.constant 0 : i32
        %dma_start3A_215 = tpu.memref_slice %arg24[%add3A_176, %dma_start3A_214] : memref<10240x64xf32, #tpu.memory_space<vmem_shared>> -> memref<64x64xf32, #tpu.memory_space<vmem_shared>>
        %dma_start3A_216 = arith.constant 0 : i32
        %dma_start3A_217 = tpu.memref_slice %arg24[%add3A_176, %dma_start3A_216] : memref<10240x64xf32, #tpu.memory_space<vmem_shared>> -> memref<64x64xf32, #tpu.memory_space<vmem_shared>>
        tpu.enqueue_dma source(%arg16 : memref<64x64xf32, #tpu.memory_space<vmem>>) target(%dma_start3A_217 : memref<64x64xf32, #tpu.memory_space<vmem_shared>>) target_semaphore(%run_scoped3A_213 : memref<!tpu.dma_semaphore, #tpu.memory_space<semaphore_mem>>)
        %dma_wait3A = arith.constant 0 : i32
        %dma_wait3A_218 = tpu.memref_slice %arg24[%add3A_176, %dma_wait3A] : memref<10240x64xf32, #tpu.memory_space<vmem_shared>> -> memref<64x64xf32, #tpu.memory_space<vmem_shared>>
        %dma_wait3A_219 = arith.constant 0 : i32
        %dma_wait3A_220 = tpu.memref_slice %arg24[%add3A_176, %dma_wait3A_219] : memref<10240x64xf32, #tpu.memory_space<vmem_shared>> -> memref<64x64xf32, #tpu.memory_space<vmem_shared>>
        tpu.wait_dma2 semaphore(%run_scoped3A_213 : memref<!tpu.dma_semaphore, #tpu.memory_space<semaphore_mem>>) src(%arg16 : memref<64x64xf32, #tpu.memory_space<vmem>>) dst(%dma_wait3A_220 : memref<64x64xf32, #tpu.memory_space<vmem_shared>>)
        tpu.yield
      }) : () -> ()
      %mul3A_177 = arith.constant 640 : i32
      %mul3A_178 = arith.muli %arg1, %mul3A_177 : i32
      %add3A_179 = arith.constant 64 : i32
      %add3A_180 = arith.addi %mul3A_178, %add3A_179 : i32
      "tpu.region"() ({
        %run_scoped3A_213 = tpu.sem_alloc : memref<!tpu.dma_semaphore, #tpu.memory_space<semaphore_mem>>
        %dma_start3A_214 = tpu.memref_slice %arg2[%add3A_180, %mul3A_0] : memref<10000x128xf32, #tpu.memory_space<hbm>> -> memref<64x64xf32, #tpu.memory_space<hbm>>
        %dma_start3A_215 = tpu.memref_slice %arg2[%add3A_180, %mul3A_0] : memref<10000x128xf32, #tpu.memory_space<hbm>> -> memref<64x64xf32, #tpu.memory_space<hbm>>
        tpu.enqueue_dma source(%dma_start3A_215 : memref<64x64xf32, #tpu.memory_space<hbm>>) target(%arg16 : memref<64x64xf32, #tpu.memory_space<vmem>>) target_semaphore(%run_scoped3A_213 : memref<!tpu.dma_semaphore, #tpu.memory_space<semaphore_mem>>)
        %dma_wait3A = tpu.memref_slice %arg2[%add3A_180, %mul3A_0] : memref<10000x128xf32, #tpu.memory_space<hbm>> -> memref<64x64xf32, #tpu.memory_space<hbm>>
        %dma_wait3A_216 = tpu.memref_slice %arg2[%add3A_180, %mul3A_0] : memref<10000x128xf32, #tpu.memory_space<hbm>> -> memref<64x64xf32, #tpu.memory_space<hbm>>
        tpu.wait_dma2 semaphore(%run_scoped3A_213 : memref<!tpu.dma_semaphore, #tpu.memory_space<semaphore_mem>>) src(%dma_wait3A_216 : memref<64x64xf32, #tpu.memory_space<hbm>>) dst(%arg16 : memref<64x64xf32, #tpu.memory_space<vmem>>)
        tpu.yield
      }) : () -> ()
      "tpu.region"() ({
        %run_scoped3A_213 = tpu.sem_alloc : memref<!tpu.dma_semaphore, #tpu.memory_space<semaphore_mem>>
        %dma_start3A_214 = arith.constant 0 : i32
        %dma_start3A_215 = tpu.memref_slice %arg24[%add3A_180, %dma_start3A_214] : memref<10240x64xf32, #tpu.memory_space<vmem_shared>> -> memref<64x64xf32, #tpu.memory_space<vmem_shared>>
        %dma_start3A_216 = arith.constant 0 : i32
        %dma_start3A_217 = tpu.memref_slice %arg24[%add3A_180, %dma_start3A_216] : memref<10240x64xf32, #tpu.memory_space<vmem_shared>> -> memref<64x64xf32, #tpu.memory_space<vmem_shared>>
        tpu.enqueue_dma source(%arg16 : memref<64x64xf32, #tpu.memory_space<vmem>>) target(%dma_start3A_217 : memref<64x64xf32, #tpu.memory_space<vmem_shared>>) target_semaphore(%run_scoped3A_213 : memref<!tpu.dma_semaphore, #tpu.memory_space<semaphore_mem>>)
        %dma_wait3A = arith.constant 0 : i32
        %dma_wait3A_218 = tpu.memref_slice %arg24[%add3A_180, %dma_wait3A] : memref<10240x64xf32, #tpu.memory_space<vmem_shared>> -> memref<64x64xf32, #tpu.memory_space<vmem_shared>>
        %dma_wait3A_219 = arith.constant 0 : i32
        %dma_wait3A_220 = tpu.memref_slice %arg24[%add3A_180, %dma_wait3A_219] : memref<10240x64xf32, #tpu.memory_space<vmem_shared>> -> memref<64x64xf32, #tpu.memory_space<vmem_shared>>
        tpu.wait_dma2 semaphore(%run_scoped3A_213 : memref<!tpu.dma_semaphore, #tpu.memory_space<semaphore_mem>>) src(%arg16 : memref<64x64xf32, #tpu.memory_space<vmem>>) dst(%dma_wait3A_220 : memref<64x64xf32, #tpu.memory_space<vmem_shared>>)
        tpu.yield
      }) : () -> ()
      %mul3A_181 = arith.constant 640 : i32
      %mul3A_182 = arith.muli %arg1, %mul3A_181 : i32
      %add3A_183 = arith.constant 128 : i32
      %add3A_184 = arith.addi %mul3A_182, %add3A_183 : i32
      "tpu.region"() ({
        %run_scoped3A_213 = tpu.sem_alloc : memref<!tpu.dma_semaphore, #tpu.memory_space<semaphore_mem>>
        %dma_start3A_214 = tpu.memref_slice %arg2[%add3A_184, %mul3A_0] : memref<10000x128xf32, #tpu.memory_space<hbm>> -> memref<64x64xf32, #tpu.memory_space<hbm>>
        %dma_start3A_215 = tpu.memref_slice %arg2[%add3A_184, %mul3A_0] : memref<10000x128xf32, #tpu.memory_space<hbm>> -> memref<64x64xf32, #tpu.memory_space<hbm>>
        tpu.enqueue_dma source(%dma_start3A_215 : memref<64x64xf32, #tpu.memory_space<hbm>>) target(%arg16 : memref<64x64xf32, #tpu.memory_space<vmem>>) target_semaphore(%run_scoped3A_213 : memref<!tpu.dma_semaphore, #tpu.memory_space<semaphore_mem>>)
        %dma_wait3A = tpu.memref_slice %arg2[%add3A_184, %mul3A_0] : memref<10000x128xf32, #tpu.memory_space<hbm>> -> memref<64x64xf32, #tpu.memory_space<hbm>>
        %dma_wait3A_216 = tpu.memref_slice %arg2[%add3A_184, %mul3A_0] : memref<10000x128xf32, #tpu.memory_space<hbm>> -> memref<64x64xf32, #tpu.memory_space<hbm>>
        tpu.wait_dma2 semaphore(%run_scoped3A_213 : memref<!tpu.dma_semaphore, #tpu.memory_space<semaphore_mem>>) src(%dma_wait3A_216 : memref<64x64xf32, #tpu.memory_space<hbm>>) dst(%arg16 : memref<64x64xf32, #tpu.memory_space<vmem>>)
        tpu.yield
      }) : () -> ()
      "tpu.region"() ({
        %run_scoped3A_213 = tpu.sem_alloc : memref<!tpu.dma_semaphore, #tpu.memory_space<semaphore_mem>>
        %dma_start3A_214 = arith.constant 0 : i32
        %dma_start3A_215 = tpu.memref_slice %arg24[%add3A_184, %dma_start3A_214] : memref<10240x64xf32, #tpu.memory_space<vmem_shared>> -> memref<64x64xf32, #tpu.memory_space<vmem_shared>>
        %dma_start3A_216 = arith.constant 0 : i32
        %dma_start3A_217 = tpu.memref_slice %arg24[%add3A_184, %dma_start3A_216] : memref<10240x64xf32, #tpu.memory_space<vmem_shared>> -> memref<64x64xf32, #tpu.memory_space<vmem_shared>>
        tpu.enqueue_dma source(%arg16 : memref<64x64xf32, #tpu.memory_space<vmem>>) target(%dma_start3A_217 : memref<64x64xf32, #tpu.memory_space<vmem_shared>>) target_semaphore(%run_scoped3A_213 : memref<!tpu.dma_semaphore, #tpu.memory_space<semaphore_mem>>)
        %dma_wait3A = arith.constant 0 : i32
        %dma_wait3A_218 = tpu.memref_slice %arg24[%add3A_184, %dma_wait3A] : memref<10240x64xf32, #tpu.memory_space<vmem_shared>> -> memref<64x64xf32, #tpu.memory_space<vmem_shared>>
        %dma_wait3A_219 = arith.constant 0 : i32
        %dma_wait3A_220 = tpu.memref_slice %arg24[%add3A_184, %dma_wait3A_219] : memref<10240x64xf32, #tpu.memory_space<vmem_shared>> -> memref<64x64xf32, #tpu.memory_space<vmem_shared>>
        tpu.wait_dma2 semaphore(%run_scoped3A_213 : memref<!tpu.dma_semaphore, #tpu.memory_space<semaphore_mem>>) src(%arg16 : memref<64x64xf32, #tpu.memory_space<vmem>>) dst(%dma_wait3A_220 : memref<64x64xf32, #tpu.memory_space<vmem_shared>>)
        tpu.yield
      }) : () -> ()
      %mul3A_185 = arith.constant 640 : i32
      %mul3A_186 = arith.muli %arg1, %mul3A_185 : i32
      %add3A_187 = arith.constant 192 : i32
      %add3A_188 = arith.addi %mul3A_186, %add3A_187 : i32
      "tpu.region"() ({
        %run_scoped3A_213 = tpu.sem_alloc : memref<!tpu.dma_semaphore, #tpu.memory_space<semaphore_mem>>
        %dma_start3A_214 = tpu.memref_slice %arg2[%add3A_188, %mul3A_0] : memref<10000x128xf32, #tpu.memory_space<hbm>> -> memref<64x64xf32, #tpu.memory_space<hbm>>
        %dma_start3A_215 = tpu.memref_slice %arg2[%add3A_188, %mul3A_0] : memref<10000x128xf32, #tpu.memory_space<hbm>> -> memref<64x64xf32, #tpu.memory_space<hbm>>
        tpu.enqueue_dma source(%dma_start3A_215 : memref<64x64xf32, #tpu.memory_space<hbm>>) target(%arg16 : memref<64x64xf32, #tpu.memory_space<vmem>>) target_semaphore(%run_scoped3A_213 : memref<!tpu.dma_semaphore, #tpu.memory_space<semaphore_mem>>)
        %dma_wait3A = tpu.memref_slice %arg2[%add3A_188, %mul3A_0] : memref<10000x128xf32, #tpu.memory_space<hbm>> -> memref<64x64xf32, #tpu.memory_space<hbm>>
        %dma_wait3A_216 = tpu.memref_slice %arg2[%add3A_188, %mul3A_0] : memref<10000x128xf32, #tpu.memory_space<hbm>> -> memref<64x64xf32, #tpu.memory_space<hbm>>
        tpu.wait_dma2 semaphore(%run_scoped3A_213 : memref<!tpu.dma_semaphore, #tpu.memory_space<semaphore_mem>>) src(%dma_wait3A_216 : memref<64x64xf32, #tpu.memory_space<hbm>>) dst(%arg16 : memref<64x64xf32, #tpu.memory_space<vmem>>)
        tpu.yield
      }) : () -> ()
      "tpu.region"() ({
        %run_scoped3A_213 = tpu.sem_alloc : memref<!tpu.dma_semaphore, #tpu.memory_space<semaphore_mem>>
        %dma_start3A_214 = arith.constant 0 : i32
        %dma_start3A_215 = tpu.memref_slice %arg24[%add3A_188, %dma_start3A_214] : memref<10240x64xf32, #tpu.memory_space<vmem_shared>> -> memref<64x64xf32, #tpu.memory_space<vmem_shared>>
        %dma_start3A_216 = arith.constant 0 : i32
        %dma_start3A_217 = tpu.memref_slice %arg24[%add3A_188, %dma_start3A_216] : memref<10240x64xf32, #tpu.memory_space<vmem_shared>> -> memref<64x64xf32, #tpu.memory_space<vmem_shared>>
        tpu.enqueue_dma source(%arg16 : memref<64x64xf32, #tpu.memory_space<vmem>>) target(%dma_start3A_217 : memref<64x64xf32, #tpu.memory_space<vmem_shared>>) target_semaphore(%run_scoped3A_213 : memref<!tpu.dma_semaphore, #tpu.memory_space<semaphore_mem>>)
        %dma_wait3A = arith.constant 0 : i32
        %dma_wait3A_218 = tpu.memref_slice %arg24[%add3A_188, %dma_wait3A] : memref<10240x64xf32, #tpu.memory_space<vmem_shared>> -> memref<64x64xf32, #tpu.memory_space<vmem_shared>>
        %dma_wait3A_219 = arith.constant 0 : i32
        %dma_wait3A_220 = tpu.memref_slice %arg24[%add3A_188, %dma_wait3A_219] : memref<10240x64xf32, #tpu.memory_space<vmem_shared>> -> memref<64x64xf32, #tpu.memory_space<vmem_shared>>
        tpu.wait_dma2 semaphore(%run_scoped3A_213 : memref<!tpu.dma_semaphore, #tpu.memory_space<semaphore_mem>>) src(%arg16 : memref<64x64xf32, #tpu.memory_space<vmem>>) dst(%dma_wait3A_220 : memref<64x64xf32, #tpu.memory_space<vmem_shared>>)
        tpu.yield
      }) : () -> ()
      %mul3A_189 = arith.constant 640 : i32
      %mul3A_190 = arith.muli %arg1, %mul3A_189 : i32
      %add3A_191 = arith.constant 256 : i32
      %add3A_192 = arith.addi %mul3A_190, %add3A_191 : i32
      "tpu.region"() ({
        %run_scoped3A_213 = tpu.sem_alloc : memref<!tpu.dma_semaphore, #tpu.memory_space<semaphore_mem>>
        %dma_start3A_214 = tpu.memref_slice %arg2[%add3A_192, %mul3A_0] : memref<10000x128xf32, #tpu.memory_space<hbm>> -> memref<64x64xf32, #tpu.memory_space<hbm>>
        %dma_start3A_215 = tpu.memref_slice %arg2[%add3A_192, %mul3A_0] : memref<10000x128xf32, #tpu.memory_space<hbm>> -> memref<64x64xf32, #tpu.memory_space<hbm>>
        tpu.enqueue_dma source(%dma_start3A_215 : memref<64x64xf32, #tpu.memory_space<hbm>>) target(%arg16 : memref<64x64xf32, #tpu.memory_space<vmem>>) target_semaphore(%run_scoped3A_213 : memref<!tpu.dma_semaphore, #tpu.memory_space<semaphore_mem>>)
        %dma_wait3A = tpu.memref_slice %arg2[%add3A_192, %mul3A_0] : memref<10000x128xf32, #tpu.memory_space<hbm>> -> memref<64x64xf32, #tpu.memory_space<hbm>>
        %dma_wait3A_216 = tpu.memref_slice %arg2[%add3A_192, %mul3A_0] : memref<10000x128xf32, #tpu.memory_space<hbm>> -> memref<64x64xf32, #tpu.memory_space<hbm>>
        tpu.wait_dma2 semaphore(%run_scoped3A_213 : memref<!tpu.dma_semaphore, #tpu.memory_space<semaphore_mem>>) src(%dma_wait3A_216 : memref<64x64xf32, #tpu.memory_space<hbm>>) dst(%arg16 : memref<64x64xf32, #tpu.memory_space<vmem>>)
        tpu.yield
      }) : () -> ()
      "tpu.region"() ({
        %run_scoped3A_213 = tpu.sem_alloc : memref<!tpu.dma_semaphore, #tpu.memory_space<semaphore_mem>>
        %dma_start3A_214 = arith.constant 0 : i32
        %dma_start3A_215 = tpu.memref_slice %arg24[%add3A_192, %dma_start3A_214] : memref<10240x64xf32, #tpu.memory_space<vmem_shared>> -> memref<64x64xf32, #tpu.memory_space<vmem_shared>>
        %dma_start3A_216 = arith.constant 0 : i32
        %dma_start3A_217 = tpu.memref_slice %arg24[%add3A_192, %dma_start3A_216] : memref<10240x64xf32, #tpu.memory_space<vmem_shared>> -> memref<64x64xf32, #tpu.memory_space<vmem_shared>>
        tpu.enqueue_dma source(%arg16 : memref<64x64xf32, #tpu.memory_space<vmem>>) target(%dma_start3A_217 : memref<64x64xf32, #tpu.memory_space<vmem_shared>>) target_semaphore(%run_scoped3A_213 : memref<!tpu.dma_semaphore, #tpu.memory_space<semaphore_mem>>)
        %dma_wait3A = arith.constant 0 : i32
        %dma_wait3A_218 = tpu.memref_slice %arg24[%add3A_192, %dma_wait3A] : memref<10240x64xf32, #tpu.memory_space<vmem_shared>> -> memref<64x64xf32, #tpu.memory_space<vmem_shared>>
        %dma_wait3A_219 = arith.constant 0 : i32
        %dma_wait3A_220 = tpu.memref_slice %arg24[%add3A_192, %dma_wait3A_219] : memref<10240x64xf32, #tpu.memory_space<vmem_shared>> -> memref<64x64xf32, #tpu.memory_space<vmem_shared>>
        tpu.wait_dma2 semaphore(%run_scoped3A_213 : memref<!tpu.dma_semaphore, #tpu.memory_space<semaphore_mem>>) src(%arg16 : memref<64x64xf32, #tpu.memory_space<vmem>>) dst(%dma_wait3A_220 : memref<64x64xf32, #tpu.memory_space<vmem_shared>>)
        tpu.yield
      }) : () -> ()
      %mul3A_193 = arith.constant 640 : i32
      %mul3A_194 = arith.muli %arg1, %mul3A_193 : i32
      %add3A_195 = arith.constant 320 : i32
      %add3A_196 = arith.addi %mul3A_194, %add3A_195 : i32
      "tpu.region"() ({
        %run_scoped3A_213 = tpu.sem_alloc : memref<!tpu.dma_semaphore, #tpu.memory_space<semaphore_mem>>
        %dma_start3A_214 = tpu.memref_slice %arg2[%add3A_196, %mul3A_0] : memref<10000x128xf32, #tpu.memory_space<hbm>> -> memref<64x64xf32, #tpu.memory_space<hbm>>
        %dma_start3A_215 = tpu.memref_slice %arg2[%add3A_196, %mul3A_0] : memref<10000x128xf32, #tpu.memory_space<hbm>> -> memref<64x64xf32, #tpu.memory_space<hbm>>
        tpu.enqueue_dma source(%dma_start3A_215 : memref<64x64xf32, #tpu.memory_space<hbm>>) target(%arg16 : memref<64x64xf32, #tpu.memory_space<vmem>>) target_semaphore(%run_scoped3A_213 : memref<!tpu.dma_semaphore, #tpu.memory_space<semaphore_mem>>)
        %dma_wait3A = tpu.memref_slice %arg2[%add3A_196, %mul3A_0] : memref<10000x128xf32, #tpu.memory_space<hbm>> -> memref<64x64xf32, #tpu.memory_space<hbm>>
        %dma_wait3A_216 = tpu.memref_slice %arg2[%add3A_196, %mul3A_0] : memref<10000x128xf32, #tpu.memory_space<hbm>> -> memref<64x64xf32, #tpu.memory_space<hbm>>
        tpu.wait_dma2 semaphore(%run_scoped3A_213 : memref<!tpu.dma_semaphore, #tpu.memory_space<semaphore_mem>>) src(%dma_wait3A_216 : memref<64x64xf32, #tpu.memory_space<hbm>>) dst(%arg16 : memref<64x64xf32, #tpu.memory_space<vmem>>)
        tpu.yield
      }) : () -> ()
      "tpu.region"() ({
        %run_scoped3A_213 = tpu.sem_alloc : memref<!tpu.dma_semaphore, #tpu.memory_space<semaphore_mem>>
        %dma_start3A_214 = arith.constant 0 : i32
        %dma_start3A_215 = tpu.memref_slice %arg24[%add3A_196, %dma_start3A_214] : memref<10240x64xf32, #tpu.memory_space<vmem_shared>> -> memref<64x64xf32, #tpu.memory_space<vmem_shared>>
        %dma_start3A_216 = arith.constant 0 : i32
        %dma_start3A_217 = tpu.memref_slice %arg24[%add3A_196, %dma_start3A_216] : memref<10240x64xf32, #tpu.memory_space<vmem_shared>> -> memref<64x64xf32, #tpu.memory_space<vmem_shared>>
        tpu.enqueue_dma source(%arg16 : memref<64x64xf32, #tpu.memory_space<vmem>>) target(%dma_start3A_217 : memref<64x64xf32, #tpu.memory_space<vmem_shared>>) target_semaphore(%run_scoped3A_213 : memref<!tpu.dma_semaphore, #tpu.memory_space<semaphore_mem>>)
        %dma_wait3A = arith.constant 0 : i32
        %dma_wait3A_218 = tpu.memref_slice %arg24[%add3A_196, %dma_wait3A] : memref<10240x64xf32, #tpu.memory_space<vmem_shared>> -> memref<64x64xf32, #tpu.memory_space<vmem_shared>>
        %dma_wait3A_219 = arith.constant 0 : i32
        %dma_wait3A_220 = tpu.memref_slice %arg24[%add3A_196, %dma_wait3A_219] : memref<10240x64xf32, #tpu.memory_space<vmem_shared>> -> memref<64x64xf32, #tpu.memory_space<vmem_shared>>
        tpu.wait_dma2 semaphore(%run_scoped3A_213 : memref<!tpu.dma_semaphore, #tpu.memory_space<semaphore_mem>>) src(%arg16 : memref<64x64xf32, #tpu.memory_space<vmem>>) dst(%dma_wait3A_220 : memref<64x64xf32, #tpu.memory_space<vmem_shared>>)
        tpu.yield
      }) : () -> ()
      %mul3A_197 = arith.constant 640 : i32
      %mul3A_198 = arith.muli %arg1, %mul3A_197 : i32
      %add3A_199 = arith.constant 384 : i32
      %add3A_200 = arith.addi %mul3A_198, %add3A_199 : i32
      "tpu.region"() ({
        %run_scoped3A_213 = tpu.sem_alloc : memref<!tpu.dma_semaphore, #tpu.memory_space<semaphore_mem>>
        %dma_start3A_214 = tpu.memref_slice %arg2[%add3A_200, %mul3A_0] : memref<10000x128xf32, #tpu.memory_space<hbm>> -> memref<64x64xf32, #tpu.memory_space<hbm>>
        %dma_start3A_215 = tpu.memref_slice %arg2[%add3A_200, %mul3A_0] : memref<10000x128xf32, #tpu.memory_space<hbm>> -> memref<64x64xf32, #tpu.memory_space<hbm>>
        tpu.enqueue_dma source(%dma_start3A_215 : memref<64x64xf32, #tpu.memory_space<hbm>>) target(%arg16 : memref<64x64xf32, #tpu.memory_space<vmem>>) target_semaphore(%run_scoped3A_213 : memref<!tpu.dma_semaphore, #tpu.memory_space<semaphore_mem>>)
        %dma_wait3A = tpu.memref_slice %arg2[%add3A_200, %mul3A_0] : memref<10000x128xf32, #tpu.memory_space<hbm>> -> memref<64x64xf32, #tpu.memory_space<hbm>>
        %dma_wait3A_216 = tpu.memref_slice %arg2[%add3A_200, %mul3A_0] : memref<10000x128xf32, #tpu.memory_space<hbm>> -> memref<64x64xf32, #tpu.memory_space<hbm>>
        tpu.wait_dma2 semaphore(%run_scoped3A_213 : memref<!tpu.dma_semaphore, #tpu.memory_space<semaphore_mem>>) src(%dma_wait3A_216 : memref<64x64xf32, #tpu.memory_space<hbm>>) dst(%arg16 : memref<64x64xf32, #tpu.memory_space<vmem>>)
        tpu.yield
      }) : () -> ()
      "tpu.region"() ({
        %run_scoped3A_213 = tpu.sem_alloc : memref<!tpu.dma_semaphore, #tpu.memory_space<semaphore_mem>>
        %dma_start3A_214 = arith.constant 0 : i32
        %dma_start3A_215 = tpu.memref_slice %arg24[%add3A_200, %dma_start3A_214] : memref<10240x64xf32, #tpu.memory_space<vmem_shared>> -> memref<64x64xf32, #tpu.memory_space<vmem_shared>>
        %dma_start3A_216 = arith.constant 0 : i32
        %dma_start3A_217 = tpu.memref_slice %arg24[%add3A_200, %dma_start3A_216] : memref<10240x64xf32, #tpu.memory_space<vmem_shared>> -> memref<64x64xf32, #tpu.memory_space<vmem_shared>>
        tpu.enqueue_dma source(%arg16 : memref<64x64xf32, #tpu.memory_space<vmem>>) target(%dma_start3A_217 : memref<64x64xf32, #tpu.memory_space<vmem_shared>>) target_semaphore(%run_scoped3A_213 : memref<!tpu.dma_semaphore, #tpu.memory_space<semaphore_mem>>)
        %dma_wait3A = arith.constant 0 : i32
        %dma_wait3A_218 = tpu.memref_slice %arg24[%add3A_200, %dma_wait3A] : memref<10240x64xf32, #tpu.memory_space<vmem_shared>> -> memref<64x64xf32, #tpu.memory_space<vmem_shared>>
        %dma_wait3A_219 = arith.constant 0 : i32
        %dma_wait3A_220 = tpu.memref_slice %arg24[%add3A_200, %dma_wait3A_219] : memref<10240x64xf32, #tpu.memory_space<vmem_shared>> -> memref<64x64xf32, #tpu.memory_space<vmem_shared>>
        tpu.wait_dma2 semaphore(%run_scoped3A_213 : memref<!tpu.dma_semaphore, #tpu.memory_space<semaphore_mem>>) src(%arg16 : memref<64x64xf32, #tpu.memory_space<vmem>>) dst(%dma_wait3A_220 : memref<64x64xf32, #tpu.memory_space<vmem_shared>>)
        tpu.yield
      }) : () -> ()
      %mul3A_201 = arith.constant 640 : i32
      %mul3A_202 = arith.muli %arg1, %mul3A_201 : i32
      %add3A_203 = arith.constant 448 : i32
      %add3A_204 = arith.addi %mul3A_202, %add3A_203 : i32
      "tpu.region"() ({
        %run_scoped3A_213 = tpu.sem_alloc : memref<!tpu.dma_semaphore, #tpu.memory_space<semaphore_mem>>
        %dma_start3A_214 = tpu.memref_slice %arg2[%add3A_204, %mul3A_0] : memref<10000x128xf32, #tpu.memory_space<hbm>> -> memref<64x64xf32, #tpu.memory_space<hbm>>
        %dma_start3A_215 = tpu.memref_slice %arg2[%add3A_204, %mul3A_0] : memref<10000x128xf32, #tpu.memory_space<hbm>> -> memref<64x64xf32, #tpu.memory_space<hbm>>
        tpu.enqueue_dma source(%dma_start3A_215 : memref<64x64xf32, #tpu.memory_space<hbm>>) target(%arg16 : memref<64x64xf32, #tpu.memory_space<vmem>>) target_semaphore(%run_scoped3A_213 : memref<!tpu.dma_semaphore, #tpu.memory_space<semaphore_mem>>)
        %dma_wait3A = tpu.memref_slice %arg2[%add3A_204, %mul3A_0] : memref<10000x128xf32, #tpu.memory_space<hbm>> -> memref<64x64xf32, #tpu.memory_space<hbm>>
        %dma_wait3A_216 = tpu.memref_slice %arg2[%add3A_204, %mul3A_0] : memref<10000x128xf32, #tpu.memory_space<hbm>> -> memref<64x64xf32, #tpu.memory_space<hbm>>
        tpu.wait_dma2 semaphore(%run_scoped3A_213 : memref<!tpu.dma_semaphore, #tpu.memory_space<semaphore_mem>>) src(%dma_wait3A_216 : memref<64x64xf32, #tpu.memory_space<hbm>>) dst(%arg16 : memref<64x64xf32, #tpu.memory_space<vmem>>)
        tpu.yield
      }) : () -> ()
      "tpu.region"() ({
        %run_scoped3A_213 = tpu.sem_alloc : memref<!tpu.dma_semaphore, #tpu.memory_space<semaphore_mem>>
        %dma_start3A_214 = arith.constant 0 : i32
        %dma_start3A_215 = tpu.memref_slice %arg24[%add3A_204, %dma_start3A_214] : memref<10240x64xf32, #tpu.memory_space<vmem_shared>> -> memref<64x64xf32, #tpu.memory_space<vmem_shared>>
        %dma_start3A_216 = arith.constant 0 : i32
        %dma_start3A_217 = tpu.memref_slice %arg24[%add3A_204, %dma_start3A_216] : memref<10240x64xf32, #tpu.memory_space<vmem_shared>> -> memref<64x64xf32, #tpu.memory_space<vmem_shared>>
        tpu.enqueue_dma source(%arg16 : memref<64x64xf32, #tpu.memory_space<vmem>>) target(%dma_start3A_217 : memref<64x64xf32, #tpu.memory_space<vmem_shared>>) target_semaphore(%run_scoped3A_213 : memref<!tpu.dma_semaphore, #tpu.memory_space<semaphore_mem>>)
        %dma_wait3A = arith.constant 0 : i32
        %dma_wait3A_218 = tpu.memref_slice %arg24[%add3A_204, %dma_wait3A] : memref<10240x64xf32, #tpu.memory_space<vmem_shared>> -> memref<64x64xf32, #tpu.memory_space<vmem_shared>>
        %dma_wait3A_219 = arith.constant 0 : i32
        %dma_wait3A_220 = tpu.memref_slice %arg24[%add3A_204, %dma_wait3A_219] : memref<10240x64xf32, #tpu.memory_space<vmem_shared>> -> memref<64x64xf32, #tpu.memory_space<vmem_shared>>
        tpu.wait_dma2 semaphore(%run_scoped3A_213 : memref<!tpu.dma_semaphore, #tpu.memory_space<semaphore_mem>>) src(%arg16 : memref<64x64xf32, #tpu.memory_space<vmem>>) dst(%dma_wait3A_220 : memref<64x64xf32, #tpu.memory_space<vmem_shared>>)
        tpu.yield
      }) : () -> ()
      %mul3A_205 = arith.constant 640 : i32
      %mul3A_206 = arith.muli %arg1, %mul3A_205 : i32
      %add3A_207 = arith.constant 512 : i32
      %add3A_208 = arith.addi %mul3A_206, %add3A_207 : i32
      "tpu.region"() ({
        %run_scoped3A_213 = tpu.sem_alloc : memref<!tpu.dma_semaphore, #tpu.memory_space<semaphore_mem>>
        %dma_start3A_214 = tpu.memref_slice %arg2[%add3A_208, %mul3A_0] : memref<10000x128xf32, #tpu.memory_space<hbm>> -> memref<64x64xf32, #tpu.memory_space<hbm>>
        %dma_start3A_215 = tpu.memref_slice %arg2[%add3A_208, %mul3A_0] : memref<10000x128xf32, #tpu.memory_space<hbm>> -> memref<64x64xf32, #tpu.memory_space<hbm>>
        tpu.enqueue_dma source(%dma_start3A_215 : memref<64x64xf32, #tpu.memory_space<hbm>>) target(%arg16 : memref<64x64xf32, #tpu.memory_space<vmem>>) target_semaphore(%run_scoped3A_213 : memref<!tpu.dma_semaphore, #tpu.memory_space<semaphore_mem>>)
        %dma_wait3A = tpu.memref_slice %arg2[%add3A_208, %mul3A_0] : memref<10000x128xf32, #tpu.memory_space<hbm>> -> memref<64x64xf32, #tpu.memory_space<hbm>>
        %dma_wait3A_216 = tpu.memref_slice %arg2[%add3A_208, %mul3A_0] : memref<10000x128xf32, #tpu.memory_space<hbm>> -> memref<64x64xf32, #tpu.memory_space<hbm>>
        tpu.wait_dma2 semaphore(%run_scoped3A_213 : memref<!tpu.dma_semaphore, #tpu.memory_space<semaphore_mem>>) src(%dma_wait3A_216 : memref<64x64xf32, #tpu.memory_space<hbm>>) dst(%arg16 : memref<64x64xf32, #tpu.memory_space<vmem>>)
        tpu.yield
      }) : () -> ()
      "tpu.region"() ({
        %run_scoped3A_213 = tpu.sem_alloc : memref<!tpu.dma_semaphore, #tpu.memory_space<semaphore_mem>>
        %dma_start3A_214 = arith.constant 0 : i32
        %dma_start3A_215 = tpu.memref_slice %arg24[%add3A_208, %dma_start3A_214] : memref<10240x64xf32, #tpu.memory_space<vmem_shared>> -> memref<64x64xf32, #tpu.memory_space<vmem_shared>>
        %dma_start3A_216 = arith.constant 0 : i32
        %dma_start3A_217 = tpu.memref_slice %arg24[%add3A_208, %dma_start3A_216] : memref<10240x64xf32, #tpu.memory_space<vmem_shared>> -> memref<64x64xf32, #tpu.memory_space<vmem_shared>>
        tpu.enqueue_dma source(%arg16 : memref<64x64xf32, #tpu.memory_space<vmem>>) target(%dma_start3A_217 : memref<64x64xf32, #tpu.memory_space<vmem_shared>>) target_semaphore(%run_scoped3A_213 : memref<!tpu.dma_semaphore, #tpu.memory_space<semaphore_mem>>)
        %dma_wait3A = arith.constant 0 : i32
        %dma_wait3A_218 = tpu.memref_slice %arg24[%add3A_208, %dma_wait3A] : memref<10240x64xf32, #tpu.memory_space<vmem_shared>> -> memref<64x64xf32, #tpu.memory_space<vmem_shared>>
        %dma_wait3A_219 = arith.constant 0 : i32
        %dma_wait3A_220 = tpu.memref_slice %arg24[%add3A_208, %dma_wait3A_219] : memref<10240x64xf32, #tpu.memory_space<vmem_shared>> -> memref<64x64xf32, #tpu.memory_space<vmem_shared>>
        tpu.wait_dma2 semaphore(%run_scoped3A_213 : memref<!tpu.dma_semaphore, #tpu.memory_space<semaphore_mem>>) src(%arg16 : memref<64x64xf32, #tpu.memory_space<vmem>>) dst(%dma_wait3A_220 : memref<64x64xf32, #tpu.memory_space<vmem_shared>>)
        tpu.yield
      }) : () -> ()
      %mul3A_209 = arith.constant 640 : i32
      %mul3A_210 = arith.muli %arg1, %mul3A_209 : i32
      %add3A_211 = arith.constant 576 : i32
      %add3A_212 = arith.addi %mul3A_210, %add3A_211 : i32
      "tpu.region"() ({
        %run_scoped3A_213 = tpu.sem_alloc : memref<!tpu.dma_semaphore, #tpu.memory_space<semaphore_mem>>
        %dma_start3A_214 = tpu.memref_slice %arg2[%add3A_212, %mul3A_0] : memref<10000x128xf32, #tpu.memory_space<hbm>> -> memref<64x64xf32, #tpu.memory_space<hbm>>
        %dma_start3A_215 = tpu.memref_slice %arg2[%add3A_212, %mul3A_0] : memref<10000x128xf32, #tpu.memory_space<hbm>> -> memref<64x64xf32, #tpu.memory_space<hbm>>
        tpu.enqueue_dma source(%dma_start3A_215 : memref<64x64xf32, #tpu.memory_space<hbm>>) target(%arg16 : memref<64x64xf32, #tpu.memory_space<vmem>>) target_semaphore(%run_scoped3A_213 : memref<!tpu.dma_semaphore, #tpu.memory_space<semaphore_mem>>)
        %dma_wait3A = tpu.memref_slice %arg2[%add3A_212, %mul3A_0] : memref<10000x128xf32, #tpu.memory_space<hbm>> -> memref<64x64xf32, #tpu.memory_space<hbm>>
        %dma_wait3A_216 = tpu.memref_slice %arg2[%add3A_212, %mul3A_0] : memref<10000x128xf32, #tpu.memory_space<hbm>> -> memref<64x64xf32, #tpu.memory_space<hbm>>
        tpu.wait_dma2 semaphore(%run_scoped3A_213 : memref<!tpu.dma_semaphore, #tpu.memory_space<semaphore_mem>>) src(%dma_wait3A_216 : memref<64x64xf32, #tpu.memory_space<hbm>>) dst(%arg16 : memref<64x64xf32, #tpu.memory_space<vmem>>)
        tpu.yield
      }) : () -> ()
      "tpu.region"() ({
        %run_scoped3A_213 = tpu.sem_alloc : memref<!tpu.dma_semaphore, #tpu.memory_space<semaphore_mem>>
        %dma_start3A_214 = arith.constant 0 : i32
        %dma_start3A_215 = tpu.memref_slice %arg24[%add3A_212, %dma_start3A_214] : memref<10240x64xf32, #tpu.memory_space<vmem_shared>> -> memref<64x64xf32, #tpu.memory_space<vmem_shared>>
        %dma_start3A_216 = arith.constant 0 : i32
        %dma_start3A_217 = tpu.memref_slice %arg24[%add3A_212, %dma_start3A_216] : memref<10240x64xf32, #tpu.memory_space<vmem_shared>> -> memref<64x64xf32, #tpu.memory_space<vmem_shared>>
        tpu.enqueue_dma source(%arg16 : memref<64x64xf32, #tpu.memory_space<vmem>>) target(%dma_start3A_217 : memref<64x64xf32, #tpu.memory_space<vmem_shared>>) target_semaphore(%run_scoped3A_213 : memref<!tpu.dma_semaphore, #tpu.memory_space<semaphore_mem>>)
        %dma_wait3A = arith.constant 0 : i32
        %dma_wait3A_218 = tpu.memref_slice %arg24[%add3A_212, %dma_wait3A] : memref<10240x64xf32, #tpu.memory_space<vmem_shared>> -> memref<64x64xf32, #tpu.memory_space<vmem_shared>>
        %dma_wait3A_219 = arith.constant 0 : i32
        %dma_wait3A_220 = tpu.memref_slice %arg24[%add3A_212, %dma_wait3A_219] : memref<10240x64xf32, #tpu.memory_space<vmem_shared>> -> memref<64x64xf32, #tpu.memory_space<vmem_shared>>
        tpu.wait_dma2 semaphore(%run_scoped3A_213 : memref<!tpu.dma_semaphore, #tpu.memory_space<semaphore_mem>>) src(%arg16 : memref<64x64xf32, #tpu.memory_space<vmem>>) dst(%dma_wait3A_220 : memref<64x64xf32, #tpu.memory_space<vmem_shared>>)
        tpu.yield
      }) : () -> ()
    } else {
    }
    %eq3A = arith.constant 15 : i32
    %eq3A_3 = arith.cmpi eq, %arg1, %eq3A : i32
    %convert_element_type3A_4 = arith.extui %eq3A_3 : i1 to i32
    %cond3A_5 = arith.constant 0 : i32
    %cond3A_6 = arith.cmpi ne, %convert_element_type3A_4, %cond3A_5 : i32
    scf.if %cond3A_6 {
      "tpu.region"() ({
        %run_scoped3A_173 = tpu.sem_alloc : memref<!tpu.dma_semaphore, #tpu.memory_space<semaphore_mem>>
        %dma_start3A_174 = arith.constant 9600 : i32
        %dma_start3A_175 = tpu.memref_slice %arg2[%dma_start3A_174, %mul3A_0] : memref<10000x128xf32, #tpu.memory_space<hbm>> -> memref<64x64xf32, #tpu.memory_space<hbm>>
        %dma_start3A_176 = arith.constant 9600 : i32
        %dma_start3A_177 = tpu.memref_slice %arg2[%dma_start3A_176, %mul3A_0] : memref<10000x128xf32, #tpu.memory_space<hbm>> -> memref<64x64xf32, #tpu.memory_space<hbm>>
        tpu.enqueue_dma source(%dma_start3A_177 : memref<64x64xf32, #tpu.memory_space<hbm>>) target(%arg16 : memref<64x64xf32, #tpu.memory_space<vmem>>) target_semaphore(%run_scoped3A_173 : memref<!tpu.dma_semaphore, #tpu.memory_space<semaphore_mem>>)
        %dma_wait3A = arith.constant 9600 : i32
        %dma_wait3A_178 = tpu.memref_slice %arg2[%dma_wait3A, %mul3A_0] : memref<10000x128xf32, #tpu.memory_space<hbm>> -> memref<64x64xf32, #tpu.memory_space<hbm>>
        %dma_wait3A_179 = arith.constant 9600 : i32
        %dma_wait3A_180 = tpu.memref_slice %arg2[%dma_wait3A_179, %mul3A_0] : memref<10000x128xf32, #tpu.memory_space<hbm>> -> memref<64x64xf32, #tpu.memory_space<hbm>>
        tpu.wait_dma2 semaphore(%run_scoped3A_173 : memref<!tpu.dma_semaphore, #tpu.memory_space<semaphore_mem>>) src(%dma_wait3A_180 : memref<64x64xf32, #tpu.memory_space<hbm>>) dst(%arg16 : memref<64x64xf32, #tpu.memory_space<vmem>>)
        tpu.yield
      }) : () -> ()
      "tpu.region"() ({
        %run_scoped3A_173 = tpu.sem_alloc : memref<!tpu.dma_semaphore, #tpu.memory_space<semaphore_mem>>
        %dma_start3A_174 = arith.constant 9600 : i32
        %dma_start3A_175 = arith.constant 0 : i32
        %dma_start3A_176 = tpu.memref_slice %arg24[%dma_start3A_174, %dma_start3A_175] : memref<10240x64xf32, #tpu.memory_space<vmem_shared>> -> memref<64x64xf32, #tpu.memory_space<vmem_shared>>
        %dma_start3A_177 = arith.constant 9600 : i32
        %dma_start3A_178 = arith.constant 0 : i32
        %dma_start3A_179 = tpu.memref_slice %arg24[%dma_start3A_177, %dma_start3A_178] : memref<10240x64xf32, #tpu.memory_space<vmem_shared>> -> memref<64x64xf32, #tpu.memory_space<vmem_shared>>
        tpu.enqueue_dma source(%arg16 : memref<64x64xf32, #tpu.memory_space<vmem>>) target(%dma_start3A_179 : memref<64x64xf32, #tpu.memory_space<vmem_shared>>) target_semaphore(%run_scoped3A_173 : memref<!tpu.dma_semaphore, #tpu.memory_space<semaphore_mem>>)
        %dma_wait3A = arith.constant 9600 : i32
        %dma_wait3A_180 = arith.constant 0 : i32
        %dma_wait3A_181 = tpu.memref_slice %arg24[%dma_wait3A, %dma_wait3A_180] : memref<10240x64xf32, #tpu.memory_space<vmem_shared>> -> memref<64x64xf32, #tpu.memory_space<vmem_shared>>
        %dma_wait3A_182 = arith.constant 9600 : i32
        %dma_wait3A_183 = arith.constant 0 : i32
        %dma_wait3A_184 = tpu.memref_slice %arg24[%dma_wait3A_182, %dma_wait3A_183] : memref<10240x64xf32, #tpu.memory_space<vmem_shared>> -> memref<64x64xf32, #tpu.memory_space<vmem_shared>>
        tpu.wait_dma2 semaphore(%run_scoped3A_173 : memref<!tpu.dma_semaphore, #tpu.memory_space<semaphore_mem>>) src(%arg16 : memref<64x64xf32, #tpu.memory_space<vmem>>) dst(%dma_wait3A_184 : memref<64x64xf32, #tpu.memory_space<vmem_shared>>)
        tpu.yield
      }) : () -> ()
      "tpu.region"() ({
        %run_scoped3A_173 = tpu.sem_alloc : memref<!tpu.dma_semaphore, #tpu.memory_space<semaphore_mem>>
        %dma_start3A_174 = arith.constant 9664 : i32
        %dma_start3A_175 = tpu.memref_slice %arg2[%dma_start3A_174, %mul3A_0] : memref<10000x128xf32, #tpu.memory_space<hbm>> -> memref<64x64xf32, #tpu.memory_space<hbm>>
        %dma_start3A_176 = arith.constant 9664 : i32
        %dma_start3A_177 = tpu.memref_slice %arg2[%dma_start3A_176, %mul3A_0] : memref<10000x128xf32, #tpu.memory_space<hbm>> -> memref<64x64xf32, #tpu.memory_space<hbm>>
        tpu.enqueue_dma source(%dma_start3A_177 : memref<64x64xf32, #tpu.memory_space<hbm>>) target(%arg16 : memref<64x64xf32, #tpu.memory_space<vmem>>) target_semaphore(%run_scoped3A_173 : memref<!tpu.dma_semaphore, #tpu.memory_space<semaphore_mem>>)
        %dma_wait3A = arith.constant 9664 : i32
        %dma_wait3A_178 = tpu.memref_slice %arg2[%dma_wait3A, %mul3A_0] : memref<10000x128xf32, #tpu.memory_space<hbm>> -> memref<64x64xf32, #tpu.memory_space<hbm>>
        %dma_wait3A_179 = arith.constant 9664 : i32
        %dma_wait3A_180 = tpu.memref_slice %arg2[%dma_wait3A_179, %mul3A_0] : memref<10000x128xf32, #tpu.memory_space<hbm>> -> memref<64x64xf32, #tpu.memory_space<hbm>>
        tpu.wait_dma2 semaphore(%run_scoped3A_173 : memref<!tpu.dma_semaphore, #tpu.memory_space<semaphore_mem>>) src(%dma_wait3A_180 : memref<64x64xf32, #tpu.memory_space<hbm>>) dst(%arg16 : memref<64x64xf32, #tpu.memory_space<vmem>>)
        tpu.yield
      }) : () -> ()
      "tpu.region"() ({
        %run_scoped3A_173 = tpu.sem_alloc : memref<!tpu.dma_semaphore, #tpu.memory_space<semaphore_mem>>
        %dma_start3A_174 = arith.constant 9664 : i32
        %dma_start3A_175 = arith.constant 0 : i32
        %dma_start3A_176 = tpu.memref_slice %arg24[%dma_start3A_174, %dma_start3A_175] : memref<10240x64xf32, #tpu.memory_space<vmem_shared>> -> memref<64x64xf32, #tpu.memory_space<vmem_shared>>
        %dma_start3A_177 = arith.constant 9664 : i32
        %dma_start3A_178 = arith.constant 0 : i32
        %dma_start3A_179 = tpu.memref_slice %arg24[%dma_start3A_177, %dma_start3A_178] : memref<10240x64xf32, #tpu.memory_space<vmem_shared>> -> memref<64x64xf32, #tpu.memory_space<vmem_shared>>
        tpu.enqueue_dma source(%arg16 : memref<64x64xf32, #tpu.memory_space<vmem>>) target(%dma_start3A_179 : memref<64x64xf32, #tpu.memory_space<vmem_shared>>) target_semaphore(%run_scoped3A_173 : memref<!tpu.dma_semaphore, #tpu.memory_space<semaphore_mem>>)
        %dma_wait3A = arith.constant 9664 : i32
        %dma_wait3A_180 = arith.constant 0 : i32
        %dma_wait3A_181 = tpu.memref_slice %arg24[%dma_wait3A, %dma_wait3A_180] : memref<10240x64xf32, #tpu.memory_space<vmem_shared>> -> memref<64x64xf32, #tpu.memory_space<vmem_shared>>
        %dma_wait3A_182 = arith.constant 9664 : i32
        %dma_wait3A_183 = arith.constant 0 : i32
        %dma_wait3A_184 = tpu.memref_slice %arg24[%dma_wait3A_182, %dma_wait3A_183] : memref<10240x64xf32, #tpu.memory_space<vmem_shared>> -> memref<64x64xf32, #tpu.memory_space<vmem_shared>>
        tpu.wait_dma2 semaphore(%run_scoped3A_173 : memref<!tpu.dma_semaphore, #tpu.memory_space<semaphore_mem>>) src(%arg16 : memref<64x64xf32, #tpu.memory_space<vmem>>) dst(%dma_wait3A_184 : memref<64x64xf32, #tpu.memory_space<vmem_shared>>)
        tpu.yield
      }) : () -> ()
      "tpu.region"() ({
        %run_scoped3A_173 = tpu.sem_alloc : memref<!tpu.dma_semaphore, #tpu.memory_space<semaphore_mem>>
        %dma_start3A_174 = arith.constant 9728 : i32
        %dma_start3A_175 = tpu.memref_slice %arg2[%dma_start3A_174, %mul3A_0] : memref<10000x128xf32, #tpu.memory_space<hbm>> -> memref<64x64xf32, #tpu.memory_space<hbm>>
        %dma_start3A_176 = arith.constant 9728 : i32
        %dma_start3A_177 = tpu.memref_slice %arg2[%dma_start3A_176, %mul3A_0] : memref<10000x128xf32, #tpu.memory_space<hbm>> -> memref<64x64xf32, #tpu.memory_space<hbm>>
        tpu.enqueue_dma source(%dma_start3A_177 : memref<64x64xf32, #tpu.memory_space<hbm>>) target(%arg16 : memref<64x64xf32, #tpu.memory_space<vmem>>) target_semaphore(%run_scoped3A_173 : memref<!tpu.dma_semaphore, #tpu.memory_space<semaphore_mem>>)
        %dma_wait3A = arith.constant 9728 : i32
        %dma_wait3A_178 = tpu.memref_slice %arg2[%dma_wait3A, %mul3A_0] : memref<10000x128xf32, #tpu.memory_space<hbm>> -> memref<64x64xf32, #tpu.memory_space<hbm>>
        %dma_wait3A_179 = arith.constant 9728 : i32
        %dma_wait3A_180 = tpu.memref_slice %arg2[%dma_wait3A_179, %mul3A_0] : memref<10000x128xf32, #tpu.memory_space<hbm>> -> memref<64x64xf32, #tpu.memory_space<hbm>>
        tpu.wait_dma2 semaphore(%run_scoped3A_173 : memref<!tpu.dma_semaphore, #tpu.memory_space<semaphore_mem>>) src(%dma_wait3A_180 : memref<64x64xf32, #tpu.memory_space<hbm>>) dst(%arg16 : memref<64x64xf32, #tpu.memory_space<vmem>>)
        tpu.yield
      }) : () -> ()
      "tpu.region"() ({
        %run_scoped3A_173 = tpu.sem_alloc : memref<!tpu.dma_semaphore, #tpu.memory_space<semaphore_mem>>
        %dma_start3A_174 = arith.constant 9728 : i32
        %dma_start3A_175 = arith.constant 0 : i32
        %dma_start3A_176 = tpu.memref_slice %arg24[%dma_start3A_174, %dma_start3A_175] : memref<10240x64xf32, #tpu.memory_space<vmem_shared>> -> memref<64x64xf32, #tpu.memory_space<vmem_shared>>
        %dma_start3A_177 = arith.constant 9728 : i32
        %dma_start3A_178 = arith.constant 0 : i32
        %dma_start3A_179 = tpu.memref_slice %arg24[%dma_start3A_177, %dma_start3A_178] : memref<10240x64xf32, #tpu.memory_space<vmem_shared>> -> memref<64x64xf32, #tpu.memory_space<vmem_shared>>
        tpu.enqueue_dma source(%arg16 : memref<64x64xf32, #tpu.memory_space<vmem>>) target(%dma_start3A_179 : memref<64x64xf32, #tpu.memory_space<vmem_shared>>) target_semaphore(%run_scoped3A_173 : memref<!tpu.dma_semaphore, #tpu.memory_space<semaphore_mem>>)
        %dma_wait3A = arith.constant 9728 : i32
        %dma_wait3A_180 = arith.constant 0 : i32
        %dma_wait3A_181 = tpu.memref_slice %arg24[%dma_wait3A, %dma_wait3A_180] : memref<10240x64xf32, #tpu.memory_space<vmem_shared>> -> memref<64x64xf32, #tpu.memory_space<vmem_shared>>
        %dma_wait3A_182 = arith.constant 9728 : i32
        %dma_wait3A_183 = arith.constant 0 : i32
        %dma_wait3A_184 = tpu.memref_slice %arg24[%dma_wait3A_182, %dma_wait3A_183] : memref<10240x64xf32, #tpu.memory_space<vmem_shared>> -> memref<64x64xf32, #tpu.memory_space<vmem_shared>>
        tpu.wait_dma2 semaphore(%run_scoped3A_173 : memref<!tpu.dma_semaphore, #tpu.memory_space<semaphore_mem>>) src(%arg16 : memref<64x64xf32, #tpu.memory_space<vmem>>) dst(%dma_wait3A_184 : memref<64x64xf32, #tpu.memory_space<vmem_shared>>)
        tpu.yield
      }) : () -> ()
      "tpu.region"() ({
        %run_scoped3A_173 = tpu.sem_alloc : memref<!tpu.dma_semaphore, #tpu.memory_space<semaphore_mem>>
        %dma_start3A_174 = arith.constant 9792 : i32
        %dma_start3A_175 = tpu.memref_slice %arg2[%dma_start3A_174, %mul3A_0] : memref<10000x128xf32, #tpu.memory_space<hbm>> -> memref<64x64xf32, #tpu.memory_space<hbm>>
        %dma_start3A_176 = arith.constant 9792 : i32
        %dma_start3A_177 = tpu.memref_slice %arg2[%dma_start3A_176, %mul3A_0] : memref<10000x128xf32, #tpu.memory_space<hbm>> -> memref<64x64xf32, #tpu.memory_space<hbm>>
        tpu.enqueue_dma source(%dma_start3A_177 : memref<64x64xf32, #tpu.memory_space<hbm>>) target(%arg16 : memref<64x64xf32, #tpu.memory_space<vmem>>) target_semaphore(%run_scoped3A_173 : memref<!tpu.dma_semaphore, #tpu.memory_space<semaphore_mem>>)
        %dma_wait3A = arith.constant 9792 : i32
        %dma_wait3A_178 = tpu.memref_slice %arg2[%dma_wait3A, %mul3A_0] : memref<10000x128xf32, #tpu.memory_space<hbm>> -> memref<64x64xf32, #tpu.memory_space<hbm>>
        %dma_wait3A_179 = arith.constant 9792 : i32
        %dma_wait3A_180 = tpu.memref_slice %arg2[%dma_wait3A_179, %mul3A_0] : memref<10000x128xf32, #tpu.memory_space<hbm>> -> memref<64x64xf32, #tpu.memory_space<hbm>>
        tpu.wait_dma2 semaphore(%run_scoped3A_173 : memref<!tpu.dma_semaphore, #tpu.memory_space<semaphore_mem>>) src(%dma_wait3A_180 : memref<64x64xf32, #tpu.memory_space<hbm>>) dst(%arg16 : memref<64x64xf32, #tpu.memory_space<vmem>>)
        tpu.yield
      }) : () -> ()
      "tpu.region"() ({
        %run_scoped3A_173 = tpu.sem_alloc : memref<!tpu.dma_semaphore, #tpu.memory_space<semaphore_mem>>
        %dma_start3A_174 = arith.constant 9792 : i32
        %dma_start3A_175 = arith.constant 0 : i32
        %dma_start3A_176 = tpu.memref_slice %arg24[%dma_start3A_174, %dma_start3A_175] : memref<10240x64xf32, #tpu.memory_space<vmem_shared>> -> memref<64x64xf32, #tpu.memory_space<vmem_shared>>
        %dma_start3A_177 = arith.constant 9792 : i32
        %dma_start3A_178 = arith.constant 0 : i32
        %dma_start3A_179 = tpu.memref_slice %arg24[%dma_start3A_177, %dma_start3A_178] : memref<10240x64xf32, #tpu.memory_space<vmem_shared>> -> memref<64x64xf32, #tpu.memory_space<vmem_shared>>
        tpu.enqueue_dma source(%arg16 : memref<64x64xf32, #tpu.memory_space<vmem>>) target(%dma_start3A_179 : memref<64x64xf32, #tpu.memory_space<vmem_shared>>) target_semaphore(%run_scoped3A_173 : memref<!tpu.dma_semaphore, #tpu.memory_space<semaphore_mem>>)
        %dma_wait3A = arith.constant 9792 : i32
        %dma_wait3A_180 = arith.constant 0 : i32
        %dma_wait3A_181 = tpu.memref_slice %arg24[%dma_wait3A, %dma_wait3A_180] : memref<10240x64xf32, #tpu.memory_space<vmem_shared>> -> memref<64x64xf32, #tpu.memory_space<vmem_shared>>
        %dma_wait3A_182 = arith.constant 9792 : i32
        %dma_wait3A_183 = arith.constant 0 : i32
        %dma_wait3A_184 = tpu.memref_slice %arg24[%dma_wait3A_182, %dma_wait3A_183] : memref<10240x64xf32, #tpu.memory_space<vmem_shared>> -> memref<64x64xf32, #tpu.memory_space<vmem_shared>>
        tpu.wait_dma2 semaphore(%run_scoped3A_173 : memref<!tpu.dma_semaphore, #tpu.memory_space<semaphore_mem>>) src(%arg16 : memref<64x64xf32, #tpu.memory_space<vmem>>) dst(%dma_wait3A_184 : memref<64x64xf32, #tpu.memory_space<vmem_shared>>)
        tpu.yield
      }) : () -> ()
      "tpu.region"() ({
        %run_scoped3A_173 = tpu.sem_alloc : memref<!tpu.dma_semaphore, #tpu.memory_space<semaphore_mem>>
        %dma_start3A_174 = arith.constant 9856 : i32
        %dma_start3A_175 = tpu.memref_slice %arg2[%dma_start3A_174, %mul3A_0] : memref<10000x128xf32, #tpu.memory_space<hbm>> -> memref<64x64xf32, #tpu.memory_space<hbm>>
        %dma_start3A_176 = arith.constant 9856 : i32
        %dma_start3A_177 = tpu.memref_slice %arg2[%dma_start3A_176, %mul3A_0] : memref<10000x128xf32, #tpu.memory_space<hbm>> -> memref<64x64xf32, #tpu.memory_space<hbm>>
        tpu.enqueue_dma source(%dma_start3A_177 : memref<64x64xf32, #tpu.memory_space<hbm>>) target(%arg16 : memref<64x64xf32, #tpu.memory_space<vmem>>) target_semaphore(%run_scoped3A_173 : memref<!tpu.dma_semaphore, #tpu.memory_space<semaphore_mem>>)
        %dma_wait3A = arith.constant 9856 : i32
        %dma_wait3A_178 = tpu.memref_slice %arg2[%dma_wait3A, %mul3A_0] : memref<10000x128xf32, #tpu.memory_space<hbm>> -> memref<64x64xf32, #tpu.memory_space<hbm>>
        %dma_wait3A_179 = arith.constant 9856 : i32
        %dma_wait3A_180 = tpu.memref_slice %arg2[%dma_wait3A_179, %mul3A_0] : memref<10000x128xf32, #tpu.memory_space<hbm>> -> memref<64x64xf32, #tpu.memory_space<hbm>>
        tpu.wait_dma2 semaphore(%run_scoped3A_173 : memref<!tpu.dma_semaphore, #tpu.memory_space<semaphore_mem>>) src(%dma_wait3A_180 : memref<64x64xf32, #tpu.memory_space<hbm>>) dst(%arg16 : memref<64x64xf32, #tpu.memory_space<vmem>>)
        tpu.yield
      }) : () -> ()
      "tpu.region"() ({
        %run_scoped3A_173 = tpu.sem_alloc : memref<!tpu.dma_semaphore, #tpu.memory_space<semaphore_mem>>
        %dma_start3A_174 = arith.constant 9856 : i32
        %dma_start3A_175 = arith.constant 0 : i32
        %dma_start3A_176 = tpu.memref_slice %arg24[%dma_start3A_174, %dma_start3A_175] : memref<10240x64xf32, #tpu.memory_space<vmem_shared>> -> memref<64x64xf32, #tpu.memory_space<vmem_shared>>
        %dma_start3A_177 = arith.constant 9856 : i32
        %dma_start3A_178 = arith.constant 0 : i32
        %dma_start3A_179 = tpu.memref_slice %arg24[%dma_start3A_177, %dma_start3A_178] : memref<10240x64xf32, #tpu.memory_space<vmem_shared>> -> memref<64x64xf32, #tpu.memory_space<vmem_shared>>
        tpu.enqueue_dma source(%arg16 : memref<64x64xf32, #tpu.memory_space<vmem>>) target(%dma_start3A_179 : memref<64x64xf32, #tpu.memory_space<vmem_shared>>) target_semaphore(%run_scoped3A_173 : memref<!tpu.dma_semaphore, #tpu.memory_space<semaphore_mem>>)
        %dma_wait3A = arith.constant 9856 : i32
        %dma_wait3A_180 = arith.constant 0 : i32
        %dma_wait3A_181 = tpu.memref_slice %arg24[%dma_wait3A, %dma_wait3A_180] : memref<10240x64xf32, #tpu.memory_space<vmem_shared>> -> memref<64x64xf32, #tpu.memory_space<vmem_shared>>
        %dma_wait3A_182 = arith.constant 9856 : i32
        %dma_wait3A_183 = arith.constant 0 : i32
        %dma_wait3A_184 = tpu.memref_slice %arg24[%dma_wait3A_182, %dma_wait3A_183] : memref<10240x64xf32, #tpu.memory_space<vmem_shared>> -> memref<64x64xf32, #tpu.memory_space<vmem_shared>>
        tpu.wait_dma2 semaphore(%run_scoped3A_173 : memref<!tpu.dma_semaphore, #tpu.memory_space<semaphore_mem>>) src(%arg16 : memref<64x64xf32, #tpu.memory_space<vmem>>) dst(%dma_wait3A_184 : memref<64x64xf32, #tpu.memory_space<vmem_shared>>)
        tpu.yield
      }) : () -> ()
      "tpu.region"() ({
        %run_scoped3A_173 = tpu.sem_alloc : memref<!tpu.dma_semaphore, #tpu.memory_space<semaphore_mem>>
        %dma_start3A_174 = arith.constant 9920 : i32
        %dma_start3A_175 = tpu.memref_slice %arg2[%dma_start3A_174, %mul3A_0] : memref<10000x128xf32, #tpu.memory_space<hbm>> -> memref<64x64xf32, #tpu.memory_space<hbm>>
        %dma_start3A_176 = arith.constant 9920 : i32
        %dma_start3A_177 = tpu.memref_slice %arg2[%dma_start3A_176, %mul3A_0] : memref<10000x128xf32, #tpu.memory_space<hbm>> -> memref<64x64xf32, #tpu.memory_space<hbm>>
        tpu.enqueue_dma source(%dma_start3A_177 : memref<64x64xf32, #tpu.memory_space<hbm>>) target(%arg16 : memref<64x64xf32, #tpu.memory_space<vmem>>) target_semaphore(%run_scoped3A_173 : memref<!tpu.dma_semaphore, #tpu.memory_space<semaphore_mem>>)
        %dma_wait3A = arith.constant 9920 : i32
        %dma_wait3A_178 = tpu.memref_slice %arg2[%dma_wait3A, %mul3A_0] : memref<10000x128xf32, #tpu.memory_space<hbm>> -> memref<64x64xf32, #tpu.memory_space<hbm>>
        %dma_wait3A_179 = arith.constant 9920 : i32
        %dma_wait3A_180 = tpu.memref_slice %arg2[%dma_wait3A_179, %mul3A_0] : memref<10000x128xf32, #tpu.memory_space<hbm>> -> memref<64x64xf32, #tpu.memory_space<hbm>>
        tpu.wait_dma2 semaphore(%run_scoped3A_173 : memref<!tpu.dma_semaphore, #tpu.memory_space<semaphore_mem>>) src(%dma_wait3A_180 : memref<64x64xf32, #tpu.memory_space<hbm>>) dst(%arg16 : memref<64x64xf32, #tpu.memory_space<vmem>>)
        tpu.yield
      }) : () -> ()
      "tpu.region"() ({
        %run_scoped3A_173 = tpu.sem_alloc : memref<!tpu.dma_semaphore, #tpu.memory_space<semaphore_mem>>
        %dma_start3A_174 = arith.constant 9920 : i32
        %dma_start3A_175 = arith.constant 0 : i32
        %dma_start3A_176 = tpu.memref_slice %arg24[%dma_start3A_174, %dma_start3A_175] : memref<10240x64xf32, #tpu.memory_space<vmem_shared>> -> memref<64x64xf32, #tpu.memory_space<vmem_shared>>
        %dma_start3A_177 = arith.constant 9920 : i32
        %dma_start3A_178 = arith.constant 0 : i32
        %dma_start3A_179 = tpu.memref_slice %arg24[%dma_start3A_177, %dma_start3A_178] : memref<10240x64xf32, #tpu.memory_space<vmem_shared>> -> memref<64x64xf32, #tpu.memory_space<vmem_shared>>
        tpu.enqueue_dma source(%arg16 : memref<64x64xf32, #tpu.memory_space<vmem>>) target(%dma_start3A_179 : memref<64x64xf32, #tpu.memory_space<vmem_shared>>) target_semaphore(%run_scoped3A_173 : memref<!tpu.dma_semaphore, #tpu.memory_space<semaphore_mem>>)
        %dma_wait3A = arith.constant 9920 : i32
        %dma_wait3A_180 = arith.constant 0 : i32
        %dma_wait3A_181 = tpu.memref_slice %arg24[%dma_wait3A, %dma_wait3A_180] : memref<10240x64xf32, #tpu.memory_space<vmem_shared>> -> memref<64x64xf32, #tpu.memory_space<vmem_shared>>
        %dma_wait3A_182 = arith.constant 9920 : i32
        %dma_wait3A_183 = arith.constant 0 : i32
        %dma_wait3A_184 = tpu.memref_slice %arg24[%dma_wait3A_182, %dma_wait3A_183] : memref<10240x64xf32, #tpu.memory_space<vmem_shared>> -> memref<64x64xf32, #tpu.memory_space<vmem_shared>>
        tpu.wait_dma2 semaphore(%run_scoped3A_173 : memref<!tpu.dma_semaphore, #tpu.memory_space<semaphore_mem>>) src(%arg16 : memref<64x64xf32, #tpu.memory_space<vmem>>) dst(%dma_wait3A_184 : memref<64x64xf32, #tpu.memory_space<vmem_shared>>)
        tpu.yield
      }) : () -> ()
      "tpu.region"() ({
        %run_scoped3A_173 = tpu.sem_alloc : memref<!tpu.dma_semaphore, #tpu.memory_space<semaphore_mem>>
        %dma_start3A_174 = arith.constant 0 : i32
        %dma_start3A_175 = arith.constant 0 : i32
        %dma_start3A_176 = tpu.memref_slice %arg16[%dma_start3A_174, %dma_start3A_175] : memref<64x64xf32, #tpu.memory_space<vmem>> -> memref<16x64xf32, #tpu.memory_space<vmem>>
        %dma_start3A_177 = arith.constant 9984 : i32
        %dma_start3A_178 = tpu.memref_slice %arg2[%dma_start3A_177, %mul3A_0] : memref<10000x128xf32, #tpu.memory_space<hbm>> -> memref<16x64xf32, #tpu.memory_space<hbm>>
        %dma_start3A_179 = arith.constant 0 : i32
        %dma_start3A_180 = arith.constant 0 : i32
        %dma_start3A_181 = tpu.memref_slice %arg16[%dma_start3A_179, %dma_start3A_180] : memref<64x64xf32, #tpu.memory_space<vmem>> -> memref<16x64xf32, #tpu.memory_space<vmem>>
        %dma_start3A_182 = arith.constant 9984 : i32
        %dma_start3A_183 = tpu.memref_slice %arg2[%dma_start3A_182, %mul3A_0] : memref<10000x128xf32, #tpu.memory_space<hbm>> -> memref<16x64xf32, #tpu.memory_space<hbm>>
        tpu.enqueue_dma source(%dma_start3A_183 : memref<16x64xf32, #tpu.memory_space<hbm>>) target(%dma_start3A_181 : memref<16x64xf32, #tpu.memory_space<vmem>>) target_semaphore(%run_scoped3A_173 : memref<!tpu.dma_semaphore, #tpu.memory_space<semaphore_mem>>)
        %dma_wait3A = arith.constant 0 : i32
        %dma_wait3A_184 = arith.constant 0 : i32
        %dma_wait3A_185 = tpu.memref_slice %arg16[%dma_wait3A, %dma_wait3A_184] : memref<64x64xf32, #tpu.memory_space<vmem>> -> memref<16x64xf32, #tpu.memory_space<vmem>>
        %dma_wait3A_186 = arith.constant 9984 : i32
        %dma_wait3A_187 = tpu.memref_slice %arg2[%dma_wait3A_186, %mul3A_0] : memref<10000x128xf32, #tpu.memory_space<hbm>> -> memref<16x64xf32, #tpu.memory_space<hbm>>
        %dma_wait3A_188 = arith.constant 0 : i32
        %dma_wait3A_189 = arith.constant 0 : i32
        %dma_wait3A_190 = tpu.memref_slice %arg16[%dma_wait3A_188, %dma_wait3A_189] : memref<64x64xf32, #tpu.memory_space<vmem>> -> memref<16x64xf32, #tpu.memory_space<vmem>>
        %dma_wait3A_191 = arith.constant 9984 : i32
        %dma_wait3A_192 = tpu.memref_slice %arg2[%dma_wait3A_191, %mul3A_0] : memref<10000x128xf32, #tpu.memory_space<hbm>> -> memref<16x64xf32, #tpu.memory_space<hbm>>
        tpu.wait_dma2 semaphore(%run_scoped3A_173 : memref<!tpu.dma_semaphore, #tpu.memory_space<semaphore_mem>>) src(%dma_wait3A_192 : memref<16x64xf32, #tpu.memory_space<hbm>>) dst(%dma_wait3A_190 : memref<16x64xf32, #tpu.memory_space<vmem>>)
        tpu.yield
      }) : () -> ()
      "tpu.region"() ({
        %run_scoped3A_173 = tpu.sem_alloc : memref<!tpu.dma_semaphore, #tpu.memory_space<semaphore_mem>>
        %dma_start3A_174 = arith.constant 0 : i32
        %dma_start3A_175 = arith.constant 0 : i32
        %dma_start3A_176 = tpu.memref_slice %arg16[%dma_start3A_174, %dma_start3A_175] : memref<64x64xf32, #tpu.memory_space<vmem>> -> memref<16x64xf32, #tpu.memory_space<vmem>>
        %dma_start3A_177 = arith.constant 9984 : i32
        %dma_start3A_178 = arith.constant 0 : i32
        %dma_start3A_179 = tpu.memref_slice %arg24[%dma_start3A_177, %dma_start3A_178] : memref<10240x64xf32, #tpu.memory_space<vmem_shared>> -> memref<16x64xf32, #tpu.memory_space<vmem_shared>>
        %dma_start3A_180 = arith.constant 9984 : i32
        %dma_start3A_181 = arith.constant 0 : i32
        %dma_start3A_182 = tpu.memref_slice %arg24[%dma_start3A_180, %dma_start3A_181] : memref<10240x64xf32, #tpu.memory_space<vmem_shared>> -> memref<16x64xf32, #tpu.memory_space<vmem_shared>>
        %dma_start3A_183 = arith.constant 0 : i32
        %dma_start3A_184 = arith.constant 0 : i32
        %dma_start3A_185 = tpu.memref_slice %arg16[%dma_start3A_183, %dma_start3A_184] : memref<64x64xf32, #tpu.memory_space<vmem>> -> memref<16x64xf32, #tpu.memory_space<vmem>>
        tpu.enqueue_dma source(%dma_start3A_185 : memref<16x64xf32, #tpu.memory_space<vmem>>) target(%dma_start3A_182 : memref<16x64xf32, #tpu.memory_space<vmem_shared>>) target_semaphore(%run_scoped3A_173 : memref<!tpu.dma_semaphore, #tpu.memory_space<semaphore_mem>>)
        %dma_wait3A = arith.constant 0 : i32
        %dma_wait3A_186 = arith.constant 0 : i32
        %dma_wait3A_187 = tpu.memref_slice %arg16[%dma_wait3A, %dma_wait3A_186] : memref<64x64xf32, #tpu.memory_space<vmem>> -> memref<16x64xf32, #tpu.memory_space<vmem>>
        %dma_wait3A_188 = arith.constant 9984 : i32
        %dma_wait3A_189 = arith.constant 0 : i32
        %dma_wait3A_190 = tpu.memref_slice %arg24[%dma_wait3A_188, %dma_wait3A_189] : memref<10240x64xf32, #tpu.memory_space<vmem_shared>> -> memref<16x64xf32, #tpu.memory_space<vmem_shared>>
        %dma_wait3A_191 = arith.constant 9984 : i32
        %dma_wait3A_192 = arith.constant 0 : i32
        %dma_wait3A_193 = tpu.memref_slice %arg24[%dma_wait3A_191, %dma_wait3A_192] : memref<10240x64xf32, #tpu.memory_space<vmem_shared>> -> memref<16x64xf32, #tpu.memory_space<vmem_shared>>
        %dma_wait3A_194 = arith.constant 0 : i32
        %dma_wait3A_195 = arith.constant 0 : i32
        %dma_wait3A_196 = tpu.memref_slice %arg16[%dma_wait3A_194, %dma_wait3A_195] : memref<64x64xf32, #tpu.memory_space<vmem>> -> memref<16x64xf32, #tpu.memory_space<vmem>>
        tpu.wait_dma2 semaphore(%run_scoped3A_173 : memref<!tpu.dma_semaphore, #tpu.memory_space<semaphore_mem>>) src(%dma_wait3A_196 : memref<16x64xf32, #tpu.memory_space<vmem>>) dst(%dma_wait3A_193 : memref<16x64xf32, #tpu.memory_space<vmem_shared>>)
        tpu.yield
      }) : () -> ()
    } else {
    }
    %broadcast_in_dim3A = arith.constant 0.000000e+00 : f32
    %broadcast_in_dim3A_7 = vector.broadcast %broadcast_in_dim3A : f32 to vector<16xf32>
    %scan3A = arith.constant 0 : i32
    %scan3A_8 = arith.constant 0 : i32
    %scan3A_9 = arith.constant 64 : i32
    %scan3A_10 = arith.addi %scan3A_8, %scan3A_9 : i32
    %scan3A_11 = arith.constant 1 : i32
    scf.for %scan3A_173 = %scan3A_8 to %scan3A_10 step %scan3A_11  : i32 {
      %swap3A = arith.index_cast %scan3A_173 : i32 to index
      %swap3A_174 = arith.constant 0 : index
      %swap3A_175 = tpu.vector_load %arg12[%swap3A, %swap3A_174] {strides = array<i32>} : memref<64x64xf32, #tpu.memory_space<vmem>>, vector<1x16xf32>,
      %swap3A_176 = vector.shape_cast %swap3A_175 : vector<1x16xf32> to vector<16xf32>
      %swap3A_177 = vector.shape_cast %broadcast_in_dim3A_7 : vector<16xf32> to vector<1x16xf32>
      tpu.vector_store %arg12[%swap3A, %swap3A_174], %swap3A_177 {strides = array<i32>} : memref<64x64xf32, #tpu.memory_space<vmem>>, vector<1x16xf32>,
      %swap3A_178 = arith.index_cast %scan3A_173 : i32 to index
      %swap3A_179 = arith.constant 16 : index
      %swap3A_180 = tpu.vector_load %arg12[%swap3A_178, %swap3A_179] {strides = array<i32>} : memref<64x64xf32, #tpu.memory_space<vmem>>, vector<1x16xf32>,
      %swap3A_181 = vector.shape_cast %swap3A_180 : vector<1x16xf32> to vector<16xf32>
      %swap3A_182 = vector.shape_cast %broadcast_in_dim3A_7 : vector<16xf32> to vector<1x16xf32>
      tpu.vector_store %arg12[%swap3A_178, %swap3A_179], %swap3A_182 {strides = array<i32>} : memref<64x64xf32, #tpu.memory_space<vmem>>, vector<1x16xf32>,
      %swap3A_183 = arith.index_cast %scan3A_173 : i32 to index
      %swap3A_184 = arith.constant 32 : index
      %swap3A_185 = tpu.vector_load %arg12[%swap3A_183, %swap3A_184] {strides = array<i32>} : memref<64x64xf32, #tpu.memory_space<vmem>>, vector<1x16xf32>,
      %swap3A_186 = vector.shape_cast %swap3A_185 : vector<1x16xf32> to vector<16xf32>
      %swap3A_187 = vector.shape_cast %broadcast_in_dim3A_7 : vector<16xf32> to vector<1x16xf32>
      tpu.vector_store %arg12[%swap3A_183, %swap3A_184], %swap3A_187 {strides = array<i32>} : memref<64x64xf32, #tpu.memory_space<vmem>>, vector<1x16xf32>,
      %swap3A_188 = arith.index_cast %scan3A_173 : i32 to index
      %swap3A_189 = arith.constant 48 : index
      %swap3A_190 = tpu.vector_load %arg12[%swap3A_188, %swap3A_189] {strides = array<i32>} : memref<64x64xf32, #tpu.memory_space<vmem>>, vector<1x16xf32>,
      %swap3A_191 = vector.shape_cast %swap3A_190 : vector<1x16xf32> to vector<16xf32>
      %swap3A_192 = vector.shape_cast %broadcast_in_dim3A_7 : vector<16xf32> to vector<1x16xf32>
      tpu.vector_store %arg12[%swap3A_188, %swap3A_189], %swap3A_192 {strides = array<i32>} : memref<64x64xf32, #tpu.memory_space<vmem>>, vector<1x16xf32>,
    }
    %scan3A_12 = arith.constant 64 : i32
    %broadcast_in_dim3A_13 = arith.constant 1.000000e+00 : f32
    %broadcast_in_dim3A_14 = vector.broadcast %broadcast_in_dim3A_13 : f32 to vector<16xf32>
    %scan3A_15 = arith.constant 0 : i32
    %scan3A_16 = arith.constant 0 : i32
    %scan3A_17 = arith.constant 64 : i32
    %scan3A_18 = arith.addi %scan3A_16, %scan3A_17 : i32
    %scan3A_19 = arith.constant 1 : i32
    scf.for %scan3A_173 = %scan3A_16 to %scan3A_18 step %scan3A_19  : i32 {
      %swap3A = arith.index_cast %scan3A_173 : i32 to index
      %swap3A_174 = arith.constant 0 : index
      %swap3A_175 = tpu.vector_load %arg20[%swap3A, %swap3A_174] {strides = array<i32>} : memref<64x16xf32, #tpu.memory_space<vmem>>, vector<1x16xf32>,
      %swap3A_176 = vector.shape_cast %swap3A_175 : vector<1x16xf32> to vector<16xf32>
      %swap3A_177 = vector.shape_cast %broadcast_in_dim3A_14 : vector<16xf32> to vector<1x16xf32>
      tpu.vector_store %arg20[%swap3A, %swap3A_174], %swap3A_177 {strides = array<i32>} : memref<64x16xf32, #tpu.memory_space<vmem>>, vector<1x16xf32>,
    }
    %scan3A_20 = arith.constant 64 : i32
    %broadcast_in_dim3A_21 = arith.constant 0.000000e+00 : f32
    %broadcast_in_dim3A_22 = vector.broadcast %broadcast_in_dim3A_21 : f32 to vector<16xf32>
    %scan3A_23 = arith.constant 0 : i32
    %scan3A_24 = arith.constant 0 : i32
    %scan3A_25 = arith.constant 64 : i32
    %scan3A_26 = arith.addi %scan3A_24, %scan3A_25 : i32
    %scan3A_27 = arith.constant 1 : i32
    scf.for %scan3A_173 = %scan3A_24 to %scan3A_26 step %scan3A_27  : i32 {
      %swap3A = arith.index_cast %scan3A_173 : i32 to index
      %swap3A_174 = arith.constant 0 : index
      %swap3A_175 = tpu.vector_load %arg21[%swap3A, %swap3A_174] {strides = array<i32>} : memref<64x16xf32, #tpu.memory_space<vmem>>, vector<1x16xf32>,
      %swap3A_176 = vector.shape_cast %swap3A_175 : vector<1x16xf32> to vector<16xf32>
      %swap3A_177 = vector.shape_cast %broadcast_in_dim3A_22 : vector<16xf32> to vector<1x16xf32>
      tpu.vector_store %arg21[%swap3A, %swap3A_174], %swap3A_177 {strides = array<i32>} : memref<64x16xf32, #tpu.memory_space<vmem>>, vector<1x16xf32>,
    }
    %scan3A_28 = arith.constant 64 : i32
    %mul3A_29 = arith.constant 640 : i32
    %mul3A_30 = arith.muli %arg1, %mul3A_29 : i32
    %add3A = arith.constant 0 : i32
    %add3A_31 = arith.addi %mul3A_30, %add3A : i32
    "tpu.region"() ({
      %run_scoped3A_173 = tpu.sem_alloc : memref<!tpu.dma_semaphore, #tpu.memory_space<semaphore_mem>>
      %dma_start3A_174 = arith.constant 0 : i32
      %dma_start3A_175 = tpu.memref_slice %arg22[%add3A_31, %dma_start3A_174] : memref<10240x64xf32, #tpu.memory_space<vmem_shared>> -> memref<64x64xf32, #tpu.memory_space<vmem_shared>>
      %dma_start3A_176 = arith.constant 0 : i32
      %dma_start3A_177 = tpu.memref_slice %arg22[%add3A_31, %dma_start3A_176] : memref<10240x64xf32, #tpu.memory_space<vmem_shared>> -> memref<64x64xf32, #tpu.memory_space<vmem_shared>>
      tpu.enqueue_dma source(%arg12 : memref<64x64xf32, #tpu.memory_space<vmem>>) target(%dma_start3A_177 : memref<64x64xf32, #tpu.memory_space<vmem_shared>>) target_semaphore(%run_scoped3A_173 : memref<!tpu.dma_semaphore, #tpu.memory_space<semaphore_mem>>)
      %dma_wait3A = arith.constant 0 : i32
      %dma_wait3A_178 = tpu.memref_slice %arg22[%add3A_31, %dma_wait3A] : memref<10240x64xf32, #tpu.memory_space<vmem_shared>> -> memref<64x64xf32, #tpu.memory_space<vmem_shared>>
      %dma_wait3A_179 = arith.constant 0 : i32
      %dma_wait3A_180 = tpu.memref_slice %arg22[%add3A_31, %dma_wait3A_179] : memref<10240x64xf32, #tpu.memory_space<vmem_shared>> -> memref<64x64xf32, #tpu.memory_space<vmem_shared>>
      tpu.wait_dma2 semaphore(%run_scoped3A_173 : memref<!tpu.dma_semaphore, #tpu.memory_space<semaphore_mem>>) src(%arg12 : memref<64x64xf32, #tpu.memory_space<vmem>>) dst(%dma_wait3A_180 : memref<64x64xf32, #tpu.memory_space<vmem_shared>>)
      tpu.yield
    }) : () -> ()
    %mul3A_32 = arith.constant 640 : i32
    %mul3A_33 = arith.muli %arg1, %mul3A_32 : i32
    %add3A_34 = arith.constant 64 : i32
    %add3A_35 = arith.addi %mul3A_33, %add3A_34 : i32
    "tpu.region"() ({
      %run_scoped3A_173 = tpu.sem_alloc : memref<!tpu.dma_semaphore, #tpu.memory_space<semaphore_mem>>
      %dma_start3A_174 = arith.constant 0 : i32
      %dma_start3A_175 = tpu.memref_slice %arg22[%add3A_35, %dma_start3A_174] : memref<10240x64xf32, #tpu.memory_space<vmem_shared>> -> memref<64x64xf32, #tpu.memory_space<vmem_shared>>
      %dma_start3A_176 = arith.constant 0 : i32
      %dma_start3A_177 = tpu.memref_slice %arg22[%add3A_35, %dma_start3A_176] : memref<10240x64xf32, #tpu.memory_space<vmem_shared>> -> memref<64x64xf32, #tpu.memory_space<vmem_shared>>
      tpu.enqueue_dma source(%arg12 : memref<64x64xf32, #tpu.memory_space<vmem>>) target(%dma_start3A_177 : memref<64x64xf32, #tpu.memory_space<vmem_shared>>) target_semaphore(%run_scoped3A_173 : memref<!tpu.dma_semaphore, #tpu.memory_space<semaphore_mem>>)
      %dma_wait3A = arith.constant 0 : i32
      %dma_wait3A_178 = tpu.memref_slice %arg22[%add3A_35, %dma_wait3A] : memref<10240x64xf32, #tpu.memory_space<vmem_shared>> -> memref<64x64xf32, #tpu.memory_space<vmem_shared>>
      %dma_wait3A_179 = arith.constant 0 : i32
      %dma_wait3A_180 = tpu.memref_slice %arg22[%add3A_35, %dma_wait3A_179] : memref<10240x64xf32, #tpu.memory_space<vmem_shared>> -> memref<64x64xf32, #tpu.memory_space<vmem_shared>>
      tpu.wait_dma2 semaphore(%run_scoped3A_173 : memref<!tpu.dma_semaphore, #tpu.memory_space<semaphore_mem>>) src(%arg12 : memref<64x64xf32, #tpu.memory_space<vmem>>) dst(%dma_wait3A_180 : memref<64x64xf32, #tpu.memory_space<vmem_shared>>)
      tpu.yield
    }) : () -> ()
    %mul3A_36 = arith.constant 640 : i32
    %mul3A_37 = arith.muli %arg1, %mul3A_36 : i32
    %add3A_38 = arith.constant 128 : i32
    %add3A_39 = arith.addi %mul3A_37, %add3A_38 : i32
    "tpu.region"() ({
      %run_scoped3A_173 = tpu.sem_alloc : memref<!tpu.dma_semaphore, #tpu.memory_space<semaphore_mem>>
      %dma_start3A_174 = arith.constant 0 : i32
      %dma_start3A_175 = tpu.memref_slice %arg22[%add3A_39, %dma_start3A_174] : memref<10240x64xf32, #tpu.memory_space<vmem_shared>> -> memref<64x64xf32, #tpu.memory_space<vmem_shared>>
      %dma_start3A_176 = arith.constant 0 : i32
      %dma_start3A_177 = tpu.memref_slice %arg22[%add3A_39, %dma_start3A_176] : memref<10240x64xf32, #tpu.memory_space<vmem_shared>> -> memref<64x64xf32, #tpu.memory_space<vmem_shared>>
      tpu.enqueue_dma source(%arg12 : memref<64x64xf32, #tpu.memory_space<vmem>>) target(%dma_start3A_177 : memref<64x64xf32, #tpu.memory_space<vmem_shared>>) target_semaphore(%run_scoped3A_173 : memref<!tpu.dma_semaphore, #tpu.memory_space<semaphore_mem>>)
      %dma_wait3A = arith.constant 0 : i32
      %dma_wait3A_178 = tpu.memref_slice %arg22[%add3A_39, %dma_wait3A] : memref<10240x64xf32, #tpu.memory_space<vmem_shared>> -> memref<64x64xf32, #tpu.memory_space<vmem_shared>>
      %dma_wait3A_179 = arith.constant 0 : i32
      %dma_wait3A_180 = tpu.memref_slice %arg22[%add3A_39, %dma_wait3A_179] : memref<10240x64xf32, #tpu.memory_space<vmem_shared>> -> memref<64x64xf32, #tpu.memory_space<vmem_shared>>
      tpu.wait_dma2 semaphore(%run_scoped3A_173 : memref<!tpu.dma_semaphore, #tpu.memory_space<semaphore_mem>>) src(%arg12 : memref<64x64xf32, #tpu.memory_space<vmem>>) dst(%dma_wait3A_180 : memref<64x64xf32, #tpu.memory_space<vmem_shared>>)
      tpu.yield
    }) : () -> ()
    %mul3A_40 = arith.constant 640 : i32
    %mul3A_41 = arith.muli %arg1, %mul3A_40 : i32
    %add3A_42 = arith.constant 192 : i32
    %add3A_43 = arith.addi %mul3A_41, %add3A_42 : i32
    "tpu.region"() ({
      %run_scoped3A_173 = tpu.sem_alloc : memref<!tpu.dma_semaphore, #tpu.memory_space<semaphore_mem>>
      %dma_start3A_174 = arith.constant 0 : i32
      %dma_start3A_175 = tpu.memref_slice %arg22[%add3A_43, %dma_start3A_174] : memref<10240x64xf32, #tpu.memory_space<vmem_shared>> -> memref<64x64xf32, #tpu.memory_space<vmem_shared>>
      %dma_start3A_176 = arith.constant 0 : i32
      %dma_start3A_177 = tpu.memref_slice %arg22[%add3A_43, %dma_start3A_176] : memref<10240x64xf32, #tpu.memory_space<vmem_shared>> -> memref<64x64xf32, #tpu.memory_space<vmem_shared>>
      tpu.enqueue_dma source(%arg12 : memref<64x64xf32, #tpu.memory_space<vmem>>) target(%dma_start3A_177 : memref<64x64xf32, #tpu.memory_space<vmem_shared>>) target_semaphore(%run_scoped3A_173 : memref<!tpu.dma_semaphore, #tpu.memory_space<semaphore_mem>>)
      %dma_wait3A = arith.constant 0 : i32
      %dma_wait3A_178 = tpu.memref_slice %arg22[%add3A_43, %dma_wait3A] : memref<10240x64xf32, #tpu.memory_space<vmem_shared>> -> memref<64x64xf32, #tpu.memory_space<vmem_shared>>
      %dma_wait3A_179 = arith.constant 0 : i32
      %dma_wait3A_180 = tpu.memref_slice %arg22[%add3A_43, %dma_wait3A_179] : memref<10240x64xf32, #tpu.memory_space<vmem_shared>> -> memref<64x64xf32, #tpu.memory_space<vmem_shared>>
      tpu.wait_dma2 semaphore(%run_scoped3A_173 : memref<!tpu.dma_semaphore, #tpu.memory_space<semaphore_mem>>) src(%arg12 : memref<64x64xf32, #tpu.memory_space<vmem>>) dst(%dma_wait3A_180 : memref<64x64xf32, #tpu.memory_space<vmem_shared>>)
      tpu.yield
    }) : () -> ()
    %mul3A_44 = arith.constant 640 : i32
    %mul3A_45 = arith.muli %arg1, %mul3A_44 : i32
    %add3A_46 = arith.constant 256 : i32
    %add3A_47 = arith.addi %mul3A_45, %add3A_46 : i32
    "tpu.region"() ({
      %run_scoped3A_173 = tpu.sem_alloc : memref<!tpu.dma_semaphore, #tpu.memory_space<semaphore_mem>>
      %dma_start3A_174 = arith.constant 0 : i32
      %dma_start3A_175 = tpu.memref_slice %arg22[%add3A_47, %dma_start3A_174] : memref<10240x64xf32, #tpu.memory_space<vmem_shared>> -> memref<64x64xf32, #tpu.memory_space<vmem_shared>>
      %dma_start3A_176 = arith.constant 0 : i32
      %dma_start3A_177 = tpu.memref_slice %arg22[%add3A_47, %dma_start3A_176] : memref<10240x64xf32, #tpu.memory_space<vmem_shared>> -> memref<64x64xf32, #tpu.memory_space<vmem_shared>>
      tpu.enqueue_dma source(%arg12 : memref<64x64xf32, #tpu.memory_space<vmem>>) target(%dma_start3A_177 : memref<64x64xf32, #tpu.memory_space<vmem_shared>>) target_semaphore(%run_scoped3A_173 : memref<!tpu.dma_semaphore, #tpu.memory_space<semaphore_mem>>)
      %dma_wait3A = arith.constant 0 : i32
      %dma_wait3A_178 = tpu.memref_slice %arg22[%add3A_47, %dma_wait3A] : memref<10240x64xf32, #tpu.memory_space<vmem_shared>> -> memref<64x64xf32, #tpu.memory_space<vmem_shared>>
      %dma_wait3A_179 = arith.constant 0 : i32
      %dma_wait3A_180 = tpu.memref_slice %arg22[%add3A_47, %dma_wait3A_179] : memref<10240x64xf32, #tpu.memory_space<vmem_shared>> -> memref<64x64xf32, #tpu.memory_space<vmem_shared>>
      tpu.wait_dma2 semaphore(%run_scoped3A_173 : memref<!tpu.dma_semaphore, #tpu.memory_space<semaphore_mem>>) src(%arg12 : memref<64x64xf32, #tpu.memory_space<vmem>>) dst(%dma_wait3A_180 : memref<64x64xf32, #tpu.memory_space<vmem_shared>>)
      tpu.yield
    }) : () -> ()
    %mul3A_48 = arith.constant 640 : i32
    %mul3A_49 = arith.muli %arg1, %mul3A_48 : i32
    %add3A_50 = arith.constant 320 : i32
    %add3A_51 = arith.addi %mul3A_49, %add3A_50 : i32
    "tpu.region"() ({
      %run_scoped3A_173 = tpu.sem_alloc : memref<!tpu.dma_semaphore, #tpu.memory_space<semaphore_mem>>
      %dma_start3A_174 = arith.constant 0 : i32
      %dma_start3A_175 = tpu.memref_slice %arg22[%add3A_51, %dma_start3A_174] : memref<10240x64xf32, #tpu.memory_space<vmem_shared>> -> memref<64x64xf32, #tpu.memory_space<vmem_shared>>
      %dma_start3A_176 = arith.constant 0 : i32
      %dma_start3A_177 = tpu.memref_slice %arg22[%add3A_51, %dma_start3A_176] : memref<10240x64xf32, #tpu.memory_space<vmem_shared>> -> memref<64x64xf32, #tpu.memory_space<vmem_shared>>
      tpu.enqueue_dma source(%arg12 : memref<64x64xf32, #tpu.memory_space<vmem>>) target(%dma_start3A_177 : memref<64x64xf32, #tpu.memory_space<vmem_shared>>) target_semaphore(%run_scoped3A_173 : memref<!tpu.dma_semaphore, #tpu.memory_space<semaphore_mem>>)
      %dma_wait3A = arith.constant 0 : i32
      %dma_wait3A_178 = tpu.memref_slice %arg22[%add3A_51, %dma_wait3A] : memref<10240x64xf32, #tpu.memory_space<vmem_shared>> -> memref<64x64xf32, #tpu.memory_space<vmem_shared>>
      %dma_wait3A_179 = arith.constant 0 : i32
      %dma_wait3A_180 = tpu.memref_slice %arg22[%add3A_51, %dma_wait3A_179] : memref<10240x64xf32, #tpu.memory_space<vmem_shared>> -> memref<64x64xf32, #tpu.memory_space<vmem_shared>>
      tpu.wait_dma2 semaphore(%run_scoped3A_173 : memref<!tpu.dma_semaphore, #tpu.memory_space<semaphore_mem>>) src(%arg12 : memref<64x64xf32, #tpu.memory_space<vmem>>) dst(%dma_wait3A_180 : memref<64x64xf32, #tpu.memory_space<vmem_shared>>)
      tpu.yield
    }) : () -> ()
    %mul3A_52 = arith.constant 640 : i32
    %mul3A_53 = arith.muli %arg1, %mul3A_52 : i32
    %add3A_54 = arith.constant 384 : i32
    %add3A_55 = arith.addi %mul3A_53, %add3A_54 : i32
    "tpu.region"() ({
      %run_scoped3A_173 = tpu.sem_alloc : memref<!tpu.dma_semaphore, #tpu.memory_space<semaphore_mem>>
      %dma_start3A_174 = arith.constant 0 : i32
      %dma_start3A_175 = tpu.memref_slice %arg22[%add3A_55, %dma_start3A_174] : memref<10240x64xf32, #tpu.memory_space<vmem_shared>> -> memref<64x64xf32, #tpu.memory_space<vmem_shared>>
      %dma_start3A_176 = arith.constant 0 : i32
      %dma_start3A_177 = tpu.memref_slice %arg22[%add3A_55, %dma_start3A_176] : memref<10240x64xf32, #tpu.memory_space<vmem_shared>> -> memref<64x64xf32, #tpu.memory_space<vmem_shared>>
      tpu.enqueue_dma source(%arg12 : memref<64x64xf32, #tpu.memory_space<vmem>>) target(%dma_start3A_177 : memref<64x64xf32, #tpu.memory_space<vmem_shared>>) target_semaphore(%run_scoped3A_173 : memref<!tpu.dma_semaphore, #tpu.memory_space<semaphore_mem>>)
      %dma_wait3A = arith.constant 0 : i32
      %dma_wait3A_178 = tpu.memref_slice %arg22[%add3A_55, %dma_wait3A] : memref<10240x64xf32, #tpu.memory_space<vmem_shared>> -> memref<64x64xf32, #tpu.memory_space<vmem_shared>>
      %dma_wait3A_179 = arith.constant 0 : i32
      %dma_wait3A_180 = tpu.memref_slice %arg22[%add3A_55, %dma_wait3A_179] : memref<10240x64xf32, #tpu.memory_space<vmem_shared>> -> memref<64x64xf32, #tpu.memory_space<vmem_shared>>
      tpu.wait_dma2 semaphore(%run_scoped3A_173 : memref<!tpu.dma_semaphore, #tpu.memory_space<semaphore_mem>>) src(%arg12 : memref<64x64xf32, #tpu.memory_space<vmem>>) dst(%dma_wait3A_180 : memref<64x64xf32, #tpu.memory_space<vmem_shared>>)
      tpu.yield
    }) : () -> ()
    %mul3A_56 = arith.constant 640 : i32
    %mul3A_57 = arith.muli %arg1, %mul3A_56 : i32
    %add3A_58 = arith.constant 448 : i32
    %add3A_59 = arith.addi %mul3A_57, %add3A_58 : i32
    "tpu.region"() ({
      %run_scoped3A_173 = tpu.sem_alloc : memref<!tpu.dma_semaphore, #tpu.memory_space<semaphore_mem>>
      %dma_start3A_174 = arith.constant 0 : i32
      %dma_start3A_175 = tpu.memref_slice %arg22[%add3A_59, %dma_start3A_174] : memref<10240x64xf32, #tpu.memory_space<vmem_shared>> -> memref<64x64xf32, #tpu.memory_space<vmem_shared>>
      %dma_start3A_176 = arith.constant 0 : i32
      %dma_start3A_177 = tpu.memref_slice %arg22[%add3A_59, %dma_start3A_176] : memref<10240x64xf32, #tpu.memory_space<vmem_shared>> -> memref<64x64xf32, #tpu.memory_space<vmem_shared>>
      tpu.enqueue_dma source(%arg12 : memref<64x64xf32, #tpu.memory_space<vmem>>) target(%dma_start3A_177 : memref<64x64xf32, #tpu.memory_space<vmem_shared>>) target_semaphore(%run_scoped3A_173 : memref<!tpu.dma_semaphore, #tpu.memory_space<semaphore_mem>>)
      %dma_wait3A = arith.constant 0 : i32
      %dma_wait3A_178 = tpu.memref_slice %arg22[%add3A_59, %dma_wait3A] : memref<10240x64xf32, #tpu.memory_space<vmem_shared>> -> memref<64x64xf32, #tpu.memory_space<vmem_shared>>
      %dma_wait3A_179 = arith.constant 0 : i32
      %dma_wait3A_180 = tpu.memref_slice %arg22[%add3A_59, %dma_wait3A_179] : memref<10240x64xf32, #tpu.memory_space<vmem_shared>> -> memref<64x64xf32, #tpu.memory_space<vmem_shared>>
      tpu.wait_dma2 semaphore(%run_scoped3A_173 : memref<!tpu.dma_semaphore, #tpu.memory_space<semaphore_mem>>) src(%arg12 : memref<64x64xf32, #tpu.memory_space<vmem>>) dst(%dma_wait3A_180 : memref<64x64xf32, #tpu.memory_space<vmem_shared>>)
      tpu.yield
    }) : () -> ()
    %mul3A_60 = arith.constant 640 : i32
    %mul3A_61 = arith.muli %arg1, %mul3A_60 : i32
    %add3A_62 = arith.constant 512 : i32
    %add3A_63 = arith.addi %mul3A_61, %add3A_62 : i32
    "tpu.region"() ({
      %run_scoped3A_173 = tpu.sem_alloc : memref<!tpu.dma_semaphore, #tpu.memory_space<semaphore_mem>>
      %dma_start3A_174 = arith.constant 0 : i32
      %dma_start3A_175 = tpu.memref_slice %arg22[%add3A_63, %dma_start3A_174] : memref<10240x64xf32, #tpu.memory_space<vmem_shared>> -> memref<64x64xf32, #tpu.memory_space<vmem_shared>>
      %dma_start3A_176 = arith.constant 0 : i32
      %dma_start3A_177 = tpu.memref_slice %arg22[%add3A_63, %dma_start3A_176] : memref<10240x64xf32, #tpu.memory_space<vmem_shared>> -> memref<64x64xf32, #tpu.memory_space<vmem_shared>>
      tpu.enqueue_dma source(%arg12 : memref<64x64xf32, #tpu.memory_space<vmem>>) target(%dma_start3A_177 : memref<64x64xf32, #tpu.memory_space<vmem_shared>>) target_semaphore(%run_scoped3A_173 : memref<!tpu.dma_semaphore, #tpu.memory_space<semaphore_mem>>)
      %dma_wait3A = arith.constant 0 : i32
      %dma_wait3A_178 = tpu.memref_slice %arg22[%add3A_63, %dma_wait3A] : memref<10240x64xf32, #tpu.memory_space<vmem_shared>> -> memref<64x64xf32, #tpu.memory_space<vmem_shared>>
      %dma_wait3A_179 = arith.constant 0 : i32
      %dma_wait3A_180 = tpu.memref_slice %arg22[%add3A_63, %dma_wait3A_179] : memref<10240x64xf32, #tpu.memory_space<vmem_shared>> -> memref<64x64xf32, #tpu.memory_space<vmem_shared>>
      tpu.wait_dma2 semaphore(%run_scoped3A_173 : memref<!tpu.dma_semaphore, #tpu.memory_space<semaphore_mem>>) src(%arg12 : memref<64x64xf32, #tpu.memory_space<vmem>>) dst(%dma_wait3A_180 : memref<64x64xf32, #tpu.memory_space<vmem_shared>>)
      tpu.yield
    }) : () -> ()
    %mul3A_64 = arith.constant 640 : i32
    %mul3A_65 = arith.muli %arg1, %mul3A_64 : i32
    %add3A_66 = arith.constant 576 : i32
    %add3A_67 = arith.addi %mul3A_65, %add3A_66 : i32
    "tpu.region"() ({
      %run_scoped3A_173 = tpu.sem_alloc : memref<!tpu.dma_semaphore, #tpu.memory_space<semaphore_mem>>
      %dma_start3A_174 = arith.constant 0 : i32
      %dma_start3A_175 = tpu.memref_slice %arg22[%add3A_67, %dma_start3A_174] : memref<10240x64xf32, #tpu.memory_space<vmem_shared>> -> memref<64x64xf32, #tpu.memory_space<vmem_shared>>
      %dma_start3A_176 = arith.constant 0 : i32
      %dma_start3A_177 = tpu.memref_slice %arg22[%add3A_67, %dma_start3A_176] : memref<10240x64xf32, #tpu.memory_space<vmem_shared>> -> memref<64x64xf32, #tpu.memory_space<vmem_shared>>
      tpu.enqueue_dma source(%arg12 : memref<64x64xf32, #tpu.memory_space<vmem>>) target(%dma_start3A_177 : memref<64x64xf32, #tpu.memory_space<vmem_shared>>) target_semaphore(%run_scoped3A_173 : memref<!tpu.dma_semaphore, #tpu.memory_space<semaphore_mem>>)
      %dma_wait3A = arith.constant 0 : i32
      %dma_wait3A_178 = tpu.memref_slice %arg22[%add3A_67, %dma_wait3A] : memref<10240x64xf32, #tpu.memory_space<vmem_shared>> -> memref<64x64xf32, #tpu.memory_space<vmem_shared>>
      %dma_wait3A_179 = arith.constant 0 : i32
      %dma_wait3A_180 = tpu.memref_slice %arg22[%add3A_67, %dma_wait3A_179] : memref<10240x64xf32, #tpu.memory_space<vmem_shared>> -> memref<64x64xf32, #tpu.memory_space<vmem_shared>>
      tpu.wait_dma2 semaphore(%run_scoped3A_173 : memref<!tpu.dma_semaphore, #tpu.memory_space<semaphore_mem>>) src(%arg12 : memref<64x64xf32, #tpu.memory_space<vmem>>) dst(%dma_wait3A_180 : memref<64x64xf32, #tpu.memory_space<vmem_shared>>)
      tpu.yield
    }) : () -> ()
    %mul3A_68 = arith.constant 640 : i32
    %mul3A_69 = arith.muli %arg1, %mul3A_68 : i32
    %add3A_70 = arith.constant 0 : i32
    %add3A_71 = arith.addi %mul3A_69, %add3A_70 : i32
    "tpu.region"() ({
      %run_scoped3A_173 = tpu.sem_alloc : memref<!tpu.dma_semaphore, #tpu.memory_space<semaphore_mem>>
      %dma_start3A_174 = arith.constant 0 : i32
      %dma_start3A_175 = tpu.memref_slice %arg23[%add3A_71, %dma_start3A_174] : memref<10240x16xf32, #tpu.memory_space<vmem_shared>> -> memref<64x16xf32, #tpu.memory_space<vmem_shared>>
      %dma_start3A_176 = arith.constant 0 : i32
      %dma_start3A_177 = tpu.memref_slice %arg23[%add3A_71, %dma_start3A_176] : memref<10240x16xf32, #tpu.memory_space<vmem_shared>> -> memref<64x16xf32, #tpu.memory_space<vmem_shared>>
      tpu.enqueue_dma source(%arg21 : memref<64x16xf32, #tpu.memory_space<vmem>>) target(%dma_start3A_177 : memref<64x16xf32, #tpu.memory_space<vmem_shared>>) target_semaphore(%run_scoped3A_173 : memref<!tpu.dma_semaphore, #tpu.memory_space<semaphore_mem>>)
      %dma_wait3A = arith.constant 0 : i32
      %dma_wait3A_178 = tpu.memref_slice %arg23[%add3A_71, %dma_wait3A] : memref<10240x16xf32, #tpu.memory_space<vmem_shared>> -> memref<64x16xf32, #tpu.memory_space<vmem_shared>>
      %dma_wait3A_179 = arith.constant 0 : i32
      %dma_wait3A_180 = tpu.memref_slice %arg23[%add3A_71, %dma_wait3A_179] : memref<10240x16xf32, #tpu.memory_space<vmem_shared>> -> memref<64x16xf32, #tpu.memory_space<vmem_shared>>
      tpu.wait_dma2 semaphore(%run_scoped3A_173 : memref<!tpu.dma_semaphore, #tpu.memory_space<semaphore_mem>>) src(%arg21 : memref<64x16xf32, #tpu.memory_space<vmem>>) dst(%dma_wait3A_180 : memref<64x16xf32, #tpu.memory_space<vmem_shared>>)
      tpu.yield
    }) : () -> ()
    %mul3A_72 = arith.constant 640 : i32
    %mul3A_73 = arith.muli %arg1, %mul3A_72 : i32
    %add3A_74 = arith.constant 64 : i32
    %add3A_75 = arith.addi %mul3A_73, %add3A_74 : i32
    "tpu.region"() ({
      %run_scoped3A_173 = tpu.sem_alloc : memref<!tpu.dma_semaphore, #tpu.memory_space<semaphore_mem>>
      %dma_start3A_174 = arith.constant 0 : i32
      %dma_start3A_175 = tpu.memref_slice %arg23[%add3A_75, %dma_start3A_174] : memref<10240x16xf32, #tpu.memory_space<vmem_shared>> -> memref<64x16xf32, #tpu.memory_space<vmem_shared>>
      %dma_start3A_176 = arith.constant 0 : i32
      %dma_start3A_177 = tpu.memref_slice %arg23[%add3A_75, %dma_start3A_176] : memref<10240x16xf32, #tpu.memory_space<vmem_shared>> -> memref<64x16xf32, #tpu.memory_space<vmem_shared>>
      tpu.enqueue_dma source(%arg21 : memref<64x16xf32, #tpu.memory_space<vmem>>) target(%dma_start3A_177 : memref<64x16xf32, #tpu.memory_space<vmem_shared>>) target_semaphore(%run_scoped3A_173 : memref<!tpu.dma_semaphore, #tpu.memory_space<semaphore_mem>>)
      %dma_wait3A = arith.constant 0 : i32
      %dma_wait3A_178 = tpu.memref_slice %arg23[%add3A_75, %dma_wait3A] : memref<10240x16xf32, #tpu.memory_space<vmem_shared>> -> memref<64x16xf32, #tpu.memory_space<vmem_shared>>
      %dma_wait3A_179 = arith.constant 0 : i32
      %dma_wait3A_180 = tpu.memref_slice %arg23[%add3A_75, %dma_wait3A_179] : memref<10240x16xf32, #tpu.memory_space<vmem_shared>> -> memref<64x16xf32, #tpu.memory_space<vmem_shared>>
      tpu.wait_dma2 semaphore(%run_scoped3A_173 : memref<!tpu.dma_semaphore, #tpu.memory_space<semaphore_mem>>) src(%arg21 : memref<64x16xf32, #tpu.memory_space<vmem>>) dst(%dma_wait3A_180 : memref<64x16xf32, #tpu.memory_space<vmem_shared>>)
      tpu.yield
    }) : () -> ()
    %mul3A_76 = arith.constant 640 : i32
    %mul3A_77 = arith.muli %arg1, %mul3A_76 : i32
    %add3A_78 = arith.constant 128 : i32
    %add3A_79 = arith.addi %mul3A_77, %add3A_78 : i32
    "tpu.region"() ({
      %run_scoped3A_173 = tpu.sem_alloc : memref<!tpu.dma_semaphore, #tpu.memory_space<semaphore_mem>>
      %dma_start3A_174 = arith.constant 0 : i32
      %dma_start3A_175 = tpu.memref_slice %arg23[%add3A_79, %dma_start3A_174] : memref<10240x16xf32, #tpu.memory_space<vmem_shared>> -> memref<64x16xf32, #tpu.memory_space<vmem_shared>>
      %dma_start3A_176 = arith.constant 0 : i32
      %dma_start3A_177 = tpu.memref_slice %arg23[%add3A_79, %dma_start3A_176] : memref<10240x16xf32, #tpu.memory_space<vmem_shared>> -> memref<64x16xf32, #tpu.memory_space<vmem_shared>>
      tpu.enqueue_dma source(%arg21 : memref<64x16xf32, #tpu.memory_space<vmem>>) target(%dma_start3A_177 : memref<64x16xf32, #tpu.memory_space<vmem_shared>>) target_semaphore(%run_scoped3A_173 : memref<!tpu.dma_semaphore, #tpu.memory_space<semaphore_mem>>)
      %dma_wait3A = arith.constant 0 : i32
      %dma_wait3A_178 = tpu.memref_slice %arg23[%add3A_79, %dma_wait3A] : memref<10240x16xf32, #tpu.memory_space<vmem_shared>> -> memref<64x16xf32, #tpu.memory_space<vmem_shared>>
      %dma_wait3A_179 = arith.constant 0 : i32
      %dma_wait3A_180 = tpu.memref_slice %arg23[%add3A_79, %dma_wait3A_179] : memref<10240x16xf32, #tpu.memory_space<vmem_shared>> -> memref<64x16xf32, #tpu.memory_space<vmem_shared>>
      tpu.wait_dma2 semaphore(%run_scoped3A_173 : memref<!tpu.dma_semaphore, #tpu.memory_space<semaphore_mem>>) src(%arg21 : memref<64x16xf32, #tpu.memory_space<vmem>>) dst(%dma_wait3A_180 : memref<64x16xf32, #tpu.memory_space<vmem_shared>>)
      tpu.yield
    }) : () -> ()
    %mul3A_80 = arith.constant 640 : i32
    %mul3A_81 = arith.muli %arg1, %mul3A_80 : i32
    %add3A_82 = arith.constant 192 : i32
    %add3A_83 = arith.addi %mul3A_81, %add3A_82 : i32
    "tpu.region"() ({
      %run_scoped3A_173 = tpu.sem_alloc : memref<!tpu.dma_semaphore, #tpu.memory_space<semaphore_mem>>
      %dma_start3A_174 = arith.constant 0 : i32
      %dma_start3A_175 = tpu.memref_slice %arg23[%add3A_83, %dma_start3A_174] : memref<10240x16xf32, #tpu.memory_space<vmem_shared>> -> memref<64x16xf32, #tpu.memory_space<vmem_shared>>
      %dma_start3A_176 = arith.constant 0 : i32
      %dma_start3A_177 = tpu.memref_slice %arg23[%add3A_83, %dma_start3A_176] : memref<10240x16xf32, #tpu.memory_space<vmem_shared>> -> memref<64x16xf32, #tpu.memory_space<vmem_shared>>
      tpu.enqueue_dma source(%arg21 : memref<64x16xf32, #tpu.memory_space<vmem>>) target(%dma_start3A_177 : memref<64x16xf32, #tpu.memory_space<vmem_shared>>) target_semaphore(%run_scoped3A_173 : memref<!tpu.dma_semaphore, #tpu.memory_space<semaphore_mem>>)
      %dma_wait3A = arith.constant 0 : i32
      %dma_wait3A_178 = tpu.memref_slice %arg23[%add3A_83, %dma_wait3A] : memref<10240x16xf32, #tpu.memory_space<vmem_shared>> -> memref<64x16xf32, #tpu.memory_space<vmem_shared>>
      %dma_wait3A_179 = arith.constant 0 : i32
      %dma_wait3A_180 = tpu.memref_slice %arg23[%add3A_83, %dma_wait3A_179] : memref<10240x16xf32, #tpu.memory_space<vmem_shared>> -> memref<64x16xf32, #tpu.memory_space<vmem_shared>>
      tpu.wait_dma2 semaphore(%run_scoped3A_173 : memref<!tpu.dma_semaphore, #tpu.memory_space<semaphore_mem>>) src(%arg21 : memref<64x16xf32, #tpu.memory_space<vmem>>) dst(%dma_wait3A_180 : memref<64x16xf32, #tpu.memory_space<vmem_shared>>)
      tpu.yield
    }) : () -> ()
    %mul3A_84 = arith.constant 640 : i32
    %mul3A_85 = arith.muli %arg1, %mul3A_84 : i32
    %add3A_86 = arith.constant 256 : i32
    %add3A_87 = arith.addi %mul3A_85, %add3A_86 : i32
    "tpu.region"() ({
      %run_scoped3A_173 = tpu.sem_alloc : memref<!tpu.dma_semaphore, #tpu.memory_space<semaphore_mem>>
      %dma_start3A_174 = arith.constant 0 : i32
      %dma_start3A_175 = tpu.memref_slice %arg23[%add3A_87, %dma_start3A_174] : memref<10240x16xf32, #tpu.memory_space<vmem_shared>> -> memref<64x16xf32, #tpu.memory_space<vmem_shared>>
      %dma_start3A_176 = arith.constant 0 : i32
      %dma_start3A_177 = tpu.memref_slice %arg23[%add3A_87, %dma_start3A_176] : memref<10240x16xf32, #tpu.memory_space<vmem_shared>> -> memref<64x16xf32, #tpu.memory_space<vmem_shared>>
      tpu.enqueue_dma source(%arg21 : memref<64x16xf32, #tpu.memory_space<vmem>>) target(%dma_start3A_177 : memref<64x16xf32, #tpu.memory_space<vmem_shared>>) target_semaphore(%run_scoped3A_173 : memref<!tpu.dma_semaphore, #tpu.memory_space<semaphore_mem>>)
      %dma_wait3A = arith.constant 0 : i32
      %dma_wait3A_178 = tpu.memref_slice %arg23[%add3A_87, %dma_wait3A] : memref<10240x16xf32, #tpu.memory_space<vmem_shared>> -> memref<64x16xf32, #tpu.memory_space<vmem_shared>>
      %dma_wait3A_179 = arith.constant 0 : i32
      %dma_wait3A_180 = tpu.memref_slice %arg23[%add3A_87, %dma_wait3A_179] : memref<10240x16xf32, #tpu.memory_space<vmem_shared>> -> memref<64x16xf32, #tpu.memory_space<vmem_shared>>
      tpu.wait_dma2 semaphore(%run_scoped3A_173 : memref<!tpu.dma_semaphore, #tpu.memory_space<semaphore_mem>>) src(%arg21 : memref<64x16xf32, #tpu.memory_space<vmem>>) dst(%dma_wait3A_180 : memref<64x16xf32, #tpu.memory_space<vmem_shared>>)
      tpu.yield
    }) : () -> ()
    %mul3A_88 = arith.constant 640 : i32
    %mul3A_89 = arith.muli %arg1, %mul3A_88 : i32
    %add3A_90 = arith.constant 320 : i32
    %add3A_91 = arith.addi %mul3A_89, %add3A_90 : i32
    "tpu.region"() ({
      %run_scoped3A_173 = tpu.sem_alloc : memref<!tpu.dma_semaphore, #tpu.memory_space<semaphore_mem>>
      %dma_start3A_174 = arith.constant 0 : i32
      %dma_start3A_175 = tpu.memref_slice %arg23[%add3A_91, %dma_start3A_174] : memref<10240x16xf32, #tpu.memory_space<vmem_shared>> -> memref<64x16xf32, #tpu.memory_space<vmem_shared>>
      %dma_start3A_176 = arith.constant 0 : i32
      %dma_start3A_177 = tpu.memref_slice %arg23[%add3A_91, %dma_start3A_176] : memref<10240x16xf32, #tpu.memory_space<vmem_shared>> -> memref<64x16xf32, #tpu.memory_space<vmem_shared>>
      tpu.enqueue_dma source(%arg21 : memref<64x16xf32, #tpu.memory_space<vmem>>) target(%dma_start3A_177 : memref<64x16xf32, #tpu.memory_space<vmem_shared>>) target_semaphore(%run_scoped3A_173 : memref<!tpu.dma_semaphore, #tpu.memory_space<semaphore_mem>>)
      %dma_wait3A = arith.constant 0 : i32
      %dma_wait3A_178 = tpu.memref_slice %arg23[%add3A_91, %dma_wait3A] : memref<10240x16xf32, #tpu.memory_space<vmem_shared>> -> memref<64x16xf32, #tpu.memory_space<vmem_shared>>
      %dma_wait3A_179 = arith.constant 0 : i32
      %dma_wait3A_180 = tpu.memref_slice %arg23[%add3A_91, %dma_wait3A_179] : memref<10240x16xf32, #tpu.memory_space<vmem_shared>> -> memref<64x16xf32, #tpu.memory_space<vmem_shared>>
      tpu.wait_dma2 semaphore(%run_scoped3A_173 : memref<!tpu.dma_semaphore, #tpu.memory_space<semaphore_mem>>) src(%arg21 : memref<64x16xf32, #tpu.memory_space<vmem>>) dst(%dma_wait3A_180 : memref<64x16xf32, #tpu.memory_space<vmem_shared>>)
      tpu.yield
    }) : () -> ()
    %mul3A_92 = arith.constant 640 : i32
    %mul3A_93 = arith.muli %arg1, %mul3A_92 : i32
    %add3A_94 = arith.constant 384 : i32
    %add3A_95 = arith.addi %mul3A_93, %add3A_94 : i32
    "tpu.region"() ({
      %run_scoped3A_173 = tpu.sem_alloc : memref<!tpu.dma_semaphore, #tpu.memory_space<semaphore_mem>>
      %dma_start3A_174 = arith.constant 0 : i32
      %dma_start3A_175 = tpu.memref_slice %arg23[%add3A_95, %dma_start3A_174] : memref<10240x16xf32, #tpu.memory_space<vmem_shared>> -> memref<64x16xf32, #tpu.memory_space<vmem_shared>>
      %dma_start3A_176 = arith.constant 0 : i32
      %dma_start3A_177 = tpu.memref_slice %arg23[%add3A_95, %dma_start3A_176] : memref<10240x16xf32, #tpu.memory_space<vmem_shared>> -> memref<64x16xf32, #tpu.memory_space<vmem_shared>>
      tpu.enqueue_dma source(%arg21 : memref<64x16xf32, #tpu.memory_space<vmem>>) target(%dma_start3A_177 : memref<64x16xf32, #tpu.memory_space<vmem_shared>>) target_semaphore(%run_scoped3A_173 : memref<!tpu.dma_semaphore, #tpu.memory_space<semaphore_mem>>)
      %dma_wait3A = arith.constant 0 : i32
      %dma_wait3A_178 = tpu.memref_slice %arg23[%add3A_95, %dma_wait3A] : memref<10240x16xf32, #tpu.memory_space<vmem_shared>> -> memref<64x16xf32, #tpu.memory_space<vmem_shared>>
      %dma_wait3A_179 = arith.constant 0 : i32
      %dma_wait3A_180 = tpu.memref_slice %arg23[%add3A_95, %dma_wait3A_179] : memref<10240x16xf32, #tpu.memory_space<vmem_shared>> -> memref<64x16xf32, #tpu.memory_space<vmem_shared>>
      tpu.wait_dma2 semaphore(%run_scoped3A_173 : memref<!tpu.dma_semaphore, #tpu.memory_space<semaphore_mem>>) src(%arg21 : memref<64x16xf32, #tpu.memory_space<vmem>>) dst(%dma_wait3A_180 : memref<64x16xf32, #tpu.memory_space<vmem_shared>>)
      tpu.yield
    }) : () -> ()
    %mul3A_96 = arith.constant 640 : i32
    %mul3A_97 = arith.muli %arg1, %mul3A_96 : i32
    %add3A_98 = arith.constant 448 : i32
    %add3A_99 = arith.addi %mul3A_97, %add3A_98 : i32
    "tpu.region"() ({
      %run_scoped3A_173 = tpu.sem_alloc : memref<!tpu.dma_semaphore, #tpu.memory_space<semaphore_mem>>
      %dma_start3A_174 = arith.constant 0 : i32
      %dma_start3A_175 = tpu.memref_slice %arg23[%add3A_99, %dma_start3A_174] : memref<10240x16xf32, #tpu.memory_space<vmem_shared>> -> memref<64x16xf32, #tpu.memory_space<vmem_shared>>
      %dma_start3A_176 = arith.constant 0 : i32
      %dma_start3A_177 = tpu.memref_slice %arg23[%add3A_99, %dma_start3A_176] : memref<10240x16xf32, #tpu.memory_space<vmem_shared>> -> memref<64x16xf32, #tpu.memory_space<vmem_shared>>
      tpu.enqueue_dma source(%arg21 : memref<64x16xf32, #tpu.memory_space<vmem>>) target(%dma_start3A_177 : memref<64x16xf32, #tpu.memory_space<vmem_shared>>) target_semaphore(%run_scoped3A_173 : memref<!tpu.dma_semaphore, #tpu.memory_space<semaphore_mem>>)
      %dma_wait3A = arith.constant 0 : i32
      %dma_wait3A_178 = tpu.memref_slice %arg23[%add3A_99, %dma_wait3A] : memref<10240x16xf32, #tpu.memory_space<vmem_shared>> -> memref<64x16xf32, #tpu.memory_space<vmem_shared>>
      %dma_wait3A_179 = arith.constant 0 : i32
      %dma_wait3A_180 = tpu.memref_slice %arg23[%add3A_99, %dma_wait3A_179] : memref<10240x16xf32, #tpu.memory_space<vmem_shared>> -> memref<64x16xf32, #tpu.memory_space<vmem_shared>>
      tpu.wait_dma2 semaphore(%run_scoped3A_173 : memref<!tpu.dma_semaphore, #tpu.memory_space<semaphore_mem>>) src(%arg21 : memref<64x16xf32, #tpu.memory_space<vmem>>) dst(%dma_wait3A_180 : memref<64x16xf32, #tpu.memory_space<vmem_shared>>)
      tpu.yield
    }) : () -> ()
    %mul3A_100 = arith.constant 640 : i32
    %mul3A_101 = arith.muli %arg1, %mul3A_100 : i32
    %add3A_102 = arith.constant 512 : i32
    %add3A_103 = arith.addi %mul3A_101, %add3A_102 : i32
    "tpu.region"() ({
      %run_scoped3A_173 = tpu.sem_alloc : memref<!tpu.dma_semaphore, #tpu.memory_space<semaphore_mem>>
      %dma_start3A_174 = arith.constant 0 : i32
      %dma_start3A_175 = tpu.memref_slice %arg23[%add3A_103, %dma_start3A_174] : memref<10240x16xf32, #tpu.memory_space<vmem_shared>> -> memref<64x16xf32, #tpu.memory_space<vmem_shared>>
      %dma_start3A_176 = arith.constant 0 : i32
      %dma_start3A_177 = tpu.memref_slice %arg23[%add3A_103, %dma_start3A_176] : memref<10240x16xf32, #tpu.memory_space<vmem_shared>> -> memref<64x16xf32, #tpu.memory_space<vmem_shared>>
      tpu.enqueue_dma source(%arg21 : memref<64x16xf32, #tpu.memory_space<vmem>>) target(%dma_start3A_177 : memref<64x16xf32, #tpu.memory_space<vmem_shared>>) target_semaphore(%run_scoped3A_173 : memref<!tpu.dma_semaphore, #tpu.memory_space<semaphore_mem>>)
      %dma_wait3A = arith.constant 0 : i32
      %dma_wait3A_178 = tpu.memref_slice %arg23[%add3A_103, %dma_wait3A] : memref<10240x16xf32, #tpu.memory_space<vmem_shared>> -> memref<64x16xf32, #tpu.memory_space<vmem_shared>>
      %dma_wait3A_179 = arith.constant 0 : i32
      %dma_wait3A_180 = tpu.memref_slice %arg23[%add3A_103, %dma_wait3A_179] : memref<10240x16xf32, #tpu.memory_space<vmem_shared>> -> memref<64x16xf32, #tpu.memory_space<vmem_shared>>
      tpu.wait_dma2 semaphore(%run_scoped3A_173 : memref<!tpu.dma_semaphore, #tpu.memory_space<semaphore_mem>>) src(%arg21 : memref<64x16xf32, #tpu.memory_space<vmem>>) dst(%dma_wait3A_180 : memref<64x16xf32, #tpu.memory_space<vmem_shared>>)
      tpu.yield
    }) : () -> ()
    %mul3A_104 = arith.constant 640 : i32
    %mul3A_105 = arith.muli %arg1, %mul3A_104 : i32
    %add3A_106 = arith.constant 576 : i32
    %add3A_107 = arith.addi %mul3A_105, %add3A_106 : i32
    "tpu.region"() ({
      %run_scoped3A_173 = tpu.sem_alloc : memref<!tpu.dma_semaphore, #tpu.memory_space<semaphore_mem>>
      %dma_start3A_174 = arith.constant 0 : i32
      %dma_start3A_175 = tpu.memref_slice %arg23[%add3A_107, %dma_start3A_174] : memref<10240x16xf32, #tpu.memory_space<vmem_shared>> -> memref<64x16xf32, #tpu.memory_space<vmem_shared>>
      %dma_start3A_176 = arith.constant 0 : i32
      %dma_start3A_177 = tpu.memref_slice %arg23[%add3A_107, %dma_start3A_176] : memref<10240x16xf32, #tpu.memory_space<vmem_shared>> -> memref<64x16xf32, #tpu.memory_space<vmem_shared>>
      tpu.enqueue_dma source(%arg21 : memref<64x16xf32, #tpu.memory_space<vmem>>) target(%dma_start3A_177 : memref<64x16xf32, #tpu.memory_space<vmem_shared>>) target_semaphore(%run_scoped3A_173 : memref<!tpu.dma_semaphore, #tpu.memory_space<semaphore_mem>>)
      %dma_wait3A = arith.constant 0 : i32
      %dma_wait3A_178 = tpu.memref_slice %arg23[%add3A_107, %dma_wait3A] : memref<10240x16xf32, #tpu.memory_space<vmem_shared>> -> memref<64x16xf32, #tpu.memory_space<vmem_shared>>
      %dma_wait3A_179 = arith.constant 0 : i32
      %dma_wait3A_180 = tpu.memref_slice %arg23[%add3A_107, %dma_wait3A_179] : memref<10240x16xf32, #tpu.memory_space<vmem_shared>> -> memref<64x16xf32, #tpu.memory_space<vmem_shared>>
      tpu.wait_dma2 semaphore(%run_scoped3A_173 : memref<!tpu.dma_semaphore, #tpu.memory_space<semaphore_mem>>) src(%arg21 : memref<64x16xf32, #tpu.memory_space<vmem>>) dst(%dma_wait3A_180 : memref<64x16xf32, #tpu.memory_space<vmem_shared>>)
      tpu.yield
    }) : () -> ()
    %barrier3A = arith.constant 0 : index
    tpu.barrier barrier_id(%barrier3A)
    %run_scoped3A = arith.constant 0 : i32
    "tpu.region"() ({
      %run_scoped3A_173 = tpu.sem_alloc : memref<!tpu.dma_semaphore, #tpu.memory_space<semaphore_mem>>
      %dma_start3A_174 = arith.constant 0 : i32
      %dma_start3A_175 = arith.constant 0 : i32
      %dma_start3A_176 = tpu.memref_slice %arg3[%arg1, %run_scoped3A, %dma_start3A_174, %dma_start3A_175] : memref<16x80x4x64xi32, #tpu.memory_space<hbm>> -> memref<1x1x4x64xi32, #tpu.memory_space<hbm>>
      %dma_start3A_177 = tpu.memref_squeeze %dma_start3A_176 : memref<1x1x4x64xi32, #tpu.memory_space<hbm>> -> memref<4x64xi32, #tpu.memory_space<hbm>>
      %dma_start3A_178 = arith.constant 0 : i32
      %dma_start3A_179 = arith.constant 0 : i32
      %dma_start3A_180 = tpu.memref_slice %arg3[%arg1, %run_scoped3A, %dma_start3A_178, %dma_start3A_179] : memref<16x80x4x64xi32, #tpu.memory_space<hbm>> -> memref<1x1x4x64xi32, #tpu.memory_space<hbm>>
      %dma_start3A_181 = tpu.memref_squeeze %dma_start3A_180 : memref<1x1x4x64xi32, #tpu.memory_space<hbm>> -> memref<4x64xi32, #tpu.memory_space<hbm>>
      tpu.enqueue_dma source(%dma_start3A_181 : memref<4x64xi32, #tpu.memory_space<hbm>>) target(%arg8 : memref<4x64xi32, #tpu.memory_space<vmem>>) target_semaphore(%run_scoped3A_173 : memref<!tpu.dma_semaphore, #tpu.memory_space<semaphore_mem>>)
      %dma_wait3A = arith.constant 0 : i32
      %dma_wait3A_182 = arith.constant 0 : i32
      %dma_wait3A_183 = tpu.memref_slice %arg3[%arg1, %run_scoped3A, %dma_wait3A, %dma_wait3A_182] : memref<16x80x4x64xi32, #tpu.memory_space<hbm>> -> memref<1x1x4x64xi32, #tpu.memory_space<hbm>>
      %dma_wait3A_184 = tpu.memref_squeeze %dma_wait3A_183 : memref<1x1x4x64xi32, #tpu.memory_space<hbm>> -> memref<4x64xi32, #tpu.memory_space<hbm>>
      %dma_wait3A_185 = arith.constant 0 : i32
      %dma_wait3A_186 = arith.constant 0 : i32
      %dma_wait3A_187 = tpu.memref_slice %arg3[%arg1, %run_scoped3A, %dma_wait3A_185, %dma_wait3A_186] : memref<16x80x4x64xi32, #tpu.memory_space<hbm>> -> memref<1x1x4x64xi32, #tpu.memory_space<hbm>>
      %dma_wait3A_188 = tpu.memref_squeeze %dma_wait3A_187 : memref<1x1x4x64xi32, #tpu.memory_space<hbm>> -> memref<4x64xi32, #tpu.memory_space<hbm>>
      tpu.wait_dma2 semaphore(%run_scoped3A_173 : memref<!tpu.dma_semaphore, #tpu.memory_space<semaphore_mem>>) src(%dma_wait3A_188 : memref<4x64xi32, #tpu.memory_space<hbm>>) dst(%arg8 : memref<4x64xi32, #tpu.memory_space<vmem>>)
      tpu.yield
    }) : () -> ()
    %run_scoped3A_108 = arith.constant 0 : i32
    "tpu.region"() ({
      %run_scoped3A_173 = tpu.sem_alloc : memref<!tpu.dma_semaphore, #tpu.memory_space<semaphore_mem>>
      %dma_start3A_174 = arith.constant 0 : i32
      %dma_start3A_175 = arith.constant 0 : i32
      %dma_start3A_176 = tpu.memref_slice %arg4[%arg1, %run_scoped3A_108, %dma_start3A_174, %dma_start3A_175] : memref<16x80x4x64xi32, #tpu.memory_space<hbm>> -> memref<1x1x4x64xi32, #tpu.memory_space<hbm>>
      %dma_start3A_177 = tpu.memref_squeeze %dma_start3A_176 : memref<1x1x4x64xi32, #tpu.memory_space<hbm>> -> memref<4x64xi32, #tpu.memory_space<hbm>>
      %dma_start3A_178 = arith.constant 0 : i32
      %dma_start3A_179 = arith.constant 0 : i32
      %dma_start3A_180 = tpu.memref_slice %arg4[%arg1, %run_scoped3A_108, %dma_start3A_178, %dma_start3A_179] : memref<16x80x4x64xi32, #tpu.memory_space<hbm>> -> memref<1x1x4x64xi32, #tpu.memory_space<hbm>>
      %dma_start3A_181 = tpu.memref_squeeze %dma_start3A_180 : memref<1x1x4x64xi32, #tpu.memory_space<hbm>> -> memref<4x64xi32, #tpu.memory_space<hbm>>
      tpu.enqueue_dma source(%dma_start3A_181 : memref<4x64xi32, #tpu.memory_space<hbm>>) target(%arg10 : memref<4x64xi32, #tpu.memory_space<vmem>>) target_semaphore(%run_scoped3A_173 : memref<!tpu.dma_semaphore, #tpu.memory_space<semaphore_mem>>)
      %dma_wait3A = arith.constant 0 : i32
      %dma_wait3A_182 = arith.constant 0 : i32
      %dma_wait3A_183 = tpu.memref_slice %arg4[%arg1, %run_scoped3A_108, %dma_wait3A, %dma_wait3A_182] : memref<16x80x4x64xi32, #tpu.memory_space<hbm>> -> memref<1x1x4x64xi32, #tpu.memory_space<hbm>>
      %dma_wait3A_184 = tpu.memref_squeeze %dma_wait3A_183 : memref<1x1x4x64xi32, #tpu.memory_space<hbm>> -> memref<4x64xi32, #tpu.memory_space<hbm>>
      %dma_wait3A_185 = arith.constant 0 : i32
      %dma_wait3A_186 = arith.constant 0 : i32
      %dma_wait3A_187 = tpu.memref_slice %arg4[%arg1, %run_scoped3A_108, %dma_wait3A_185, %dma_wait3A_186] : memref<16x80x4x64xi32, #tpu.memory_space<hbm>> -> memref<1x1x4x64xi32, #tpu.memory_space<hbm>>
      %dma_wait3A_188 = tpu.memref_squeeze %dma_wait3A_187 : memref<1x1x4x64xi32, #tpu.memory_space<hbm>> -> memref<4x64xi32, #tpu.memory_space<hbm>>
      tpu.wait_dma2 semaphore(%run_scoped3A_173 : memref<!tpu.dma_semaphore, #tpu.memory_space<semaphore_mem>>) src(%dma_wait3A_188 : memref<4x64xi32, #tpu.memory_space<hbm>>) dst(%arg10 : memref<4x64xi32, #tpu.memory_space<vmem>>)
      tpu.yield
    }) : () -> ()
    %dma_start3A = arith.constant 0 : i32
    %dma_start3A_109 = arith.constant 0 : i32
    %dma_start3A_110 = tpu.memref_slice %arg8[%dma_start3A, %dma_start3A_109] : memref<4x64xi32, #tpu.memory_space<vmem>> -> memref<1x64xi32, #tpu.memory_space<vmem>>
    %dma_start3A_111 = tpu.memref_squeeze %dma_start3A_110 : memref<1x64xi32, #tpu.memory_space<vmem>> -> memref<64xi32, #tpu.memory_space<vmem>>
    %dma_start3A_112 = arith.constant 0 : i32
    %dma_start3A_113 = arith.constant 0 : i32
    %dma_start3A_114 = tpu.memref_slice %arg24[%dma_start3A_112, %dma_start3A_113] : memref<10240x64xf32, #tpu.memory_space<vmem_shared>> -> memref<10240x64xf32, #tpu.memory_space<vmem_shared>>
    tpu.enqueue_indirect_dma source(%dma_start3A_114 : memref<10240x64xf32, #tpu.memory_space<vmem_shared>>) target(%arg12 : memref<64x64xf32, #tpu.memory_space<vmem>>) offsets(%dma_start3A_111 : memref<64xi32, #tpu.memory_space<vmem>>) semaphore(%arg27 : memref<!tpu.dma_semaphore, #tpu.memory_space<semaphore_mem>>)
    %dma_start3A_115 = arith.constant 1 : i32
    %dma_start3A_116 = arith.constant 0 : i32
    %dma_start3A_117 = tpu.memref_slice %arg8[%dma_start3A_115, %dma_start3A_116] : memref<4x64xi32, #tpu.memory_space<vmem>> -> memref<1x64xi32, #tpu.memory_space<vmem>>
    %dma_start3A_118 = tpu.memref_squeeze %dma_start3A_117 : memref<1x64xi32, #tpu.memory_space<vmem>> -> memref<64xi32, #tpu.memory_space<vmem>>
    %dma_start3A_119 = arith.constant 0 : i32
    %dma_start3A_120 = arith.constant 0 : i32
    %dma_start3A_121 = tpu.memref_slice %arg24[%dma_start3A_119, %dma_start3A_120] : memref<10240x64xf32, #tpu.memory_space<vmem_shared>> -> memref<10240x64xf32, #tpu.memory_space<vmem_shared>>
    tpu.enqueue_indirect_dma source(%dma_start3A_121 : memref<10240x64xf32, #tpu.memory_space<vmem_shared>>) target(%arg13 : memref<64x64xf32, #tpu.memory_space<vmem>>) offsets(%dma_start3A_118 : memref<64xi32, #tpu.memory_space<vmem>>) semaphore(%arg27 : memref<!tpu.dma_semaphore, #tpu.memory_space<semaphore_mem>>)
    %dma_start3A_122 = arith.constant 2 : i32
    %dma_start3A_123 = arith.constant 0 : i32
    %dma_start3A_124 = tpu.memref_slice %arg8[%dma_start3A_122, %dma_start3A_123] : memref<4x64xi32, #tpu.memory_space<vmem>> -> memref<1x64xi32, #tpu.memory_space<vmem>>
    %dma_start3A_125 = tpu.memref_squeeze %dma_start3A_124 : memref<1x64xi32, #tpu.memory_space<vmem>> -> memref<64xi32, #tpu.memory_space<vmem>>
    %dma_start3A_126 = arith.constant 0 : i32
    %dma_start3A_127 = arith.constant 0 : i32
    %dma_start3A_128 = tpu.memref_slice %arg24[%dma_start3A_126, %dma_start3A_127] : memref<10240x64xf32, #tpu.memory_space<vmem_shared>> -> memref<10240x64xf32, #tpu.memory_space<vmem_shared>>
    tpu.enqueue_indirect_dma source(%dma_start3A_128 : memref<10240x64xf32, #tpu.memory_space<vmem_shared>>) target(%arg14 : memref<64x64xf32, #tpu.memory_space<vmem>>) offsets(%dma_start3A_125 : memref<64xi32, #tpu.memory_space<vmem>>) semaphore(%arg27 : memref<!tpu.dma_semaphore, #tpu.memory_space<semaphore_mem>>)
    %dma_start3A_129 = arith.constant 3 : i32
    %dma_start3A_130 = arith.constant 0 : i32
    %dma_start3A_131 = tpu.memref_slice %arg8[%dma_start3A_129, %dma_start3A_130] : memref<4x64xi32, #tpu.memory_space<vmem>> -> memref<1x64xi32, #tpu.memory_space<vmem>>
    %dma_start3A_132 = tpu.memref_squeeze %dma_start3A_131 : memref<1x64xi32, #tpu.memory_space<vmem>> -> memref<64xi32, #tpu.memory_space<vmem>>
    %dma_start3A_133 = arith.constant 0 : i32
    %dma_start3A_134 = arith.constant 0 : i32
    %dma_start3A_135 = tpu.memref_slice %arg24[%dma_start3A_133, %dma_start3A_134] : memref<10240x64xf32, #tpu.memory_space<vmem_shared>> -> memref<10240x64xf32, #tpu.memory_space<vmem_shared>>
    tpu.enqueue_indirect_dma source(%dma_start3A_135 : memref<10240x64xf32, #tpu.memory_space<vmem_shared>>) target(%arg15 : memref<64x64xf32, #tpu.memory_space<vmem>>) offsets(%dma_start3A_132 : memref<64xi32, #tpu.memory_space<vmem>>) semaphore(%arg27 : memref<!tpu.dma_semaphore, #tpu.memory_space<semaphore_mem>>)
    %dma_start3A_136 = arith.constant 1 : i32
    %dma_start3A_137 = arith.constant 0 : i32
    %dma_start3A_138 = arith.constant 0 : i32
    %dma_start3A_139 = tpu.memref_slice %arg3[%arg1, %dma_start3A_136, %dma_start3A_137, %dma_start3A_138] : memref<16x80x4x64xi32, #tpu.memory_space<hbm>> -> memref<1x1x4x64xi32, #tpu.memory_space<hbm>>
    %dma_start3A_140 = tpu.memref_squeeze %dma_start3A_139 : memref<1x1x4x64xi32, #tpu.memory_space<hbm>> -> memref<4x64xi32, #tpu.memory_space<hbm>>
    %dma_start3A_141 = arith.constant 0 : i32
    %dma_start3A_142 = arith.constant 0 : i32
    %dma_start3A_143 = tpu.memref_slice %arg3[%arg1, %dma_start3A_136, %dma_start3A_141, %dma_start3A_142] : memref<16x80x4x64xi32, #tpu.memory_space<hbm>> -> memref<1x1x4x64xi32, #tpu.memory_space<hbm>>
    %dma_start3A_144 = tpu.memref_squeeze %dma_start3A_143 : memref<1x1x4x64xi32, #tpu.memory_space<hbm>> -> memref<4x64xi32, #tpu.memory_space<hbm>>
    tpu.enqueue_dma source(%dma_start3A_144 : memref<4x64xi32, #tpu.memory_space<hbm>>) target(%arg9 : memref<4x64xi32, #tpu.memory_space<vmem>>) target_semaphore(%arg26 : memref<!tpu.dma_semaphore, #tpu.memory_space<semaphore_mem>>)
    %dma_start3A_145 = arith.constant 1 : i32
    %dma_start3A_146 = arith.constant 0 : i32
    %dma_start3A_147 = arith.constant 0 : i32
    %dma_start3A_148 = tpu.memref_slice %arg4[%arg1, %dma_start3A_145, %dma_start3A_146, %dma_start3A_147] : memref<16x80x4x64xi32, #tpu.memory_space<hbm>> -> memref<1x1x4x64xi32, #tpu.memory_space<hbm>>
    %dma_start3A_149 = tpu.memref_squeeze %dma_start3A_148 : memref<1x1x4x64xi32, #tpu.memory_space<hbm>> -> memref<4x64xi32, #tpu.memory_space<hbm>>
    %dma_start3A_150 = arith.constant 0 : i32
    %dma_start3A_151 = arith.constant 0 : i32
    %dma_start3A_152 = tpu.memref_slice %arg4[%arg1, %dma_start3A_145, %dma_start3A_150, %dma_start3A_151] : memref<16x80x4x64xi32, #tpu.memory_space<hbm>> -> memref<1x1x4x64xi32, #tpu.memory_space<hbm>>
    %dma_start3A_153 = tpu.memref_squeeze %dma_start3A_152 : memref<1x1x4x64xi32, #tpu.memory_space<hbm>> -> memref<4x64xi32, #tpu.memory_space<hbm>>
    tpu.enqueue_dma source(%dma_start3A_153 : memref<4x64xi32, #tpu.memory_space<hbm>>) target(%arg11 : memref<4x64xi32, #tpu.memory_space<vmem>>) target_semaphore(%arg26 : memref<!tpu.dma_semaphore, #tpu.memory_space<semaphore_mem>>)
    %scan3A_154 = arith.constant 0 : i32
    %scan3A_155 = arith.constant 0 : i32
    %scan3A_156 = arith.constant 40 : i32
    %scan3A_157 = arith.addi %scan3A_155, %scan3A_156 : i32
    %scan3A_158 = arith.constant 1 : i32
    scf.for %scan3A_173 = %scan3A_155 to %scan3A_157 step %scan3A_158  : i32 {
      %mul3A_174 = arith.constant 2 : i32
      %mul3A_175 = arith.muli %mul3A_174, %scan3A_173 : i32
      %add3A_176 = arith.constant 1 : i32
      %add3A_177 = arith.addi %mul3A_175, %add3A_176 : i32
      %lt3A_178 = arith.constant 80 : i32
      %lt3A_179 = arith.cmpi slt, %add3A_177, %lt3A_178 : i32
      %convert_element_type3A_180 = arith.extui %lt3A_179 : i1 to i32
      %cond3A_181 = arith.constant 0 : i32
      %cond3A_182 = arith.cmpi ne, %convert_element_type3A_180, %cond3A_181 : i32
      scf.if %cond3A_182 {
        %dma_wait3A_443 = arith.constant 0 : i32
        %dma_wait3A_444 = arith.constant 0 : i32
        %dma_wait3A_445 = arith.constant 0 : i32
        %dma_wait3A_446 = tpu.memref_slice %arg3[%arg1, %dma_wait3A_443, %dma_wait3A_444, %dma_wait3A_445] : memref<16x80x4x64xi32, #tpu.memory_space<hbm>> -> memref<1x1x4x64xi32, #tpu.memory_space<hbm>>
        %dma_wait3A_447 = tpu.memref_squeeze %dma_wait3A_446 : memref<1x1x4x64xi32, #tpu.memory_space<hbm>> -> memref<4x64xi32, #tpu.memory_space<hbm>>
        %dma_wait3A_448 = arith.constant 0 : i32
        %dma_wait3A_449 = arith.constant 0 : i32
        %dma_wait3A_450 = tpu.memref_slice %arg3[%arg1, %dma_wait3A_443, %dma_wait3A_448, %dma_wait3A_449] : memref<16x80x4x64xi32, #tpu.memory_space<hbm>> -> memref<1x1x4x64xi32, #tpu.memory_space<hbm>>
        %dma_wait3A_451 = tpu.memref_squeeze %dma_wait3A_450 : memref<1x1x4x64xi32, #tpu.memory_space<hbm>> -> memref<4x64xi32, #tpu.memory_space<hbm>>
        tpu.wait_dma2 semaphore(%arg26 : memref<!tpu.dma_semaphore, #tpu.memory_space<semaphore_mem>>) src(%dma_wait3A_451 : memref<4x64xi32, #tpu.memory_space<hbm>>) dst(%arg9 : memref<4x64xi32, #tpu.memory_space<vmem>>)
        %dma_wait3A_452 = arith.constant 0 : i32
        %dma_wait3A_453 = arith.constant 0 : i32
        %dma_wait3A_454 = arith.constant 0 : i32
        %dma_wait3A_455 = tpu.memref_slice %arg4[%arg1, %dma_wait3A_452, %dma_wait3A_453, %dma_wait3A_454] : memref<16x80x4x64xi32, #tpu.memory_space<hbm>> -> memref<1x1x4x64xi32, #tpu.memory_space<hbm>>
        %dma_wait3A_456 = tpu.memref_squeeze %dma_wait3A_455 : memref<1x1x4x64xi32, #tpu.memory_space<hbm>> -> memref<4x64xi32, #tpu.memory_space<hbm>>
        %dma_wait3A_457 = arith.constant 0 : i32
        %dma_wait3A_458 = arith.constant 0 : i32
        %dma_wait3A_459 = tpu.memref_slice %arg4[%arg1, %dma_wait3A_452, %dma_wait3A_457, %dma_wait3A_458] : memref<16x80x4x64xi32, #tpu.memory_space<hbm>> -> memref<1x1x4x64xi32, #tpu.memory_space<hbm>>
        %dma_wait3A_460 = tpu.memref_squeeze %dma_wait3A_459 : memref<1x1x4x64xi32, #tpu.memory_space<hbm>> -> memref<4x64xi32, #tpu.memory_space<hbm>>
        tpu.wait_dma2 semaphore(%arg26 : memref<!tpu.dma_semaphore, #tpu.memory_space<semaphore_mem>>) src(%dma_wait3A_460 : memref<4x64xi32, #tpu.memory_space<hbm>>) dst(%arg11 : memref<4x64xi32, #tpu.memory_space<vmem>>)
        %dma_start3A_461 = arith.constant 0 : i32
        %dma_start3A_462 = arith.constant 0 : i32
        %dma_start3A_463 = tpu.memref_slice %arg9[%dma_start3A_461, %dma_start3A_462] : memref<4x64xi32, #tpu.memory_space<vmem>> -> memref<1x64xi32, #tpu.memory_space<vmem>>
        %dma_start3A_464 = tpu.memref_squeeze %dma_start3A_463 : memref<1x64xi32, #tpu.memory_space<vmem>> -> memref<64xi32, #tpu.memory_space<vmem>>
        %dma_start3A_465 = arith.constant 0 : i32
        %dma_start3A_466 = arith.constant 0 : i32
        %dma_start3A_467 = tpu.memref_slice %arg24[%dma_start3A_465, %dma_start3A_466] : memref<10240x64xf32, #tpu.memory_space<vmem_shared>> -> memref<10240x64xf32, #tpu.memory_space<vmem_shared>>
        tpu.enqueue_indirect_dma source(%dma_start3A_467 : memref<10240x64xf32, #tpu.memory_space<vmem_shared>>) target(%arg16 : memref<64x64xf32, #tpu.memory_space<vmem>>) offsets(%dma_start3A_464 : memref<64xi32, #tpu.memory_space<vmem>>) semaphore(%arg28 : memref<!tpu.dma_semaphore, #tpu.memory_space<semaphore_mem>>)
        %dma_start3A_468 = arith.constant 1 : i32
        %dma_start3A_469 = arith.constant 0 : i32
        %dma_start3A_470 = tpu.memref_slice %arg9[%dma_start3A_468, %dma_start3A_469] : memref<4x64xi32, #tpu.memory_space<vmem>> -> memref<1x64xi32, #tpu.memory_space<vmem>>
        %dma_start3A_471 = tpu.memref_squeeze %dma_start3A_470 : memref<1x64xi32, #tpu.memory_space<vmem>> -> memref<64xi32, #tpu.memory_space<vmem>>
        %dma_start3A_472 = arith.constant 0 : i32
        %dma_start3A_473 = arith.constant 0 : i32
        %dma_start3A_474 = tpu.memref_slice %arg24[%dma_start3A_472, %dma_start3A_473] : memref<10240x64xf32, #tpu.memory_space<vmem_shared>> -> memref<10240x64xf32, #tpu.memory_space<vmem_shared>>
        tpu.enqueue_indirect_dma source(%dma_start3A_474 : memref<10240x64xf32, #tpu.memory_space<vmem_shared>>) target(%arg17 : memref<64x64xf32, #tpu.memory_space<vmem>>) offsets(%dma_start3A_471 : memref<64xi32, #tpu.memory_space<vmem>>) semaphore(%arg28 : memref<!tpu.dma_semaphore, #tpu.memory_space<semaphore_mem>>)
        %dma_start3A_475 = arith.constant 2 : i32
        %dma_start3A_476 = arith.constant 0 : i32
        %dma_start3A_477 = tpu.memref_slice %arg9[%dma_start3A_475, %dma_start3A_476] : memref<4x64xi32, #tpu.memory_space<vmem>> -> memref<1x64xi32, #tpu.memory_space<vmem>>
        %dma_start3A_478 = tpu.memref_squeeze %dma_start3A_477 : memref<1x64xi32, #tpu.memory_space<vmem>> -> memref<64xi32, #tpu.memory_space<vmem>>
        %dma_start3A_479 = arith.constant 0 : i32
        %dma_start3A_480 = arith.constant 0 : i32
        %dma_start3A_481 = tpu.memref_slice %arg24[%dma_start3A_479, %dma_start3A_480] : memref<10240x64xf32, #tpu.memory_space<vmem_shared>> -> memref<10240x64xf32, #tpu.memory_space<vmem_shared>>
        tpu.enqueue_indirect_dma source(%dma_start3A_481 : memref<10240x64xf32, #tpu.memory_space<vmem_shared>>) target(%arg18 : memref<64x64xf32, #tpu.memory_space<vmem>>) offsets(%dma_start3A_478 : memref<64xi32, #tpu.memory_space<vmem>>) semaphore(%arg28 : memref<!tpu.dma_semaphore, #tpu.memory_space<semaphore_mem>>)
        %dma_start3A_482 = arith.constant 3 : i32
        %dma_start3A_483 = arith.constant 0 : i32
        %dma_start3A_484 = tpu.memref_slice %arg9[%dma_start3A_482, %dma_start3A_483] : memref<4x64xi32, #tpu.memory_space<vmem>> -> memref<1x64xi32, #tpu.memory_space<vmem>>
        %dma_start3A_485 = tpu.memref_squeeze %dma_start3A_484 : memref<1x64xi32, #tpu.memory_space<vmem>> -> memref<64xi32, #tpu.memory_space<vmem>>
        %dma_start3A_486 = arith.constant 0 : i32
        %dma_start3A_487 = arith.constant 0 : i32
        %dma_start3A_488 = tpu.memref_slice %arg24[%dma_start3A_486, %dma_start3A_487] : memref<10240x64xf32, #tpu.memory_space<vmem_shared>> -> memref<10240x64xf32, #tpu.memory_space<vmem_shared>>
        tpu.enqueue_indirect_dma source(%dma_start3A_488 : memref<10240x64xf32, #tpu.memory_space<vmem_shared>>) target(%arg19 : memref<64x64xf32, #tpu.memory_space<vmem>>) offsets(%dma_start3A_485 : memref<64xi32, #tpu.memory_space<vmem>>) semaphore(%arg28 : memref<!tpu.dma_semaphore, #tpu.memory_space<semaphore_mem>>)
      } else {
      }
      %dma_wait3A = arith.constant 0 : i32
      %dma_wait3A_183 = arith.constant 0 : i32
      %dma_wait3A_184 = tpu.memref_slice %arg8[%dma_wait3A, %dma_wait3A_183] : memref<4x64xi32, #tpu.memory_space<vmem>> -> memref<1x64xi32, #tpu.memory_space<vmem>>
      %dma_wait3A_185 = tpu.memref_squeeze %dma_wait3A_184 : memref<1x64xi32, #tpu.memory_space<vmem>> -> memref<64xi32, #tpu.memory_space<vmem>>
      %dma_wait3A_186 = arith.constant 0 : i32
      %dma_wait3A_187 = arith.constant 0 : i32
      %dma_wait3A_188 = tpu.memref_slice %arg24[%dma_wait3A_186, %dma_wait3A_187] : memref<10240x64xf32, #tpu.memory_space<vmem_shared>> -> memref<10240x64xf32, #tpu.memory_space<vmem_shared>>
      tpu.wait_indirect_dma semaphore(%arg27 : memref<!tpu.dma_semaphore, #tpu.memory_space<semaphore_mem>>) src(%dma_wait3A_188 : memref<10240x64xf32, #tpu.memory_space<vmem_shared>>) dst(%arg12 : memref<64x64xf32, #tpu.memory_space<vmem>>)
      %dma_start3A_189 = arith.constant 0 : i32
      %dma_start3A_190 = arith.constant 0 : i32
      %dma_start3A_191 = tpu.memref_slice %arg10[%dma_start3A_189, %dma_start3A_190] : memref<4x64xi32, #tpu.memory_space<vmem>> -> memref<1x64xi32, #tpu.memory_space<vmem>>
      %dma_start3A_192 = tpu.memref_squeeze %dma_start3A_191 : memref<1x64xi32, #tpu.memory_space<vmem>> -> memref<64xi32, #tpu.memory_space<vmem>>
      %dma_start3A_193 = arith.constant 0 : i32
      %dma_start3A_194 = arith.constant 0 : i32
      %dma_start3A_195 = tpu.memref_slice %arg22[%dma_start3A_193, %dma_start3A_194] : memref<10240x64xf32, #tpu.memory_space<vmem_shared>> -> memref<10240x64xf32, #tpu.memory_space<vmem_shared>>
      tpu.enqueue_indirect_dma source(%arg12 : memref<64x64xf32, #tpu.memory_space<vmem>>) target(%dma_start3A_195 : memref<10240x64xf32, #tpu.memory_space<vmem_shared>>) offsets(%dma_start3A_192 : memref<64xi32, #tpu.memory_space<vmem>>) semaphore(%arg29 : memref<!tpu.dma_semaphore, #tpu.memory_space<semaphore_mem>>) {add = true}
      %eq3A_196 = arith.constant 0 : i32
      %eq3A_197 = arith.cmpi eq, %arg0, %eq3A_196 : i32
      %convert_element_type3A_198 = arith.extui %eq3A_197 : i1 to i32
      %cond3A_199 = arith.constant 0 : i32
      %cond3A_200 = arith.cmpi ne, %convert_element_type3A_198, %cond3A_199 : i32
      scf.if %cond3A_200 {
        %dma_start3A_443 = arith.constant 0 : i32
        %dma_start3A_444 = arith.constant 0 : i32
        %dma_start3A_445 = tpu.memref_slice %arg10[%dma_start3A_443, %dma_start3A_444] : memref<4x64xi32, #tpu.memory_space<vmem>> -> memref<1x64xi32, #tpu.memory_space<vmem>>
        %dma_start3A_446 = tpu.memref_squeeze %dma_start3A_445 : memref<1x64xi32, #tpu.memory_space<vmem>> -> memref<64xi32, #tpu.memory_space<vmem>>
        %dma_start3A_447 = arith.constant 0 : i32
        %dma_start3A_448 = arith.constant 0 : i32
        %dma_start3A_449 = tpu.memref_slice %arg23[%dma_start3A_447, %dma_start3A_448] : memref<10240x16xf32, #tpu.memory_space<vmem_shared>> -> memref<10240x16xf32, #tpu.memory_space<vmem_shared>>
        tpu.enqueue_indirect_dma source(%arg20 : memref<64x16xf32, #tpu.memory_space<vmem>>) target(%dma_start3A_449 : memref<10240x16xf32, #tpu.memory_space<vmem_shared>>) offsets(%dma_start3A_446 : memref<64xi32, #tpu.memory_space<vmem>>) semaphore(%arg30 : memref<!tpu.dma_semaphore, #tpu.memory_space<semaphore_mem>>) {add = true}
      } else {
      }
      %dma_wait3A_201 = arith.constant 1 : i32
      %dma_wait3A_202 = arith.constant 0 : i32
      %dma_wait3A_203 = tpu.memref_slice %arg8[%dma_wait3A_201, %dma_wait3A_202] : memref<4x64xi32, #tpu.memory_space<vmem>> -> memref<1x64xi32, #tpu.memory_space<vmem>>
      %dma_wait3A_204 = tpu.memref_squeeze %dma_wait3A_203 : memref<1x64xi32, #tpu.memory_space<vmem>> -> memref<64xi32, #tpu.memory_space<vmem>>
      %dma_wait3A_205 = arith.constant 0 : i32
      %dma_wait3A_206 = arith.constant 0 : i32
      %dma_wait3A_207 = tpu.memref_slice %arg24[%dma_wait3A_205, %dma_wait3A_206] : memref<10240x64xf32, #tpu.memory_space<vmem_shared>> -> memref<10240x64xf32, #tpu.memory_space<vmem_shared>>
      tpu.wait_indirect_dma semaphore(%arg27 : memref<!tpu.dma_semaphore, #tpu.memory_space<semaphore_mem>>) src(%dma_wait3A_207 : memref<10240x64xf32, #tpu.memory_space<vmem_shared>>) dst(%arg13 : memref<64x64xf32, #tpu.memory_space<vmem>>)
      %dma_start3A_208 = arith.constant 1 : i32
      %dma_start3A_209 = arith.constant 0 : i32
      %dma_start3A_210 = tpu.memref_slice %arg10[%dma_start3A_208, %dma_start3A_209] : memref<4x64xi32, #tpu.memory_space<vmem>> -> memref<1x64xi32, #tpu.memory_space<vmem>>
      %dma_start3A_211 = tpu.memref_squeeze %dma_start3A_210 : memref<1x64xi32, #tpu.memory_space<vmem>> -> memref<64xi32, #tpu.memory_space<vmem>>
      %dma_start3A_212 = arith.constant 0 : i32
      %dma_start3A_213 = arith.constant 0 : i32
      %dma_start3A_214 = tpu.memref_slice %arg22[%dma_start3A_212, %dma_start3A_213] : memref<10240x64xf32, #tpu.memory_space<vmem_shared>> -> memref<10240x64xf32, #tpu.memory_space<vmem_shared>>
      tpu.enqueue_indirect_dma source(%arg13 : memref<64x64xf32, #tpu.memory_space<vmem>>) target(%dma_start3A_214 : memref<10240x64xf32, #tpu.memory_space<vmem_shared>>) offsets(%dma_start3A_211 : memref<64xi32, #tpu.memory_space<vmem>>) semaphore(%arg29 : memref<!tpu.dma_semaphore, #tpu.memory_space<semaphore_mem>>) {add = true}
      %eq3A_215 = arith.constant 1 : i32
      %eq3A_216 = arith.cmpi eq, %arg0, %eq3A_215 : i32
      %convert_element_type3A_217 = arith.extui %eq3A_216 : i1 to i32
      %cond3A_218 = arith.constant 0 : i32
      %cond3A_219 = arith.cmpi ne, %convert_element_type3A_217, %cond3A_218 : i32
      scf.if %cond3A_219 {
        %dma_start3A_443 = arith.constant 1 : i32
        %dma_start3A_444 = arith.constant 0 : i32
        %dma_start3A_445 = tpu.memref_slice %arg10[%dma_start3A_443, %dma_start3A_444] : memref<4x64xi32, #tpu.memory_space<vmem>> -> memref<1x64xi32, #tpu.memory_space<vmem>>
        %dma_start3A_446 = tpu.memref_squeeze %dma_start3A_445 : memref<1x64xi32, #tpu.memory_space<vmem>> -> memref<64xi32, #tpu.memory_space<vmem>>
        %dma_start3A_447 = arith.constant 0 : i32
        %dma_start3A_448 = arith.constant 0 : i32
        %dma_start3A_449 = tpu.memref_slice %arg23[%dma_start3A_447, %dma_start3A_448] : memref<10240x16xf32, #tpu.memory_space<vmem_shared>> -> memref<10240x16xf32, #tpu.memory_space<vmem_shared>>
        tpu.enqueue_indirect_dma source(%arg20 : memref<64x16xf32, #tpu.memory_space<vmem>>) target(%dma_start3A_449 : memref<10240x16xf32, #tpu.memory_space<vmem_shared>>) offsets(%dma_start3A_446 : memref<64xi32, #tpu.memory_space<vmem>>) semaphore(%arg30 : memref<!tpu.dma_semaphore, #tpu.memory_space<semaphore_mem>>) {add = true}
      } else {
      }
      %dma_wait3A_220 = arith.constant 2 : i32
      %dma_wait3A_221 = arith.constant 0 : i32
      %dma_wait3A_222 = tpu.memref_slice %arg8[%dma_wait3A_220, %dma_wait3A_221] : memref<4x64xi32, #tpu.memory_space<vmem>> -> memref<1x64xi32, #tpu.memory_space<vmem>>
      %dma_wait3A_223 = tpu.memref_squeeze %dma_wait3A_222 : memref<1x64xi32, #tpu.memory_space<vmem>> -> memref<64xi32, #tpu.memory_space<vmem>>
      %dma_wait3A_224 = arith.constant 0 : i32
      %dma_wait3A_225 = arith.constant 0 : i32
      %dma_wait3A_226 = tpu.memref_slice %arg24[%dma_wait3A_224, %dma_wait3A_225] : memref<10240x64xf32, #tpu.memory_space<vmem_shared>> -> memref<10240x64xf32, #tpu.memory_space<vmem_shared>>
      tpu.wait_indirect_dma semaphore(%arg27 : memref<!tpu.dma_semaphore, #tpu.memory_space<semaphore_mem>>) src(%dma_wait3A_226 : memref<10240x64xf32, #tpu.memory_space<vmem_shared>>) dst(%arg14 : memref<64x64xf32, #tpu.memory_space<vmem>>)
      %dma_start3A_227 = arith.constant 2 : i32
      %dma_start3A_228 = arith.constant 0 : i32
      %dma_start3A_229 = tpu.memref_slice %arg10[%dma_start3A_227, %dma_start3A_228] : memref<4x64xi32, #tpu.memory_space<vmem>> -> memref<1x64xi32, #tpu.memory_space<vmem>>
      %dma_start3A_230 = tpu.memref_squeeze %dma_start3A_229 : memref<1x64xi32, #tpu.memory_space<vmem>> -> memref<64xi32, #tpu.memory_space<vmem>>
      %dma_start3A_231 = arith.constant 0 : i32
      %dma_start3A_232 = arith.constant 0 : i32
      %dma_start3A_233 = tpu.memref_slice %arg22[%dma_start3A_231, %dma_start3A_232] : memref<10240x64xf32, #tpu.memory_space<vmem_shared>> -> memref<10240x64xf32, #tpu.memory_space<vmem_shared>>
      tpu.enqueue_indirect_dma source(%arg14 : memref<64x64xf32, #tpu.memory_space<vmem>>) target(%dma_start3A_233 : memref<10240x64xf32, #tpu.memory_space<vmem_shared>>) offsets(%dma_start3A_230 : memref<64xi32, #tpu.memory_space<vmem>>) semaphore(%arg29 : memref<!tpu.dma_semaphore, #tpu.memory_space<semaphore_mem>>) {add = true}
      %eq3A_234 = arith.constant 0 : i32
      %eq3A_235 = arith.cmpi eq, %arg0, %eq3A_234 : i32
      %convert_element_type3A_236 = arith.extui %eq3A_235 : i1 to i32
      %cond3A_237 = arith.constant 0 : i32
      %cond3A_238 = arith.cmpi ne, %convert_element_type3A_236, %cond3A_237 : i32
      scf.if %cond3A_238 {
        %dma_start3A_443 = arith.constant 2 : i32
        %dma_start3A_444 = arith.constant 0 : i32
        %dma_start3A_445 = tpu.memref_slice %arg10[%dma_start3A_443, %dma_start3A_444] : memref<4x64xi32, #tpu.memory_space<vmem>> -> memref<1x64xi32, #tpu.memory_space<vmem>>
        %dma_start3A_446 = tpu.memref_squeeze %dma_start3A_445 : memref<1x64xi32, #tpu.memory_space<vmem>> -> memref<64xi32, #tpu.memory_space<vmem>>
        %dma_start3A_447 = arith.constant 0 : i32
        %dma_start3A_448 = arith.constant 0 : i32
        %dma_start3A_449 = tpu.memref_slice %arg23[%dma_start3A_447, %dma_start3A_448] : memref<10240x16xf32, #tpu.memory_space<vmem_shared>> -> memref<10240x16xf32, #tpu.memory_space<vmem_shared>>
        tpu.enqueue_indirect_dma source(%arg20 : memref<64x16xf32, #tpu.memory_space<vmem>>) target(%dma_start3A_449 : memref<10240x16xf32, #tpu.memory_space<vmem_shared>>) offsets(%dma_start3A_446 : memref<64xi32, #tpu.memory_space<vmem>>) semaphore(%arg30 : memref<!tpu.dma_semaphore, #tpu.memory_space<semaphore_mem>>) {add = true}
      } else {
      }
      %dma_wait3A_239 = arith.constant 3 : i32
      %dma_wait3A_240 = arith.constant 0 : i32
      %dma_wait3A_241 = tpu.memref_slice %arg8[%dma_wait3A_239, %dma_wait3A_240] : memref<4x64xi32, #tpu.memory_space<vmem>> -> memref<1x64xi32, #tpu.memory_space<vmem>>
      %dma_wait3A_242 = tpu.memref_squeeze %dma_wait3A_241 : memref<1x64xi32, #tpu.memory_space<vmem>> -> memref<64xi32, #tpu.memory_space<vmem>>
      %dma_wait3A_243 = arith.constant 0 : i32
      %dma_wait3A_244 = arith.constant 0 : i32
      %dma_wait3A_245 = tpu.memref_slice %arg24[%dma_wait3A_243, %dma_wait3A_244] : memref<10240x64xf32, #tpu.memory_space<vmem_shared>> -> memref<10240x64xf32, #tpu.memory_space<vmem_shared>>
      tpu.wait_indirect_dma semaphore(%arg27 : memref<!tpu.dma_semaphore, #tpu.memory_space<semaphore_mem>>) src(%dma_wait3A_245 : memref<10240x64xf32, #tpu.memory_space<vmem_shared>>) dst(%arg15 : memref<64x64xf32, #tpu.memory_space<vmem>>)
      %dma_start3A_246 = arith.constant 3 : i32
      %dma_start3A_247 = arith.constant 0 : i32
      %dma_start3A_248 = tpu.memref_slice %arg10[%dma_start3A_246, %dma_start3A_247] : memref<4x64xi32, #tpu.memory_space<vmem>> -> memref<1x64xi32, #tpu.memory_space<vmem>>
      %dma_start3A_249 = tpu.memref_squeeze %dma_start3A_248 : memref<1x64xi32, #tpu.memory_space<vmem>> -> memref<64xi32, #tpu.memory_space<vmem>>
      %dma_start3A_250 = arith.constant 0 : i32
      %dma_start3A_251 = arith.constant 0 : i32
      %dma_start3A_252 = tpu.memref_slice %arg22[%dma_start3A_250, %dma_start3A_251] : memref<10240x64xf32, #tpu.memory_space<vmem_shared>> -> memref<10240x64xf32, #tpu.memory_space<vmem_shared>>
      tpu.enqueue_indirect_dma source(%arg15 : memref<64x64xf32, #tpu.memory_space<vmem>>) target(%dma_start3A_252 : memref<10240x64xf32, #tpu.memory_space<vmem_shared>>) offsets(%dma_start3A_249 : memref<64xi32, #tpu.memory_space<vmem>>) semaphore(%arg29 : memref<!tpu.dma_semaphore, #tpu.memory_space<semaphore_mem>>) {add = true}
      %eq3A_253 = arith.constant 1 : i32
      %eq3A_254 = arith.cmpi eq, %arg0, %eq3A_253 : i32
      %convert_element_type3A_255 = arith.extui %eq3A_254 : i1 to i32
      %cond3A_256 = arith.constant 0 : i32
      %cond3A_257 = arith.cmpi ne, %convert_element_type3A_255, %cond3A_256 : i32
      scf.if %cond3A_257 {
        %dma_start3A_443 = arith.constant 3 : i32
        %dma_start3A_444 = arith.constant 0 : i32
        %dma_start3A_445 = tpu.memref_slice %arg10[%dma_start3A_443, %dma_start3A_444] : memref<4x64xi32, #tpu.memory_space<vmem>> -> memref<1x64xi32, #tpu.memory_space<vmem>>
        %dma_start3A_446 = tpu.memref_squeeze %dma_start3A_445 : memref<1x64xi32, #tpu.memory_space<vmem>> -> memref<64xi32, #tpu.memory_space<vmem>>
        %dma_start3A_447 = arith.constant 0 : i32
        %dma_start3A_448 = arith.constant 0 : i32
        %dma_start3A_449 = tpu.memref_slice %arg23[%dma_start3A_447, %dma_start3A_448] : memref<10240x16xf32, #tpu.memory_space<vmem_shared>> -> memref<10240x16xf32, #tpu.memory_space<vmem_shared>>
        tpu.enqueue_indirect_dma source(%arg20 : memref<64x16xf32, #tpu.memory_space<vmem>>) target(%dma_start3A_449 : memref<10240x16xf32, #tpu.memory_space<vmem_shared>>) offsets(%dma_start3A_446 : memref<64xi32, #tpu.memory_space<vmem>>) semaphore(%arg30 : memref<!tpu.dma_semaphore, #tpu.memory_space<semaphore_mem>>) {add = true}
      } else {
      }
      %dma_wait3A_258 = arith.constant 0 : i32
      %dma_wait3A_259 = arith.constant 0 : i32
      %dma_wait3A_260 = tpu.memref_slice %arg10[%dma_wait3A_258, %dma_wait3A_259] : memref<4x64xi32, #tpu.memory_space<vmem>> -> memref<1x64xi32, #tpu.memory_space<vmem>>
      %dma_wait3A_261 = tpu.memref_squeeze %dma_wait3A_260 : memref<1x64xi32, #tpu.memory_space<vmem>> -> memref<64xi32, #tpu.memory_space<vmem>>
      %dma_wait3A_262 = arith.constant 0 : i32
      %dma_wait3A_263 = arith.constant 0 : i32
      %dma_wait3A_264 = tpu.memref_slice %arg22[%dma_wait3A_262, %dma_wait3A_263] : memref<10240x64xf32, #tpu.memory_space<vmem_shared>> -> memref<10240x64xf32, #tpu.memory_space<vmem_shared>>
      tpu.wait_indirect_dma semaphore(%arg29 : memref<!tpu.dma_semaphore, #tpu.memory_space<semaphore_mem>>) src(%arg12 : memref<64x64xf32, #tpu.memory_space<vmem>>) dst(%dma_wait3A_264 : memref<10240x64xf32, #tpu.memory_space<vmem_shared>>)
      %dma_wait3A_265 = arith.constant 1 : i32
      %dma_wait3A_266 = arith.constant 0 : i32
      %dma_wait3A_267 = tpu.memref_slice %arg10[%dma_wait3A_265, %dma_wait3A_266] : memref<4x64xi32, #tpu.memory_space<vmem>> -> memref<1x64xi32, #tpu.memory_space<vmem>>
      %dma_wait3A_268 = tpu.memref_squeeze %dma_wait3A_267 : memref<1x64xi32, #tpu.memory_space<vmem>> -> memref<64xi32, #tpu.memory_space<vmem>>
      %dma_wait3A_269 = arith.constant 0 : i32
      %dma_wait3A_270 = arith.constant 0 : i32
      %dma_wait3A_271 = tpu.memref_slice %arg22[%dma_wait3A_269, %dma_wait3A_270] : memref<10240x64xf32, #tpu.memory_space<vmem_shared>> -> memref<10240x64xf32, #tpu.memory_space<vmem_shared>>
      tpu.wait_indirect_dma semaphore(%arg29 : memref<!tpu.dma_semaphore, #tpu.memory_space<semaphore_mem>>) src(%arg13 : memref<64x64xf32, #tpu.memory_space<vmem>>) dst(%dma_wait3A_271 : memref<10240x64xf32, #tpu.memory_space<vmem_shared>>)
      %dma_wait3A_272 = arith.constant 2 : i32
      %dma_wait3A_273 = arith.constant 0 : i32
      %dma_wait3A_274 = tpu.memref_slice %arg10[%dma_wait3A_272, %dma_wait3A_273] : memref<4x64xi32, #tpu.memory_space<vmem>> -> memref<1x64xi32, #tpu.memory_space<vmem>>
      %dma_wait3A_275 = tpu.memref_squeeze %dma_wait3A_274 : memref<1x64xi32, #tpu.memory_space<vmem>> -> memref<64xi32, #tpu.memory_space<vmem>>
      %dma_wait3A_276 = arith.constant 0 : i32
      %dma_wait3A_277 = arith.constant 0 : i32
      %dma_wait3A_278 = tpu.memref_slice %arg22[%dma_wait3A_276, %dma_wait3A_277] : memref<10240x64xf32, #tpu.memory_space<vmem_shared>> -> memref<10240x64xf32, #tpu.memory_space<vmem_shared>>
      tpu.wait_indirect_dma semaphore(%arg29 : memref<!tpu.dma_semaphore, #tpu.memory_space<semaphore_mem>>) src(%arg14 : memref<64x64xf32, #tpu.memory_space<vmem>>) dst(%dma_wait3A_278 : memref<10240x64xf32, #tpu.memory_space<vmem_shared>>)
      %dma_wait3A_279 = arith.constant 3 : i32
      %dma_wait3A_280 = arith.constant 0 : i32
      %dma_wait3A_281 = tpu.memref_slice %arg10[%dma_wait3A_279, %dma_wait3A_280] : memref<4x64xi32, #tpu.memory_space<vmem>> -> memref<1x64xi32, #tpu.memory_space<vmem>>
      %dma_wait3A_282 = tpu.memref_squeeze %dma_wait3A_281 : memref<1x64xi32, #tpu.memory_space<vmem>> -> memref<64xi32, #tpu.memory_space<vmem>>
      %dma_wait3A_283 = arith.constant 0 : i32
      %dma_wait3A_284 = arith.constant 0 : i32
      %dma_wait3A_285 = tpu.memref_slice %arg22[%dma_wait3A_283, %dma_wait3A_284] : memref<10240x64xf32, #tpu.memory_space<vmem_shared>> -> memref<10240x64xf32, #tpu.memory_space<vmem_shared>>
      tpu.wait_indirect_dma semaphore(%arg29 : memref<!tpu.dma_semaphore, #tpu.memory_space<semaphore_mem>>) src(%arg15 : memref<64x64xf32, #tpu.memory_space<vmem>>) dst(%dma_wait3A_285 : memref<10240x64xf32, #tpu.memory_space<vmem_shared>>)
      %dma_wait3A_286 = arith.constant 0 : i32
      %dma_wait3A_287 = arith.constant 0 : i32
      %dma_wait3A_288 = tpu.memref_slice %arg10[%dma_wait3A_286, %dma_wait3A_287] : memref<4x64xi32, #tpu.memory_space<vmem>> -> memref<1x64xi32, #tpu.memory_space<vmem>>
      %dma_wait3A_289 = tpu.memref_squeeze %dma_wait3A_288 : memref<1x64xi32, #tpu.memory_space<vmem>> -> memref<64xi32, #tpu.memory_space<vmem>>
      %dma_wait3A_290 = arith.constant 0 : i32
      %dma_wait3A_291 = arith.constant 0 : i32
      %dma_wait3A_292 = tpu.memref_slice %arg23[%dma_wait3A_290, %dma_wait3A_291] : memref<10240x16xf32, #tpu.memory_space<vmem_shared>> -> memref<10240x16xf32, #tpu.memory_space<vmem_shared>>
      tpu.wait_indirect_dma semaphore(%arg30 : memref<!tpu.dma_semaphore, #tpu.memory_space<semaphore_mem>>) src(%arg20 : memref<64x16xf32, #tpu.memory_space<vmem>>) dst(%dma_wait3A_292 : memref<10240x16xf32, #tpu.memory_space<vmem_shared>>)
      %dma_wait3A_293 = arith.constant 0 : i32
      %dma_wait3A_294 = arith.constant 0 : i32
      %dma_wait3A_295 = tpu.memref_slice %arg10[%dma_wait3A_293, %dma_wait3A_294] : memref<4x64xi32, #tpu.memory_space<vmem>> -> memref<1x64xi32, #tpu.memory_space<vmem>>
      %dma_wait3A_296 = tpu.memref_squeeze %dma_wait3A_295 : memref<1x64xi32, #tpu.memory_space<vmem>> -> memref<64xi32, #tpu.memory_space<vmem>>
      %dma_wait3A_297 = arith.constant 0 : i32
      %dma_wait3A_298 = arith.constant 0 : i32
      %dma_wait3A_299 = tpu.memref_slice %arg23[%dma_wait3A_297, %dma_wait3A_298] : memref<10240x16xf32, #tpu.memory_space<vmem_shared>> -> memref<10240x16xf32, #tpu.memory_space<vmem_shared>>
      tpu.wait_indirect_dma semaphore(%arg30 : memref<!tpu.dma_semaphore, #tpu.memory_space<semaphore_mem>>) src(%arg20 : memref<64x16xf32, #tpu.memory_space<vmem>>) dst(%dma_wait3A_299 : memref<10240x16xf32, #tpu.memory_space<vmem_shared>>)
      %add3A_300 = arith.constant 2 : i32
      %add3A_301 = arith.addi %mul3A_175, %add3A_300 : i32
      %lt3A_302 = arith.constant 80 : i32
      %lt3A_303 = arith.cmpi slt, %add3A_301, %lt3A_302 : i32
      %convert_element_type3A_304 = arith.extui %lt3A_303 : i1 to i32
      %cond3A_305 = arith.constant 0 : i32
      %cond3A_306 = arith.cmpi ne, %convert_element_type3A_304, %cond3A_305 : i32
      scf.if %cond3A_306 {
        %add3A_443 = arith.constant 2 : i32
        %add3A_444 = arith.addi %mul3A_175, %add3A_443 : i32
        %dma_start3A_445 = arith.constant 0 : i32
        %dma_start3A_446 = arith.constant 0 : i32
        %dma_start3A_447 = tpu.memref_slice %arg3[%arg1, %add3A_444, %dma_start3A_445, %dma_start3A_446] : memref<16x80x4x64xi32, #tpu.memory_space<hbm>> -> memref<1x1x4x64xi32, #tpu.memory_space<hbm>>
        %dma_start3A_448 = tpu.memref_squeeze %dma_start3A_447 : memref<1x1x4x64xi32, #tpu.memory_space<hbm>> -> memref<4x64xi32, #tpu.memory_space<hbm>>
        %dma_start3A_449 = arith.constant 0 : i32
        %dma_start3A_450 = arith.constant 0 : i32
        %dma_start3A_451 = tpu.memref_slice %arg3[%arg1, %add3A_444, %dma_start3A_449, %dma_start3A_450] : memref<16x80x4x64xi32, #tpu.memory_space<hbm>> -> memref<1x1x4x64xi32, #tpu.memory_space<hbm>>
        %dma_start3A_452 = tpu.memref_squeeze %dma_start3A_451 : memref<1x1x4x64xi32, #tpu.memory_space<hbm>> -> memref<4x64xi32, #tpu.memory_space<hbm>>
        tpu.enqueue_dma source(%dma_start3A_452 : memref<4x64xi32, #tpu.memory_space<hbm>>) target(%arg8 : memref<4x64xi32, #tpu.memory_space<vmem>>) target_semaphore(%arg25 : memref<!tpu.dma_semaphore, #tpu.memory_space<semaphore_mem>>)
        %add3A_453 = arith.constant 2 : i32
        %add3A_454 = arith.addi %mul3A_175, %add3A_453 : i32
        %dma_start3A_455 = arith.constant 0 : i32
        %dma_start3A_456 = arith.constant 0 : i32
        %dma_start3A_457 = tpu.memref_slice %arg4[%arg1, %add3A_454, %dma_start3A_455, %dma_start3A_456] : memref<16x80x4x64xi32, #tpu.memory_space<hbm>> -> memref<1x1x4x64xi32, #tpu.memory_space<hbm>>
        %dma_start3A_458 = tpu.memref_squeeze %dma_start3A_457 : memref<1x1x4x64xi32, #tpu.memory_space<hbm>> -> memref<4x64xi32, #tpu.memory_space<hbm>>
        %dma_start3A_459 = arith.constant 0 : i32
        %dma_start3A_460 = arith.constant 0 : i32
        %dma_start3A_461 = tpu.memref_slice %arg4[%arg1, %add3A_454, %dma_start3A_459, %dma_start3A_460] : memref<16x80x4x64xi32, #tpu.memory_space<hbm>> -> memref<1x1x4x64xi32, #tpu.memory_space<hbm>>
        %dma_start3A_462 = tpu.memref_squeeze %dma_start3A_461 : memref<1x1x4x64xi32, #tpu.memory_space<hbm>> -> memref<4x64xi32, #tpu.memory_space<hbm>>
        tpu.enqueue_dma source(%dma_start3A_462 : memref<4x64xi32, #tpu.memory_space<hbm>>) target(%arg10 : memref<4x64xi32, #tpu.memory_space<vmem>>) target_semaphore(%arg25 : memref<!tpu.dma_semaphore, #tpu.memory_space<semaphore_mem>>)
      } else {
      }
      %mul3A_307 = arith.constant 2 : i32
      %mul3A_308 = arith.muli %mul3A_307, %scan3A_173 : i32
      %add3A_309 = arith.constant 1 : i32
      %add3A_310 = arith.addi %mul3A_308, %add3A_309 : i32
      %add3A_311 = arith.constant 1 : i32
      %add3A_312 = arith.addi %add3A_310, %add3A_311 : i32
      %lt3A_313 = arith.constant 80 : i32
      %lt3A_314 = arith.cmpi slt, %add3A_312, %lt3A_313 : i32
      %convert_element_type3A_315 = arith.extui %lt3A_314 : i1 to i32
      %cond3A_316 = arith.constant 0 : i32
      %cond3A_317 = arith.cmpi ne, %convert_element_type3A_315, %cond3A_316 : i32
      scf.if %cond3A_317 {
        %dma_wait3A_443 = arith.constant 0 : i32
        %dma_wait3A_444 = arith.constant 0 : i32
        %dma_wait3A_445 = arith.constant 0 : i32
        %dma_wait3A_446 = tpu.memref_slice %arg3[%arg1, %dma_wait3A_443, %dma_wait3A_444, %dma_wait3A_445] : memref<16x80x4x64xi32, #tpu.memory_space<hbm>> -> memref<1x1x4x64xi32, #tpu.memory_space<hbm>>
        %dma_wait3A_447 = tpu.memref_squeeze %dma_wait3A_446 : memref<1x1x4x64xi32, #tpu.memory_space<hbm>> -> memref<4x64xi32, #tpu.memory_space<hbm>>
        %dma_wait3A_448 = arith.constant 0 : i32
        %dma_wait3A_449 = arith.constant 0 : i32
        %dma_wait3A_450 = tpu.memref_slice %arg3[%arg1, %dma_wait3A_443, %dma_wait3A_448, %dma_wait3A_449] : memref<16x80x4x64xi32, #tpu.memory_space<hbm>> -> memref<1x1x4x64xi32, #tpu.memory_space<hbm>>
        %dma_wait3A_451 = tpu.memref_squeeze %dma_wait3A_450 : memref<1x1x4x64xi32, #tpu.memory_space<hbm>> -> memref<4x64xi32, #tpu.memory_space<hbm>>
        tpu.wait_dma2 semaphore(%arg25 : memref<!tpu.dma_semaphore, #tpu.memory_space<semaphore_mem>>) src(%dma_wait3A_451 : memref<4x64xi32, #tpu.memory_space<hbm>>) dst(%arg8 : memref<4x64xi32, #tpu.memory_space<vmem>>)
        %dma_wait3A_452 = arith.constant 0 : i32
        %dma_wait3A_453 = arith.constant 0 : i32
        %dma_wait3A_454 = arith.constant 0 : i32
        %dma_wait3A_455 = tpu.memref_slice %arg4[%arg1, %dma_wait3A_452, %dma_wait3A_453, %dma_wait3A_454] : memref<16x80x4x64xi32, #tpu.memory_space<hbm>> -> memref<1x1x4x64xi32, #tpu.memory_space<hbm>>
        %dma_wait3A_456 = tpu.memref_squeeze %dma_wait3A_455 : memref<1x1x4x64xi32, #tpu.memory_space<hbm>> -> memref<4x64xi32, #tpu.memory_space<hbm>>
        %dma_wait3A_457 = arith.constant 0 : i32
        %dma_wait3A_458 = arith.constant 0 : i32
        %dma_wait3A_459 = tpu.memref_slice %arg4[%arg1, %dma_wait3A_452, %dma_wait3A_457, %dma_wait3A_458] : memref<16x80x4x64xi32, #tpu.memory_space<hbm>> -> memref<1x1x4x64xi32, #tpu.memory_space<hbm>>
        %dma_wait3A_460 = tpu.memref_squeeze %dma_wait3A_459 : memref<1x1x4x64xi32, #tpu.memory_space<hbm>> -> memref<4x64xi32, #tpu.memory_space<hbm>>
        tpu.wait_dma2 semaphore(%arg25 : memref<!tpu.dma_semaphore, #tpu.memory_space<semaphore_mem>>) src(%dma_wait3A_460 : memref<4x64xi32, #tpu.memory_space<hbm>>) dst(%arg10 : memref<4x64xi32, #tpu.memory_space<vmem>>)
        %dma_start3A_461 = arith.constant 0 : i32
        %dma_start3A_462 = arith.constant 0 : i32
        %dma_start3A_463 = tpu.memref_slice %arg8[%dma_start3A_461, %dma_start3A_462] : memref<4x64xi32, #tpu.memory_space<vmem>> -> memref<1x64xi32, #tpu.memory_space<vmem>>
        %dma_start3A_464 = tpu.memref_squeeze %dma_start3A_463 : memref<1x64xi32, #tpu.memory_space<vmem>> -> memref<64xi32, #tpu.memory_space<vmem>>
        %dma_start3A_465 = arith.constant 0 : i32
        %dma_start3A_466 = arith.constant 0 : i32
        %dma_start3A_467 = tpu.memref_slice %arg24[%dma_start3A_465, %dma_start3A_466] : memref<10240x64xf32, #tpu.memory_space<vmem_shared>> -> memref<10240x64xf32, #tpu.memory_space<vmem_shared>>
        tpu.enqueue_indirect_dma source(%dma_start3A_467 : memref<10240x64xf32, #tpu.memory_space<vmem_shared>>) target(%arg12 : memref<64x64xf32, #tpu.memory_space<vmem>>) offsets(%dma_start3A_464 : memref<64xi32, #tpu.memory_space<vmem>>) semaphore(%arg27 : memref<!tpu.dma_semaphore, #tpu.memory_space<semaphore_mem>>)
        %dma_start3A_468 = arith.constant 1 : i32
        %dma_start3A_469 = arith.constant 0 : i32
        %dma_start3A_470 = tpu.memref_slice %arg8[%dma_start3A_468, %dma_start3A_469] : memref<4x64xi32, #tpu.memory_space<vmem>> -> memref<1x64xi32, #tpu.memory_space<vmem>>
        %dma_start3A_471 = tpu.memref_squeeze %dma_start3A_470 : memref<1x64xi32, #tpu.memory_space<vmem>> -> memref<64xi32, #tpu.memory_space<vmem>>
        %dma_start3A_472 = arith.constant 0 : i32
        %dma_start3A_473 = arith.constant 0 : i32
        %dma_start3A_474 = tpu.memref_slice %arg24[%dma_start3A_472, %dma_start3A_473] : memref<10240x64xf32, #tpu.memory_space<vmem_shared>> -> memref<10240x64xf32, #tpu.memory_space<vmem_shared>>
        tpu.enqueue_indirect_dma source(%dma_start3A_474 : memref<10240x64xf32, #tpu.memory_space<vmem_shared>>) target(%arg13 : memref<64x64xf32, #tpu.memory_space<vmem>>) offsets(%dma_start3A_471 : memref<64xi32, #tpu.memory_space<vmem>>) semaphore(%arg27 : memref<!tpu.dma_semaphore, #tpu.memory_space<semaphore_mem>>)
        %dma_start3A_475 = arith.constant 2 : i32
        %dma_start3A_476 = arith.constant 0 : i32
        %dma_start3A_477 = tpu.memref_slice %arg8[%dma_start3A_475, %dma_start3A_476] : memref<4x64xi32, #tpu.memory_space<vmem>> -> memref<1x64xi32, #tpu.memory_space<vmem>>
        %dma_start3A_478 = tpu.memref_squeeze %dma_start3A_477 : memref<1x64xi32, #tpu.memory_space<vmem>> -> memref<64xi32, #tpu.memory_space<vmem>>
        %dma_start3A_479 = arith.constant 0 : i32
        %dma_start3A_480 = arith.constant 0 : i32
        %dma_start3A_481 = tpu.memref_slice %arg24[%dma_start3A_479, %dma_start3A_480] : memref<10240x64xf32, #tpu.memory_space<vmem_shared>> -> memref<10240x64xf32, #tpu.memory_space<vmem_shared>>
        tpu.enqueue_indirect_dma source(%dma_start3A_481 : memref<10240x64xf32, #tpu.memory_space<vmem_shared>>) target(%arg14 : memref<64x64xf32, #tpu.memory_space<vmem>>) offsets(%dma_start3A_478 : memref<64xi32, #tpu.memory_space<vmem>>) semaphore(%arg27 : memref<!tpu.dma_semaphore, #tpu.memory_space<semaphore_mem>>)
        %dma_start3A_482 = arith.constant 3 : i32
        %dma_start3A_483 = arith.constant 0 : i32
        %dma_start3A_484 = tpu.memref_slice %arg8[%dma_start3A_482, %dma_start3A_483] : memref<4x64xi32, #tpu.memory_space<vmem>> -> memref<1x64xi32, #tpu.memory_space<vmem>>
        %dma_start3A_485 = tpu.memref_squeeze %dma_start3A_484 : memref<1x64xi32, #tpu.memory_space<vmem>> -> memref<64xi32, #tpu.memory_space<vmem>>
        %dma_start3A_486 = arith.constant 0 : i32
        %dma_start3A_487 = arith.constant 0 : i32
        %dma_start3A_488 = tpu.memref_slice %arg24[%dma_start3A_486, %dma_start3A_487] : memref<10240x64xf32, #tpu.memory_space<vmem_shared>> -> memref<10240x64xf32, #tpu.memory_space<vmem_shared>>
        tpu.enqueue_indirect_dma source(%dma_start3A_488 : memref<10240x64xf32, #tpu.memory_space<vmem_shared>>) target(%arg15 : memref<64x64xf32, #tpu.memory_space<vmem>>) offsets(%dma_start3A_485 : memref<64xi32, #tpu.memory_space<vmem>>) semaphore(%arg27 : memref<!tpu.dma_semaphore, #tpu.memory_space<semaphore_mem>>)
      } else {
      }
      %dma_wait3A_318 = arith.constant 0 : i32
      %dma_wait3A_319 = arith.constant 0 : i32
      %dma_wait3A_320 = tpu.memref_slice %arg9[%dma_wait3A_318, %dma_wait3A_319] : memref<4x64xi32, #tpu.memory_space<vmem>> -> memref<1x64xi32, #tpu.memory_space<vmem>>
      %dma_wait3A_321 = tpu.memref_squeeze %dma_wait3A_320 : memref<1x64xi32, #tpu.memory_space<vmem>> -> memref<64xi32, #tpu.memory_space<vmem>>
      %dma_wait3A_322 = arith.constant 0 : i32
      %dma_wait3A_323 = arith.constant 0 : i32
      %dma_wait3A_324 = tpu.memref_slice %arg24[%dma_wait3A_322, %dma_wait3A_323] : memref<10240x64xf32, #tpu.memory_space<vmem_shared>> -> memref<10240x64xf32, #tpu.memory_space<vmem_shared>>
      tpu.wait_indirect_dma semaphore(%arg28 : memref<!tpu.dma_semaphore, #tpu.memory_space<semaphore_mem>>) src(%dma_wait3A_324 : memref<10240x64xf32, #tpu.memory_space<vmem_shared>>) dst(%arg16 : memref<64x64xf32, #tpu.memory_space<vmem>>)
      %dma_start3A_325 = arith.constant 0 : i32
      %dma_start3A_326 = arith.constant 0 : i32
      %dma_start3A_327 = tpu.memref_slice %arg11[%dma_start3A_325, %dma_start3A_326] : memref<4x64xi32, #tpu.memory_space<vmem>> -> memref<1x64xi32, #tpu.memory_space<vmem>>
      %dma_start3A_328 = tpu.memref_squeeze %dma_start3A_327 : memref<1x64xi32, #tpu.memory_space<vmem>> -> memref<64xi32, #tpu.memory_space<vmem>>
      %dma_start3A_329 = arith.constant 0 : i32
      %dma_start3A_330 = arith.constant 0 : i32
      %dma_start3A_331 = tpu.memref_slice %arg22[%dma_start3A_329, %dma_start3A_330] : memref<10240x64xf32, #tpu.memory_space<vmem_shared>> -> memref<10240x64xf32, #tpu.memory_space<vmem_shared>>
      tpu.enqueue_indirect_dma source(%arg16 : memref<64x64xf32, #tpu.memory_space<vmem>>) target(%dma_start3A_331 : memref<10240x64xf32, #tpu.memory_space<vmem_shared>>) offsets(%dma_start3A_328 : memref<64xi32, #tpu.memory_space<vmem>>) semaphore(%arg29 : memref<!tpu.dma_semaphore, #tpu.memory_space<semaphore_mem>>) {add = true}
      %eq3A_332 = arith.constant 0 : i32
      %eq3A_333 = arith.cmpi eq, %arg0, %eq3A_332 : i32
      %convert_element_type3A_334 = arith.extui %eq3A_333 : i1 to i32
      %cond3A_335 = arith.constant 0 : i32
      %cond3A_336 = arith.cmpi ne, %convert_element_type3A_334, %cond3A_335 : i32
      scf.if %cond3A_336 {
        %dma_start3A_443 = arith.constant 0 : i32
        %dma_start3A_444 = arith.constant 0 : i32
        %dma_start3A_445 = tpu.memref_slice %arg11[%dma_start3A_443, %dma_start3A_444] : memref<4x64xi32, #tpu.memory_space<vmem>> -> memref<1x64xi32, #tpu.memory_space<vmem>>
        %dma_start3A_446 = tpu.memref_squeeze %dma_start3A_445 : memref<1x64xi32, #tpu.memory_space<vmem>> -> memref<64xi32, #tpu.memory_space<vmem>>
        %dma_start3A_447 = arith.constant 0 : i32
        %dma_start3A_448 = arith.constant 0 : i32
        %dma_start3A_449 = tpu.memref_slice %arg23[%dma_start3A_447, %dma_start3A_448] : memref<10240x16xf32, #tpu.memory_space<vmem_shared>> -> memref<10240x16xf32, #tpu.memory_space<vmem_shared>>
        tpu.enqueue_indirect_dma source(%arg20 : memref<64x16xf32, #tpu.memory_space<vmem>>) target(%dma_start3A_449 : memref<10240x16xf32, #tpu.memory_space<vmem_shared>>) offsets(%dma_start3A_446 : memref<64xi32, #tpu.memory_space<vmem>>) semaphore(%arg30 : memref<!tpu.dma_semaphore, #tpu.memory_space<semaphore_mem>>) {add = true}
      } else {
      }
      %dma_wait3A_337 = arith.constant 1 : i32
      %dma_wait3A_338 = arith.constant 0 : i32
      %dma_wait3A_339 = tpu.memref_slice %arg9[%dma_wait3A_337, %dma_wait3A_338] : memref<4x64xi32, #tpu.memory_space<vmem>> -> memref<1x64xi32, #tpu.memory_space<vmem>>
      %dma_wait3A_340 = tpu.memref_squeeze %dma_wait3A_339 : memref<1x64xi32, #tpu.memory_space<vmem>> -> memref<64xi32, #tpu.memory_space<vmem>>
      %dma_wait3A_341 = arith.constant 0 : i32
      %dma_wait3A_342 = arith.constant 0 : i32
      %dma_wait3A_343 = tpu.memref_slice %arg24[%dma_wait3A_341, %dma_wait3A_342] : memref<10240x64xf32, #tpu.memory_space<vmem_shared>> -> memref<10240x64xf32, #tpu.memory_space<vmem_shared>>
      tpu.wait_indirect_dma semaphore(%arg28 : memref<!tpu.dma_semaphore, #tpu.memory_space<semaphore_mem>>) src(%dma_wait3A_343 : memref<10240x64xf32, #tpu.memory_space<vmem_shared>>) dst(%arg17 : memref<64x64xf32, #tpu.memory_space<vmem>>)
      %dma_start3A_344 = arith.constant 1 : i32
      %dma_start3A_345 = arith.constant 0 : i32
      %dma_start3A_346 = tpu.memref_slice %arg11[%dma_start3A_344, %dma_start3A_345] : memref<4x64xi32, #tpu.memory_space<vmem>> -> memref<1x64xi32, #tpu.memory_space<vmem>>
      %dma_start3A_347 = tpu.memref_squeeze %dma_start3A_346 : memref<1x64xi32, #tpu.memory_space<vmem>> -> memref<64xi32, #tpu.memory_space<vmem>>
      %dma_start3A_348 = arith.constant 0 : i32
      %dma_start3A_349 = arith.constant 0 : i32
      %dma_start3A_350 = tpu.memref_slice %arg22[%dma_start3A_348, %dma_start3A_349] : memref<10240x64xf32, #tpu.memory_space<vmem_shared>> -> memref<10240x64xf32, #tpu.memory_space<vmem_shared>>
      tpu.enqueue_indirect_dma source(%arg17 : memref<64x64xf32, #tpu.memory_space<vmem>>) target(%dma_start3A_350 : memref<10240x64xf32, #tpu.memory_space<vmem_shared>>) offsets(%dma_start3A_347 : memref<64xi32, #tpu.memory_space<vmem>>) semaphore(%arg29 : memref<!tpu.dma_semaphore, #tpu.memory_space<semaphore_mem>>) {add = true}
      %eq3A_351 = arith.constant 1 : i32
      %eq3A_352 = arith.cmpi eq, %arg0, %eq3A_351 : i32
      %convert_element_type3A_353 = arith.extui %eq3A_352 : i1 to i32
      %cond3A_354 = arith.constant 0 : i32
      %cond3A_355 = arith.cmpi ne, %convert_element_type3A_353, %cond3A_354 : i32
      scf.if %cond3A_355 {
        %dma_start3A_443 = arith.constant 1 : i32
        %dma_start3A_444 = arith.constant 0 : i32
        %dma_start3A_445 = tpu.memref_slice %arg11[%dma_start3A_443, %dma_start3A_444] : memref<4x64xi32, #tpu.memory_space<vmem>> -> memref<1x64xi32, #tpu.memory_space<vmem>>
        %dma_start3A_446 = tpu.memref_squeeze %dma_start3A_445 : memref<1x64xi32, #tpu.memory_space<vmem>> -> memref<64xi32, #tpu.memory_space<vmem>>
        %dma_start3A_447 = arith.constant 0 : i32
        %dma_start3A_448 = arith.constant 0 : i32
        %dma_start3A_449 = tpu.memref_slice %arg23[%dma_start3A_447, %dma_start3A_448] : memref<10240x16xf32, #tpu.memory_space<vmem_shared>> -> memref<10240x16xf32, #tpu.memory_space<vmem_shared>>
        tpu.enqueue_indirect_dma source(%arg20 : memref<64x16xf32, #tpu.memory_space<vmem>>) target(%dma_start3A_449 : memref<10240x16xf32, #tpu.memory_space<vmem_shared>>) offsets(%dma_start3A_446 : memref<64xi32, #tpu.memory_space<vmem>>) semaphore(%arg30 : memref<!tpu.dma_semaphore, #tpu.memory_space<semaphore_mem>>) {add = true}
      } else {
      }
      %dma_wait3A_356 = arith.constant 2 : i32
      %dma_wait3A_357 = arith.constant 0 : i32
      %dma_wait3A_358 = tpu.memref_slice %arg9[%dma_wait3A_356, %dma_wait3A_357] : memref<4x64xi32, #tpu.memory_space<vmem>> -> memref<1x64xi32, #tpu.memory_space<vmem>>
      %dma_wait3A_359 = tpu.memref_squeeze %dma_wait3A_358 : memref<1x64xi32, #tpu.memory_space<vmem>> -> memref<64xi32, #tpu.memory_space<vmem>>
      %dma_wait3A_360 = arith.constant 0 : i32
      %dma_wait3A_361 = arith.constant 0 : i32
      %dma_wait3A_362 = tpu.memref_slice %arg24[%dma_wait3A_360, %dma_wait3A_361] : memref<10240x64xf32, #tpu.memory_space<vmem_shared>> -> memref<10240x64xf32, #tpu.memory_space<vmem_shared>>
      tpu.wait_indirect_dma semaphore(%arg28 : memref<!tpu.dma_semaphore, #tpu.memory_space<semaphore_mem>>) src(%dma_wait3A_362 : memref<10240x64xf32, #tpu.memory_space<vmem_shared>>) dst(%arg18 : memref<64x64xf32, #tpu.memory_space<vmem>>)
      %dma_start3A_363 = arith.constant 2 : i32
      %dma_start3A_364 = arith.constant 0 : i32
      %dma_start3A_365 = tpu.memref_slice %arg11[%dma_start3A_363, %dma_start3A_364] : memref<4x64xi32, #tpu.memory_space<vmem>> -> memref<1x64xi32, #tpu.memory_space<vmem>>
      %dma_start3A_366 = tpu.memref_squeeze %dma_start3A_365 : memref<1x64xi32, #tpu.memory_space<vmem>> -> memref<64xi32, #tpu.memory_space<vmem>>
      %dma_start3A_367 = arith.constant 0 : i32
      %dma_start3A_368 = arith.constant 0 : i32
      %dma_start3A_369 = tpu.memref_slice %arg22[%dma_start3A_367, %dma_start3A_368] : memref<10240x64xf32, #tpu.memory_space<vmem_shared>> -> memref<10240x64xf32, #tpu.memory_space<vmem_shared>>
      tpu.enqueue_indirect_dma source(%arg18 : memref<64x64xf32, #tpu.memory_space<vmem>>) target(%dma_start3A_369 : memref<10240x64xf32, #tpu.memory_space<vmem_shared>>) offsets(%dma_start3A_366 : memref<64xi32, #tpu.memory_space<vmem>>) semaphore(%arg29 : memref<!tpu.dma_semaphore, #tpu.memory_space<semaphore_mem>>) {add = true}
      %eq3A_370 = arith.constant 0 : i32
      %eq3A_371 = arith.cmpi eq, %arg0, %eq3A_370 : i32
      %convert_element_type3A_372 = arith.extui %eq3A_371 : i1 to i32
      %cond3A_373 = arith.constant 0 : i32
      %cond3A_374 = arith.cmpi ne, %convert_element_type3A_372, %cond3A_373 : i32
      scf.if %cond3A_374 {
        %dma_start3A_443 = arith.constant 2 : i32
        %dma_start3A_444 = arith.constant 0 : i32
        %dma_start3A_445 = tpu.memref_slice %arg11[%dma_start3A_443, %dma_start3A_444] : memref<4x64xi32, #tpu.memory_space<vmem>> -> memref<1x64xi32, #tpu.memory_space<vmem>>
        %dma_start3A_446 = tpu.memref_squeeze %dma_start3A_445 : memref<1x64xi32, #tpu.memory_space<vmem>> -> memref<64xi32, #tpu.memory_space<vmem>>
        %dma_start3A_447 = arith.constant 0 : i32
        %dma_start3A_448 = arith.constant 0 : i32
        %dma_start3A_449 = tpu.memref_slice %arg23[%dma_start3A_447, %dma_start3A_448] : memref<10240x16xf32, #tpu.memory_space<vmem_shared>> -> memref<10240x16xf32, #tpu.memory_space<vmem_shared>>
        tpu.enqueue_indirect_dma source(%arg20 : memref<64x16xf32, #tpu.memory_space<vmem>>) target(%dma_start3A_449 : memref<10240x16xf32, #tpu.memory_space<vmem_shared>>) offsets(%dma_start3A_446 : memref<64xi32, #tpu.memory_space<vmem>>) semaphore(%arg30 : memref<!tpu.dma_semaphore, #tpu.memory_space<semaphore_mem>>) {add = true}
      } else {
      }
      %dma_wait3A_375 = arith.constant 3 : i32
      %dma_wait3A_376 = arith.constant 0 : i32
      %dma_wait3A_377 = tpu.memref_slice %arg9[%dma_wait3A_375, %dma_wait3A_376] : memref<4x64xi32, #tpu.memory_space<vmem>> -> memref<1x64xi32, #tpu.memory_space<vmem>>
      %dma_wait3A_378 = tpu.memref_squeeze %dma_wait3A_377 : memref<1x64xi32, #tpu.memory_space<vmem>> -> memref<64xi32, #tpu.memory_space<vmem>>
      %dma_wait3A_379 = arith.constant 0 : i32
      %dma_wait3A_380 = arith.constant 0 : i32
      %dma_wait3A_381 = tpu.memref_slice %arg24[%dma_wait3A_379, %dma_wait3A_380] : memref<10240x64xf32, #tpu.memory_space<vmem_shared>> -> memref<10240x64xf32, #tpu.memory_space<vmem_shared>>
      tpu.wait_indirect_dma semaphore(%arg28 : memref<!tpu.dma_semaphore, #tpu.memory_space<semaphore_mem>>) src(%dma_wait3A_381 : memref<10240x64xf32, #tpu.memory_space<vmem_shared>>) dst(%arg19 : memref<64x64xf32, #tpu.memory_space<vmem>>)
      %dma_start3A_382 = arith.constant 3 : i32
      %dma_start3A_383 = arith.constant 0 : i32
      %dma_start3A_384 = tpu.memref_slice %arg11[%dma_start3A_382, %dma_start3A_383] : memref<4x64xi32, #tpu.memory_space<vmem>> -> memref<1x64xi32, #tpu.memory_space<vmem>>
      %dma_start3A_385 = tpu.memref_squeeze %dma_start3A_384 : memref<1x64xi32, #tpu.memory_space<vmem>> -> memref<64xi32, #tpu.memory_space<vmem>>
      %dma_start3A_386 = arith.constant 0 : i32
      %dma_start3A_387 = arith.constant 0 : i32
      %dma_start3A_388 = tpu.memref_slice %arg22[%dma_start3A_386, %dma_start3A_387] : memref<10240x64xf32, #tpu.memory_space<vmem_shared>> -> memref<10240x64xf32, #tpu.memory_space<vmem_shared>>
      tpu.enqueue_indirect_dma source(%arg19 : memref<64x64xf32, #tpu.memory_space<vmem>>) target(%dma_start3A_388 : memref<10240x64xf32, #tpu.memory_space<vmem_shared>>) offsets(%dma_start3A_385 : memref<64xi32, #tpu.memory_space<vmem>>) semaphore(%arg29 : memref<!tpu.dma_semaphore, #tpu.memory_space<semaphore_mem>>) {add = true}
      %eq3A_389 = arith.constant 1 : i32
      %eq3A_390 = arith.cmpi eq, %arg0, %eq3A_389 : i32
      %convert_element_type3A_391 = arith.extui %eq3A_390 : i1 to i32
      %cond3A_392 = arith.constant 0 : i32
      %cond3A_393 = arith.cmpi ne, %convert_element_type3A_391, %cond3A_392 : i32
      scf.if %cond3A_393 {
        %dma_start3A_443 = arith.constant 3 : i32
        %dma_start3A_444 = arith.constant 0 : i32
        %dma_start3A_445 = tpu.memref_slice %arg11[%dma_start3A_443, %dma_start3A_444] : memref<4x64xi32, #tpu.memory_space<vmem>> -> memref<1x64xi32, #tpu.memory_space<vmem>>
        %dma_start3A_446 = tpu.memref_squeeze %dma_start3A_445 : memref<1x64xi32, #tpu.memory_space<vmem>> -> memref<64xi32, #tpu.memory_space<vmem>>
        %dma_start3A_447 = arith.constant 0 : i32
        %dma_start3A_448 = arith.constant 0 : i32
        %dma_start3A_449 = tpu.memref_slice %arg23[%dma_start3A_447, %dma_start3A_448] : memref<10240x16xf32, #tpu.memory_space<vmem_shared>> -> memref<10240x16xf32, #tpu.memory_space<vmem_shared>>
        tpu.enqueue_indirect_dma source(%arg20 : memref<64x16xf32, #tpu.memory_space<vmem>>) target(%dma_start3A_449 : memref<10240x16xf32, #tpu.memory_space<vmem_shared>>) offsets(%dma_start3A_446 : memref<64xi32, #tpu.memory_space<vmem>>) semaphore(%arg30 : memref<!tpu.dma_semaphore, #tpu.memory_space<semaphore_mem>>) {add = true}
      } else {
      }
      %dma_wait3A_394 = arith.constant 0 : i32
      %dma_wait3A_395 = arith.constant 0 : i32
      %dma_wait3A_396 = tpu.memref_slice %arg11[%dma_wait3A_394, %dma_wait3A_395] : memref<4x64xi32, #tpu.memory_space<vmem>> -> memref<1x64xi32, #tpu.memory_space<vmem>>
      %dma_wait3A_397 = tpu.memref_squeeze %dma_wait3A_396 : memref<1x64xi32, #tpu.memory_space<vmem>> -> memref<64xi32, #tpu.memory_space<vmem>>
      %dma_wait3A_398 = arith.constant 0 : i32
      %dma_wait3A_399 = arith.constant 0 : i32
      %dma_wait3A_400 = tpu.memref_slice %arg22[%dma_wait3A_398, %dma_wait3A_399] : memref<10240x64xf32, #tpu.memory_space<vmem_shared>> -> memref<10240x64xf32, #tpu.memory_space<vmem_shared>>
      tpu.wait_indirect_dma semaphore(%arg29 : memref<!tpu.dma_semaphore, #tpu.memory_space<semaphore_mem>>) src(%arg16 : memref<64x64xf32, #tpu.memory_space<vmem>>) dst(%dma_wait3A_400 : memref<10240x64xf32, #tpu.memory_space<vmem_shared>>)
      %dma_wait3A_401 = arith.constant 1 : i32
      %dma_wait3A_402 = arith.constant 0 : i32
      %dma_wait3A_403 = tpu.memref_slice %arg11[%dma_wait3A_401, %dma_wait3A_402] : memref<4x64xi32, #tpu.memory_space<vmem>> -> memref<1x64xi32, #tpu.memory_space<vmem>>
      %dma_wait3A_404 = tpu.memref_squeeze %dma_wait3A_403 : memref<1x64xi32, #tpu.memory_space<vmem>> -> memref<64xi32, #tpu.memory_space<vmem>>
      %dma_wait3A_405 = arith.constant 0 : i32
      %dma_wait3A_406 = arith.constant 0 : i32
      %dma_wait3A_407 = tpu.memref_slice %arg22[%dma_wait3A_405, %dma_wait3A_406] : memref<10240x64xf32, #tpu.memory_space<vmem_shared>> -> memref<10240x64xf32, #tpu.memory_space<vmem_shared>>
      tpu.wait_indirect_dma semaphore(%arg29 : memref<!tpu.dma_semaphore, #tpu.memory_space<semaphore_mem>>) src(%arg17 : memref<64x64xf32, #tpu.memory_space<vmem>>) dst(%dma_wait3A_407 : memref<10240x64xf32, #tpu.memory_space<vmem_shared>>)
      %dma_wait3A_408 = arith.constant 2 : i32
      %dma_wait3A_409 = arith.constant 0 : i32
      %dma_wait3A_410 = tpu.memref_slice %arg11[%dma_wait3A_408, %dma_wait3A_409] : memref<4x64xi32, #tpu.memory_space<vmem>> -> memref<1x64xi32, #tpu.memory_space<vmem>>
      %dma_wait3A_411 = tpu.memref_squeeze %dma_wait3A_410 : memref<1x64xi32, #tpu.memory_space<vmem>> -> memref<64xi32, #tpu.memory_space<vmem>>
      %dma_wait3A_412 = arith.constant 0 : i32
      %dma_wait3A_413 = arith.constant 0 : i32
      %dma_wait3A_414 = tpu.memref_slice %arg22[%dma_wait3A_412, %dma_wait3A_413] : memref<10240x64xf32, #tpu.memory_space<vmem_shared>> -> memref<10240x64xf32, #tpu.memory_space<vmem_shared>>
      tpu.wait_indirect_dma semaphore(%arg29 : memref<!tpu.dma_semaphore, #tpu.memory_space<semaphore_mem>>) src(%arg18 : memref<64x64xf32, #tpu.memory_space<vmem>>) dst(%dma_wait3A_414 : memref<10240x64xf32, #tpu.memory_space<vmem_shared>>)
      %dma_wait3A_415 = arith.constant 3 : i32
      %dma_wait3A_416 = arith.constant 0 : i32
      %dma_wait3A_417 = tpu.memref_slice %arg11[%dma_wait3A_415, %dma_wait3A_416] : memref<4x64xi32, #tpu.memory_space<vmem>> -> memref<1x64xi32, #tpu.memory_space<vmem>>
      %dma_wait3A_418 = tpu.memref_squeeze %dma_wait3A_417 : memref<1x64xi32, #tpu.memory_space<vmem>> -> memref<64xi32, #tpu.memory_space<vmem>>
      %dma_wait3A_419 = arith.constant 0 : i32
      %dma_wait3A_420 = arith.constant 0 : i32
      %dma_wait3A_421 = tpu.memref_slice %arg22[%dma_wait3A_419, %dma_wait3A_420] : memref<10240x64xf32, #tpu.memory_space<vmem_shared>> -> memref<10240x64xf32, #tpu.memory_space<vmem_shared>>
      tpu.wait_indirect_dma semaphore(%arg29 : memref<!tpu.dma_semaphore, #tpu.memory_space<semaphore_mem>>) src(%arg19 : memref<64x64xf32, #tpu.memory_space<vmem>>) dst(%dma_wait3A_421 : memref<10240x64xf32, #tpu.memory_space<vmem_shared>>)
      %dma_wait3A_422 = arith.constant 0 : i32
      %dma_wait3A_423 = arith.constant 0 : i32
      %dma_wait3A_424 = tpu.memref_slice %arg11[%dma_wait3A_422, %dma_wait3A_423] : memref<4x64xi32, #tpu.memory_space<vmem>> -> memref<1x64xi32, #tpu.memory_space<vmem>>
      %dma_wait3A_425 = tpu.memref_squeeze %dma_wait3A_424 : memref<1x64xi32, #tpu.memory_space<vmem>> -> memref<64xi32, #tpu.memory_space<vmem>>
      %dma_wait3A_426 = arith.constant 0 : i32
      %dma_wait3A_427 = arith.constant 0 : i32
      %dma_wait3A_428 = tpu.memref_slice %arg23[%dma_wait3A_426, %dma_wait3A_427] : memref<10240x16xf32, #tpu.memory_space<vmem_shared>> -> memref<10240x16xf32, #tpu.memory_space<vmem_shared>>
      tpu.wait_indirect_dma semaphore(%arg30 : memref<!tpu.dma_semaphore, #tpu.memory_space<semaphore_mem>>) src(%arg20 : memref<64x16xf32, #tpu.memory_space<vmem>>) dst(%dma_wait3A_428 : memref<10240x16xf32, #tpu.memory_space<vmem_shared>>)
      %dma_wait3A_429 = arith.constant 0 : i32
      %dma_wait3A_430 = arith.constant 0 : i32
      %dma_wait3A_431 = tpu.memref_slice %arg11[%dma_wait3A_429, %dma_wait3A_430] : memref<4x64xi32, #tpu.memory_space<vmem>> -> memref<1x64xi32, #tpu.memory_space<vmem>>
      %dma_wait3A_432 = tpu.memref_squeeze %dma_wait3A_431 : memref<1x64xi32, #tpu.memory_space<vmem>> -> memref<64xi32, #tpu.memory_space<vmem>>
      %dma_wait3A_433 = arith.constant 0 : i32
      %dma_wait3A_434 = arith.constant 0 : i32
      %dma_wait3A_435 = tpu.memref_slice %arg23[%dma_wait3A_433, %dma_wait3A_434] : memref<10240x16xf32, #tpu.memory_space<vmem_shared>> -> memref<10240x16xf32, #tpu.memory_space<vmem_shared>>
      tpu.wait_indirect_dma semaphore(%arg30 : memref<!tpu.dma_semaphore, #tpu.memory_space<semaphore_mem>>) src(%arg20 : memref<64x16xf32, #tpu.memory_space<vmem>>) dst(%dma_wait3A_435 : memref<10240x16xf32, #tpu.memory_space<vmem_shared>>)
      %add3A_436 = arith.constant 2 : i32
      %add3A_437 = arith.addi %add3A_310, %add3A_436 : i32
      %lt3A_438 = arith.constant 80 : i32
      %lt3A_439 = arith.cmpi slt, %add3A_437, %lt3A_438 : i32
      %convert_element_type3A_440 = arith.extui %lt3A_439 : i1 to i32
      %cond3A_441 = arith.constant 0 : i32
      %cond3A_442 = arith.cmpi ne, %convert_element_type3A_440, %cond3A_441 : i32
      scf.if %cond3A_442 {
        %add3A_443 = arith.constant 2 : i32
        %add3A_444 = arith.addi %add3A_310, %add3A_443 : i32
        %dma_start3A_445 = arith.constant 0 : i32
        %dma_start3A_446 = arith.constant 0 : i32
        %dma_start3A_447 = tpu.memref_slice %arg3[%arg1, %add3A_444, %dma_start3A_445, %dma_start3A_446] : memref<16x80x4x64xi32, #tpu.memory_space<hbm>> -> memref<1x1x4x64xi32, #tpu.memory_space<hbm>>
        %dma_start3A_448 = tpu.memref_squeeze %dma_start3A_447 : memref<1x1x4x64xi32, #tpu.memory_space<hbm>> -> memref<4x64xi32, #tpu.memory_space<hbm>>
        %dma_start3A_449 = arith.constant 0 : i32
        %dma_start3A_450 = arith.constant 0 : i32
        %dma_start3A_451 = tpu.memref_slice %arg3[%arg1, %add3A_444, %dma_start3A_449, %dma_start3A_450] : memref<16x80x4x64xi32, #tpu.memory_space<hbm>> -> memref<1x1x4x64xi32, #tpu.memory_space<hbm>>
        %dma_start3A_452 = tpu.memref_squeeze %dma_start3A_451 : memref<1x1x4x64xi32, #tpu.memory_space<hbm>> -> memref<4x64xi32, #tpu.memory_space<hbm>>
        tpu.enqueue_dma source(%dma_start3A_452 : memref<4x64xi32, #tpu.memory_space<hbm>>) target(%arg9 : memref<4x64xi32, #tpu.memory_space<vmem>>) target_semaphore(%arg26 : memref<!tpu.dma_semaphore, #tpu.memory_space<semaphore_mem>>)
        %add3A_453 = arith.constant 2 : i32
        %add3A_454 = arith.addi %add3A_310, %add3A_453 : i32
        %dma_start3A_455 = arith.constant 0 : i32
        %dma_start3A_456 = arith.constant 0 : i32
        %dma_start3A_457 = tpu.memref_slice %arg4[%arg1, %add3A_454, %dma_start3A_455, %dma_start3A_456] : memref<16x80x4x64xi32, #tpu.memory_space<hbm>> -> memref<1x1x4x64xi32, #tpu.memory_space<hbm>>
        %dma_start3A_458 = tpu.memref_squeeze %dma_start3A_457 : memref<1x1x4x64xi32, #tpu.memory_space<hbm>> -> memref<4x64xi32, #tpu.memory_space<hbm>>
        %dma_start3A_459 = arith.constant 0 : i32
        %dma_start3A_460 = arith.constant 0 : i32
        %dma_start3A_461 = tpu.memref_slice %arg4[%arg1, %add3A_454, %dma_start3A_459, %dma_start3A_460] : memref<16x80x4x64xi32, #tpu.memory_space<hbm>> -> memref<1x1x4x64xi32, #tpu.memory_space<hbm>>
        %dma_start3A_462 = tpu.memref_squeeze %dma_start3A_461 : memref<1x1x4x64xi32, #tpu.memory_space<hbm>> -> memref<4x64xi32, #tpu.memory_space<hbm>>
        tpu.enqueue_dma source(%dma_start3A_462 : memref<4x64xi32, #tpu.memory_space<hbm>>) target(%arg11 : memref<4x64xi32, #tpu.memory_space<vmem>>) target_semaphore(%arg26 : memref<!tpu.dma_semaphore, #tpu.memory_space<semaphore_mem>>)
      } else {
      }
    }
    %scan3A_159 = arith.constant 40 : i32
    %barrier3A_160 = arith.constant 0 : index
    tpu.barrier barrier_id(%barrier3A_160)
    %mul3A_161 = arith.constant 640 : i32
    %mul3A_162 = arith.muli %arg1, %mul3A_161 : i32
    %eq3A_163 = arith.constant 0 : i32
    %eq3A_164 = arith.cmpi eq, %arg0, %eq3A_163 : i32
    %convert_element_type3A_165 = arith.extui %eq3A_164 : i1 to i32
    %cond3A_166 = arith.constant 0 : i32
    %cond3A_167 = arith.cmpi ne, %convert_element_type3A_165, %cond3A_166 : i32
    scf.if %cond3A_167 {
      "tpu.region"() ({
        %run_scoped3A_173 = tpu.sem_alloc : memref<!tpu.dma_semaphore, #tpu.memory_space<semaphore_mem>>
        %dma_start3A_174 = arith.constant 0 : i32
        %dma_start3A_175 = tpu.memref_slice %arg5[%mul3A_162, %dma_start3A_174] : memref<10240x64xf32, #tpu.memory_space<hbm>> -> memref<640x64xf32, #tpu.memory_space<hbm>>
        %dma_start3A_176 = arith.constant 0 : i32
        %dma_start3A_177 = tpu.memref_slice %arg22[%mul3A_162, %dma_start3A_176] : memref<10240x64xf32, #tpu.memory_space<vmem_shared>> -> memref<640x64xf32, #tpu.memory_space<vmem_shared>>
        tpu.enqueue_dma source(%dma_start3A_177 : memref<640x64xf32, #tpu.memory_space<vmem_shared>>) target(%dma_start3A_175 : memref<640x64xf32, #tpu.memory_space<hbm>>) target_semaphore(%run_scoped3A_173 : memref<!tpu.dma_semaphore, #tpu.memory_space<semaphore_mem>>)
        %dma_wait3A = arith.constant 0 : i32
        %dma_wait3A_178 = tpu.memref_slice %arg5[%mul3A_162, %dma_wait3A] : memref<10240x64xf32, #tpu.memory_space<hbm>> -> memref<640x64xf32, #tpu.memory_space<hbm>>
        %dma_wait3A_179 = arith.constant 0 : i32
        %dma_wait3A_180 = tpu.memref_slice %arg22[%mul3A_162, %dma_wait3A_179] : memref<10240x64xf32, #tpu.memory_space<vmem_shared>> -> memref<640x64xf32, #tpu.memory_space<vmem_shared>>
        tpu.wait_dma2 semaphore(%run_scoped3A_173 : memref<!tpu.dma_semaphore, #tpu.memory_space<semaphore_mem>>) src(%dma_wait3A_180 : memref<640x64xf32, #tpu.memory_space<vmem_shared>>) dst(%dma_wait3A_178 : memref<640x64xf32, #tpu.memory_space<hbm>>)
        tpu.yield
      }) : () -> ()
    } else {
    }
    %eq3A_168 = arith.constant 1 : i32
    %eq3A_169 = arith.cmpi eq, %arg0, %eq3A_168 : i32
    %convert_element_type3A_170 = arith.extui %eq3A_169 : i1 to i32
    %cond3A_171 = arith.constant 0 : i32
    %cond3A_172 = arith.cmpi ne, %convert_element_type3A_170, %cond3A_171 : i32
    scf.if %cond3A_172 {
      "tpu.region"() ({
        %run_scoped3A_173 = tpu.sem_alloc : memref<!tpu.dma_semaphore, #tpu.memory_space<semaphore_mem>>
        %dma_start3A_174 = arith.constant 0 : i32
        %dma_start3A_175 = tpu.memref_slice %arg6[%mul3A_162, %dma_start3A_174] : memref<10240x64xf32, #tpu.memory_space<hbm>> -> memref<640x64xf32, #tpu.memory_space<hbm>>
        %dma_start3A_176 = arith.constant 0 : i32
        %dma_start3A_177 = tpu.memref_slice %arg22[%mul3A_162, %dma_start3A_176] : memref<10240x64xf32, #tpu.memory_space<vmem_shared>> -> memref<640x64xf32, #tpu.memory_space<vmem_shared>>
        tpu.enqueue_dma source(%dma_start3A_177 : memref<640x64xf32, #tpu.memory_space<vmem_shared>>) target(%dma_start3A_175 : memref<640x64xf32, #tpu.memory_space<hbm>>) target_semaphore(%run_scoped3A_173 : memref<!tpu.dma_semaphore, #tpu.memory_space<semaphore_mem>>)
        %dma_wait3A = arith.constant 0 : i32
        %dma_wait3A_178 = tpu.memref_slice %arg6[%mul3A_162, %dma_wait3A] : memref<10240x64xf32, #tpu.memory_space<hbm>> -> memref<640x64xf32, #tpu.memory_space<hbm>>
        %dma_wait3A_179 = arith.constant 0 : i32
        %dma_wait3A_180 = tpu.memref_slice %arg22[%mul3A_162, %dma_wait3A_179] : memref<10240x64xf32, #tpu.memory_space<vmem_shared>> -> memref<640x64xf32, #tpu.memory_space<vmem_shared>>
        tpu.wait_dma2 semaphore(%run_scoped3A_173 : memref<!tpu.dma_semaphore, #tpu.memory_space<semaphore_mem>>) src(%dma_wait3A_180 : memref<640x64xf32, #tpu.memory_space<vmem_shared>>) dst(%dma_wait3A_178 : memref<640x64xf32, #tpu.memory_space<hbm>>)
        tpu.yield
      }) : () -> ()
    } else {
    }
    "tpu.region"() ({
      %run_scoped3A_173 = tpu.sem_alloc : memref<!tpu.dma_semaphore, #tpu.memory_space<semaphore_mem>>
      %dma_start3A_174 = arith.constant 0 : i32
      %dma_start3A_175 = tpu.memref_slice %arg7[%arg0, %mul3A_162, %dma_start3A_174] : memref<2x10240x16xf32, #tpu.memory_space<hbm>> -> memref<1x640x16xf32, #tpu.memory_space<hbm>>
      %dma_start3A_176 = tpu.memref_squeeze %dma_start3A_175 : memref<1x640x16xf32, #tpu.memory_space<hbm>> -> memref<640x16xf32, #tpu.memory_space<hbm>>
      %dma_start3A_177 = arith.constant 0 : i32
      %dma_start3A_178 = tpu.memref_slice %arg23[%mul3A_162, %dma_start3A_177] : memref<10240x16xf32, #tpu.memory_space<vmem_shared>> -> memref<640x16xf32, #tpu.memory_space<vmem_shared>>
      tpu.enqueue_dma source(%dma_start3A_178 : memref<640x16xf32, #tpu.memory_space<vmem_shared>>) target(%dma_start3A_176 : memref<640x16xf32, #tpu.memory_space<hbm>>) target_semaphore(%run_scoped3A_173 : memref<!tpu.dma_semaphore, #tpu.memory_space<semaphore_mem>>)
      %dma_wait3A = arith.constant 0 : i32
      %dma_wait3A_179 = tpu.memref_slice %arg7[%arg0, %mul3A_162, %dma_wait3A] : memref<2x10240x16xf32, #tpu.memory_space<hbm>> -> memref<1x640x16xf32, #tpu.memory_space<hbm>>
      %dma_wait3A_180 = tpu.memref_squeeze %dma_wait3A_179 : memref<1x640x16xf32, #tpu.memory_space<hbm>> -> memref<640x16xf32, #tpu.memory_space<hbm>>
      %dma_wait3A_181 = arith.constant 0 : i32
      %dma_wait3A_182 = tpu.memref_slice %arg23[%mul3A_162, %dma_wait3A_181] : memref<10240x16xf32, #tpu.memory_space<vmem_shared>> -> memref<640x16xf32, #tpu.memory_space<vmem_shared>>
      tpu.wait_dma2 semaphore(%run_scoped3A_173 : memref<!tpu.dma_semaphore, #tpu.memory_space<semaphore_mem>>) src(%dma_wait3A_182 : memref<640x16xf32, #tpu.memory_space<vmem_shared>>) dst(%dma_wait3A_180 : memref<640x16xf32, #tpu.memory_space<hbm>>)
      tpu.yield
    }) : () -> ()
    return
  }
}

#map = affine_map<(d0, d1) -> (0, 0)>
#map1 = affine_map<(d0, d1) -> (0, 0, 0)>
module attributes {stable_mosaic.version = 14 : i64} {
  func.func @_sc_pass2(%arg0: i32, %arg1: i32, %arg2: memref<10000x16xf32, #tpu.memory_space<hbm>>, %arg3: memref<2560x128xi32, #tpu.memory_space<hbm>>, %arg4: memref<2560x128xi32, #tpu.memory_space<hbm>>, %arg5: memref<2x10240x16xf32, #tpu.memory_space<hbm>>, %arg6: memref<80x128xi32, #tpu.memory_space<vmem>>, %arg7: memref<80x128xi32, #tpu.memory_space<vmem>>, %arg8: memref<128x16xf32, #tpu.memory_space<vmem>>, %arg9: memref<128x16xf32, #tpu.memory_space<vmem>>, %arg10: memref<128x16xf32, #tpu.memory_space<vmem>>, %arg11: memref<128x16xf32, #tpu.memory_space<vmem>>, %arg12: memref<128x16xf32, #tpu.memory_space<vmem>>, %arg13: memref<128x16xf32, #tpu.memory_space<vmem>>, %arg14: memref<128x16xf32, #tpu.memory_space<vmem>>, %arg15: memref<128x16xf32, #tpu.memory_space<vmem>>, %arg16: memref<10240x16xf32, #tpu.memory_space<vmem_shared>>, %arg17: memref<10240x16xf32, #tpu.memory_space<vmem_shared>>, %arg18: memref<!tpu.dma_semaphore, #tpu.memory_space<semaphore_mem>>, %arg19: memref<!tpu.dma_semaphore, #tpu.memory_space<semaphore_mem>>) attributes {dimension_semantics = [#tpu.dimension_semantics<core_parallel>, #tpu.dimension_semantics<subcore_parallel>], iteration_bounds = array<i64: 2, 16>, scalar_prefetch = 0 : i64, scratch_operands = 14 : i64, tpu.core_type = #tpu.core_type<sc_vector_subcore>, window_params = [{transform_indices = #map}, {transform_indices = #map}, {transform_indices = #map}, {transform_indices = #map1}]} {
    %mul3A = arith.constant 2 : i32
    %mul3A_0 = arith.muli %arg1, %mul3A : i32
    %add3A = arith.addi %mul3A_0, %arg0 : i32
    %mul3A_1 = arith.constant 80 : i32
    %mul3A_2 = arith.muli %add3A, %mul3A_1 : i32
    "tpu.region"() ({
      %run_scoped3A = tpu.sem_alloc : memref<!tpu.dma_semaphore, #tpu.memory_space<semaphore_mem>>
      %dma_start3A_101 = arith.constant 0 : i32
      %dma_start3A_102 = tpu.memref_slice %arg3[%mul3A_2, %dma_start3A_101] : memref<2560x128xi32, #tpu.memory_space<hbm>> -> memref<80x128xi32, #tpu.memory_space<hbm>>
      %dma_start3A_103 = arith.constant 0 : i32
      %dma_start3A_104 = tpu.memref_slice %arg3[%mul3A_2, %dma_start3A_103] : memref<2560x128xi32, #tpu.memory_space<hbm>> -> memref<80x128xi32, #tpu.memory_space<hbm>>
      tpu.enqueue_dma source(%dma_start3A_104 : memref<80x128xi32, #tpu.memory_space<hbm>>) target(%arg6 : memref<80x128xi32, #tpu.memory_space<vmem>>) target_semaphore(%run_scoped3A : memref<!tpu.dma_semaphore, #tpu.memory_space<semaphore_mem>>)
      %dma_wait3A = arith.constant 0 : i32
      %dma_wait3A_105 = tpu.memref_slice %arg3[%mul3A_2, %dma_wait3A] : memref<2560x128xi32, #tpu.memory_space<hbm>> -> memref<80x128xi32, #tpu.memory_space<hbm>>
      %dma_wait3A_106 = arith.constant 0 : i32
      %dma_wait3A_107 = tpu.memref_slice %arg3[%mul3A_2, %dma_wait3A_106] : memref<2560x128xi32, #tpu.memory_space<hbm>> -> memref<80x128xi32, #tpu.memory_space<hbm>>
      tpu.wait_dma2 semaphore(%run_scoped3A : memref<!tpu.dma_semaphore, #tpu.memory_space<semaphore_mem>>) src(%dma_wait3A_107 : memref<80x128xi32, #tpu.memory_space<hbm>>) dst(%arg6 : memref<80x128xi32, #tpu.memory_space<vmem>>)
      tpu.yield
    }) : () -> ()
    %mul3A_3 = arith.constant 80 : i32
    %mul3A_4 = arith.muli %add3A, %mul3A_3 : i32
    "tpu.region"() ({
      %run_scoped3A = tpu.sem_alloc : memref<!tpu.dma_semaphore, #tpu.memory_space<semaphore_mem>>
      %dma_start3A_101 = arith.constant 0 : i32
      %dma_start3A_102 = tpu.memref_slice %arg4[%mul3A_4, %dma_start3A_101] : memref<2560x128xi32, #tpu.memory_space<hbm>> -> memref<80x128xi32, #tpu.memory_space<hbm>>
      %dma_start3A_103 = arith.constant 0 : i32
      %dma_start3A_104 = tpu.memref_slice %arg4[%mul3A_4, %dma_start3A_103] : memref<2560x128xi32, #tpu.memory_space<hbm>> -> memref<80x128xi32, #tpu.memory_space<hbm>>
      tpu.enqueue_dma source(%dma_start3A_104 : memref<80x128xi32, #tpu.memory_space<hbm>>) target(%arg7 : memref<80x128xi32, #tpu.memory_space<vmem>>) target_semaphore(%run_scoped3A : memref<!tpu.dma_semaphore, #tpu.memory_space<semaphore_mem>>)
      %dma_wait3A = arith.constant 0 : i32
      %dma_wait3A_105 = tpu.memref_slice %arg4[%mul3A_4, %dma_wait3A] : memref<2560x128xi32, #tpu.memory_space<hbm>> -> memref<80x128xi32, #tpu.memory_space<hbm>>
      %dma_wait3A_106 = arith.constant 0 : i32
      %dma_wait3A_107 = tpu.memref_slice %arg4[%mul3A_4, %dma_wait3A_106] : memref<2560x128xi32, #tpu.memory_space<hbm>> -> memref<80x128xi32, #tpu.memory_space<hbm>>
      tpu.wait_dma2 semaphore(%run_scoped3A : memref<!tpu.dma_semaphore, #tpu.memory_space<semaphore_mem>>) src(%dma_wait3A_107 : memref<80x128xi32, #tpu.memory_space<hbm>>) dst(%arg7 : memref<80x128xi32, #tpu.memory_space<vmem>>)
      tpu.yield
    }) : () -> ()
    %lt3A = arith.constant 15 : i32
    %lt3A_5 = arith.cmpi slt, %arg1, %lt3A : i32
    %convert_element_type3A = arith.extui %lt3A_5 : i1 to i32
    %cond3A = arith.constant 0 : i32
    %cond3A_6 = arith.cmpi ne, %convert_element_type3A, %cond3A : i32
    scf.if %cond3A_6 {
      %mul3A_101 = arith.constant 640 : i32
      %mul3A_102 = arith.muli %arg1, %mul3A_101 : i32
      %add3A_103 = arith.constant 0 : i32
      %add3A_104 = arith.addi %mul3A_102, %add3A_103 : i32
      "tpu.region"() ({
        %run_scoped3A = tpu.sem_alloc : memref<!tpu.dma_semaphore, #tpu.memory_space<semaphore_mem>>
        %dma_start3A_121 = arith.constant 0 : i32
        %dma_start3A_122 = tpu.memref_slice %arg2[%add3A_104, %dma_start3A_121] : memref<10000x16xf32, #tpu.memory_space<hbm>> -> memref<128x16xf32, #tpu.memory_space<hbm>>
        %dma_start3A_123 = arith.constant 0 : i32
        %dma_start3A_124 = tpu.memref_slice %arg2[%add3A_104, %dma_start3A_123] : memref<10000x16xf32, #tpu.memory_space<hbm>> -> memref<128x16xf32, #tpu.memory_space<hbm>>
        tpu.enqueue_dma source(%dma_start3A_124 : memref<128x16xf32, #tpu.memory_space<hbm>>) target(%arg9 : memref<128x16xf32, #tpu.memory_space<vmem>>) target_semaphore(%run_scoped3A : memref<!tpu.dma_semaphore, #tpu.memory_space<semaphore_mem>>)
        %dma_wait3A = arith.constant 0 : i32
        %dma_wait3A_125 = tpu.memref_slice %arg2[%add3A_104, %dma_wait3A] : memref<10000x16xf32, #tpu.memory_space<hbm>> -> memref<128x16xf32, #tpu.memory_space<hbm>>
        %dma_wait3A_126 = arith.constant 0 : i32
        %dma_wait3A_127 = tpu.memref_slice %arg2[%add3A_104, %dma_wait3A_126] : memref<10000x16xf32, #tpu.memory_space<hbm>> -> memref<128x16xf32, #tpu.memory_space<hbm>>
        tpu.wait_dma2 semaphore(%run_scoped3A : memref<!tpu.dma_semaphore, #tpu.memory_space<semaphore_mem>>) src(%dma_wait3A_127 : memref<128x16xf32, #tpu.memory_space<hbm>>) dst(%arg9 : memref<128x16xf32, #tpu.memory_space<vmem>>)
        tpu.yield
      }) : () -> ()
      "tpu.region"() ({
        %run_scoped3A = tpu.sem_alloc : memref<!tpu.dma_semaphore, #tpu.memory_space<semaphore_mem>>
        %dma_start3A_121 = arith.constant 0 : i32
        %dma_start3A_122 = tpu.memref_slice %arg17[%add3A_104, %dma_start3A_121] : memref<10240x16xf32, #tpu.memory_space<vmem_shared>> -> memref<128x16xf32, #tpu.memory_space<vmem_shared>>
        %dma_start3A_123 = arith.constant 0 : i32
        %dma_start3A_124 = tpu.memref_slice %arg17[%add3A_104, %dma_start3A_123] : memref<10240x16xf32, #tpu.memory_space<vmem_shared>> -> memref<128x16xf32, #tpu.memory_space<vmem_shared>>
        tpu.enqueue_dma source(%arg9 : memref<128x16xf32, #tpu.memory_space<vmem>>) target(%dma_start3A_124 : memref<128x16xf32, #tpu.memory_space<vmem_shared>>) target_semaphore(%run_scoped3A : memref<!tpu.dma_semaphore, #tpu.memory_space<semaphore_mem>>)
        %dma_wait3A = arith.constant 0 : i32
        %dma_wait3A_125 = tpu.memref_slice %arg17[%add3A_104, %dma_wait3A] : memref<10240x16xf32, #tpu.memory_space<vmem_shared>> -> memref<128x16xf32, #tpu.memory_space<vmem_shared>>
        %dma_wait3A_126 = arith.constant 0 : i32
        %dma_wait3A_127 = tpu.memref_slice %arg17[%add3A_104, %dma_wait3A_126] : memref<10240x16xf32, #tpu.memory_space<vmem_shared>> -> memref<128x16xf32, #tpu.memory_space<vmem_shared>>
        tpu.wait_dma2 semaphore(%run_scoped3A : memref<!tpu.dma_semaphore, #tpu.memory_space<semaphore_mem>>) src(%arg9 : memref<128x16xf32, #tpu.memory_space<vmem>>) dst(%dma_wait3A_127 : memref<128x16xf32, #tpu.memory_space<vmem_shared>>)
        tpu.yield
      }) : () -> ()
      %mul3A_105 = arith.constant 640 : i32
      %mul3A_106 = arith.muli %arg1, %mul3A_105 : i32
      %add3A_107 = arith.constant 128 : i32
      %add3A_108 = arith.addi %mul3A_106, %add3A_107 : i32
      "tpu.region"() ({
        %run_scoped3A = tpu.sem_alloc : memref<!tpu.dma_semaphore, #tpu.memory_space<semaphore_mem>>
        %dma_start3A_121 = arith.constant 0 : i32
        %dma_start3A_122 = tpu.memref_slice %arg2[%add3A_108, %dma_start3A_121] : memref<10000x16xf32, #tpu.memory_space<hbm>> -> memref<128x16xf32, #tpu.memory_space<hbm>>
        %dma_start3A_123 = arith.constant 0 : i32
        %dma_start3A_124 = tpu.memref_slice %arg2[%add3A_108, %dma_start3A_123] : memref<10000x16xf32, #tpu.memory_space<hbm>> -> memref<128x16xf32, #tpu.memory_space<hbm>>
        tpu.enqueue_dma source(%dma_start3A_124 : memref<128x16xf32, #tpu.memory_space<hbm>>) target(%arg9 : memref<128x16xf32, #tpu.memory_space<vmem>>) target_semaphore(%run_scoped3A : memref<!tpu.dma_semaphore, #tpu.memory_space<semaphore_mem>>)
        %dma_wait3A = arith.constant 0 : i32
        %dma_wait3A_125 = tpu.memref_slice %arg2[%add3A_108, %dma_wait3A] : memref<10000x16xf32, #tpu.memory_space<hbm>> -> memref<128x16xf32, #tpu.memory_space<hbm>>
        %dma_wait3A_126 = arith.constant 0 : i32
        %dma_wait3A_127 = tpu.memref_slice %arg2[%add3A_108, %dma_wait3A_126] : memref<10000x16xf32, #tpu.memory_space<hbm>> -> memref<128x16xf32, #tpu.memory_space<hbm>>
        tpu.wait_dma2 semaphore(%run_scoped3A : memref<!tpu.dma_semaphore, #tpu.memory_space<semaphore_mem>>) src(%dma_wait3A_127 : memref<128x16xf32, #tpu.memory_space<hbm>>) dst(%arg9 : memref<128x16xf32, #tpu.memory_space<vmem>>)
        tpu.yield
      }) : () -> ()
      "tpu.region"() ({
        %run_scoped3A = tpu.sem_alloc : memref<!tpu.dma_semaphore, #tpu.memory_space<semaphore_mem>>
        %dma_start3A_121 = arith.constant 0 : i32
        %dma_start3A_122 = tpu.memref_slice %arg17[%add3A_108, %dma_start3A_121] : memref<10240x16xf32, #tpu.memory_space<vmem_shared>> -> memref<128x16xf32, #tpu.memory_space<vmem_shared>>
        %dma_start3A_123 = arith.constant 0 : i32
        %dma_start3A_124 = tpu.memref_slice %arg17[%add3A_108, %dma_start3A_123] : memref<10240x16xf32, #tpu.memory_space<vmem_shared>> -> memref<128x16xf32, #tpu.memory_space<vmem_shared>>
        tpu.enqueue_dma source(%arg9 : memref<128x16xf32, #tpu.memory_space<vmem>>) target(%dma_start3A_124 : memref<128x16xf32, #tpu.memory_space<vmem_shared>>) target_semaphore(%run_scoped3A : memref<!tpu.dma_semaphore, #tpu.memory_space<semaphore_mem>>)
        %dma_wait3A = arith.constant 0 : i32
        %dma_wait3A_125 = tpu.memref_slice %arg17[%add3A_108, %dma_wait3A] : memref<10240x16xf32, #tpu.memory_space<vmem_shared>> -> memref<128x16xf32, #tpu.memory_space<vmem_shared>>
        %dma_wait3A_126 = arith.constant 0 : i32
        %dma_wait3A_127 = tpu.memref_slice %arg17[%add3A_108, %dma_wait3A_126] : memref<10240x16xf32, #tpu.memory_space<vmem_shared>> -> memref<128x16xf32, #tpu.memory_space<vmem_shared>>
        tpu.wait_dma2 semaphore(%run_scoped3A : memref<!tpu.dma_semaphore, #tpu.memory_space<semaphore_mem>>) src(%arg9 : memref<128x16xf32, #tpu.memory_space<vmem>>) dst(%dma_wait3A_127 : memref<128x16xf32, #tpu.memory_space<vmem_shared>>)
        tpu.yield
      }) : () -> ()
      %mul3A_109 = arith.constant 640 : i32
      %mul3A_110 = arith.muli %arg1, %mul3A_109 : i32
      %add3A_111 = arith.constant 256 : i32
      %add3A_112 = arith.addi %mul3A_110, %add3A_111 : i32
      "tpu.region"() ({
        %run_scoped3A = tpu.sem_alloc : memref<!tpu.dma_semaphore, #tpu.memory_space<semaphore_mem>>
        %dma_start3A_121 = arith.constant 0 : i32
        %dma_start3A_122 = tpu.memref_slice %arg2[%add3A_112, %dma_start3A_121] : memref<10000x16xf32, #tpu.memory_space<hbm>> -> memref<128x16xf32, #tpu.memory_space<hbm>>
        %dma_start3A_123 = arith.constant 0 : i32
        %dma_start3A_124 = tpu.memref_slice %arg2[%add3A_112, %dma_start3A_123] : memref<10000x16xf32, #tpu.memory_space<hbm>> -> memref<128x16xf32, #tpu.memory_space<hbm>>
        tpu.enqueue_dma source(%dma_start3A_124 : memref<128x16xf32, #tpu.memory_space<hbm>>) target(%arg9 : memref<128x16xf32, #tpu.memory_space<vmem>>) target_semaphore(%run_scoped3A : memref<!tpu.dma_semaphore, #tpu.memory_space<semaphore_mem>>)
        %dma_wait3A = arith.constant 0 : i32
        %dma_wait3A_125 = tpu.memref_slice %arg2[%add3A_112, %dma_wait3A] : memref<10000x16xf32, #tpu.memory_space<hbm>> -> memref<128x16xf32, #tpu.memory_space<hbm>>
        %dma_wait3A_126 = arith.constant 0 : i32
        %dma_wait3A_127 = tpu.memref_slice %arg2[%add3A_112, %dma_wait3A_126] : memref<10000x16xf32, #tpu.memory_space<hbm>> -> memref<128x16xf32, #tpu.memory_space<hbm>>
        tpu.wait_dma2 semaphore(%run_scoped3A : memref<!tpu.dma_semaphore, #tpu.memory_space<semaphore_mem>>) src(%dma_wait3A_127 : memref<128x16xf32, #tpu.memory_space<hbm>>) dst(%arg9 : memref<128x16xf32, #tpu.memory_space<vmem>>)
        tpu.yield
      }) : () -> ()
      "tpu.region"() ({
        %run_scoped3A = tpu.sem_alloc : memref<!tpu.dma_semaphore, #tpu.memory_space<semaphore_mem>>
        %dma_start3A_121 = arith.constant 0 : i32
        %dma_start3A_122 = tpu.memref_slice %arg17[%add3A_112, %dma_start3A_121] : memref<10240x16xf32, #tpu.memory_space<vmem_shared>> -> memref<128x16xf32, #tpu.memory_space<vmem_shared>>
        %dma_start3A_123 = arith.constant 0 : i32
        %dma_start3A_124 = tpu.memref_slice %arg17[%add3A_112, %dma_start3A_123] : memref<10240x16xf32, #tpu.memory_space<vmem_shared>> -> memref<128x16xf32, #tpu.memory_space<vmem_shared>>
        tpu.enqueue_dma source(%arg9 : memref<128x16xf32, #tpu.memory_space<vmem>>) target(%dma_start3A_124 : memref<128x16xf32, #tpu.memory_space<vmem_shared>>) target_semaphore(%run_scoped3A : memref<!tpu.dma_semaphore, #tpu.memory_space<semaphore_mem>>)
        %dma_wait3A = arith.constant 0 : i32
        %dma_wait3A_125 = tpu.memref_slice %arg17[%add3A_112, %dma_wait3A] : memref<10240x16xf32, #tpu.memory_space<vmem_shared>> -> memref<128x16xf32, #tpu.memory_space<vmem_shared>>
        %dma_wait3A_126 = arith.constant 0 : i32
        %dma_wait3A_127 = tpu.memref_slice %arg17[%add3A_112, %dma_wait3A_126] : memref<10240x16xf32, #tpu.memory_space<vmem_shared>> -> memref<128x16xf32, #tpu.memory_space<vmem_shared>>
        tpu.wait_dma2 semaphore(%run_scoped3A : memref<!tpu.dma_semaphore, #tpu.memory_space<semaphore_mem>>) src(%arg9 : memref<128x16xf32, #tpu.memory_space<vmem>>) dst(%dma_wait3A_127 : memref<128x16xf32, #tpu.memory_space<vmem_shared>>)
        tpu.yield
      }) : () -> ()
      %mul3A_113 = arith.constant 640 : i32
      %mul3A_114 = arith.muli %arg1, %mul3A_113 : i32
      %add3A_115 = arith.constant 384 : i32
      %add3A_116 = arith.addi %mul3A_114, %add3A_115 : i32
      "tpu.region"() ({
        %run_scoped3A = tpu.sem_alloc : memref<!tpu.dma_semaphore, #tpu.memory_space<semaphore_mem>>
        %dma_start3A_121 = arith.constant 0 : i32
        %dma_start3A_122 = tpu.memref_slice %arg2[%add3A_116, %dma_start3A_121] : memref<10000x16xf32, #tpu.memory_space<hbm>> -> memref<128x16xf32, #tpu.memory_space<hbm>>
        %dma_start3A_123 = arith.constant 0 : i32
        %dma_start3A_124 = tpu.memref_slice %arg2[%add3A_116, %dma_start3A_123] : memref<10000x16xf32, #tpu.memory_space<hbm>> -> memref<128x16xf32, #tpu.memory_space<hbm>>
        tpu.enqueue_dma source(%dma_start3A_124 : memref<128x16xf32, #tpu.memory_space<hbm>>) target(%arg9 : memref<128x16xf32, #tpu.memory_space<vmem>>) target_semaphore(%run_scoped3A : memref<!tpu.dma_semaphore, #tpu.memory_space<semaphore_mem>>)
        %dma_wait3A = arith.constant 0 : i32
        %dma_wait3A_125 = tpu.memref_slice %arg2[%add3A_116, %dma_wait3A] : memref<10000x16xf32, #tpu.memory_space<hbm>> -> memref<128x16xf32, #tpu.memory_space<hbm>>
        %dma_wait3A_126 = arith.constant 0 : i32
        %dma_wait3A_127 = tpu.memref_slice %arg2[%add3A_116, %dma_wait3A_126] : memref<10000x16xf32, #tpu.memory_space<hbm>> -> memref<128x16xf32, #tpu.memory_space<hbm>>
        tpu.wait_dma2 semaphore(%run_scoped3A : memref<!tpu.dma_semaphore, #tpu.memory_space<semaphore_mem>>) src(%dma_wait3A_127 : memref<128x16xf32, #tpu.memory_space<hbm>>) dst(%arg9 : memref<128x16xf32, #tpu.memory_space<vmem>>)
        tpu.yield
      }) : () -> ()
      "tpu.region"() ({
        %run_scoped3A = tpu.sem_alloc : memref<!tpu.dma_semaphore, #tpu.memory_space<semaphore_mem>>
        %dma_start3A_121 = arith.constant 0 : i32
        %dma_start3A_122 = tpu.memref_slice %arg17[%add3A_116, %dma_start3A_121] : memref<10240x16xf32, #tpu.memory_space<vmem_shared>> -> memref<128x16xf32, #tpu.memory_space<vmem_shared>>
        %dma_start3A_123 = arith.constant 0 : i32
        %dma_start3A_124 = tpu.memref_slice %arg17[%add3A_116, %dma_start3A_123] : memref<10240x16xf32, #tpu.memory_space<vmem_shared>> -> memref<128x16xf32, #tpu.memory_space<vmem_shared>>
        tpu.enqueue_dma source(%arg9 : memref<128x16xf32, #tpu.memory_space<vmem>>) target(%dma_start3A_124 : memref<128x16xf32, #tpu.memory_space<vmem_shared>>) target_semaphore(%run_scoped3A : memref<!tpu.dma_semaphore, #tpu.memory_space<semaphore_mem>>)
        %dma_wait3A = arith.constant 0 : i32
        %dma_wait3A_125 = tpu.memref_slice %arg17[%add3A_116, %dma_wait3A] : memref<10240x16xf32, #tpu.memory_space<vmem_shared>> -> memref<128x16xf32, #tpu.memory_space<vmem_shared>>
        %dma_wait3A_126 = arith.constant 0 : i32
        %dma_wait3A_127 = tpu.memref_slice %arg17[%add3A_116, %dma_wait3A_126] : memref<10240x16xf32, #tpu.memory_space<vmem_shared>> -> memref<128x16xf32, #tpu.memory_space<vmem_shared>>
        tpu.wait_dma2 semaphore(%run_scoped3A : memref<!tpu.dma_semaphore, #tpu.memory_space<semaphore_mem>>) src(%arg9 : memref<128x16xf32, #tpu.memory_space<vmem>>) dst(%dma_wait3A_127 : memref<128x16xf32, #tpu.memory_space<vmem_shared>>)
        tpu.yield
      }) : () -> ()
      %mul3A_117 = arith.constant 640 : i32
      %mul3A_118 = arith.muli %arg1, %mul3A_117 : i32
      %add3A_119 = arith.constant 512 : i32
      %add3A_120 = arith.addi %mul3A_118, %add3A_119 : i32
      "tpu.region"() ({
        %run_scoped3A = tpu.sem_alloc : memref<!tpu.dma_semaphore, #tpu.memory_space<semaphore_mem>>
        %dma_start3A_121 = arith.constant 0 : i32
        %dma_start3A_122 = tpu.memref_slice %arg2[%add3A_120, %dma_start3A_121] : memref<10000x16xf32, #tpu.memory_space<hbm>> -> memref<128x16xf32, #tpu.memory_space<hbm>>
        %dma_start3A_123 = arith.constant 0 : i32
        %dma_start3A_124 = tpu.memref_slice %arg2[%add3A_120, %dma_start3A_123] : memref<10000x16xf32, #tpu.memory_space<hbm>> -> memref<128x16xf32, #tpu.memory_space<hbm>>
        tpu.enqueue_dma source(%dma_start3A_124 : memref<128x16xf32, #tpu.memory_space<hbm>>) target(%arg9 : memref<128x16xf32, #tpu.memory_space<vmem>>) target_semaphore(%run_scoped3A : memref<!tpu.dma_semaphore, #tpu.memory_space<semaphore_mem>>)
        %dma_wait3A = arith.constant 0 : i32
        %dma_wait3A_125 = tpu.memref_slice %arg2[%add3A_120, %dma_wait3A] : memref<10000x16xf32, #tpu.memory_space<hbm>> -> memref<128x16xf32, #tpu.memory_space<hbm>>
        %dma_wait3A_126 = arith.constant 0 : i32
        %dma_wait3A_127 = tpu.memref_slice %arg2[%add3A_120, %dma_wait3A_126] : memref<10000x16xf32, #tpu.memory_space<hbm>> -> memref<128x16xf32, #tpu.memory_space<hbm>>
        tpu.wait_dma2 semaphore(%run_scoped3A : memref<!tpu.dma_semaphore, #tpu.memory_space<semaphore_mem>>) src(%dma_wait3A_127 : memref<128x16xf32, #tpu.memory_space<hbm>>) dst(%arg9 : memref<128x16xf32, #tpu.memory_space<vmem>>)
        tpu.yield
      }) : () -> ()
      "tpu.region"() ({
        %run_scoped3A = tpu.sem_alloc : memref<!tpu.dma_semaphore, #tpu.memory_space<semaphore_mem>>
        %dma_start3A_121 = arith.constant 0 : i32
        %dma_start3A_122 = tpu.memref_slice %arg17[%add3A_120, %dma_start3A_121] : memref<10240x16xf32, #tpu.memory_space<vmem_shared>> -> memref<128x16xf32, #tpu.memory_space<vmem_shared>>
        %dma_start3A_123 = arith.constant 0 : i32
        %dma_start3A_124 = tpu.memref_slice %arg17[%add3A_120, %dma_start3A_123] : memref<10240x16xf32, #tpu.memory_space<vmem_shared>> -> memref<128x16xf32, #tpu.memory_space<vmem_shared>>
        tpu.enqueue_dma source(%arg9 : memref<128x16xf32, #tpu.memory_space<vmem>>) target(%dma_start3A_124 : memref<128x16xf32, #tpu.memory_space<vmem_shared>>) target_semaphore(%run_scoped3A : memref<!tpu.dma_semaphore, #tpu.memory_space<semaphore_mem>>)
        %dma_wait3A = arith.constant 0 : i32
        %dma_wait3A_125 = tpu.memref_slice %arg17[%add3A_120, %dma_wait3A] : memref<10240x16xf32, #tpu.memory_space<vmem_shared>> -> memref<128x16xf32, #tpu.memory_space<vmem_shared>>
        %dma_wait3A_126 = arith.constant 0 : i32
        %dma_wait3A_127 = tpu.memref_slice %arg17[%add3A_120, %dma_wait3A_126] : memref<10240x16xf32, #tpu.memory_space<vmem_shared>> -> memref<128x16xf32, #tpu.memory_space<vmem_shared>>
        tpu.wait_dma2 semaphore(%run_scoped3A : memref<!tpu.dma_semaphore, #tpu.memory_space<semaphore_mem>>) src(%arg9 : memref<128x16xf32, #tpu.memory_space<vmem>>) dst(%dma_wait3A_127 : memref<128x16xf32, #tpu.memory_space<vmem_shared>>)
        tpu.yield
      }) : () -> ()
    } else {
    }
    %eq3A = arith.constant 15 : i32
    %eq3A_7 = arith.cmpi eq, %arg1, %eq3A : i32
    %convert_element_type3A_8 = arith.extui %eq3A_7 : i1 to i32
    %cond3A_9 = arith.constant 0 : i32
    %cond3A_10 = arith.cmpi ne, %convert_element_type3A_8, %cond3A_9 : i32
    scf.if %cond3A_10 {
      "tpu.region"() ({
        %run_scoped3A = tpu.sem_alloc : memref<!tpu.dma_semaphore, #tpu.memory_space<semaphore_mem>>
        %dma_start3A_101 = arith.constant 9600 : i32
        %dma_start3A_102 = arith.constant 0 : i32
        %dma_start3A_103 = tpu.memref_slice %arg2[%dma_start3A_101, %dma_start3A_102] : memref<10000x16xf32, #tpu.memory_space<hbm>> -> memref<128x16xf32, #tpu.memory_space<hbm>>
        %dma_start3A_104 = arith.constant 9600 : i32
        %dma_start3A_105 = arith.constant 0 : i32
        %dma_start3A_106 = tpu.memref_slice %arg2[%dma_start3A_104, %dma_start3A_105] : memref<10000x16xf32, #tpu.memory_space<hbm>> -> memref<128x16xf32, #tpu.memory_space<hbm>>
        tpu.enqueue_dma source(%dma_start3A_106 : memref<128x16xf32, #tpu.memory_space<hbm>>) target(%arg9 : memref<128x16xf32, #tpu.memory_space<vmem>>) target_semaphore(%run_scoped3A : memref<!tpu.dma_semaphore, #tpu.memory_space<semaphore_mem>>)
        %dma_wait3A = arith.constant 9600 : i32
        %dma_wait3A_107 = arith.constant 0 : i32
        %dma_wait3A_108 = tpu.memref_slice %arg2[%dma_wait3A, %dma_wait3A_107] : memref<10000x16xf32, #tpu.memory_space<hbm>> -> memref<128x16xf32, #tpu.memory_space<hbm>>
        %dma_wait3A_109 = arith.constant 9600 : i32
        %dma_wait3A_110 = arith.constant 0 : i32
        %dma_wait3A_111 = tpu.memref_slice %arg2[%dma_wait3A_109, %dma_wait3A_110] : memref<10000x16xf32, #tpu.memory_space<hbm>> -> memref<128x16xf32, #tpu.memory_space<hbm>>
        tpu.wait_dma2 semaphore(%run_scoped3A : memref<!tpu.dma_semaphore, #tpu.memory_space<semaphore_mem>>) src(%dma_wait3A_111 : memref<128x16xf32, #tpu.memory_space<hbm>>) dst(%arg9 : memref<128x16xf32, #tpu.memory_space<vmem>>)
        tpu.yield
      }) : () -> ()
      "tpu.region"() ({
        %run_scoped3A = tpu.sem_alloc : memref<!tpu.dma_semaphore, #tpu.memory_space<semaphore_mem>>
        %dma_start3A_101 = arith.constant 9600 : i32
        %dma_start3A_102 = arith.constant 0 : i32
        %dma_start3A_103 = tpu.memref_slice %arg17[%dma_start3A_101, %dma_start3A_102] : memref<10240x16xf32, #tpu.memory_space<vmem_shared>> -> memref<128x16xf32, #tpu.memory_space<vmem_shared>>
        %dma_start3A_104 = arith.constant 9600 : i32
        %dma_start3A_105 = arith.constant 0 : i32
        %dma_start3A_106 = tpu.memref_slice %arg17[%dma_start3A_104, %dma_start3A_105] : memref<10240x16xf32, #tpu.memory_space<vmem_shared>> -> memref<128x16xf32, #tpu.memory_space<vmem_shared>>
        tpu.enqueue_dma source(%arg9 : memref<128x16xf32, #tpu.memory_space<vmem>>) target(%dma_start3A_106 : memref<128x16xf32, #tpu.memory_space<vmem_shared>>) target_semaphore(%run_scoped3A : memref<!tpu.dma_semaphore, #tpu.memory_space<semaphore_mem>>)
        %dma_wait3A = arith.constant 9600 : i32
        %dma_wait3A_107 = arith.constant 0 : i32
        %dma_wait3A_108 = tpu.memref_slice %arg17[%dma_wait3A, %dma_wait3A_107] : memref<10240x16xf32, #tpu.memory_space<vmem_shared>> -> memref<128x16xf32, #tpu.memory_space<vmem_shared>>
        %dma_wait3A_109 = arith.constant 9600 : i32
        %dma_wait3A_110 = arith.constant 0 : i32
        %dma_wait3A_111 = tpu.memref_slice %arg17[%dma_wait3A_109, %dma_wait3A_110] : memref<10240x16xf32, #tpu.memory_space<vmem_shared>> -> memref<128x16xf32, #tpu.memory_space<vmem_shared>>
        tpu.wait_dma2 semaphore(%run_scoped3A : memref<!tpu.dma_semaphore, #tpu.memory_space<semaphore_mem>>) src(%arg9 : memref<128x16xf32, #tpu.memory_space<vmem>>) dst(%dma_wait3A_111 : memref<128x16xf32, #tpu.memory_space<vmem_shared>>)
        tpu.yield
      }) : () -> ()
      "tpu.region"() ({
        %run_scoped3A = tpu.sem_alloc : memref<!tpu.dma_semaphore, #tpu.memory_space<semaphore_mem>>
        %dma_start3A_101 = arith.constant 9728 : i32
        %dma_start3A_102 = arith.constant 0 : i32
        %dma_start3A_103 = tpu.memref_slice %arg2[%dma_start3A_101, %dma_start3A_102] : memref<10000x16xf32, #tpu.memory_space<hbm>> -> memref<128x16xf32, #tpu.memory_space<hbm>>
        %dma_start3A_104 = arith.constant 9728 : i32
        %dma_start3A_105 = arith.constant 0 : i32
        %dma_start3A_106 = tpu.memref_slice %arg2[%dma_start3A_104, %dma_start3A_105] : memref<10000x16xf32, #tpu.memory_space<hbm>> -> memref<128x16xf32, #tpu.memory_space<hbm>>
        tpu.enqueue_dma source(%dma_start3A_106 : memref<128x16xf32, #tpu.memory_space<hbm>>) target(%arg9 : memref<128x16xf32, #tpu.memory_space<vmem>>) target_semaphore(%run_scoped3A : memref<!tpu.dma_semaphore, #tpu.memory_space<semaphore_mem>>)
        %dma_wait3A = arith.constant 9728 : i32
        %dma_wait3A_107 = arith.constant 0 : i32
        %dma_wait3A_108 = tpu.memref_slice %arg2[%dma_wait3A, %dma_wait3A_107] : memref<10000x16xf32, #tpu.memory_space<hbm>> -> memref<128x16xf32, #tpu.memory_space<hbm>>
        %dma_wait3A_109 = arith.constant 9728 : i32
        %dma_wait3A_110 = arith.constant 0 : i32
        %dma_wait3A_111 = tpu.memref_slice %arg2[%dma_wait3A_109, %dma_wait3A_110] : memref<10000x16xf32, #tpu.memory_space<hbm>> -> memref<128x16xf32, #tpu.memory_space<hbm>>
        tpu.wait_dma2 semaphore(%run_scoped3A : memref<!tpu.dma_semaphore, #tpu.memory_space<semaphore_mem>>) src(%dma_wait3A_111 : memref<128x16xf32, #tpu.memory_space<hbm>>) dst(%arg9 : memref<128x16xf32, #tpu.memory_space<vmem>>)
        tpu.yield
      }) : () -> ()
      "tpu.region"() ({
        %run_scoped3A = tpu.sem_alloc : memref<!tpu.dma_semaphore, #tpu.memory_space<semaphore_mem>>
        %dma_start3A_101 = arith.constant 9728 : i32
        %dma_start3A_102 = arith.constant 0 : i32
        %dma_start3A_103 = tpu.memref_slice %arg17[%dma_start3A_101, %dma_start3A_102] : memref<10240x16xf32, #tpu.memory_space<vmem_shared>> -> memref<128x16xf32, #tpu.memory_space<vmem_shared>>
        %dma_start3A_104 = arith.constant 9728 : i32
        %dma_start3A_105 = arith.constant 0 : i32
        %dma_start3A_106 = tpu.memref_slice %arg17[%dma_start3A_104, %dma_start3A_105] : memref<10240x16xf32, #tpu.memory_space<vmem_shared>> -> memref<128x16xf32, #tpu.memory_space<vmem_shared>>
        tpu.enqueue_dma source(%arg9 : memref<128x16xf32, #tpu.memory_space<vmem>>) target(%dma_start3A_106 : memref<128x16xf32, #tpu.memory_space<vmem_shared>>) target_semaphore(%run_scoped3A : memref<!tpu.dma_semaphore, #tpu.memory_space<semaphore_mem>>)
        %dma_wait3A = arith.constant 9728 : i32
        %dma_wait3A_107 = arith.constant 0 : i32
        %dma_wait3A_108 = tpu.memref_slice %arg17[%dma_wait3A, %dma_wait3A_107] : memref<10240x16xf32, #tpu.memory_space<vmem_shared>> -> memref<128x16xf32, #tpu.memory_space<vmem_shared>>
        %dma_wait3A_109 = arith.constant 9728 : i32
        %dma_wait3A_110 = arith.constant 0 : i32
        %dma_wait3A_111 = tpu.memref_slice %arg17[%dma_wait3A_109, %dma_wait3A_110] : memref<10240x16xf32, #tpu.memory_space<vmem_shared>> -> memref<128x16xf32, #tpu.memory_space<vmem_shared>>
        tpu.wait_dma2 semaphore(%run_scoped3A : memref<!tpu.dma_semaphore, #tpu.memory_space<semaphore_mem>>) src(%arg9 : memref<128x16xf32, #tpu.memory_space<vmem>>) dst(%dma_wait3A_111 : memref<128x16xf32, #tpu.memory_space<vmem_shared>>)
        tpu.yield
      }) : () -> ()
      "tpu.region"() ({
        %run_scoped3A = tpu.sem_alloc : memref<!tpu.dma_semaphore, #tpu.memory_space<semaphore_mem>>
        %dma_start3A_101 = arith.constant 9856 : i32
        %dma_start3A_102 = arith.constant 0 : i32
        %dma_start3A_103 = tpu.memref_slice %arg2[%dma_start3A_101, %dma_start3A_102] : memref<10000x16xf32, #tpu.memory_space<hbm>> -> memref<128x16xf32, #tpu.memory_space<hbm>>
        %dma_start3A_104 = arith.constant 9856 : i32
        %dma_start3A_105 = arith.constant 0 : i32
        %dma_start3A_106 = tpu.memref_slice %arg2[%dma_start3A_104, %dma_start3A_105] : memref<10000x16xf32, #tpu.memory_space<hbm>> -> memref<128x16xf32, #tpu.memory_space<hbm>>
        tpu.enqueue_dma source(%dma_start3A_106 : memref<128x16xf32, #tpu.memory_space<hbm>>) target(%arg9 : memref<128x16xf32, #tpu.memory_space<vmem>>) target_semaphore(%run_scoped3A : memref<!tpu.dma_semaphore, #tpu.memory_space<semaphore_mem>>)
        %dma_wait3A = arith.constant 9856 : i32
        %dma_wait3A_107 = arith.constant 0 : i32
        %dma_wait3A_108 = tpu.memref_slice %arg2[%dma_wait3A, %dma_wait3A_107] : memref<10000x16xf32, #tpu.memory_space<hbm>> -> memref<128x16xf32, #tpu.memory_space<hbm>>
        %dma_wait3A_109 = arith.constant 9856 : i32
        %dma_wait3A_110 = arith.constant 0 : i32
        %dma_wait3A_111 = tpu.memref_slice %arg2[%dma_wait3A_109, %dma_wait3A_110] : memref<10000x16xf32, #tpu.memory_space<hbm>> -> memref<128x16xf32, #tpu.memory_space<hbm>>
        tpu.wait_dma2 semaphore(%run_scoped3A : memref<!tpu.dma_semaphore, #tpu.memory_space<semaphore_mem>>) src(%dma_wait3A_111 : memref<128x16xf32, #tpu.memory_space<hbm>>) dst(%arg9 : memref<128x16xf32, #tpu.memory_space<vmem>>)
        tpu.yield
      }) : () -> ()
      "tpu.region"() ({
        %run_scoped3A = tpu.sem_alloc : memref<!tpu.dma_semaphore, #tpu.memory_space<semaphore_mem>>
        %dma_start3A_101 = arith.constant 9856 : i32
        %dma_start3A_102 = arith.constant 0 : i32
        %dma_start3A_103 = tpu.memref_slice %arg17[%dma_start3A_101, %dma_start3A_102] : memref<10240x16xf32, #tpu.memory_space<vmem_shared>> -> memref<128x16xf32, #tpu.memory_space<vmem_shared>>
        %dma_start3A_104 = arith.constant 9856 : i32
        %dma_start3A_105 = arith.constant 0 : i32
        %dma_start3A_106 = tpu.memref_slice %arg17[%dma_start3A_104, %dma_start3A_105] : memref<10240x16xf32, #tpu.memory_space<vmem_shared>> -> memref<128x16xf32, #tpu.memory_space<vmem_shared>>
        tpu.enqueue_dma source(%arg9 : memref<128x16xf32, #tpu.memory_space<vmem>>) target(%dma_start3A_106 : memref<128x16xf32, #tpu.memory_space<vmem_shared>>) target_semaphore(%run_scoped3A : memref<!tpu.dma_semaphore, #tpu.memory_space<semaphore_mem>>)
        %dma_wait3A = arith.constant 9856 : i32
        %dma_wait3A_107 = arith.constant 0 : i32
        %dma_wait3A_108 = tpu.memref_slice %arg17[%dma_wait3A, %dma_wait3A_107] : memref<10240x16xf32, #tpu.memory_space<vmem_shared>> -> memref<128x16xf32, #tpu.memory_space<vmem_shared>>
        %dma_wait3A_109 = arith.constant 9856 : i32
        %dma_wait3A_110 = arith.constant 0 : i32
        %dma_wait3A_111 = tpu.memref_slice %arg17[%dma_wait3A_109, %dma_wait3A_110] : memref<10240x16xf32, #tpu.memory_space<vmem_shared>> -> memref<128x16xf32, #tpu.memory_space<vmem_shared>>
        tpu.wait_dma2 semaphore(%run_scoped3A : memref<!tpu.dma_semaphore, #tpu.memory_space<semaphore_mem>>) src(%arg9 : memref<128x16xf32, #tpu.memory_space<vmem>>) dst(%dma_wait3A_111 : memref<128x16xf32, #tpu.memory_space<vmem_shared>>)
        tpu.yield
      }) : () -> ()
      "tpu.region"() ({
        %run_scoped3A = tpu.sem_alloc : memref<!tpu.dma_semaphore, #tpu.memory_space<semaphore_mem>>
        %dma_start3A_101 = arith.constant 0 : i32
        %dma_start3A_102 = arith.constant 0 : i32
        %dma_start3A_103 = tpu.memref_slice %arg9[%dma_start3A_101, %dma_start3A_102] : memref<128x16xf32, #tpu.memory_space<vmem>> -> memref<16x16xf32, #tpu.memory_space<vmem>>
        %dma_start3A_104 = arith.constant 9984 : i32
        %dma_start3A_105 = arith.constant 0 : i32
        %dma_start3A_106 = tpu.memref_slice %arg2[%dma_start3A_104, %dma_start3A_105] : memref<10000x16xf32, #tpu.memory_space<hbm>> -> memref<16x16xf32, #tpu.memory_space<hbm>>
        %dma_start3A_107 = arith.constant 0 : i32
        %dma_start3A_108 = arith.constant 0 : i32
        %dma_start3A_109 = tpu.memref_slice %arg9[%dma_start3A_107, %dma_start3A_108] : memref<128x16xf32, #tpu.memory_space<vmem>> -> memref<16x16xf32, #tpu.memory_space<vmem>>
        %dma_start3A_110 = arith.constant 9984 : i32
        %dma_start3A_111 = arith.constant 0 : i32
        %dma_start3A_112 = tpu.memref_slice %arg2[%dma_start3A_110, %dma_start3A_111] : memref<10000x16xf32, #tpu.memory_space<hbm>> -> memref<16x16xf32, #tpu.memory_space<hbm>>
        tpu.enqueue_dma source(%dma_start3A_112 : memref<16x16xf32, #tpu.memory_space<hbm>>) target(%dma_start3A_109 : memref<16x16xf32, #tpu.memory_space<vmem>>) target_semaphore(%run_scoped3A : memref<!tpu.dma_semaphore, #tpu.memory_space<semaphore_mem>>)
        %dma_wait3A = arith.constant 0 : i32
        %dma_wait3A_113 = arith.constant 0 : i32
        %dma_wait3A_114 = tpu.memref_slice %arg9[%dma_wait3A, %dma_wait3A_113] : memref<128x16xf32, #tpu.memory_space<vmem>> -> memref<16x16xf32, #tpu.memory_space<vmem>>
        %dma_wait3A_115 = arith.constant 9984 : i32
        %dma_wait3A_116 = arith.constant 0 : i32
        %dma_wait3A_117 = tpu.memref_slice %arg2[%dma_wait3A_115, %dma_wait3A_116] : memref<10000x16xf32, #tpu.memory_space<hbm>> -> memref<16x16xf32, #tpu.memory_space<hbm>>
        %dma_wait3A_118 = arith.constant 0 : i32
        %dma_wait3A_119 = arith.constant 0 : i32
        %dma_wait3A_120 = tpu.memref_slice %arg9[%dma_wait3A_118, %dma_wait3A_119] : memref<128x16xf32, #tpu.memory_space<vmem>> -> memref<16x16xf32, #tpu.memory_space<vmem>>
        %dma_wait3A_121 = arith.constant 9984 : i32
        %dma_wait3A_122 = arith.constant 0 : i32
        %dma_wait3A_123 = tpu.memref_slice %arg2[%dma_wait3A_121, %dma_wait3A_122] : memref<10000x16xf32, #tpu.memory_space<hbm>> -> memref<16x16xf32, #tpu.memory_space<hbm>>
        tpu.wait_dma2 semaphore(%run_scoped3A : memref<!tpu.dma_semaphore, #tpu.memory_space<semaphore_mem>>) src(%dma_wait3A_123 : memref<16x16xf32, #tpu.memory_space<hbm>>) dst(%dma_wait3A_120 : memref<16x16xf32, #tpu.memory_space<vmem>>)
        tpu.yield
      }) : () -> ()
      "tpu.region"() ({
        %run_scoped3A = tpu.sem_alloc : memref<!tpu.dma_semaphore, #tpu.memory_space<semaphore_mem>>
        %dma_start3A_101 = arith.constant 0 : i32
        %dma_start3A_102 = arith.constant 0 : i32
        %dma_start3A_103 = tpu.memref_slice %arg9[%dma_start3A_101, %dma_start3A_102] : memref<128x16xf32, #tpu.memory_space<vmem>> -> memref<16x16xf32, #tpu.memory_space<vmem>>
        %dma_start3A_104 = arith.constant 9984 : i32
        %dma_start3A_105 = arith.constant 0 : i32
        %dma_start3A_106 = tpu.memref_slice %arg17[%dma_start3A_104, %dma_start3A_105] : memref<10240x16xf32, #tpu.memory_space<vmem_shared>> -> memref<16x16xf32, #tpu.memory_space<vmem_shared>>
        %dma_start3A_107 = arith.constant 9984 : i32
        %dma_start3A_108 = arith.constant 0 : i32
        %dma_start3A_109 = tpu.memref_slice %arg17[%dma_start3A_107, %dma_start3A_108] : memref<10240x16xf32, #tpu.memory_space<vmem_shared>> -> memref<16x16xf32, #tpu.memory_space<vmem_shared>>
        %dma_start3A_110 = arith.constant 0 : i32
        %dma_start3A_111 = arith.constant 0 : i32
        %dma_start3A_112 = tpu.memref_slice %arg9[%dma_start3A_110, %dma_start3A_111] : memref<128x16xf32, #tpu.memory_space<vmem>> -> memref<16x16xf32, #tpu.memory_space<vmem>>
        tpu.enqueue_dma source(%dma_start3A_112 : memref<16x16xf32, #tpu.memory_space<vmem>>) target(%dma_start3A_109 : memref<16x16xf32, #tpu.memory_space<vmem_shared>>) target_semaphore(%run_scoped3A : memref<!tpu.dma_semaphore, #tpu.memory_space<semaphore_mem>>)
        %dma_wait3A = arith.constant 0 : i32
        %dma_wait3A_113 = arith.constant 0 : i32
        %dma_wait3A_114 = tpu.memref_slice %arg9[%dma_wait3A, %dma_wait3A_113] : memref<128x16xf32, #tpu.memory_space<vmem>> -> memref<16x16xf32, #tpu.memory_space<vmem>>
        %dma_wait3A_115 = arith.constant 9984 : i32
        %dma_wait3A_116 = arith.constant 0 : i32
        %dma_wait3A_117 = tpu.memref_slice %arg17[%dma_wait3A_115, %dma_wait3A_116] : memref<10240x16xf32, #tpu.memory_space<vmem_shared>> -> memref<16x16xf32, #tpu.memory_space<vmem_shared>>
        %dma_wait3A_118 = arith.constant 9984 : i32
        %dma_wait3A_119 = arith.constant 0 : i32
        %dma_wait3A_120 = tpu.memref_slice %arg17[%dma_wait3A_118, %dma_wait3A_119] : memref<10240x16xf32, #tpu.memory_space<vmem_shared>> -> memref<16x16xf32, #tpu.memory_space<vmem_shared>>
        %dma_wait3A_121 = arith.constant 0 : i32
        %dma_wait3A_122 = arith.constant 0 : i32
        %dma_wait3A_123 = tpu.memref_slice %arg9[%dma_wait3A_121, %dma_wait3A_122] : memref<128x16xf32, #tpu.memory_space<vmem>> -> memref<16x16xf32, #tpu.memory_space<vmem>>
        tpu.wait_dma2 semaphore(%run_scoped3A : memref<!tpu.dma_semaphore, #tpu.memory_space<semaphore_mem>>) src(%dma_wait3A_123 : memref<16x16xf32, #tpu.memory_space<vmem>>) dst(%dma_wait3A_120 : memref<16x16xf32, #tpu.memory_space<vmem_shared>>)
        tpu.yield
      }) : () -> ()
    } else {
    }
    %broadcast_in_dim3A = arith.constant 0.000000e+00 : f32
    %broadcast_in_dim3A_11 = vector.broadcast %broadcast_in_dim3A : f32 to vector<16xf32>
    %scan3A = arith.constant 0 : i32
    %scan3A_12 = arith.constant 0 : i32
    %scan3A_13 = arith.constant 128 : i32
    %scan3A_14 = arith.addi %scan3A_12, %scan3A_13 : i32
    %scan3A_15 = arith.constant 1 : i32
    scf.for %scan3A_101 = %scan3A_12 to %scan3A_14 step %scan3A_15  : i32 {
      %swap3A = arith.index_cast %scan3A_101 : i32 to index
      %swap3A_102 = arith.constant 0 : index
      %swap3A_103 = tpu.vector_load %arg8[%swap3A, %swap3A_102] {strides = array<i32>} : memref<128x16xf32, #tpu.memory_space<vmem>>, vector<1x16xf32>,
      %swap3A_104 = vector.shape_cast %swap3A_103 : vector<1x16xf32> to vector<16xf32>
      %swap3A_105 = vector.shape_cast %broadcast_in_dim3A_11 : vector<16xf32> to vector<1x16xf32>
      tpu.vector_store %arg8[%swap3A, %swap3A_102], %swap3A_105 {strides = array<i32>} : memref<128x16xf32, #tpu.memory_space<vmem>>, vector<1x16xf32>,
    }
    %scan3A_16 = arith.constant 128 : i32
    %mul3A_17 = arith.constant 640 : i32
    %mul3A_18 = arith.muli %arg1, %mul3A_17 : i32
    %add3A_19 = arith.constant 0 : i32
    %add3A_20 = arith.addi %mul3A_18, %add3A_19 : i32
    "tpu.region"() ({
      %run_scoped3A = tpu.sem_alloc : memref<!tpu.dma_semaphore, #tpu.memory_space<semaphore_mem>>
      %dma_start3A_101 = arith.constant 0 : i32
      %dma_start3A_102 = tpu.memref_slice %arg16[%add3A_20, %dma_start3A_101] : memref<10240x16xf32, #tpu.memory_space<vmem_shared>> -> memref<128x16xf32, #tpu.memory_space<vmem_shared>>
      %dma_start3A_103 = arith.constant 0 : i32
      %dma_start3A_104 = tpu.memref_slice %arg16[%add3A_20, %dma_start3A_103] : memref<10240x16xf32, #tpu.memory_space<vmem_shared>> -> memref<128x16xf32, #tpu.memory_space<vmem_shared>>
      tpu.enqueue_dma source(%arg8 : memref<128x16xf32, #tpu.memory_space<vmem>>) target(%dma_start3A_104 : memref<128x16xf32, #tpu.memory_space<vmem_shared>>) target_semaphore(%run_scoped3A : memref<!tpu.dma_semaphore, #tpu.memory_space<semaphore_mem>>)
      %dma_wait3A = arith.constant 0 : i32
      %dma_wait3A_105 = tpu.memref_slice %arg16[%add3A_20, %dma_wait3A] : memref<10240x16xf32, #tpu.memory_space<vmem_shared>> -> memref<128x16xf32, #tpu.memory_space<vmem_shared>>
      %dma_wait3A_106 = arith.constant 0 : i32
      %dma_wait3A_107 = tpu.memref_slice %arg16[%add3A_20, %dma_wait3A_106] : memref<10240x16xf32, #tpu.memory_space<vmem_shared>> -> memref<128x16xf32, #tpu.memory_space<vmem_shared>>
      tpu.wait_dma2 semaphore(%run_scoped3A : memref<!tpu.dma_semaphore, #tpu.memory_space<semaphore_mem>>) src(%arg8 : memref<128x16xf32, #tpu.memory_space<vmem>>) dst(%dma_wait3A_107 : memref<128x16xf32, #tpu.memory_space<vmem_shared>>)
      tpu.yield
    }) : () -> ()
    %mul3A_21 = arith.constant 640 : i32
    %mul3A_22 = arith.muli %arg1, %mul3A_21 : i32
    %add3A_23 = arith.constant 128 : i32
    %add3A_24 = arith.addi %mul3A_22, %add3A_23 : i32
    "tpu.region"() ({
      %run_scoped3A = tpu.sem_alloc : memref<!tpu.dma_semaphore, #tpu.memory_space<semaphore_mem>>
      %dma_start3A_101 = arith.constant 0 : i32
      %dma_start3A_102 = tpu.memref_slice %arg16[%add3A_24, %dma_start3A_101] : memref<10240x16xf32, #tpu.memory_space<vmem_shared>> -> memref<128x16xf32, #tpu.memory_space<vmem_shared>>
      %dma_start3A_103 = arith.constant 0 : i32
      %dma_start3A_104 = tpu.memref_slice %arg16[%add3A_24, %dma_start3A_103] : memref<10240x16xf32, #tpu.memory_space<vmem_shared>> -> memref<128x16xf32, #tpu.memory_space<vmem_shared>>
      tpu.enqueue_dma source(%arg8 : memref<128x16xf32, #tpu.memory_space<vmem>>) target(%dma_start3A_104 : memref<128x16xf32, #tpu.memory_space<vmem_shared>>) target_semaphore(%run_scoped3A : memref<!tpu.dma_semaphore, #tpu.memory_space<semaphore_mem>>)
      %dma_wait3A = arith.constant 0 : i32
      %dma_wait3A_105 = tpu.memref_slice %arg16[%add3A_24, %dma_wait3A] : memref<10240x16xf32, #tpu.memory_space<vmem_shared>> -> memref<128x16xf32, #tpu.memory_space<vmem_shared>>
      %dma_wait3A_106 = arith.constant 0 : i32
      %dma_wait3A_107 = tpu.memref_slice %arg16[%add3A_24, %dma_wait3A_106] : memref<10240x16xf32, #tpu.memory_space<vmem_shared>> -> memref<128x16xf32, #tpu.memory_space<vmem_shared>>
      tpu.wait_dma2 semaphore(%run_scoped3A : memref<!tpu.dma_semaphore, #tpu.memory_space<semaphore_mem>>) src(%arg8 : memref<128x16xf32, #tpu.memory_space<vmem>>) dst(%dma_wait3A_107 : memref<128x16xf32, #tpu.memory_space<vmem_shared>>)
      tpu.yield
    }) : () -> ()
    %mul3A_25 = arith.constant 640 : i32
    %mul3A_26 = arith.muli %arg1, %mul3A_25 : i32
    %add3A_27 = arith.constant 256 : i32
    %add3A_28 = arith.addi %mul3A_26, %add3A_27 : i32
    "tpu.region"() ({
      %run_scoped3A = tpu.sem_alloc : memref<!tpu.dma_semaphore, #tpu.memory_space<semaphore_mem>>
      %dma_start3A_101 = arith.constant 0 : i32
      %dma_start3A_102 = tpu.memref_slice %arg16[%add3A_28, %dma_start3A_101] : memref<10240x16xf32, #tpu.memory_space<vmem_shared>> -> memref<128x16xf32, #tpu.memory_space<vmem_shared>>
      %dma_start3A_103 = arith.constant 0 : i32
      %dma_start3A_104 = tpu.memref_slice %arg16[%add3A_28, %dma_start3A_103] : memref<10240x16xf32, #tpu.memory_space<vmem_shared>> -> memref<128x16xf32, #tpu.memory_space<vmem_shared>>
      tpu.enqueue_dma source(%arg8 : memref<128x16xf32, #tpu.memory_space<vmem>>) target(%dma_start3A_104 : memref<128x16xf32, #tpu.memory_space<vmem_shared>>) target_semaphore(%run_scoped3A : memref<!tpu.dma_semaphore, #tpu.memory_space<semaphore_mem>>)
      %dma_wait3A = arith.constant 0 : i32
      %dma_wait3A_105 = tpu.memref_slice %arg16[%add3A_28, %dma_wait3A] : memref<10240x16xf32, #tpu.memory_space<vmem_shared>> -> memref<128x16xf32, #tpu.memory_space<vmem_shared>>
      %dma_wait3A_106 = arith.constant 0 : i32
      %dma_wait3A_107 = tpu.memref_slice %arg16[%add3A_28, %dma_wait3A_106] : memref<10240x16xf32, #tpu.memory_space<vmem_shared>> -> memref<128x16xf32, #tpu.memory_space<vmem_shared>>
      tpu.wait_dma2 semaphore(%run_scoped3A : memref<!tpu.dma_semaphore, #tpu.memory_space<semaphore_mem>>) src(%arg8 : memref<128x16xf32, #tpu.memory_space<vmem>>) dst(%dma_wait3A_107 : memref<128x16xf32, #tpu.memory_space<vmem_shared>>)
      tpu.yield
    }) : () -> ()
    %mul3A_29 = arith.constant 640 : i32
    %mul3A_30 = arith.muli %arg1, %mul3A_29 : i32
    %add3A_31 = arith.constant 384 : i32
    %add3A_32 = arith.addi %mul3A_30, %add3A_31 : i32
    "tpu.region"() ({
      %run_scoped3A = tpu.sem_alloc : memref<!tpu.dma_semaphore, #tpu.memory_space<semaphore_mem>>
      %dma_start3A_101 = arith.constant 0 : i32
      %dma_start3A_102 = tpu.memref_slice %arg16[%add3A_32, %dma_start3A_101] : memref<10240x16xf32, #tpu.memory_space<vmem_shared>> -> memref<128x16xf32, #tpu.memory_space<vmem_shared>>
      %dma_start3A_103 = arith.constant 0 : i32
      %dma_start3A_104 = tpu.memref_slice %arg16[%add3A_32, %dma_start3A_103] : memref<10240x16xf32, #tpu.memory_space<vmem_shared>> -> memref<128x16xf32, #tpu.memory_space<vmem_shared>>
      tpu.enqueue_dma source(%arg8 : memref<128x16xf32, #tpu.memory_space<vmem>>) target(%dma_start3A_104 : memref<128x16xf32, #tpu.memory_space<vmem_shared>>) target_semaphore(%run_scoped3A : memref<!tpu.dma_semaphore, #tpu.memory_space<semaphore_mem>>)
      %dma_wait3A = arith.constant 0 : i32
      %dma_wait3A_105 = tpu.memref_slice %arg16[%add3A_32, %dma_wait3A] : memref<10240x16xf32, #tpu.memory_space<vmem_shared>> -> memref<128x16xf32, #tpu.memory_space<vmem_shared>>
      %dma_wait3A_106 = arith.constant 0 : i32
      %dma_wait3A_107 = tpu.memref_slice %arg16[%add3A_32, %dma_wait3A_106] : memref<10240x16xf32, #tpu.memory_space<vmem_shared>> -> memref<128x16xf32, #tpu.memory_space<vmem_shared>>
      tpu.wait_dma2 semaphore(%run_scoped3A : memref<!tpu.dma_semaphore, #tpu.memory_space<semaphore_mem>>) src(%arg8 : memref<128x16xf32, #tpu.memory_space<vmem>>) dst(%dma_wait3A_107 : memref<128x16xf32, #tpu.memory_space<vmem_shared>>)
      tpu.yield
    }) : () -> ()
    %mul3A_33 = arith.constant 640 : i32
    %mul3A_34 = arith.muli %arg1, %mul3A_33 : i32
    %add3A_35 = arith.constant 512 : i32
    %add3A_36 = arith.addi %mul3A_34, %add3A_35 : i32
    "tpu.region"() ({
      %run_scoped3A = tpu.sem_alloc : memref<!tpu.dma_semaphore, #tpu.memory_space<semaphore_mem>>
      %dma_start3A_101 = arith.constant 0 : i32
      %dma_start3A_102 = tpu.memref_slice %arg16[%add3A_36, %dma_start3A_101] : memref<10240x16xf32, #tpu.memory_space<vmem_shared>> -> memref<128x16xf32, #tpu.memory_space<vmem_shared>>
      %dma_start3A_103 = arith.constant 0 : i32
      %dma_start3A_104 = tpu.memref_slice %arg16[%add3A_36, %dma_start3A_103] : memref<10240x16xf32, #tpu.memory_space<vmem_shared>> -> memref<128x16xf32, #tpu.memory_space<vmem_shared>>
      tpu.enqueue_dma source(%arg8 : memref<128x16xf32, #tpu.memory_space<vmem>>) target(%dma_start3A_104 : memref<128x16xf32, #tpu.memory_space<vmem_shared>>) target_semaphore(%run_scoped3A : memref<!tpu.dma_semaphore, #tpu.memory_space<semaphore_mem>>)
      %dma_wait3A = arith.constant 0 : i32
      %dma_wait3A_105 = tpu.memref_slice %arg16[%add3A_36, %dma_wait3A] : memref<10240x16xf32, #tpu.memory_space<vmem_shared>> -> memref<128x16xf32, #tpu.memory_space<vmem_shared>>
      %dma_wait3A_106 = arith.constant 0 : i32
      %dma_wait3A_107 = tpu.memref_slice %arg16[%add3A_36, %dma_wait3A_106] : memref<10240x16xf32, #tpu.memory_space<vmem_shared>> -> memref<128x16xf32, #tpu.memory_space<vmem_shared>>
      tpu.wait_dma2 semaphore(%run_scoped3A : memref<!tpu.dma_semaphore, #tpu.memory_space<semaphore_mem>>) src(%arg8 : memref<128x16xf32, #tpu.memory_space<vmem>>) dst(%dma_wait3A_107 : memref<128x16xf32, #tpu.memory_space<vmem_shared>>)
      tpu.yield
    }) : () -> ()
    %barrier3A = arith.constant 0 : index
    tpu.barrier barrier_id(%barrier3A)
    %dma_start3A = arith.constant 0 : i32
    %dma_start3A_37 = arith.constant 0 : i32
    %dma_start3A_38 = tpu.memref_slice %arg6[%dma_start3A, %dma_start3A_37] : memref<80x128xi32, #tpu.memory_space<vmem>> -> memref<1x128xi32, #tpu.memory_space<vmem>>
    %dma_start3A_39 = tpu.memref_squeeze %dma_start3A_38 : memref<1x128xi32, #tpu.memory_space<vmem>> -> memref<128xi32, #tpu.memory_space<vmem>>
    %dma_start3A_40 = arith.constant 0 : i32
    %dma_start3A_41 = arith.constant 0 : i32
    %dma_start3A_42 = tpu.memref_slice %arg17[%dma_start3A_40, %dma_start3A_41] : memref<10240x16xf32, #tpu.memory_space<vmem_shared>> -> memref<10240x16xf32, #tpu.memory_space<vmem_shared>>
    tpu.enqueue_indirect_dma source(%dma_start3A_42 : memref<10240x16xf32, #tpu.memory_space<vmem_shared>>) target(%arg8 : memref<128x16xf32, #tpu.memory_space<vmem>>) offsets(%dma_start3A_39 : memref<128xi32, #tpu.memory_space<vmem>>) semaphore(%arg18 : memref<!tpu.dma_semaphore, #tpu.memory_space<semaphore_mem>>)
    %dma_start3A_43 = arith.constant 1 : i32
    %dma_start3A_44 = arith.constant 0 : i32
    %dma_start3A_45 = tpu.memref_slice %arg6[%dma_start3A_43, %dma_start3A_44] : memref<80x128xi32, #tpu.memory_space<vmem>> -> memref<1x128xi32, #tpu.memory_space<vmem>>
    %dma_start3A_46 = tpu.memref_squeeze %dma_start3A_45 : memref<1x128xi32, #tpu.memory_space<vmem>> -> memref<128xi32, #tpu.memory_space<vmem>>
    %dma_start3A_47 = arith.constant 0 : i32
    %dma_start3A_48 = arith.constant 0 : i32
    %dma_start3A_49 = tpu.memref_slice %arg17[%dma_start3A_47, %dma_start3A_48] : memref<10240x16xf32, #tpu.memory_space<vmem_shared>> -> memref<10240x16xf32, #tpu.memory_space<vmem_shared>>
    tpu.enqueue_indirect_dma source(%dma_start3A_49 : memref<10240x16xf32, #tpu.memory_space<vmem_shared>>) target(%arg9 : memref<128x16xf32, #tpu.memory_space<vmem>>) offsets(%dma_start3A_46 : memref<128xi32, #tpu.memory_space<vmem>>) semaphore(%arg18 : memref<!tpu.dma_semaphore, #tpu.memory_space<semaphore_mem>>)
    %dma_start3A_50 = arith.constant 2 : i32
    %dma_start3A_51 = arith.constant 0 : i32
    %dma_start3A_52 = tpu.memref_slice %arg6[%dma_start3A_50, %dma_start3A_51] : memref<80x128xi32, #tpu.memory_space<vmem>> -> memref<1x128xi32, #tpu.memory_space<vmem>>
    %dma_start3A_53 = tpu.memref_squeeze %dma_start3A_52 : memref<1x128xi32, #tpu.memory_space<vmem>> -> memref<128xi32, #tpu.memory_space<vmem>>
    %dma_start3A_54 = arith.constant 0 : i32
    %dma_start3A_55 = arith.constant 0 : i32
    %dma_start3A_56 = tpu.memref_slice %arg17[%dma_start3A_54, %dma_start3A_55] : memref<10240x16xf32, #tpu.memory_space<vmem_shared>> -> memref<10240x16xf32, #tpu.memory_space<vmem_shared>>
    tpu.enqueue_indirect_dma source(%dma_start3A_56 : memref<10240x16xf32, #tpu.memory_space<vmem_shared>>) target(%arg10 : memref<128x16xf32, #tpu.memory_space<vmem>>) offsets(%dma_start3A_53 : memref<128xi32, #tpu.memory_space<vmem>>) semaphore(%arg18 : memref<!tpu.dma_semaphore, #tpu.memory_space<semaphore_mem>>)
    %dma_start3A_57 = arith.constant 3 : i32
    %dma_start3A_58 = arith.constant 0 : i32
    %dma_start3A_59 = tpu.memref_slice %arg6[%dma_start3A_57, %dma_start3A_58] : memref<80x128xi32, #tpu.memory_space<vmem>> -> memref<1x128xi32, #tpu.memory_space<vmem>>
    %dma_start3A_60 = tpu.memref_squeeze %dma_start3A_59 : memref<1x128xi32, #tpu.memory_space<vmem>> -> memref<128xi32, #tpu.memory_space<vmem>>
    %dma_start3A_61 = arith.constant 0 : i32
    %dma_start3A_62 = arith.constant 0 : i32
    %dma_start3A_63 = tpu.memref_slice %arg17[%dma_start3A_61, %dma_start3A_62] : memref<10240x16xf32, #tpu.memory_space<vmem_shared>> -> memref<10240x16xf32, #tpu.memory_space<vmem_shared>>
    tpu.enqueue_indirect_dma source(%dma_start3A_63 : memref<10240x16xf32, #tpu.memory_space<vmem_shared>>) target(%arg11 : memref<128x16xf32, #tpu.memory_space<vmem>>) offsets(%dma_start3A_60 : memref<128xi32, #tpu.memory_space<vmem>>) semaphore(%arg18 : memref<!tpu.dma_semaphore, #tpu.memory_space<semaphore_mem>>)
    %dma_start3A_64 = arith.constant 4 : i32
    %dma_start3A_65 = arith.constant 0 : i32
    %dma_start3A_66 = tpu.memref_slice %arg6[%dma_start3A_64, %dma_start3A_65] : memref<80x128xi32, #tpu.memory_space<vmem>> -> memref<1x128xi32, #tpu.memory_space<vmem>>
    %dma_start3A_67 = tpu.memref_squeeze %dma_start3A_66 : memref<1x128xi32, #tpu.memory_space<vmem>> -> memref<128xi32, #tpu.memory_space<vmem>>
    %dma_start3A_68 = arith.constant 0 : i32
    %dma_start3A_69 = arith.constant 0 : i32
    %dma_start3A_70 = tpu.memref_slice %arg17[%dma_start3A_68, %dma_start3A_69] : memref<10240x16xf32, #tpu.memory_space<vmem_shared>> -> memref<10240x16xf32, #tpu.memory_space<vmem_shared>>
    tpu.enqueue_indirect_dma source(%dma_start3A_70 : memref<10240x16xf32, #tpu.memory_space<vmem_shared>>) target(%arg12 : memref<128x16xf32, #tpu.memory_space<vmem>>) offsets(%dma_start3A_67 : memref<128xi32, #tpu.memory_space<vmem>>) semaphore(%arg18 : memref<!tpu.dma_semaphore, #tpu.memory_space<semaphore_mem>>)
    %dma_start3A_71 = arith.constant 5 : i32
    %dma_start3A_72 = arith.constant 0 : i32
    %dma_start3A_73 = tpu.memref_slice %arg6[%dma_start3A_71, %dma_start3A_72] : memref<80x128xi32, #tpu.memory_space<vmem>> -> memref<1x128xi32, #tpu.memory_space<vmem>>
    %dma_start3A_74 = tpu.memref_squeeze %dma_start3A_73 : memref<1x128xi32, #tpu.memory_space<vmem>> -> memref<128xi32, #tpu.memory_space<vmem>>
    %dma_start3A_75 = arith.constant 0 : i32
    %dma_start3A_76 = arith.constant 0 : i32
    %dma_start3A_77 = tpu.memref_slice %arg17[%dma_start3A_75, %dma_start3A_76] : memref<10240x16xf32, #tpu.memory_space<vmem_shared>> -> memref<10240x16xf32, #tpu.memory_space<vmem_shared>>
    tpu.enqueue_indirect_dma source(%dma_start3A_77 : memref<10240x16xf32, #tpu.memory_space<vmem_shared>>) target(%arg13 : memref<128x16xf32, #tpu.memory_space<vmem>>) offsets(%dma_start3A_74 : memref<128xi32, #tpu.memory_space<vmem>>) semaphore(%arg18 : memref<!tpu.dma_semaphore, #tpu.memory_space<semaphore_mem>>)
    %dma_start3A_78 = arith.constant 6 : i32
    %dma_start3A_79 = arith.constant 0 : i32
    %dma_start3A_80 = tpu.memref_slice %arg6[%dma_start3A_78, %dma_start3A_79] : memref<80x128xi32, #tpu.memory_space<vmem>> -> memref<1x128xi32, #tpu.memory_space<vmem>>
    %dma_start3A_81 = tpu.memref_squeeze %dma_start3A_80 : memref<1x128xi32, #tpu.memory_space<vmem>> -> memref<128xi32, #tpu.memory_space<vmem>>
    %dma_start3A_82 = arith.constant 0 : i32
    %dma_start3A_83 = arith.constant 0 : i32
    %dma_start3A_84 = tpu.memref_slice %arg17[%dma_start3A_82, %dma_start3A_83] : memref<10240x16xf32, #tpu.memory_space<vmem_shared>> -> memref<10240x16xf32, #tpu.memory_space<vmem_shared>>
    tpu.enqueue_indirect_dma source(%dma_start3A_84 : memref<10240x16xf32, #tpu.memory_space<vmem_shared>>) target(%arg14 : memref<128x16xf32, #tpu.memory_space<vmem>>) offsets(%dma_start3A_81 : memref<128xi32, #tpu.memory_space<vmem>>) semaphore(%arg18 : memref<!tpu.dma_semaphore, #tpu.memory_space<semaphore_mem>>)
    %dma_start3A_85 = arith.constant 7 : i32
    %dma_start3A_86 = arith.constant 0 : i32
    %dma_start3A_87 = tpu.memref_slice %arg6[%dma_start3A_85, %dma_start3A_86] : memref<80x128xi32, #tpu.memory_space<vmem>> -> memref<1x128xi32, #tpu.memory_space<vmem>>
    %dma_start3A_88 = tpu.memref_squeeze %dma_start3A_87 : memref<1x128xi32, #tpu.memory_space<vmem>> -> memref<128xi32, #tpu.memory_space<vmem>>
    %dma_start3A_89 = arith.constant 0 : i32
    %dma_start3A_90 = arith.constant 0 : i32
    %dma_start3A_91 = tpu.memref_slice %arg17[%dma_start3A_89, %dma_start3A_90] : memref<10240x16xf32, #tpu.memory_space<vmem_shared>> -> memref<10240x16xf32, #tpu.memory_space<vmem_shared>>
    tpu.enqueue_indirect_dma source(%dma_start3A_91 : memref<10240x16xf32, #tpu.memory_space<vmem_shared>>) target(%arg15 : memref<128x16xf32, #tpu.memory_space<vmem>>) offsets(%dma_start3A_88 : memref<128xi32, #tpu.memory_space<vmem>>) semaphore(%arg18 : memref<!tpu.dma_semaphore, #tpu.memory_space<semaphore_mem>>)
    %scan3A_92 = arith.constant 0 : i32
    %scan3A_93 = arith.constant 0 : i32
    %scan3A_94 = arith.constant 10 : i32
    %scan3A_95 = arith.addi %scan3A_93, %scan3A_94 : i32
    %scan3A_96 = arith.constant 1 : i32
    scf.for %scan3A_101 = %scan3A_93 to %scan3A_95 step %scan3A_96  : i32 {
      %mul3A_102 = arith.constant 8 : i32
      %mul3A_103 = arith.muli %scan3A_101, %mul3A_102 : i32
      %add3A_104 = arith.constant 0 : i32
      %add3A_105 = arith.addi %mul3A_103, %add3A_104 : i32
      %dma_wait3A = arith.constant 0 : i32
      %dma_wait3A_106 = tpu.memref_slice %arg6[%add3A_105, %dma_wait3A] : memref<80x128xi32, #tpu.memory_space<vmem>> -> memref<1x128xi32, #tpu.memory_space<vmem>>
      %dma_wait3A_107 = tpu.memref_squeeze %dma_wait3A_106 : memref<1x128xi32, #tpu.memory_space<vmem>> -> memref<128xi32, #tpu.memory_space<vmem>>
      %dma_wait3A_108 = arith.constant 0 : i32
      %dma_wait3A_109 = arith.constant 0 : i32
      %dma_wait3A_110 = tpu.memref_slice %arg17[%dma_wait3A_108, %dma_wait3A_109] : memref<10240x16xf32, #tpu.memory_space<vmem_shared>> -> memref<10240x16xf32, #tpu.memory_space<vmem_shared>>
      tpu.wait_indirect_dma semaphore(%arg18 : memref<!tpu.dma_semaphore, #tpu.memory_space<semaphore_mem>>) src(%dma_wait3A_110 : memref<10240x16xf32, #tpu.memory_space<vmem_shared>>) dst(%arg8 : memref<128x16xf32, #tpu.memory_space<vmem>>)
      %dma_start3A_111 = arith.constant 0 : i32
      %dma_start3A_112 = tpu.memref_slice %arg7[%add3A_105, %dma_start3A_111] : memref<80x128xi32, #tpu.memory_space<vmem>> -> memref<1x128xi32, #tpu.memory_space<vmem>>
      %dma_start3A_113 = tpu.memref_squeeze %dma_start3A_112 : memref<1x128xi32, #tpu.memory_space<vmem>> -> memref<128xi32, #tpu.memory_space<vmem>>
      %dma_start3A_114 = arith.constant 0 : i32
      %dma_start3A_115 = arith.constant 0 : i32
      %dma_start3A_116 = tpu.memref_slice %arg16[%dma_start3A_114, %dma_start3A_115] : memref<10240x16xf32, #tpu.memory_space<vmem_shared>> -> memref<10240x16xf32, #tpu.memory_space<vmem_shared>>
      tpu.enqueue_indirect_dma source(%arg8 : memref<128x16xf32, #tpu.memory_space<vmem>>) target(%dma_start3A_116 : memref<10240x16xf32, #tpu.memory_space<vmem_shared>>) offsets(%dma_start3A_113 : memref<128xi32, #tpu.memory_space<vmem>>) semaphore(%arg19 : memref<!tpu.dma_semaphore, #tpu.memory_space<semaphore_mem>>) {add = true}
      %add3A_117 = arith.constant 1 : i32
      %add3A_118 = arith.addi %mul3A_103, %add3A_117 : i32
      %dma_wait3A_119 = arith.constant 0 : i32
      %dma_wait3A_120 = tpu.memref_slice %arg6[%add3A_118, %dma_wait3A_119] : memref<80x128xi32, #tpu.memory_space<vmem>> -> memref<1x128xi32, #tpu.memory_space<vmem>>
      %dma_wait3A_121 = tpu.memref_squeeze %dma_wait3A_120 : memref<1x128xi32, #tpu.memory_space<vmem>> -> memref<128xi32, #tpu.memory_space<vmem>>
      %dma_wait3A_122 = arith.constant 0 : i32
      %dma_wait3A_123 = arith.constant 0 : i32
      %dma_wait3A_124 = tpu.memref_slice %arg17[%dma_wait3A_122, %dma_wait3A_123] : memref<10240x16xf32, #tpu.memory_space<vmem_shared>> -> memref<10240x16xf32, #tpu.memory_space<vmem_shared>>
      tpu.wait_indirect_dma semaphore(%arg18 : memref<!tpu.dma_semaphore, #tpu.memory_space<semaphore_mem>>) src(%dma_wait3A_124 : memref<10240x16xf32, #tpu.memory_space<vmem_shared>>) dst(%arg9 : memref<128x16xf32, #tpu.memory_space<vmem>>)
      %dma_start3A_125 = arith.constant 0 : i32
      %dma_start3A_126 = tpu.memref_slice %arg7[%add3A_118, %dma_start3A_125] : memref<80x128xi32, #tpu.memory_space<vmem>> -> memref<1x128xi32, #tpu.memory_space<vmem>>
      %dma_start3A_127 = tpu.memref_squeeze %dma_start3A_126 : memref<1x128xi32, #tpu.memory_space<vmem>> -> memref<128xi32, #tpu.memory_space<vmem>>
      %dma_start3A_128 = arith.constant 0 : i32
      %dma_start3A_129 = arith.constant 0 : i32
      %dma_start3A_130 = tpu.memref_slice %arg16[%dma_start3A_128, %dma_start3A_129] : memref<10240x16xf32, #tpu.memory_space<vmem_shared>> -> memref<10240x16xf32, #tpu.memory_space<vmem_shared>>
      tpu.enqueue_indirect_dma source(%arg9 : memref<128x16xf32, #tpu.memory_space<vmem>>) target(%dma_start3A_130 : memref<10240x16xf32, #tpu.memory_space<vmem_shared>>) offsets(%dma_start3A_127 : memref<128xi32, #tpu.memory_space<vmem>>) semaphore(%arg19 : memref<!tpu.dma_semaphore, #tpu.memory_space<semaphore_mem>>) {add = true}
      %add3A_131 = arith.constant 2 : i32
      %add3A_132 = arith.addi %mul3A_103, %add3A_131 : i32
      %dma_wait3A_133 = arith.constant 0 : i32
      %dma_wait3A_134 = tpu.memref_slice %arg6[%add3A_132, %dma_wait3A_133] : memref<80x128xi32, #tpu.memory_space<vmem>> -> memref<1x128xi32, #tpu.memory_space<vmem>>
      %dma_wait3A_135 = tpu.memref_squeeze %dma_wait3A_134 : memref<1x128xi32, #tpu.memory_space<vmem>> -> memref<128xi32, #tpu.memory_space<vmem>>
      %dma_wait3A_136 = arith.constant 0 : i32
      %dma_wait3A_137 = arith.constant 0 : i32
      %dma_wait3A_138 = tpu.memref_slice %arg17[%dma_wait3A_136, %dma_wait3A_137] : memref<10240x16xf32, #tpu.memory_space<vmem_shared>> -> memref<10240x16xf32, #tpu.memory_space<vmem_shared>>
      tpu.wait_indirect_dma semaphore(%arg18 : memref<!tpu.dma_semaphore, #tpu.memory_space<semaphore_mem>>) src(%dma_wait3A_138 : memref<10240x16xf32, #tpu.memory_space<vmem_shared>>) dst(%arg10 : memref<128x16xf32, #tpu.memory_space<vmem>>)
      %dma_start3A_139 = arith.constant 0 : i32
      %dma_start3A_140 = tpu.memref_slice %arg7[%add3A_132, %dma_start3A_139] : memref<80x128xi32, #tpu.memory_space<vmem>> -> memref<1x128xi32, #tpu.memory_space<vmem>>
      %dma_start3A_141 = tpu.memref_squeeze %dma_start3A_140 : memref<1x128xi32, #tpu.memory_space<vmem>> -> memref<128xi32, #tpu.memory_space<vmem>>
      %dma_start3A_142 = arith.constant 0 : i32
      %dma_start3A_143 = arith.constant 0 : i32
      %dma_start3A_144 = tpu.memref_slice %arg16[%dma_start3A_142, %dma_start3A_143] : memref<10240x16xf32, #tpu.memory_space<vmem_shared>> -> memref<10240x16xf32, #tpu.memory_space<vmem_shared>>
      tpu.enqueue_indirect_dma source(%arg10 : memref<128x16xf32, #tpu.memory_space<vmem>>) target(%dma_start3A_144 : memref<10240x16xf32, #tpu.memory_space<vmem_shared>>) offsets(%dma_start3A_141 : memref<128xi32, #tpu.memory_space<vmem>>) semaphore(%arg19 : memref<!tpu.dma_semaphore, #tpu.memory_space<semaphore_mem>>) {add = true}
      %add3A_145 = arith.constant 3 : i32
      %add3A_146 = arith.addi %mul3A_103, %add3A_145 : i32
      %dma_wait3A_147 = arith.constant 0 : i32
      %dma_wait3A_148 = tpu.memref_slice %arg6[%add3A_146, %dma_wait3A_147] : memref<80x128xi32, #tpu.memory_space<vmem>> -> memref<1x128xi32, #tpu.memory_space<vmem>>
      %dma_wait3A_149 = tpu.memref_squeeze %dma_wait3A_148 : memref<1x128xi32, #tpu.memory_space<vmem>> -> memref<128xi32, #tpu.memory_space<vmem>>
      %dma_wait3A_150 = arith.constant 0 : i32
      %dma_wait3A_151 = arith.constant 0 : i32
      %dma_wait3A_152 = tpu.memref_slice %arg17[%dma_wait3A_150, %dma_wait3A_151] : memref<10240x16xf32, #tpu.memory_space<vmem_shared>> -> memref<10240x16xf32, #tpu.memory_space<vmem_shared>>
      tpu.wait_indirect_dma semaphore(%arg18 : memref<!tpu.dma_semaphore, #tpu.memory_space<semaphore_mem>>) src(%dma_wait3A_152 : memref<10240x16xf32, #tpu.memory_space<vmem_shared>>) dst(%arg11 : memref<128x16xf32, #tpu.memory_space<vmem>>)
      %dma_start3A_153 = arith.constant 0 : i32
      %dma_start3A_154 = tpu.memref_slice %arg7[%add3A_146, %dma_start3A_153] : memref<80x128xi32, #tpu.memory_space<vmem>> -> memref<1x128xi32, #tpu.memory_space<vmem>>
      %dma_start3A_155 = tpu.memref_squeeze %dma_start3A_154 : memref<1x128xi32, #tpu.memory_space<vmem>> -> memref<128xi32, #tpu.memory_space<vmem>>
      %dma_start3A_156 = arith.constant 0 : i32
      %dma_start3A_157 = arith.constant 0 : i32
      %dma_start3A_158 = tpu.memref_slice %arg16[%dma_start3A_156, %dma_start3A_157] : memref<10240x16xf32, #tpu.memory_space<vmem_shared>> -> memref<10240x16xf32, #tpu.memory_space<vmem_shared>>
      tpu.enqueue_indirect_dma source(%arg11 : memref<128x16xf32, #tpu.memory_space<vmem>>) target(%dma_start3A_158 : memref<10240x16xf32, #tpu.memory_space<vmem_shared>>) offsets(%dma_start3A_155 : memref<128xi32, #tpu.memory_space<vmem>>) semaphore(%arg19 : memref<!tpu.dma_semaphore, #tpu.memory_space<semaphore_mem>>) {add = true}
      %add3A_159 = arith.constant 4 : i32
      %add3A_160 = arith.addi %mul3A_103, %add3A_159 : i32
      %dma_wait3A_161 = arith.constant 0 : i32
      %dma_wait3A_162 = tpu.memref_slice %arg6[%add3A_160, %dma_wait3A_161] : memref<80x128xi32, #tpu.memory_space<vmem>> -> memref<1x128xi32, #tpu.memory_space<vmem>>
      %dma_wait3A_163 = tpu.memref_squeeze %dma_wait3A_162 : memref<1x128xi32, #tpu.memory_space<vmem>> -> memref<128xi32, #tpu.memory_space<vmem>>
      %dma_wait3A_164 = arith.constant 0 : i32
      %dma_wait3A_165 = arith.constant 0 : i32
      %dma_wait3A_166 = tpu.memref_slice %arg17[%dma_wait3A_164, %dma_wait3A_165] : memref<10240x16xf32, #tpu.memory_space<vmem_shared>> -> memref<10240x16xf32, #tpu.memory_space<vmem_shared>>
      tpu.wait_indirect_dma semaphore(%arg18 : memref<!tpu.dma_semaphore, #tpu.memory_space<semaphore_mem>>) src(%dma_wait3A_166 : memref<10240x16xf32, #tpu.memory_space<vmem_shared>>) dst(%arg12 : memref<128x16xf32, #tpu.memory_space<vmem>>)
      %dma_start3A_167 = arith.constant 0 : i32
      %dma_start3A_168 = tpu.memref_slice %arg7[%add3A_160, %dma_start3A_167] : memref<80x128xi32, #tpu.memory_space<vmem>> -> memref<1x128xi32, #tpu.memory_space<vmem>>
      %dma_start3A_169 = tpu.memref_squeeze %dma_start3A_168 : memref<1x128xi32, #tpu.memory_space<vmem>> -> memref<128xi32, #tpu.memory_space<vmem>>
      %dma_start3A_170 = arith.constant 0 : i32
      %dma_start3A_171 = arith.constant 0 : i32
      %dma_start3A_172 = tpu.memref_slice %arg16[%dma_start3A_170, %dma_start3A_171] : memref<10240x16xf32, #tpu.memory_space<vmem_shared>> -> memref<10240x16xf32, #tpu.memory_space<vmem_shared>>
      tpu.enqueue_indirect_dma source(%arg12 : memref<128x16xf32, #tpu.memory_space<vmem>>) target(%dma_start3A_172 : memref<10240x16xf32, #tpu.memory_space<vmem_shared>>) offsets(%dma_start3A_169 : memref<128xi32, #tpu.memory_space<vmem>>) semaphore(%arg19 : memref<!tpu.dma_semaphore, #tpu.memory_space<semaphore_mem>>) {add = true}
      %add3A_173 = arith.constant 5 : i32
      %add3A_174 = arith.addi %mul3A_103, %add3A_173 : i32
      %dma_wait3A_175 = arith.constant 0 : i32
      %dma_wait3A_176 = tpu.memref_slice %arg6[%add3A_174, %dma_wait3A_175] : memref<80x128xi32, #tpu.memory_space<vmem>> -> memref<1x128xi32, #tpu.memory_space<vmem>>
      %dma_wait3A_177 = tpu.memref_squeeze %dma_wait3A_176 : memref<1x128xi32, #tpu.memory_space<vmem>> -> memref<128xi32, #tpu.memory_space<vmem>>
      %dma_wait3A_178 = arith.constant 0 : i32
      %dma_wait3A_179 = arith.constant 0 : i32
      %dma_wait3A_180 = tpu.memref_slice %arg17[%dma_wait3A_178, %dma_wait3A_179] : memref<10240x16xf32, #tpu.memory_space<vmem_shared>> -> memref<10240x16xf32, #tpu.memory_space<vmem_shared>>
      tpu.wait_indirect_dma semaphore(%arg18 : memref<!tpu.dma_semaphore, #tpu.memory_space<semaphore_mem>>) src(%dma_wait3A_180 : memref<10240x16xf32, #tpu.memory_space<vmem_shared>>) dst(%arg13 : memref<128x16xf32, #tpu.memory_space<vmem>>)
      %dma_start3A_181 = arith.constant 0 : i32
      %dma_start3A_182 = tpu.memref_slice %arg7[%add3A_174, %dma_start3A_181] : memref<80x128xi32, #tpu.memory_space<vmem>> -> memref<1x128xi32, #tpu.memory_space<vmem>>
      %dma_start3A_183 = tpu.memref_squeeze %dma_start3A_182 : memref<1x128xi32, #tpu.memory_space<vmem>> -> memref<128xi32, #tpu.memory_space<vmem>>
      %dma_start3A_184 = arith.constant 0 : i32
      %dma_start3A_185 = arith.constant 0 : i32
      %dma_start3A_186 = tpu.memref_slice %arg16[%dma_start3A_184, %dma_start3A_185] : memref<10240x16xf32, #tpu.memory_space<vmem_shared>> -> memref<10240x16xf32, #tpu.memory_space<vmem_shared>>
      tpu.enqueue_indirect_dma source(%arg13 : memref<128x16xf32, #tpu.memory_space<vmem>>) target(%dma_start3A_186 : memref<10240x16xf32, #tpu.memory_space<vmem_shared>>) offsets(%dma_start3A_183 : memref<128xi32, #tpu.memory_space<vmem>>) semaphore(%arg19 : memref<!tpu.dma_semaphore, #tpu.memory_space<semaphore_mem>>) {add = true}
      %add3A_187 = arith.constant 6 : i32
      %add3A_188 = arith.addi %mul3A_103, %add3A_187 : i32
      %dma_wait3A_189 = arith.constant 0 : i32
      %dma_wait3A_190 = tpu.memref_slice %arg6[%add3A_188, %dma_wait3A_189] : memref<80x128xi32, #tpu.memory_space<vmem>> -> memref<1x128xi32, #tpu.memory_space<vmem>>
      %dma_wait3A_191 = tpu.memref_squeeze %dma_wait3A_190 : memref<1x128xi32, #tpu.memory_space<vmem>> -> memref<128xi32, #tpu.memory_space<vmem>>
      %dma_wait3A_192 = arith.constant 0 : i32
      %dma_wait3A_193 = arith.constant 0 : i32
      %dma_wait3A_194 = tpu.memref_slice %arg17[%dma_wait3A_192, %dma_wait3A_193] : memref<10240x16xf32, #tpu.memory_space<vmem_shared>> -> memref<10240x16xf32, #tpu.memory_space<vmem_shared>>
      tpu.wait_indirect_dma semaphore(%arg18 : memref<!tpu.dma_semaphore, #tpu.memory_space<semaphore_mem>>) src(%dma_wait3A_194 : memref<10240x16xf32, #tpu.memory_space<vmem_shared>>) dst(%arg14 : memref<128x16xf32, #tpu.memory_space<vmem>>)
      %dma_start3A_195 = arith.constant 0 : i32
      %dma_start3A_196 = tpu.memref_slice %arg7[%add3A_188, %dma_start3A_195] : memref<80x128xi32, #tpu.memory_space<vmem>> -> memref<1x128xi32, #tpu.memory_space<vmem>>
      %dma_start3A_197 = tpu.memref_squeeze %dma_start3A_196 : memref<1x128xi32, #tpu.memory_space<vmem>> -> memref<128xi32, #tpu.memory_space<vmem>>
      %dma_start3A_198 = arith.constant 0 : i32
      %dma_start3A_199 = arith.constant 0 : i32
      %dma_start3A_200 = tpu.memref_slice %arg16[%dma_start3A_198, %dma_start3A_199] : memref<10240x16xf32, #tpu.memory_space<vmem_shared>> -> memref<10240x16xf32, #tpu.memory_space<vmem_shared>>
      tpu.enqueue_indirect_dma source(%arg14 : memref<128x16xf32, #tpu.memory_space<vmem>>) target(%dma_start3A_200 : memref<10240x16xf32, #tpu.memory_space<vmem_shared>>) offsets(%dma_start3A_197 : memref<128xi32, #tpu.memory_space<vmem>>) semaphore(%arg19 : memref<!tpu.dma_semaphore, #tpu.memory_space<semaphore_mem>>) {add = true}
      %add3A_201 = arith.constant 7 : i32
      %add3A_202 = arith.addi %mul3A_103, %add3A_201 : i32
      %dma_wait3A_203 = arith.constant 0 : i32
      %dma_wait3A_204 = tpu.memref_slice %arg6[%add3A_202, %dma_wait3A_203] : memref<80x128xi32, #tpu.memory_space<vmem>> -> memref<1x128xi32, #tpu.memory_space<vmem>>
      %dma_wait3A_205 = tpu.memref_squeeze %dma_wait3A_204 : memref<1x128xi32, #tpu.memory_space<vmem>> -> memref<128xi32, #tpu.memory_space<vmem>>
      %dma_wait3A_206 = arith.constant 0 : i32
      %dma_wait3A_207 = arith.constant 0 : i32
      %dma_wait3A_208 = tpu.memref_slice %arg17[%dma_wait3A_206, %dma_wait3A_207] : memref<10240x16xf32, #tpu.memory_space<vmem_shared>> -> memref<10240x16xf32, #tpu.memory_space<vmem_shared>>
      tpu.wait_indirect_dma semaphore(%arg18 : memref<!tpu.dma_semaphore, #tpu.memory_space<semaphore_mem>>) src(%dma_wait3A_208 : memref<10240x16xf32, #tpu.memory_space<vmem_shared>>) dst(%arg15 : memref<128x16xf32, #tpu.memory_space<vmem>>)
      %dma_start3A_209 = arith.constant 0 : i32
      %dma_start3A_210 = tpu.memref_slice %arg7[%add3A_202, %dma_start3A_209] : memref<80x128xi32, #tpu.memory_space<vmem>> -> memref<1x128xi32, #tpu.memory_space<vmem>>
      %dma_start3A_211 = tpu.memref_squeeze %dma_start3A_210 : memref<1x128xi32, #tpu.memory_space<vmem>> -> memref<128xi32, #tpu.memory_space<vmem>>
      %dma_start3A_212 = arith.constant 0 : i32
      %dma_start3A_213 = arith.constant 0 : i32
      %dma_start3A_214 = tpu.memref_slice %arg16[%dma_start3A_212, %dma_start3A_213] : memref<10240x16xf32, #tpu.memory_space<vmem_shared>> -> memref<10240x16xf32, #tpu.memory_space<vmem_shared>>
      tpu.enqueue_indirect_dma source(%arg15 : memref<128x16xf32, #tpu.memory_space<vmem>>) target(%dma_start3A_214 : memref<10240x16xf32, #tpu.memory_space<vmem_shared>>) offsets(%dma_start3A_211 : memref<128xi32, #tpu.memory_space<vmem>>) semaphore(%arg19 : memref<!tpu.dma_semaphore, #tpu.memory_space<semaphore_mem>>) {add = true}
      %add3A_215 = arith.constant 0 : i32
      %add3A_216 = arith.addi %mul3A_103, %add3A_215 : i32
      %dma_wait3A_217 = arith.constant 0 : i32
      %dma_wait3A_218 = tpu.memref_slice %arg7[%add3A_216, %dma_wait3A_217] : memref<80x128xi32, #tpu.memory_space<vmem>> -> memref<1x128xi32, #tpu.memory_space<vmem>>
      %dma_wait3A_219 = tpu.memref_squeeze %dma_wait3A_218 : memref<1x128xi32, #tpu.memory_space<vmem>> -> memref<128xi32, #tpu.memory_space<vmem>>
      %dma_wait3A_220 = arith.constant 0 : i32
      %dma_wait3A_221 = arith.constant 0 : i32
      %dma_wait3A_222 = tpu.memref_slice %arg16[%dma_wait3A_220, %dma_wait3A_221] : memref<10240x16xf32, #tpu.memory_space<vmem_shared>> -> memref<10240x16xf32, #tpu.memory_space<vmem_shared>>
      tpu.wait_indirect_dma semaphore(%arg19 : memref<!tpu.dma_semaphore, #tpu.memory_space<semaphore_mem>>) src(%arg8 : memref<128x16xf32, #tpu.memory_space<vmem>>) dst(%dma_wait3A_222 : memref<10240x16xf32, #tpu.memory_space<vmem_shared>>)
      %add3A_223 = arith.constant 1 : i32
      %add3A_224 = arith.addi %mul3A_103, %add3A_223 : i32
      %dma_wait3A_225 = arith.constant 0 : i32
      %dma_wait3A_226 = tpu.memref_slice %arg7[%add3A_224, %dma_wait3A_225] : memref<80x128xi32, #tpu.memory_space<vmem>> -> memref<1x128xi32, #tpu.memory_space<vmem>>
      %dma_wait3A_227 = tpu.memref_squeeze %dma_wait3A_226 : memref<1x128xi32, #tpu.memory_space<vmem>> -> memref<128xi32, #tpu.memory_space<vmem>>
      %dma_wait3A_228 = arith.constant 0 : i32
      %dma_wait3A_229 = arith.constant 0 : i32
      %dma_wait3A_230 = tpu.memref_slice %arg16[%dma_wait3A_228, %dma_wait3A_229] : memref<10240x16xf32, #tpu.memory_space<vmem_shared>> -> memref<10240x16xf32, #tpu.memory_space<vmem_shared>>
      tpu.wait_indirect_dma semaphore(%arg19 : memref<!tpu.dma_semaphore, #tpu.memory_space<semaphore_mem>>) src(%arg9 : memref<128x16xf32, #tpu.memory_space<vmem>>) dst(%dma_wait3A_230 : memref<10240x16xf32, #tpu.memory_space<vmem_shared>>)
      %add3A_231 = arith.constant 2 : i32
      %add3A_232 = arith.addi %mul3A_103, %add3A_231 : i32
      %dma_wait3A_233 = arith.constant 0 : i32
      %dma_wait3A_234 = tpu.memref_slice %arg7[%add3A_232, %dma_wait3A_233] : memref<80x128xi32, #tpu.memory_space<vmem>> -> memref<1x128xi32, #tpu.memory_space<vmem>>
      %dma_wait3A_235 = tpu.memref_squeeze %dma_wait3A_234 : memref<1x128xi32, #tpu.memory_space<vmem>> -> memref<128xi32, #tpu.memory_space<vmem>>
      %dma_wait3A_236 = arith.constant 0 : i32
      %dma_wait3A_237 = arith.constant 0 : i32
      %dma_wait3A_238 = tpu.memref_slice %arg16[%dma_wait3A_236, %dma_wait3A_237] : memref<10240x16xf32, #tpu.memory_space<vmem_shared>> -> memref<10240x16xf32, #tpu.memory_space<vmem_shared>>
      tpu.wait_indirect_dma semaphore(%arg19 : memref<!tpu.dma_semaphore, #tpu.memory_space<semaphore_mem>>) src(%arg10 : memref<128x16xf32, #tpu.memory_space<vmem>>) dst(%dma_wait3A_238 : memref<10240x16xf32, #tpu.memory_space<vmem_shared>>)
      %add3A_239 = arith.constant 3 : i32
      %add3A_240 = arith.addi %mul3A_103, %add3A_239 : i32
      %dma_wait3A_241 = arith.constant 0 : i32
      %dma_wait3A_242 = tpu.memref_slice %arg7[%add3A_240, %dma_wait3A_241] : memref<80x128xi32, #tpu.memory_space<vmem>> -> memref<1x128xi32, #tpu.memory_space<vmem>>
      %dma_wait3A_243 = tpu.memref_squeeze %dma_wait3A_242 : memref<1x128xi32, #tpu.memory_space<vmem>> -> memref<128xi32, #tpu.memory_space<vmem>>
      %dma_wait3A_244 = arith.constant 0 : i32
      %dma_wait3A_245 = arith.constant 0 : i32
      %dma_wait3A_246 = tpu.memref_slice %arg16[%dma_wait3A_244, %dma_wait3A_245] : memref<10240x16xf32, #tpu.memory_space<vmem_shared>> -> memref<10240x16xf32, #tpu.memory_space<vmem_shared>>
      tpu.wait_indirect_dma semaphore(%arg19 : memref<!tpu.dma_semaphore, #tpu.memory_space<semaphore_mem>>) src(%arg11 : memref<128x16xf32, #tpu.memory_space<vmem>>) dst(%dma_wait3A_246 : memref<10240x16xf32, #tpu.memory_space<vmem_shared>>)
      %add3A_247 = arith.constant 4 : i32
      %add3A_248 = arith.addi %mul3A_103, %add3A_247 : i32
      %dma_wait3A_249 = arith.constant 0 : i32
      %dma_wait3A_250 = tpu.memref_slice %arg7[%add3A_248, %dma_wait3A_249] : memref<80x128xi32, #tpu.memory_space<vmem>> -> memref<1x128xi32, #tpu.memory_space<vmem>>
      %dma_wait3A_251 = tpu.memref_squeeze %dma_wait3A_250 : memref<1x128xi32, #tpu.memory_space<vmem>> -> memref<128xi32, #tpu.memory_space<vmem>>
      %dma_wait3A_252 = arith.constant 0 : i32
      %dma_wait3A_253 = arith.constant 0 : i32
      %dma_wait3A_254 = tpu.memref_slice %arg16[%dma_wait3A_252, %dma_wait3A_253] : memref<10240x16xf32, #tpu.memory_space<vmem_shared>> -> memref<10240x16xf32, #tpu.memory_space<vmem_shared>>
      tpu.wait_indirect_dma semaphore(%arg19 : memref<!tpu.dma_semaphore, #tpu.memory_space<semaphore_mem>>) src(%arg12 : memref<128x16xf32, #tpu.memory_space<vmem>>) dst(%dma_wait3A_254 : memref<10240x16xf32, #tpu.memory_space<vmem_shared>>)
      %add3A_255 = arith.constant 5 : i32
      %add3A_256 = arith.addi %mul3A_103, %add3A_255 : i32
      %dma_wait3A_257 = arith.constant 0 : i32
      %dma_wait3A_258 = tpu.memref_slice %arg7[%add3A_256, %dma_wait3A_257] : memref<80x128xi32, #tpu.memory_space<vmem>> -> memref<1x128xi32, #tpu.memory_space<vmem>>
      %dma_wait3A_259 = tpu.memref_squeeze %dma_wait3A_258 : memref<1x128xi32, #tpu.memory_space<vmem>> -> memref<128xi32, #tpu.memory_space<vmem>>
      %dma_wait3A_260 = arith.constant 0 : i32
      %dma_wait3A_261 = arith.constant 0 : i32
      %dma_wait3A_262 = tpu.memref_slice %arg16[%dma_wait3A_260, %dma_wait3A_261] : memref<10240x16xf32, #tpu.memory_space<vmem_shared>> -> memref<10240x16xf32, #tpu.memory_space<vmem_shared>>
      tpu.wait_indirect_dma semaphore(%arg19 : memref<!tpu.dma_semaphore, #tpu.memory_space<semaphore_mem>>) src(%arg13 : memref<128x16xf32, #tpu.memory_space<vmem>>) dst(%dma_wait3A_262 : memref<10240x16xf32, #tpu.memory_space<vmem_shared>>)
      %add3A_263 = arith.constant 6 : i32
      %add3A_264 = arith.addi %mul3A_103, %add3A_263 : i32
      %dma_wait3A_265 = arith.constant 0 : i32
      %dma_wait3A_266 = tpu.memref_slice %arg7[%add3A_264, %dma_wait3A_265] : memref<80x128xi32, #tpu.memory_space<vmem>> -> memref<1x128xi32, #tpu.memory_space<vmem>>
      %dma_wait3A_267 = tpu.memref_squeeze %dma_wait3A_266 : memref<1x128xi32, #tpu.memory_space<vmem>> -> memref<128xi32, #tpu.memory_space<vmem>>
      %dma_wait3A_268 = arith.constant 0 : i32
      %dma_wait3A_269 = arith.constant 0 : i32
      %dma_wait3A_270 = tpu.memref_slice %arg16[%dma_wait3A_268, %dma_wait3A_269] : memref<10240x16xf32, #tpu.memory_space<vmem_shared>> -> memref<10240x16xf32, #tpu.memory_space<vmem_shared>>
      tpu.wait_indirect_dma semaphore(%arg19 : memref<!tpu.dma_semaphore, #tpu.memory_space<semaphore_mem>>) src(%arg14 : memref<128x16xf32, #tpu.memory_space<vmem>>) dst(%dma_wait3A_270 : memref<10240x16xf32, #tpu.memory_space<vmem_shared>>)
      %add3A_271 = arith.constant 7 : i32
      %add3A_272 = arith.addi %mul3A_103, %add3A_271 : i32
      %dma_wait3A_273 = arith.constant 0 : i32
      %dma_wait3A_274 = tpu.memref_slice %arg7[%add3A_272, %dma_wait3A_273] : memref<80x128xi32, #tpu.memory_space<vmem>> -> memref<1x128xi32, #tpu.memory_space<vmem>>
      %dma_wait3A_275 = tpu.memref_squeeze %dma_wait3A_274 : memref<1x128xi32, #tpu.memory_space<vmem>> -> memref<128xi32, #tpu.memory_space<vmem>>
      %dma_wait3A_276 = arith.constant 0 : i32
      %dma_wait3A_277 = arith.constant 0 : i32
      %dma_wait3A_278 = tpu.memref_slice %arg16[%dma_wait3A_276, %dma_wait3A_277] : memref<10240x16xf32, #tpu.memory_space<vmem_shared>> -> memref<10240x16xf32, #tpu.memory_space<vmem_shared>>
      tpu.wait_indirect_dma semaphore(%arg19 : memref<!tpu.dma_semaphore, #tpu.memory_space<semaphore_mem>>) src(%arg15 : memref<128x16xf32, #tpu.memory_space<vmem>>) dst(%dma_wait3A_278 : memref<10240x16xf32, #tpu.memory_space<vmem_shared>>)
      %lt3A_279 = arith.constant 9 : i32
      %lt3A_280 = arith.cmpi slt, %scan3A_101, %lt3A_279 : i32
      %convert_element_type3A_281 = arith.extui %lt3A_280 : i1 to i32
      %cond3A_282 = arith.constant 0 : i32
      %cond3A_283 = arith.cmpi ne, %convert_element_type3A_281, %cond3A_282 : i32
      scf.if %cond3A_283 {
        %add3A_284 = arith.constant 8 : i32
        %add3A_285 = arith.addi %mul3A_103, %add3A_284 : i32
        %add3A_286 = arith.constant 0 : i32
        %add3A_287 = arith.addi %add3A_285, %add3A_286 : i32
        %dma_start3A_288 = arith.constant 0 : i32
        %dma_start3A_289 = tpu.memref_slice %arg6[%add3A_287, %dma_start3A_288] : memref<80x128xi32, #tpu.memory_space<vmem>> -> memref<1x128xi32, #tpu.memory_space<vmem>>
        %dma_start3A_290 = tpu.memref_squeeze %dma_start3A_289 : memref<1x128xi32, #tpu.memory_space<vmem>> -> memref<128xi32, #tpu.memory_space<vmem>>
        %dma_start3A_291 = arith.constant 0 : i32
        %dma_start3A_292 = arith.constant 0 : i32
        %dma_start3A_293 = tpu.memref_slice %arg17[%dma_start3A_291, %dma_start3A_292] : memref<10240x16xf32, #tpu.memory_space<vmem_shared>> -> memref<10240x16xf32, #tpu.memory_space<vmem_shared>>
        tpu.enqueue_indirect_dma source(%dma_start3A_293 : memref<10240x16xf32, #tpu.memory_space<vmem_shared>>) target(%arg8 : memref<128x16xf32, #tpu.memory_space<vmem>>) offsets(%dma_start3A_290 : memref<128xi32, #tpu.memory_space<vmem>>) semaphore(%arg18 : memref<!tpu.dma_semaphore, #tpu.memory_space<semaphore_mem>>)
        %add3A_294 = arith.constant 8 : i32
        %add3A_295 = arith.addi %mul3A_103, %add3A_294 : i32
        %add3A_296 = arith.constant 1 : i32
        %add3A_297 = arith.addi %add3A_295, %add3A_296 : i32
        %dma_start3A_298 = arith.constant 0 : i32
        %dma_start3A_299 = tpu.memref_slice %arg6[%add3A_297, %dma_start3A_298] : memref<80x128xi32, #tpu.memory_space<vmem>> -> memref<1x128xi32, #tpu.memory_space<vmem>>
        %dma_start3A_300 = tpu.memref_squeeze %dma_start3A_299 : memref<1x128xi32, #tpu.memory_space<vmem>> -> memref<128xi32, #tpu.memory_space<vmem>>
        %dma_start3A_301 = arith.constant 0 : i32
        %dma_start3A_302 = arith.constant 0 : i32
        %dma_start3A_303 = tpu.memref_slice %arg17[%dma_start3A_301, %dma_start3A_302] : memref<10240x16xf32, #tpu.memory_space<vmem_shared>> -> memref<10240x16xf32, #tpu.memory_space<vmem_shared>>
        tpu.enqueue_indirect_dma source(%dma_start3A_303 : memref<10240x16xf32, #tpu.memory_space<vmem_shared>>) target(%arg9 : memref<128x16xf32, #tpu.memory_space<vmem>>) offsets(%dma_start3A_300 : memref<128xi32, #tpu.memory_space<vmem>>) semaphore(%arg18 : memref<!tpu.dma_semaphore, #tpu.memory_space<semaphore_mem>>)
        %add3A_304 = arith.constant 8 : i32
        %add3A_305 = arith.addi %mul3A_103, %add3A_304 : i32
        %add3A_306 = arith.constant 2 : i32
        %add3A_307 = arith.addi %add3A_305, %add3A_306 : i32
        %dma_start3A_308 = arith.constant 0 : i32
        %dma_start3A_309 = tpu.memref_slice %arg6[%add3A_307, %dma_start3A_308] : memref<80x128xi32, #tpu.memory_space<vmem>> -> memref<1x128xi32, #tpu.memory_space<vmem>>
        %dma_start3A_310 = tpu.memref_squeeze %dma_start3A_309 : memref<1x128xi32, #tpu.memory_space<vmem>> -> memref<128xi32, #tpu.memory_space<vmem>>
        %dma_start3A_311 = arith.constant 0 : i32
        %dma_start3A_312 = arith.constant 0 : i32
        %dma_start3A_313 = tpu.memref_slice %arg17[%dma_start3A_311, %dma_start3A_312] : memref<10240x16xf32, #tpu.memory_space<vmem_shared>> -> memref<10240x16xf32, #tpu.memory_space<vmem_shared>>
        tpu.enqueue_indirect_dma source(%dma_start3A_313 : memref<10240x16xf32, #tpu.memory_space<vmem_shared>>) target(%arg10 : memref<128x16xf32, #tpu.memory_space<vmem>>) offsets(%dma_start3A_310 : memref<128xi32, #tpu.memory_space<vmem>>) semaphore(%arg18 : memref<!tpu.dma_semaphore, #tpu.memory_space<semaphore_mem>>)
        %add3A_314 = arith.constant 8 : i32
        %add3A_315 = arith.addi %mul3A_103, %add3A_314 : i32
        %add3A_316 = arith.constant 3 : i32
        %add3A_317 = arith.addi %add3A_315, %add3A_316 : i32
        %dma_start3A_318 = arith.constant 0 : i32
        %dma_start3A_319 = tpu.memref_slice %arg6[%add3A_317, %dma_start3A_318] : memref<80x128xi32, #tpu.memory_space<vmem>> -> memref<1x128xi32, #tpu.memory_space<vmem>>
        %dma_start3A_320 = tpu.memref_squeeze %dma_start3A_319 : memref<1x128xi32, #tpu.memory_space<vmem>> -> memref<128xi32, #tpu.memory_space<vmem>>
        %dma_start3A_321 = arith.constant 0 : i32
        %dma_start3A_322 = arith.constant 0 : i32
        %dma_start3A_323 = tpu.memref_slice %arg17[%dma_start3A_321, %dma_start3A_322] : memref<10240x16xf32, #tpu.memory_space<vmem_shared>> -> memref<10240x16xf32, #tpu.memory_space<vmem_shared>>
        tpu.enqueue_indirect_dma source(%dma_start3A_323 : memref<10240x16xf32, #tpu.memory_space<vmem_shared>>) target(%arg11 : memref<128x16xf32, #tpu.memory_space<vmem>>) offsets(%dma_start3A_320 : memref<128xi32, #tpu.memory_space<vmem>>) semaphore(%arg18 : memref<!tpu.dma_semaphore, #tpu.memory_space<semaphore_mem>>)
        %add3A_324 = arith.constant 8 : i32
        %add3A_325 = arith.addi %mul3A_103, %add3A_324 : i32
        %add3A_326 = arith.constant 4 : i32
        %add3A_327 = arith.addi %add3A_325, %add3A_326 : i32
        %dma_start3A_328 = arith.constant 0 : i32
        %dma_start3A_329 = tpu.memref_slice %arg6[%add3A_327, %dma_start3A_328] : memref<80x128xi32, #tpu.memory_space<vmem>> -> memref<1x128xi32, #tpu.memory_space<vmem>>
        %dma_start3A_330 = tpu.memref_squeeze %dma_start3A_329 : memref<1x128xi32, #tpu.memory_space<vmem>> -> memref<128xi32, #tpu.memory_space<vmem>>
        %dma_start3A_331 = arith.constant 0 : i32
        %dma_start3A_332 = arith.constant 0 : i32
        %dma_start3A_333 = tpu.memref_slice %arg17[%dma_start3A_331, %dma_start3A_332] : memref<10240x16xf32, #tpu.memory_space<vmem_shared>> -> memref<10240x16xf32, #tpu.memory_space<vmem_shared>>
        tpu.enqueue_indirect_dma source(%dma_start3A_333 : memref<10240x16xf32, #tpu.memory_space<vmem_shared>>) target(%arg12 : memref<128x16xf32, #tpu.memory_space<vmem>>) offsets(%dma_start3A_330 : memref<128xi32, #tpu.memory_space<vmem>>) semaphore(%arg18 : memref<!tpu.dma_semaphore, #tpu.memory_space<semaphore_mem>>)
        %add3A_334 = arith.constant 8 : i32
        %add3A_335 = arith.addi %mul3A_103, %add3A_334 : i32
        %add3A_336 = arith.constant 5 : i32
        %add3A_337 = arith.addi %add3A_335, %add3A_336 : i32
        %dma_start3A_338 = arith.constant 0 : i32
        %dma_start3A_339 = tpu.memref_slice %arg6[%add3A_337, %dma_start3A_338] : memref<80x128xi32, #tpu.memory_space<vmem>> -> memref<1x128xi32, #tpu.memory_space<vmem>>
        %dma_start3A_340 = tpu.memref_squeeze %dma_start3A_339 : memref<1x128xi32, #tpu.memory_space<vmem>> -> memref<128xi32, #tpu.memory_space<vmem>>
        %dma_start3A_341 = arith.constant 0 : i32
        %dma_start3A_342 = arith.constant 0 : i32
        %dma_start3A_343 = tpu.memref_slice %arg17[%dma_start3A_341, %dma_start3A_342] : memref<10240x16xf32, #tpu.memory_space<vmem_shared>> -> memref<10240x16xf32, #tpu.memory_space<vmem_shared>>
        tpu.enqueue_indirect_dma source(%dma_start3A_343 : memref<10240x16xf32, #tpu.memory_space<vmem_shared>>) target(%arg13 : memref<128x16xf32, #tpu.memory_space<vmem>>) offsets(%dma_start3A_340 : memref<128xi32, #tpu.memory_space<vmem>>) semaphore(%arg18 : memref<!tpu.dma_semaphore, #tpu.memory_space<semaphore_mem>>)
        %add3A_344 = arith.constant 8 : i32
        %add3A_345 = arith.addi %mul3A_103, %add3A_344 : i32
        %add3A_346 = arith.constant 6 : i32
        %add3A_347 = arith.addi %add3A_345, %add3A_346 : i32
        %dma_start3A_348 = arith.constant 0 : i32
        %dma_start3A_349 = tpu.memref_slice %arg6[%add3A_347, %dma_start3A_348] : memref<80x128xi32, #tpu.memory_space<vmem>> -> memref<1x128xi32, #tpu.memory_space<vmem>>
        %dma_start3A_350 = tpu.memref_squeeze %dma_start3A_349 : memref<1x128xi32, #tpu.memory_space<vmem>> -> memref<128xi32, #tpu.memory_space<vmem>>
        %dma_start3A_351 = arith.constant 0 : i32
        %dma_start3A_352 = arith.constant 0 : i32
        %dma_start3A_353 = tpu.memref_slice %arg17[%dma_start3A_351, %dma_start3A_352] : memref<10240x16xf32, #tpu.memory_space<vmem_shared>> -> memref<10240x16xf32, #tpu.memory_space<vmem_shared>>
        tpu.enqueue_indirect_dma source(%dma_start3A_353 : memref<10240x16xf32, #tpu.memory_space<vmem_shared>>) target(%arg14 : memref<128x16xf32, #tpu.memory_space<vmem>>) offsets(%dma_start3A_350 : memref<128xi32, #tpu.memory_space<vmem>>) semaphore(%arg18 : memref<!tpu.dma_semaphore, #tpu.memory_space<semaphore_mem>>)
        %add3A_354 = arith.constant 8 : i32
        %add3A_355 = arith.addi %mul3A_103, %add3A_354 : i32
        %add3A_356 = arith.constant 7 : i32
        %add3A_357 = arith.addi %add3A_355, %add3A_356 : i32
        %dma_start3A_358 = arith.constant 0 : i32
        %dma_start3A_359 = tpu.memref_slice %arg6[%add3A_357, %dma_start3A_358] : memref<80x128xi32, #tpu.memory_space<vmem>> -> memref<1x128xi32, #tpu.memory_space<vmem>>
        %dma_start3A_360 = tpu.memref_squeeze %dma_start3A_359 : memref<1x128xi32, #tpu.memory_space<vmem>> -> memref<128xi32, #tpu.memory_space<vmem>>
        %dma_start3A_361 = arith.constant 0 : i32
        %dma_start3A_362 = arith.constant 0 : i32
        %dma_start3A_363 = tpu.memref_slice %arg17[%dma_start3A_361, %dma_start3A_362] : memref<10240x16xf32, #tpu.memory_space<vmem_shared>> -> memref<10240x16xf32, #tpu.memory_space<vmem_shared>>
        tpu.enqueue_indirect_dma source(%dma_start3A_363 : memref<10240x16xf32, #tpu.memory_space<vmem_shared>>) target(%arg15 : memref<128x16xf32, #tpu.memory_space<vmem>>) offsets(%dma_start3A_360 : memref<128xi32, #tpu.memory_space<vmem>>) semaphore(%arg18 : memref<!tpu.dma_semaphore, #tpu.memory_space<semaphore_mem>>)
      } else {
      }
    }
    %scan3A_97 = arith.constant 10 : i32
    %barrier3A_98 = arith.constant 0 : index
    tpu.barrier barrier_id(%barrier3A_98)
    %mul3A_99 = arith.constant 640 : i32
    %mul3A_100 = arith.muli %arg1, %mul3A_99 : i32
    "tpu.region"() ({
      %run_scoped3A = tpu.sem_alloc : memref<!tpu.dma_semaphore, #tpu.memory_space<semaphore_mem>>
      %dma_start3A_101 = arith.constant 0 : i32
      %dma_start3A_102 = tpu.memref_slice %arg5[%arg0, %mul3A_100, %dma_start3A_101] : memref<2x10240x16xf32, #tpu.memory_space<hbm>> -> memref<1x640x16xf32, #tpu.memory_space<hbm>>
      %dma_start3A_103 = tpu.memref_squeeze %dma_start3A_102 : memref<1x640x16xf32, #tpu.memory_space<hbm>> -> memref<640x16xf32, #tpu.memory_space<hbm>>
      %dma_start3A_104 = arith.constant 0 : i32
      %dma_start3A_105 = tpu.memref_slice %arg16[%mul3A_100, %dma_start3A_104] : memref<10240x16xf32, #tpu.memory_space<vmem_shared>> -> memref<640x16xf32, #tpu.memory_space<vmem_shared>>
      tpu.enqueue_dma source(%dma_start3A_105 : memref<640x16xf32, #tpu.memory_space<vmem_shared>>) target(%dma_start3A_103 : memref<640x16xf32, #tpu.memory_space<hbm>>) target_semaphore(%run_scoped3A : memref<!tpu.dma_semaphore, #tpu.memory_space<semaphore_mem>>)
      %dma_wait3A = arith.constant 0 : i32
      %dma_wait3A_106 = tpu.memref_slice %arg5[%arg0, %mul3A_100, %dma_wait3A] : memref<2x10240x16xf32, #tpu.memory_space<hbm>> -> memref<1x640x16xf32, #tpu.memory_space<hbm>>
      %dma_wait3A_107 = tpu.memref_squeeze %dma_wait3A_106 : memref<1x640x16xf32, #tpu.memory_space<hbm>> -> memref<640x16xf32, #tpu.memory_space<hbm>>
      %dma_wait3A_108 = arith.constant 0 : i32
      %dma_wait3A_109 = tpu.memref_slice %arg16[%mul3A_100, %dma_wait3A_108] : memref<10240x16xf32, #tpu.memory_space<vmem_shared>> -> memref<640x16xf32, #tpu.memory_space<vmem_shared>>
      tpu.wait_dma2 semaphore(%run_scoped3A : memref<!tpu.dma_semaphore, #tpu.memory_space<semaphore_mem>>) src(%dma_wait3A_109 : memref<640x16xf32, #tpu.memory_space<vmem_shared>>) dst(%dma_wait3A_107 : memref<640x16xf32, #tpu.memory_space<hbm>>)
      tpu.yield
    }) : () -> ()
    return
  }
}

module attributes {stable_mosaic.version = 14 : i64} {
  func.func @_dense_body(%arg0: i32, %arg1: memref<400x64xf32, #tpu.memory_space<vmem>>, %arg2: memref<400x64xf32, #tpu.memory_space<vmem>>, %arg3: memref<2x400x16xf32, #tpu.memory_space<vmem>>, %arg4: memref<400x128xf32, #tpu.memory_space<vmem>>, %arg5: memref<64x256xf32, #tpu.memory_space<vmem>>, %arg6: memref<64x256xf32, #tpu.memory_space<vmem>>, %arg7: memref<128x256xf32, #tpu.memory_space<vmem>>, %arg8: memref<1x256xf32, #tpu.memory_space<vmem>>, %arg9: memref<1x256xf32, #tpu.memory_space<vmem>>, %arg10: memref<1x256xf32, #tpu.memory_space<vmem>>, %arg11: memref<256x32xf32, #tpu.memory_space<vmem>>, %arg12: memref<1x32xf32, #tpu.memory_space<vmem>>, %arg13: memref<400x16xf32, #tpu.memory_space<vmem>>, %arg14: memref<400x16xf32, #tpu.memory_space<vmem>>) attributes {dimension_semantics = [#tpu.dimension_semantics<arbitrary>], iteration_bounds = array<i64: 25>, scalar_prefetch = 0 : i64, scratch_operands = 0 : i64, tpu.core_type = #tpu.core_type<tc>, window_params = [{transform_indices = @transform_0, window_bounds = array<i64: 400, 64>}, {transform_indices = @transform_1, window_bounds = array<i64: 400, 64>}, {transform_indices = @transform_2, window_bounds = array<i64: 2, 400, 16>}, {transform_indices = @transform_3, window_bounds = array<i64: 400, 128>}, {pipeline_mode = #tpu.pipeline_mode<synchronous>, transform_indices = @transform_4, window_bounds = array<i64: 64, 256>}, {pipeline_mode = #tpu.pipeline_mode<synchronous>, transform_indices = @transform_5, window_bounds = array<i64: 64, 256>}, {pipeline_mode = #tpu.pipeline_mode<synchronous>, transform_indices = @transform_6, window_bounds = array<i64: 128, 256>}, {pipeline_mode = #tpu.pipeline_mode<synchronous>, transform_indices = @transform_7, window_bounds = array<i64: 1, 256>}, {pipeline_mode = #tpu.pipeline_mode<synchronous>, transform_indices = @transform_8, window_bounds = array<i64: 1, 256>}, {pipeline_mode = #tpu.pipeline_mode<synchronous>, transform_indices = @transform_9, window_bounds = array<i64: 1, 256>}, {pipeline_mode = #tpu.pipeline_mode<synchronous>, transform_indices = @transform_10, window_bounds = array<i64: 256, 32>}, {pipeline_mode = #tpu.pipeline_mode<synchronous>, transform_indices = @transform_11, window_bounds = array<i64: 1, 32>}, {transform_indices = @transform_12, window_bounds = array<i64: 400, 16>}, {transform_indices = @transform_13, window_bounds = array<i64: 400, 16>}]} {
    %get3A = arith.constant 0 : index
    %get3A_0 = arith.constant 0 : index
    %get3A_1 = arith.constant 0 : index
    %get3A_2 = vector.load %arg3[%get3A, %get3A_0, %get3A_1] : memref<2x400x16xf32, #tpu.memory_space<vmem>>, vector<1x400x1xf32>
    %get3A_3 = vector.shape_cast %get3A_2 : vector<1x400x1xf32> to vector<400x1xf32>
    %get3A_4 = arith.constant 1 : index
    %get3A_5 = arith.constant 0 : index
    %get3A_6 = arith.constant 0 : index
    %get3A_7 = vector.load %arg3[%get3A_4, %get3A_5, %get3A_6] : memref<2x400x16xf32, #tpu.memory_space<vmem>>, vector<1x400x1xf32>
    %get3A_8 = vector.shape_cast %get3A_7 : vector<1x400x1xf32> to vector<400x1xf32>
    %add3A = arith.addf %get3A_3, %get3A_8 : vector<400x1xf32>
    %max3A = arith.constant 1.000000e+00 : f32
    %max3A_9 = vector.broadcast %max3A : f32 to vector<400x1xf32>
    %max3A_10 = arith.maximumf %add3A, %max3A_9 : vector<400x1xf32>
    %div3A = arith.constant 1.000000e+00 : f32
    %div3A_11 = vector.broadcast %div3A : f32 to vector<400x1xf32>
    %div3A_12 = arith.divf %div3A_11, %max3A_10 : vector<400x1xf32>
    %get3A_13 = arith.constant 0 : index
    %get3A_14 = arith.constant 0 : index
    %get3A_15 = vector.load %arg1[%get3A_13, %get3A_14] : memref<400x64xf32, #tpu.memory_space<vmem>>, vector<400x64xf32>
    %mul3A = vector.broadcast %div3A_12 : vector<400x1xf32> to vector<400x64xf32>
    %mul3A_16 = arith.mulf %get3A_15, %mul3A : vector<400x64xf32>
    %get3A_17 = arith.constant 0 : index
    %get3A_18 = arith.constant 0 : index
    %get3A_19 = vector.load %arg5[%get3A_17, %get3A_18] : memref<64x256xf32, #tpu.memory_space<vmem>>, vector<64x256xf32>
    %dot_general3A = arith.constant dense<0.000000e+00> : vector<400x256xf32>
    %dot_general3A_20 = tpu.matmul %mul3A_16, %get3A_19, %dot_general3A {dimension_numbers = #tpu.dot_dimension_numbers<[1], [0], [0], [1], [0, 0, 1, 1], [], []>, transpose_lhs_hint = false} : vector<400x64xf32>, vector<64x256xf32>, vector<400x256xf32> -> vector<400x256xf32>
    %get3A_21 = arith.constant 0 : index
    %get3A_22 = arith.constant 0 : index
    %get3A_23 = vector.load %arg2[%get3A_21, %get3A_22] : memref<400x64xf32, #tpu.memory_space<vmem>>, vector<400x64xf32>
    %mul3A_24 = vector.broadcast %div3A_12 : vector<400x1xf32> to vector<400x64xf32>
    %mul3A_25 = arith.mulf %get3A_23, %mul3A_24 : vector<400x64xf32>
    %get3A_26 = arith.constant 0 : index
    %get3A_27 = arith.constant 0 : index
    %get3A_28 = vector.load %arg6[%get3A_26, %get3A_27] : memref<64x256xf32, #tpu.memory_space<vmem>>, vector<64x256xf32>
    %dot_general3A_29 = arith.constant dense<0.000000e+00> : vector<400x256xf32>
    %dot_general3A_30 = tpu.matmul %mul3A_25, %get3A_28, %dot_general3A_29 {dimension_numbers = #tpu.dot_dimension_numbers<[1], [0], [0], [1], [0, 0, 1, 1], [], []>, transpose_lhs_hint = false} : vector<400x64xf32>, vector<64x256xf32>, vector<400x256xf32> -> vector<400x256xf32>
    %add3A_31 = arith.addf %dot_general3A_20, %dot_general3A_30 : vector<400x256xf32>
    %get3A_32 = arith.constant 0 : index
    %get3A_33 = arith.constant 0 : index
    %get3A_34 = vector.load %arg4[%get3A_32, %get3A_33] : memref<400x128xf32, #tpu.memory_space<vmem>>, vector<400x128xf32>
    %get3A_35 = arith.constant 0 : index
    %get3A_36 = arith.constant 0 : index
    %get3A_37 = vector.load %arg7[%get3A_35, %get3A_36] : memref<128x256xf32, #tpu.memory_space<vmem>>, vector<128x256xf32>
    %dot_general3A_38 = arith.constant dense<0.000000e+00> : vector<400x256xf32>
    %dot_general3A_39 = tpu.matmul %get3A_34, %get3A_37, %dot_general3A_38 {dimension_numbers = #tpu.dot_dimension_numbers<[1], [0], [0], [1], [0, 0, 1, 1], [], []>, transpose_lhs_hint = false} : vector<400x128xf32>, vector<128x256xf32>, vector<400x256xf32> -> vector<400x256xf32>
    %add3A_40 = arith.addf %add3A_31, %dot_general3A_39 : vector<400x256xf32>
    %get3A_41 = arith.constant 0 : index
    %get3A_42 = arith.constant 0 : index
    %get3A_43 = vector.load %arg8[%get3A_41, %get3A_42] : memref<1x256xf32, #tpu.memory_space<vmem>>, vector<1x256xf32>
    %add3A_44 = vector.broadcast %get3A_43 : vector<1x256xf32> to vector<400x256xf32>
    %add3A_45 = arith.addf %add3A_40, %add3A_44 : vector<400x256xf32>
    %reduce_sum3A = arith.constant dense<0.000000e+00> : vector<400xf32>
    %reduce_sum3A_46 = vector.multi_reduction <add>, %add3A_45, %reduce_sum3A [1] : vector<400x256xf32> to vector<400xf32>
    %broadcast_in_dim3A = vector.shape_cast %reduce_sum3A_46 : vector<400xf32> to vector<400x1xf32>
    %div3A_47 = arith.constant 2.560000e+02 : f32
    %div3A_48 = vector.broadcast %div3A_47 : f32 to vector<400x1xf32>
    %div3A_49 = arith.divf %broadcast_in_dim3A, %div3A_48 : vector<400x1xf32>
    %sub3A = vector.broadcast %div3A_49 : vector<400x1xf32> to vector<400x256xf32>
    %sub3A_50 = arith.subf %add3A_45, %sub3A : vector<400x256xf32>
    %integer_pow3A = arith.mulf %sub3A_50, %sub3A_50 : vector<400x256xf32>
    %reduce_sum3A_51 = arith.constant dense<0.000000e+00> : vector<400xf32>
    %reduce_sum3A_52 = vector.multi_reduction <add>, %integer_pow3A, %reduce_sum3A_51 [1] : vector<400x256xf32> to vector<400xf32>
    %broadcast_in_dim3A_53 = vector.shape_cast %reduce_sum3A_52 : vector<400xf32> to vector<400x1xf32>
    %div3A_54 = arith.constant 2.560000e+02 : f32
    %div3A_55 = vector.broadcast %div3A_54 : f32 to vector<400x1xf32>
    %div3A_56 = arith.divf %broadcast_in_dim3A_53, %div3A_55 : vector<400x1xf32>
    %sub3A_57 = vector.broadcast %div3A_49 : vector<400x1xf32> to vector<400x256xf32>
    %sub3A_58 = arith.subf %add3A_45, %sub3A_57 : vector<400x256xf32>
    %add3A_59 = arith.constant 9.99999974E-6 : f32
    %add3A_60 = vector.broadcast %add3A_59 : f32 to vector<400x1xf32>
    %add3A_61 = arith.addf %div3A_56, %add3A_60 : vector<400x1xf32>
    %rsqrt3A = math.rsqrt %add3A_61 : vector<400x1xf32>
    %mul3A_62 = vector.broadcast %rsqrt3A : vector<400x1xf32> to vector<400x256xf32>
    %mul3A_63 = arith.mulf %sub3A_58, %mul3A_62 : vector<400x256xf32>
    %get3A_64 = arith.constant 0 : index
    %get3A_65 = arith.constant 0 : index
    %get3A_66 = vector.load %arg9[%get3A_64, %get3A_65] : memref<1x256xf32, #tpu.memory_space<vmem>>, vector<1x256xf32>
    %mul3A_67 = vector.broadcast %get3A_66 : vector<1x256xf32> to vector<400x256xf32>
    %mul3A_68 = arith.mulf %mul3A_63, %mul3A_67 : vector<400x256xf32>
    %get3A_69 = arith.constant 0 : index
    %get3A_70 = arith.constant 0 : index
    %get3A_71 = vector.load %arg10[%get3A_69, %get3A_70] : memref<1x256xf32, #tpu.memory_space<vmem>>, vector<1x256xf32>
    %add3A_72 = vector.broadcast %get3A_71 : vector<1x256xf32> to vector<400x256xf32>
    %add3A_73 = arith.addf %mul3A_68, %add3A_72 : vector<400x256xf32>
    %gt3A = arith.constant 0.000000e+00 : f32
    %gt3A_74 = vector.broadcast %gt3A : f32 to vector<400x256xf32>
    %gt3A_75 = arith.cmpf ogt, %add3A_73, %gt3A_74 : vector<400x256xf32>
    %exp3A = math.exp %add3A_73 : vector<400x256xf32>
    %sub3A_76 = arith.constant 1.000000e+00 : f32
    %sub3A_77 = vector.broadcast %sub3A_76 : f32 to vector<400x256xf32>
    %sub3A_78 = arith.subf %exp3A, %sub3A_77 : vector<400x256xf32>
    %select_n3A = arith.select %gt3A_75, %add3A_73, %sub3A_78 : vector<400x256xi1>, vector<400x256xf32>
    %get3A_79 = arith.constant 0 : index
    %get3A_80 = arith.constant 0 : index
    %get3A_81 = vector.load %arg11[%get3A_79, %get3A_80] : memref<256x32xf32, #tpu.memory_space<vmem>>, vector<256x32xf32>
    %dot_general3A_82 = arith.constant dense<0.000000e+00> : vector<400x32xf32>
    %dot_general3A_83 = tpu.matmul %select_n3A, %get3A_81, %dot_general3A_82 {dimension_numbers = #tpu.dot_dimension_numbers<[1], [0], [0], [1], [0, 0, 1, 1], [], []>, transpose_lhs_hint = false} : vector<400x256xf32>, vector<256x32xf32>, vector<400x32xf32> -> vector<400x32xf32>
    %get3A_84 = arith.constant 0 : index
    %get3A_85 = arith.constant 0 : index
    %get3A_86 = vector.load %arg12[%get3A_84, %get3A_85] : memref<1x32xf32, #tpu.memory_space<vmem>>, vector<1x32xf32>
    %add3A_87 = vector.broadcast %get3A_86 : vector<1x32xf32> to vector<400x32xf32>
    %add3A_88 = arith.addf %dot_general3A_83, %add3A_87 : vector<400x32xf32>
    %slice3A = vector.extract_strided_slice %add3A_88 {offsets = [0, 0], sizes = [400, 16], strides = [1, 1]} : vector<400x32xf32> to vector<400x16xf32>
    %swap3A = arith.constant 0 : index
    %swap3A_89 = arith.constant 0 : index
    %swap3A_90 = vector.load %arg13[%swap3A, %swap3A_89] : memref<400x16xf32, #tpu.memory_space<vmem>>, vector<400x16xf32>
    tpu.vector_store %arg13[%swap3A, %swap3A_89], %slice3A {strides = array<i32>} : memref<400x16xf32, #tpu.memory_space<vmem>>, vector<400x16xf32>,
    %slice3A_91 = vector.extract_strided_slice %add3A_88 {offsets = [0, 16], sizes = [400, 16], strides = [1, 1]} : vector<400x32xf32> to vector<400x16xf32>
    %swap3A_92 = arith.constant 0 : index
    %swap3A_93 = arith.constant 0 : index
    %swap3A_94 = vector.load %arg14[%swap3A_92, %swap3A_93] : memref<400x16xf32, #tpu.memory_space<vmem>>, vector<400x16xf32>
    tpu.vector_store %arg14[%swap3A_92, %swap3A_93], %slice3A_91 {strides = array<i32>} : memref<400x16xf32, #tpu.memory_space<vmem>>, vector<400x16xf32>,
    return
  }
  func.func @transform_0(%arg0: i32) -> (i32, i32) {
    %c0_i32 = arith.constant 0 : i32
    %c0_i32_0 = arith.constant 0 : i32
    return %arg0, %c0_i32 : i32, i32
  }
  func.func @transform_1(%arg0: i32) -> (i32, i32) {
    %c0_i32 = arith.constant 0 : i32
    %c0_i32_0 = arith.constant 0 : i32
    return %arg0, %c0_i32 : i32, i32
  }
  func.func @transform_2(%arg0: i32) -> (i32, i32, i32) {
    %c0_i32 = arith.constant 0 : i32
    %c0_i32_0 = arith.constant 0 : i32
    %c0_i32_1 = arith.constant 0 : i32
    return %c0_i32, %arg0, %c0_i32_0 : i32, i32, i32
  }
  func.func @transform_3(%arg0: i32) -> (i32, i32) {
    %c0_i32 = arith.constant 0 : i32
    %c0_i32_0 = arith.constant 0 : i32
    return %arg0, %c0_i32 : i32, i32
  }
  func.func @transform_4(%arg0: i32) -> (i32, i32) {
    %c0_i32 = arith.constant 0 : i32
    %c0_i32_0 = arith.constant 0 : i32
    %c0_i32_1 = arith.constant 0 : i32
    return %c0_i32, %c0_i32_0 : i32, i32
  }
  func.func @transform_5(%arg0: i32) -> (i32, i32) {
    %c0_i32 = arith.constant 0 : i32
    %c0_i32_0 = arith.constant 0 : i32
    %c0_i32_1 = arith.constant 0 : i32
    return %c0_i32, %c0_i32_0 : i32, i32
  }
  func.func @transform_6(%arg0: i32) -> (i32, i32) {
    %c0_i32 = arith.constant 0 : i32
    %c0_i32_0 = arith.constant 0 : i32
    %c0_i32_1 = arith.constant 0 : i32
    return %c0_i32, %c0_i32_0 : i32, i32
  }
  func.func @transform_7(%arg0: i32) -> (i32, i32) {
    %c0_i32 = arith.constant 0 : i32
    %c0_i32_0 = arith.constant 0 : i32
    %c0_i32_1 = arith.constant 0 : i32
    return %c0_i32, %c0_i32_0 : i32, i32
  }
  func.func @transform_8(%arg0: i32) -> (i32, i32) {
    %c0_i32 = arith.constant 0 : i32
    %c0_i32_0 = arith.constant 0 : i32
    %c0_i32_1 = arith.constant 0 : i32
    return %c0_i32, %c0_i32_0 : i32, i32
  }
  func.func @transform_9(%arg0: i32) -> (i32, i32) {
    %c0_i32 = arith.constant 0 : i32
    %c0_i32_0 = arith.constant 0 : i32
    %c0_i32_1 = arith.constant 0 : i32
    return %c0_i32, %c0_i32_0 : i32, i32
  }
  func.func @transform_10(%arg0: i32) -> (i32, i32) {
    %c0_i32 = arith.constant 0 : i32
    %c0_i32_0 = arith.constant 0 : i32
    %c0_i32_1 = arith.constant 0 : i32
    return %c0_i32, %c0_i32_0 : i32, i32
  }
  func.func @transform_11(%arg0: i32) -> (i32, i32) {
    %c0_i32 = arith.constant 0 : i32
    %c0_i32_0 = arith.constant 0 : i32
    %c0_i32_1 = arith.constant 0 : i32
    return %c0_i32, %c0_i32_0 : i32, i32
  }
  func.func @transform_12(%arg0: i32) -> (i32, i32) {
    %c0_i32 = arith.constant 0 : i32
    %c0_i32_0 = arith.constant 0 : i32
    return %arg0, %c0_i32 : i32, i32
  }
  func.func @transform_13(%arg0: i32) -> (i32, i32) {
    %c0_i32 = arith.constant 0 : i32
    %c0_i32_0 = arith.constant 0 : i32
    return %arg0, %c0_i32 : i32, i32
  }
}

module attributes {stable_mosaic.version = 14 : i64} {
  func.func @_combine_body(%arg0: i32, %arg1: memref<2x400x16xf32, #tpu.memory_space<vmem>>, %arg2: memref<2x400x16xf32, #tpu.memory_space<vmem>>, %arg3: memref<400x16xf32, #tpu.memory_space<vmem>>, %arg4: memref<400x2xf32, #tpu.memory_space<vmem>>) attributes {dimension_semantics = [#tpu.dimension_semantics<arbitrary>], iteration_bounds = array<i64: 25>, scalar_prefetch = 0 : i64, scratch_operands = 0 : i64, tpu.core_type = #tpu.core_type<tc>, window_params = [{transform_indices = @transform_0, window_bounds = array<i64: 2, 400, 16>}, {transform_indices = @transform_1, window_bounds = array<i64: 2, 400, 16>}, {transform_indices = @transform_2, window_bounds = array<i64: 400, 16>}, {transform_indices = @transform_3, window_bounds = array<i64: 400, 2>}]} {
    %get3A = arith.constant 0 : index
    %get3A_0 = arith.constant 0 : index
    %get3A_1 = arith.constant 0 : index
    %get3A_2 = vector.load %arg2[%get3A, %get3A_0, %get3A_1] : memref<2x400x16xf32, #tpu.memory_space<vmem>>, vector<1x400x1xf32>
    %get3A_3 = vector.shape_cast %get3A_2 : vector<1x400x1xf32> to vector<400x1xf32>
    %get3A_4 = arith.constant 1 : index
    %get3A_5 = arith.constant 0 : index
    %get3A_6 = arith.constant 0 : index
    %get3A_7 = vector.load %arg2[%get3A_4, %get3A_5, %get3A_6] : memref<2x400x16xf32, #tpu.memory_space<vmem>>, vector<1x400x1xf32>
    %get3A_8 = vector.shape_cast %get3A_7 : vector<1x400x1xf32> to vector<400x1xf32>
    %add3A = arith.addf %get3A_3, %get3A_8 : vector<400x1xf32>
    %max3A = arith.constant 1.000000e+00 : f32
    %max3A_9 = vector.broadcast %max3A : f32 to vector<400x1xf32>
    %max3A_10 = arith.maximumf %add3A, %max3A_9 : vector<400x1xf32>
    %div3A = arith.constant 1.000000e+00 : f32
    %div3A_11 = vector.broadcast %div3A : f32 to vector<400x1xf32>
    %div3A_12 = arith.divf %div3A_11, %max3A_10 : vector<400x1xf32>
    %get3A_13 = arith.constant 0 : index
    %get3A_14 = arith.constant 0 : index
    %get3A_15 = arith.constant 0 : index
    %get3A_16 = vector.load %arg1[%get3A_13, %get3A_14, %get3A_15] : memref<2x400x16xf32, #tpu.memory_space<vmem>>, vector<1x400x16xf32>
    %get3A_17 = vector.shape_cast %get3A_16 : vector<1x400x16xf32> to vector<400x16xf32>
    %get3A_18 = arith.constant 1 : index
    %get3A_19 = arith.constant 0 : index
    %get3A_20 = arith.constant 0 : index
    %get3A_21 = vector.load %arg1[%get3A_18, %get3A_19, %get3A_20] : memref<2x400x16xf32, #tpu.memory_space<vmem>>, vector<1x400x16xf32>
    %get3A_22 = vector.shape_cast %get3A_21 : vector<1x400x16xf32> to vector<400x16xf32>
    %add3A_23 = arith.addf %get3A_17, %get3A_22 : vector<400x16xf32>
    %mul3A = vector.broadcast %div3A_12 : vector<400x1xf32> to vector<400x16xf32>
    %mul3A_24 = arith.mulf %add3A_23, %mul3A : vector<400x16xf32>
    %get3A_25 = arith.constant 0 : index
    %get3A_26 = arith.constant 0 : index
    %get3A_27 = vector.load %arg3[%get3A_25, %get3A_26] : memref<400x16xf32, #tpu.memory_space<vmem>>, vector<400x16xf32>
    %add3A_28 = arith.addf %mul3A_24, %get3A_27 : vector<400x16xf32>
    %slice3A = vector.extract_strided_slice %add3A_28 {offsets = [0, 0], sizes = [400, 2], strides = [1, 1]} : vector<400x16xf32> to vector<400x2xf32>
    %swap3A = arith.constant 0 : index
    %swap3A_29 = arith.constant 0 : index
    %swap3A_30 = vector.load %arg4[%swap3A, %swap3A_29] : memref<400x2xf32, #tpu.memory_space<vmem>>, vector<400x2xf32>
    tpu.vector_store %arg4[%swap3A, %swap3A_29], %slice3A {strides = array<i32>} : memref<400x2xf32, #tpu.memory_space<vmem>>, vector<400x2xf32>,
    return
  }
  func.func @transform_0(%arg0: i32) -> (i32, i32, i32) {
    %c0_i32 = arith.constant 0 : i32
    %c0_i32_0 = arith.constant 0 : i32
    %c0_i32_1 = arith.constant 0 : i32
    return %c0_i32, %arg0, %c0_i32_0 : i32, i32, i32
  }
  func.func @transform_1(%arg0: i32) -> (i32, i32, i32) {
    %c0_i32 = arith.constant 0 : i32
    %c0_i32_0 = arith.constant 0 : i32
    %c0_i32_1 = arith.constant 0 : i32
    return %c0_i32, %arg0, %c0_i32_0 : i32, i32, i32
  }
  func.func @transform_2(%arg0: i32) -> (i32, i32) {
    %c0_i32 = arith.constant 0 : i32
    %c0_i32_0 = arith.constant 0 : i32
    return %arg0, %c0_i32 : i32, i32
  }
  func.func @transform_3(%arg0: i32) -> (i32, i32) {
    %c0_i32 = arith.constant 0 : i32
    %c0_i32_0 = arith.constant 0 : i32
    return %arg0, %c0_i32 : i32, i32
  }
}

</mosaic_0001>

<sc_bundles>
// kernel: kernel.6.cloned.1.call-start
scs
__scs_entry_jumppad:
0x0: {  	(pc) =	sbr.rel $0x88, $3  }
0x1: {  	(tag) =	ssettag $0x0;
	lr =	simm.s32 $0x1  }
0x2: {  	[smem:$0x3F95] =	sst lr;
	_ =	strace $0xD0000000  }
0x3: {  	_ = 	snop  }
0x4: {  	_ = 	snop  }
0x5: {  	_ = 	snop  }
0x6: {  	_ = 	snop  }
0x7: {  	_ = 	snop  }
__scs_overlays_trampoline_lowered:
0x8: {  	[smem:$0x3FA4] =	sst s0  }
0x9: {  	[smem:$0x3FA5] =	sst s1  }
0xa: {  	[smem:$0x3FA6] =	sst s2  }
0xb: {  	[smem:$0x3FA7] =	sst s3  }
0xc: {  	[smem:$0x3FA8] =	sst s4  }
0xd: {  	[smem:$0x3FA9] =	sst s5  }
0xe: {  	[smem:$0x3FAA] =	sst s6  }
0xf: {  	[smem:$0x3FAB] =	sst s7  }
0x10: {  	[smem:$0x3FAC] =	sst s8  }
0x11: {  	[smem:$0x3FAD] =	sst s9;
	s0 =	simm.s32 @!p0 $0x0  }
0x12: {  	s1 =	sld [smem:$0x3F93];
	s0 =	simm.s32 @p0 $0x1  }
0x13: {  	[smem:$0x3FAE] =	sst s0;
	s0 =	simm.s32 @!p1 $0x0  }
0x14: {  	s2 =	sld [smem:$0x3F92];
	s0 =	simm.s32 @p1 $0x1  }
0x15: {  	[smem:$0x3FAF] =	sst s0;
	s0 =	simm.s32 @!p2 $0x0  }
0x16: {  	s3 =	sld [smem:$0x3FDB];
	s0 =	simm.s32 @p2 $0x1  }
0x17: {  	s4 =	simm.s32 $0x1BF5;
	[smem:$0x3FB1] =	sst s0  }
0x18: {  	s0 =	sld [smem:$0x3F94];
	_ =	swait.ge [sflag:s4], $0x0  }
0x19: {  	s7 =	sld [smem:$0x3F95]  }
0x1a: {  	s8 =	sadd.s32 $0xFFFFE003, lr  }
0x1b: {  	s9 =	sadd.s32 $0xFFFFFEF7, lr;
	s5 =	simm.s32 $0xFFFFFFFF;
	p2 =	slt.u32 s8, $0xFFFFF086  }
0x1c: {  	p1 =	slt.u32 s9, $0xF7A;
	s5 =	simm.s32 @!p2 $0x0  }
0x1d: {  	s5 =	simm.s32 @p1 $0x1;
	p0 =	seq.s32 s7, s2  }
0x1e: {  	s7 =	smul.u32 @!p0 $0xF7A, s2;
	p2 =	seq.s32 @!p0 s5, $0x0  }
0x1f: {  	s9 =	smul.u32 $0xF7A, s1;
	s8 =	simm.s32 @!p0 $0x1BF5;
	p2 =	por !p2, p0  }
0x20: {  	[sflag:s8] =	ssyncset.s32 @!p0 $0xFFFFF086;
	s6 =	sadd.s32 @!p0 s3, s7;
	s7 =	simm.s32 @!p0 $0x108  }
0x21: {  	s3 =	sadd.s32 s3, s9;
	s6 =	sadd.s32 @!p0 $0x88, s6;
	s7 =	simm.s32 @p2 $0x1082  }
0x22: {  	[simem:s7], [sflag:s8] =	dma.local @!p0 [hbm:s6], $0xF7A  }
0x23: {  	s9 =	sor.u32 $0xD0000000, s2;
	s6 =	simm.s32 $0x108;
	_ =	swait.ge @!p0 [sflag:s8], $0x0  }
0x24: {  	s3 =	sadd.s32 $0x88, s3;
	s6 =	simm.s32 @!p1 $0x1082;
	[sflag:s4] =	ssyncset.s32 $0xFFFFF086  }
0x25: {  	[simem:s6], [sflag:s4] =	dma.local [hbm:s3], $0xF7A  }
0x26: {  	[smem:$0x3F95] =	sst s1;
	(tag) =	ssettag s2;
	_ =	strace s9  }
0x27: {  	s1 =	sld [smem:$0x3FA5]  }
0x28: {  	s2 =	sld [smem:$0x3FA6]  }
0x29: {  	s4 =	sld [smem:$0x3FA8]  }
0x2a: {  	p0 =	seq.s32 s5, $0x0;
	s5 =	sld [smem:$0x3FA9]  }
0x2b: {  	s6 =	sld [smem:$0x3FAA]  }
0x2c: {  	s7 =	sld [smem:$0x3FAB]  }
0x2d: {  	s3 =	simm.s32 $0x108;
	s8 =	sld [smem:$0x3FAC]  }
0x2e: {  	s3 =	simm.s32 @!p0 $0x1082;
	s9 =	sld [smem:$0x3FAD]  }
0x2f: {  	lr =	sadd.s32 s0, s3;
	s0 =	sld [smem:$0x3FA4]  }
0x30: {  	s3 =	sld [smem:$0x3FA7]  }
0x31: {  	[smem:$0x3FB0] =	sst s10  }
0x32: {  	s10 =	sld [smem:$0x3FAE];
	_ =	sdelay $0x3  }
0x33: {  	p0 =	seq.s32 s10, $0x1;
	s10 =	sld [smem:$0x3FB0];
	_ =	sdelay $0x3  }
0x34: {  	[smem:$0x3FB0] =	sst s10  }
0x35: {  	s10 =	sld [smem:$0x3FAF];
	_ =	sdelay $0x3  }
0x36: {  	p1 =	seq.s32 s10, $0x1;
	s10 =	sld [smem:$0x3FB0];
	_ =	sdelay $0x3  }
0x37: {  	[smem:$0x3FB0] =	sst s10  }
0x38: {  	s10 =	sld [smem:$0x3FB1]  }
0x39: {  	_ = 	snop;
	(pc) =	sbr.ind lr, $3  }
0x3a: {  	_ = 	snop  }
0x3b: {  	_ = 	snop  }
0x3c: {  	p2 =	seq.s32 s10, $0x1;
	s10 =	sld [smem:$0x3FB0]  }
0x3d: {  	_ =	shalt  }
0x3e: {  	_ =	shalt  }
0x3f: {  	_ =	shalt  }
0x40: {  	_ =	shalt  }
0x41: {  	_ =	shalt  }
0x42: {  	_ =	shalt  }
0x43: {  	_ =	shalt  }
0x44: {  	_ =	shalt  }
0x45: {  	_ =	shalt  }
0x46: {  	_ =	shalt  }
0x47: {  	_ =	shalt  }
0x48: {  	_ =	shalt  }
0x49: {  	_ =	shalt  }
0x4a: {  	_ =	shalt  }
0x4b: {  	_ =	shalt  }
0x4c: {  	_ =	shalt  }
0x4d: {  	_ =	shalt  }
0x4e: {  	_ =	shalt  }
0x4f: {  	_ =	shalt  }
0x50: {  	_ =	shalt  }
0x51: {  	_ =	shalt  }
0x52: {  	_ =	shalt  }
0x53: {  	_ =	shalt  }
0x54: {  	_ =	shalt  }
0x55: {  	_ =	shalt  }
0x56: {  	_ =	shalt  }
0x57: {  	_ =	shalt  }
0x58: {  	_ =	shalt  }
0x59: {  	_ =	shalt  }
0x5a: {  	_ =	shalt  }
0x5b: {  	_ =	shalt  }
0x5c: {  	_ =	shalt  }
0x5d: {  	_ =	shalt  }
0x5e: {  	_ =	shalt  }
0x5f: {  	_ =	shalt  }
0x60: {  	_ =	shalt  }
0x61: {  	_ =	shalt  }
0x62: {  	_ =	shalt  }
0x63: {  	_ =	shalt  }
0x64: {  	_ =	shalt  }
0x65: {  	_ =	shalt  }
0x66: {  	_ =	shalt  }
0x67: {  	_ =	shalt  }
0x68: {  	_ =	shalt  }
0x69: {  	_ =	shalt  }
0x6a: {  	_ =	shalt  }
0x6b: {  	_ =	shalt  }
0x6c: {  	_ =	shalt  }
0x6d: {  	_ =	shalt  }
0x6e: {  	_ =	shalt  }
0x6f: {  	_ =	shalt  }
0x70: {  	_ =	shalt  }
0x71: {  	_ =	shalt  }
0x72: {  	_ =	shalt  }
0x73: {  	_ =	shalt  }
0x74: {  	_ =	shalt  }
0x75: {  	_ =	shalt  }
0x76: {  	_ =	shalt  }
0x77: {  	_ =	shalt  }
0x78: {  	_ =	shalt  }
0x79: {  	_ =	shalt  }
0x7a: {  	_ =	shalt  }
0x7b: {  	_ =	shalt  }
0x7c: {  	_ =	shalt  }
0x7d: {  	_ =	shalt  }
0x7e: {  	_ =	shalt  }
0x7f: {  	_ =	shalt  }
0x80: {  	_ =	shalt  }
0x81: {  	_ =	shalt  }
0x82: {  	_ =	shalt  }
0x83: {  	_ =	shalt  }
0x84: {  	_ =	shalt  }
0x85: {  	_ =	shalt  }
0x86: {  	_ =	shalt  }
0x87: {  	_ =	shalt  }
.Lfunc_end0:
.L_simem_size_0:
called_computation_lowered:
.L_overlay_start_0:
0x88: {  	s2 =	sld [smem:$0x3FD9]  }
0x89: {  	s3 =	sld [smem:$0x3FFE];
	_ =	sdelay $0x1  }
0x8a: {  	s1 =	srdreg.scid  }
0x8b: {  	s0 =	sand.u32 $0x1, s1  }
0x8c: {  	s17 =	sshll.u32 s0, $0xA;
	s2 =	sadd.s32 s3, s2  }
0x8d: {  	s2 =	sadd.s32 s2, s17  }
0x8e: {  	[smem:$0x3FBC] =	sst s2  }
0x8f: {  	_ = 	snop  }
0x90: {  	s2 =	sld [smem:$0x3FC9];
	(tm) =	ssettm $0x1  }
0x91: {  	s18 =	sld [smem:$0x3FFB];
	_ =	sdelay $0x3  }
0x92: {  	_ =	strace s18  }
0x93: {  	s3 =	sld [smem:$0x3FFC];
	_ =	sdelay $0x3  }
0x94: {  	_ =	strace s3  }
0x95: {  	s3 =	sld [smem:$0x3FFD];
	_ =	sdelay $0x3  }
0x96: {  	_ =	strace s3  }
0x97: {  	_ =	strace $0x8FFFFFFF  }
0x98: {  	s19 =	sld [smem:$0x3FDB];
	_ =	sdelay $0x1  }
0x99: {  	s4 =	simm.s32 $_scs_section_size  }
0x9a: {  	s5 =	simm.s32 $_size__tile_overlayer_lowered;
	s6 =	simm.s32 $_tile_overlayer_lowered  }
0x9b: {  	s22 =	simm.s32 $0x1BFF;
	s21 =	sshll.u32 s6, $0x1;
	s3 =	sadd.s32 s4, s19  }
0x9c: {  	s7 =	simm.s32 $0x0;
	s20 =	sshll.u32 s5, $0x1;
	s5 =	sadd.s32 s21, s3  }
0x9d: {  	[timem:s7], [sflag:s22] =	dma.local [hbm:s5], s20  }
0x9e: {  	_ =	swait.ge [sflag:s22], s20  }
0x9f: {  	s4 =	ssub.s32 $0x0, s20;
	[sflag:s22] =	ssyncset.done $0x0  }
0xa0: {  	[sflag:s22] =	ssyncadd.s32 s4;
	_ =	sdelay $0x1  }
0xa1: {  	s23 =	simm.s32 $0x1B8B  }
0xa2: {  	_ =	swait.ge [sflag:s23], $0x1  }
0xa3: {  	[sflag:s23] =	ssyncset.done $0x0  }
0xa4: {  	s25 =	simm.s32 $0x1B8E;
	s24 =	sld [smem:$0x3FFE];
	[sflag:s23] =	ssyncadd.s32 $0xFFFFFFFF  }
0xa5: {  	s26 =	simm.s32 $execute0_lowered;
	[smem:$0x3FD2] =	sst s25  }
0xa6: {  	s5 =	sshll.u32 s26, $0x1;
	_ =	strace $0x80000046;
	[dreg:$0x1] =	wrdreg $0xFFFFFFFF  }
0xa7: {  	s28 =	simm.s32 $_size_execute0_lowered;
	s3 =	sadd.s32 s3, s5;
	[dreg:$0x0] =	wrdreg $0x0  }
0xa8: {  	s5 =	sshll.u32 s28, $0x1;
	[dreg:$0x2] =	wrdreg s3  }
0xa9: {  	[dreg:$0x3] =	wrdreg s5  }
0xaa: {  	[dreg:$0x4] =	wrdreg $0xC0  }
0xab: {  	_ =	task [dreg:s7], $0x5FFFF  }
0xac: {  	[dreg:$0x1] =	wrdreg $0xFFFFFFFF  }
0xad: {  	[dreg:$0x0] =	wrdreg $0x60  }
0xae: {  	[dreg:$0x2] =	wrdreg s2  }
0xaf: {  	[dreg:$0x3] =	wrdreg s24  }
0xb0: {  	[dreg:$0x4] =	wrdreg $0x154000  }
0xb1: {  	[dreg:$0x5] =	wrdreg $0x8C000  }
0xb2: {  	[dreg:$0x6] =	wrdreg $0x12C000  }
0xb3: {  	[dreg:$0x7] =	wrdreg $0x9  }
0xb4: {  	_ =	task.clear_ibuf [dreg:s7], $0x8FFFF;
	_ =	strace $0x90000046  }
0xb5: {  	s29 =	simm.s32 $0x9;
	_ =	strace $0x80000048  }
0xb6: {  	_ =	swait.ge [sflag:s29], $0x1  }
0xb7: {  	[sflag:s29] =	ssyncadd.s32 $0xFFFFFFFF  }
0xb8: {  	_ =	strace $0x90000048  }
0xb9: {  	_ =	sfence  }
0xba: {  	s30 =	sld [smem:$0x0];
	_ =	sdelay $0x2  }
0xbb: {  	s31 =	sshll.u32 s1, $0xD;
	s1 =	sshrl.u32 s1, $0x2  }
0xbc: {  	s3 =	sand.u32 $0x4000, s31;
	s1 =	sadd.s32 s1, s30  }
0xbd: {  	s0 =	sor.u32 s3, s0;
	s1 =	sshll.u32 s1, $0x11  }
0xbe: {  	s0 =	sor.u32 s1, s0  }
0xbf: {  	s0 =	sadd.s32 $0x8F2B, s0  }
0xc0: {  	[sflag:s0] =	ssyncadd.remote.s32 $0x1  }
0xc1: {  	_ =	sfence.sel $0xFFFF  }
0xc2: {  	[dreg:$0x0] =	wrdreg $0xFFFFFFFF;
	(pc) =	sbr.abs _section_cstart, $3  }
0xc3: {  	[dreg:$0x1] =	wrdreg $0xFFFFFFFF  }
0xc4: {  	_ =	task.clear_ibuf [dreg:s7], $0x2FFFF;
	_ =	strace $0x9FFFFFFF  }
0xc5: {  	(tm) =	ssettm $0x7FFFFFFF  }
tec
execute0_lowered:
.L_overlay_start_1:
0x0: {  	(tag) =	ssettag $0x1  }
0x1: {  	s24 =	stileid.u32  }
0x2: {  	s0 =	srdreg.scid;
	s4 =	smul.u32 $0x14000, s24  }
0x3: {  	s11 =	rddreg [dreg:$0x0];
	s10 =	smul.u32 $0x280, s24  }
0x4: {  	s13 =	rddreg [dreg:$0x1];
	s1 =	smul.u32 $0x2800, s24  }
0x5: {  	s12 =	sand.u32 $0x1, s0;
	s21 =	smul.u32 $0x5000, s24;
	s25 =	sadd.s32 $0xB600, s13  }
0x6: {  	s2 =	ssub.s32 $0x2, s12;
	s14 =	sshll.u32 s12, $0x6;
	p0 =	seq.s32 s12, $0x1  }
0x7: {  	s19 =	sshll.u32 s12, $0x3;
	s20 =	smul.u32 $0x28000, s12;
	s3 =	sshrl.u32 s2, $0x1  }
0x8: {  	s4 =	sor.u32 s14, s4;
	s23 =	sshrl.u32 s21, $0x3;
	s0 =	ssub.s32 s2, s3  }
0x9: {  	s5 =	sshrl.u32 s4, $0x3;
	s3 =	sadd.s32 $0x80, s10;
	s4 =	sadd.s32 $0xC0, s10  }
0xa: {  	s22 =	sadd.s32 s1, s20;
	s20 =	sor.u32 $0x20, s23;
	s2 =	sadd.s32 s11, s5  }
0xb: {  	s6 =	sshll.u32 s3, $0x7;
	[dreg:$0x6] =	wrdreg s2;
	s2 =	sor.u32 $0x40, s10  }
0xc: {  	s7 =	sshll.u32 s4, $0x7;
	s6 =	sor.u32 s14, s6;
	s5 =	sshll.u32 s2, $0x7  }
0xd: {  	s21 =	sadd.s32 s25, s20;
	s6 =	sshrl.u32 s6, $0x3;
	s5 =	sor.u32 s14, s5  }
0xe: {  	s7 =	sor.u32 s14, s7;
	s6 =	sadd.s32 s11, s6;
	s5 =	sshrl.u32 s5, $0x3  }
0xf: {  	s8 =	sshrl.u32 s7, $0x3;
	[dreg:$0x8] =	wrdreg s6;
	s5 =	sadd.s32 s11, s5  }
0x10: {  	s6 =	sadd.s32 $0x140, s10;
	[dreg:$0x7] =	wrdreg s5;
	s5 =	sadd.s32 s11, s8  }
0x11: {  	s9 =	sshll.u32 s6, $0x7;
	[dreg:$0x9] =	wrdreg s5;
	s5 =	sadd.s32 $0x100, s10  }
0x12: {  	s7 =	sadd.s32 $0x180, s10;
	s9 =	sor.u32 s14, s9;
	s8 =	sshll.u32 s5, $0x7  }
0x13: {  	s15 =	sshll.u32 s7, $0x7;
	s9 =	sshrl.u32 s9, $0x3;
	s8 =	sor.u32 s14, s8  }
0x14: {  	s15 =	sor.u32 s14, s15;
	s9 =	sadd.s32 s11, s9;
	s8 =	sshrl.u32 s8, $0x3  }
0x15: {  	s16 =	sshrl.u32 s15, $0x3;
	[dreg:$0xb] =	wrdreg s9;
	s8 =	sadd.s32 s11, s8  }
0x16: {  	s9 =	sadd.s32 $0x200, s10;
	[dreg:$0xa] =	wrdreg s8;
	s8 =	sadd.s32 s11, s16  }
0x17: {  	s16 =	sshll.u32 s9, $0x7;
	[dreg:$0xc] =	wrdreg s8;
	s8 =	sadd.s32 $0x1C0, s10  }
0x18: {  	s10 =	sadd.s32 $0x240, s10;
	s16 =	sor.u32 s14, s16;
	s17 =	sshll.u32 s8, $0x7  }
0x19: {  	s16 =	sshrl.u32 s16, $0x3;
	s15 =	sor.u32 s14, s17;
	s17 =	sshll.u32 s10, $0x7  }
0x1a: {  	[dreg:$0x13] =	wrdreg s21;
	s18 =	sadd.s32 s11, s16;
	s14 =	sor.u32 s14, s17  }
0x1b: {  	s16 =	sadd.s32 s25, s23;
	[dreg:$0xe] =	wrdreg s18;
	s14 =	sshrl.u32 s14, $0x3  }
0x1c: {  	s15 =	sshrl.u32 s15, $0x3;
	[dreg:$0x11] =	wrdreg s16;
	s14 =	sadd.s32 s11, s14  }
0x1d: {  	s17 =	smul.u32 $0xA000, s24;
	[dreg:$0xf] =	wrdreg s14;
	s14 =	simm.s32 $0x15600  }
0x1e: {  	s18 =	sadd.s32 s19, s11;
	s16 =	rddreg [dreg:$0x3];
	s14 =	simm.s32 @!p0 $0x29600  }
0x1f: {  	s15 =	sadd.s32 s11, s15;
	s19 =	sshrl.u32 s17, $0x3;
	s14 =	sadd.s32 s14, s13  }
0x20: {  	[dreg:$0xd] =	wrdreg s15;
	s14 =	sadd.s32 s14, s19  }
0x21: {  	s11 =	simm.s32 $0x0;
	[dreg:$0x10] =	wrdreg s14;
	s14 =	sshrl.u32 s22, $0x3  }
0x22: {  	s15 =	rddreg [dreg:$0x2];
	s14 =	sadd.s32 s14, s13;
	s13 =	sadd.s32 $0x1600, s13  }
0x23: {  	[smem:$0x7FF] =	sst s11;
	s22 =	smul.u32 $0xA00, s24;
	s26 =	sadd.s32 s13, s23  }
0x24: {  	s20 =	sadd.s32 s13, s20;
	[dreg:$0x12] =	wrdreg s26  }
0x25: {  	s21 =	sadd.s32 s22, s13;
	[dreg:$0x14] =	wrdreg s20  }
0x26: {  	s22 =	sadd.s32 s22, s25;
	s25 =	sadd.s32 $0x25C00, s18;
	s20 =	rddreg [dreg:$0x4]  }
0x27: {  	s26 =	sadd.s32 $0x26000, s18;
	_ =	strace $0x80000047;
	[dreg:$0x17] =	wrdreg s25  }
0x28: {  	s13 =	sadd.s32 $0x26400, s18;
	[dreg:$0x18] =	wrdreg s26  }
0x29: {  	s0 =	smax.u32 s0, $0x1;
	s23 =	smul.u32 $0x28000, s24;
	[dreg:$0x19] =	wrdreg s13  }
0x2a: {  	p1 =	seq.s32 s24, $0xF;
	s24 =	sadd.s32 $0x9A000, s15;
	[smem:$0x7F5] =	sst s0  }
0x2b: {  	s19 =	sshrl.u32 s23, $0x2;
	s23 =	sadd.s32 $0x25800, s18;
	[smem:$0x7FA] =	sst s24  }
0x2c: {  	s25 =	sadd.s32 $0x27000, s18;
	[dreg:$0x16] =	wrdreg s23  }
0x2d: {  	s29 =	sadd.s32 s1, s20;
	[dreg:$0x1c] =	wrdreg s25  }
0x2e: {  	p0 =	sne.s32 s12, $0x0;
	s12 =	sadd.s32 s19, s15;
	[smem:$0x7FD] =	sst s29  }
0x2f: {  	s19 =	sadd.s32 $0x26800, s18;
	[dreg:$0x15] =	wrdreg s12  }
0x30: {  	s26 =	sshll.u32 s2, $0x6;
	s23 =	sadd.s32 $0x26C00, s18;
	[dreg:$0x1a] =	wrdreg s19  }
0x31: {  	s18 =	sadd.s32 s17, s16;
	s17 =	sadd.s32 s26, s15;
	[dreg:$0x1b] =	wrdreg s23  }
0x32: {  	[dreg:$0x1e] =	wrdreg s17  }
0x33: {  	s25 =	sshll.u32 s4, $0x6;
	s12 =	sadd.s32 s26, s16;
	[dreg:$0x1d] =	wrdreg s18  }
0x34: {  	s19 =	sshll.u32 s3, $0x6;
	s26 =	sadd.s32 s25, s15;
	[dreg:$0x1f] =	wrdreg s12  }
0x35: {  	s23 =	sadd.s32 s19, s15;
	[smem:$0x7DD] =	sst s26  }
0x36: {  	s31 =	simm.s32 $0x5400;
	s13 =	sadd.s32 s19, s16;
	[smem:$0x7DB] =	sst s23  }
0x37: {  	s17 =	sshll.u32 s5, $0x6;
	s12 =	sadd.s32 s25, s16;
	[smem:$0x7DC] =	sst s13  }
0x38: {  	s28 =	simm.s32 $0x6;
	s19 =	sadd.s32 s17, s15;
	[smem:$0x7DE] =	sst s12  }
0x39: {  	s26 =	sshll.u32 s7, $0x6;
	[smem:$0x7DF] =	sst s19;
	s13 =	sadd.s32 s17, s16  }
0x3a: {  	s23 =	sshll.u32 s6, $0x6;
	s17 =	sadd.s32 s26, s15;
	[smem:$0x7E0] =	sst s13  }
0x3b: {  	s30 =	simm.s32 $0x4;
	s25 =	sadd.s32 s23, s15;
	[smem:$0x7E3] =	sst s17  }
0x3c: {  	s24 =	simm.s32 $0x300;
	s12 =	sadd.s32 s23, s16;
	[smem:$0x7E1] =	sst s25  }
0x3d: {  	s19 =	sshll.u32 s8, $0x6;
	s13 =	sadd.s32 s26, s16;
	[smem:$0x7E2] =	sst s12  }
0x3e: {  	s23 =	sadd.s32 s19, s15;
	s17 =	sshll.u32 s10, $0x6;
	[smem:$0x7E4] =	sst s13  }
0x3f: {  	[smem:$0x7E5] =	sst s23;
	s25 =	sshll.u32 s9, $0x6;
	s12 =	sadd.s32 s19, s16  }
0x40: {  	s19 =	sadd.s32 s17, s15;
	s23 =	sshll.u32 s2, $0x4;
	s2 =	sshll.u32 s4, $0x4  }
0x41: {  	s4 =	sshll.u32 s6, $0x4;
	s6 =	sshll.u32 s7, $0x4;
	[smem:$0x7E6] =	sst s12  }
0x42: {  	s7 =	sshll.u32 s8, $0x4;
	s26 =	sadd.s32 s25, s15;
	[smem:$0x7E9] =	sst s19  }
0x43: {  	s8 =	sshll.u32 s9, $0x4;
	s13 =	sadd.s32 s25, s16;
	[smem:$0x7E7] =	sst s26  }
0x44: {  	s12 =	sadd.s32 s17, s16;
	s25 =	sshll.u32 s3, $0x4;
	[smem:$0x7E8] =	sst s13  }
0x45: {  	s1 =	sadd.s32 s23, s20;
	s3 =	sshll.u32 s5, $0x4;
	[smem:$0x7EA] =	sst s12  }
0x46: {  	s5 =	sadd.s32 s4, s20;
	s9 =	sadd.s32 s8, s20;
	[smem:$0x7EB] =	sst s1  }
0x47: {  	s17 =	sadd.s32 $0x97000, s15;
	s19 =	sadd.s32 $0x98000, s15;
	[smem:$0x7EF] =	sst s5  }
0x48: {  	s23 =	sadd.s32 $0x99000, s15;
	s4 =	simm.s32 $0x400;
	[smem:$0x7F2] =	sst s9  }
0x49: {  	s8 =	simm.s32 $0x200;
	s26 =	sadd.s32 s25, s20;
	[smem:$0x7F7] =	sst s17  }
0x4a: {  	s1 =	sadd.s32 s2, s20;
	s12 =	sshll.u32 s10, $0x4;
	[smem:$0x7F8] =	sst s19  }
0x4b: {  	s13 =	sadd.s32 $0x3D600, s14;
	s14 =	sadd.s32 $0x96000, s15;
	[smem:$0x7F9] =	sst s23  }
0x4c: {  	s25 =	sadd.s32 $0x9B000, s15;
	s19 =	simm.s32 $0x4400;
	[smem:$0x7EC] =	sst s26  }
0x4d: {  	s2 =	simm.s32 $0x7;
	s10 =	simm.s32 $0x100;
	[smem:$0x7ED] =	sst s1  }
0x4e: {  	s5 =	simm.s32 $0x6400;
	s9 =	simm.s32 $0x7400;
	[smem:$0x7F4] =	sst s13  }
0x4f: {  	s23 =	simm.s32 $0x3;
	s1 =	sadd.s32 s3, s20;
	[smem:$0x7F6] =	sst s14  }
0x50: {  	[smem:$0x7FB] =	sst s25;
	s26 =	sadd.s32 $0x9C000, s15;
	s14 =	simm.s32 $0x40  }
.Ltmp0:
0x51: {  	s3 =	simm.s32 $0x180;
	[smem:$0x7EE] =	sst s1;
	(pc) =	sbr.rel .LBB2_1-.Ltmp0, $4  }
0x52: {  	s25 =	simm.s32 $0x5;
	s1 =	sadd.s32 s6, s20;
	[smem:$0x7FC] =	sst s26  }
0x53: {  	s6 =	simm.s32 $0x80;
	[smem:$0x7F0] =	sst s1;
	s1 =	sadd.s32 s7, s20  }
0x54: {  	s26 =	simm.s32 $0x2;
	[smem:$0x7F1] =	sst s1;
	s1 =	sadd.s32 s12, s20  }
0x55: {  	v0 =	vimm.f32 $0.0e+00;
	v1 =	vimm.f32 $1.000000000e+00;
	s7 =	simm.s32 $0x1C0;
	[smem:$0x7F3] =	sst s1;
	s1 =	simm.s32 $0x0  }
.LBB2_13:
0x56: {  	s0 =	stileid.u32;
	[bflag:$0x0] =	sbarrier.arrive $0xFFFF  }
0x57: {  	s0 =	sshll.u32 s0, $0x6;
	s18 =	rddreg [dreg:$0x1d]  }
0x58: {  	s6 =	rddreg [dreg:$0x10];
	s0 =	sor.u32 $0x1C07, s0;
	s1 =	sshrl.u32 s18, $0x3  }
0x59: {  	[hbm:s6], [sflag:s0] =	dma.local [spmem:s1], $0x1400  }
0x5a: {  	_ =	swait.ge [sflag:s2], $0x1400  }
0x5b: {  	s29 =	sld [smem:$0x7FD]  }
0x5c: {  	s12 =	sld [smem:$0x7F4]  }
0x5d: {  	[sflag:s2] =	ssyncset.done $0x0  }
0x5e: {  	[sflag:s2] =	ssyncadd.s32 $0xFFFFEC00;
	s6 =	sshrl.u32 s29, $0x3  }
0x5f: {  	[hbm:s12], [sflag:s0] =	dma.local [spmem:s6], $0x500  }
0x60: {  	_ =	swait.ge [sflag:s2], $0x500  }
0x61: {  	s13 =	sld [smem:$0x7DA]  }
0x62: {  	s17 =	sld [smem:$0x7F5];
	_ =	sdelay $0x1  }
0x63: {  	s1 =	sadd.s32 $0x1, s13  }
0x64: {  	p2 =	sne.s32 s1, s17  }
.Ltmp1:
0x65: {  	_ = 	snop;
	(pc) =	sbr.rel @!p2 .LBB2_14-.Ltmp1, $3  }
0x66: {  	_ =	sdelay $0x1  }
0x67: {  	[sflag:s2] =	ssyncset.done $0x0  }
0x68: {  	s6 =	simm.s32 $0x80;
	[sflag:s2] =	ssyncadd.s32 $0xFFFFFB00  }
.LBB2_1:
.Ltmp2:
0x69: {  	(pc) =	sbr.rel @!p1 .LBB2_2-.Ltmp2, $2  }
0x6a: {  	_ =	sdelay $0x2  }
0x6b: {  	[smem:$0x7DA] =	sst s1  }
0x6c: {  	s0 =	rddreg [dreg:$0x16]  }
0x6d: {  	[tilespmem:s19], [sflag:$0x7] =	stream.strided.gather [hbm4b:s0+s14], $0x1000, s6, s14, $0x38;
	[tilespmem:$0x1F400] =	vst v63  }
0x6e: {  	_ =	swait.ge [sflag:s2], $0x1000  }
0x6f: {  	s17 =	sld [smem:$0x7F6]  }
0x70: {  	[sflag:s2] =	ssyncset.done $0x0  }
0x71: {  	[sflag:s2] =	ssyncadd.s32 $0xFFFFF000  }
0x72: {  	[spmem:s17] =	stream.linear.scatter [tilespmem:s19], [sflag:$0x7], $0x1000, $0x38;
	[tilespmem:$0x1F400] =	vst v63  }
0x73: {  	_ =	swait.ge [sflag:s2], $0x1000  }
0x74: {  	[sflag:s2] =	ssyncset.done $0x0  }
0x75: {  	s1 =	rddreg [dreg:$0x17];
	[sflag:s2] =	ssyncadd.s32 $0xFFFFF000  }
0x76: {  	[tilespmem:s19], [sflag:$0x7] =	stream.strided.gather [hbm4b:s1+s14], $0x1000, s6, s14, $0x38;
	[tilespmem:$0x1F400] =	vst v63  }
0x77: {  	_ =	swait.ge [sflag:s2], $0x1000  }
0x78: {  	s12 =	sld [smem:$0x7F7]  }
0x79: {  	[sflag:s2] =	ssyncset.done $0x0  }
0x7a: {  	[sflag:s2] =	ssyncadd.s32 $0xFFFFF000  }
0x7b: {  	[spmem:s12] =	stream.linear.scatter [tilespmem:s19], [sflag:$0x7], $0x1000, $0x38;
	[tilespmem:$0x1F400] =	vst v63  }
0x7c: {  	_ =	swait.ge [sflag:s2], $0x1000  }
0x7d: {  	[sflag:s2] =	ssyncset.done $0x0  }
0x7e: {  	s13 =	rddreg [dreg:$0x18];
	[sflag:s2] =	ssyncadd.s32 $0xFFFFF000  }
0x7f: {  	[tilespmem:s19], [sflag:$0x7] =	stream.strided.gather [hbm4b:s13+s14], $0x1000, s6, s14, $0x38;
	[tilespmem:$0x1F400] =	vst v63  }
0x80: {  	_ =	swait.ge [sflag:s2], $0x1000  }
0x81: {  	s17 =	sld [smem:$0x7F8]  }
0x82: {  	[sflag:s2] =	ssyncset.done $0x0  }
0x83: {  	[sflag:s2] =	ssyncadd.s32 $0xFFFFF000  }
0x84: {  	[spmem:s17] =	stream.linear.scatter [tilespmem:s19], [sflag:$0x7], $0x1000, $0x38;
	[tilespmem:$0x1F400] =	vst v63  }
0x85: {  	_ =	swait.ge [sflag:s2], $0x1000  }
0x86: {  	[sflag:s2] =	ssyncset.done $0x0  }
0x87: {  	s1 =	rddreg [dreg:$0x19];
	[sflag:s2] =	ssyncadd.s32 $0xFFFFF000  }
0x88: {  	[tilespmem:s19], [sflag:$0x7] =	stream.strided.gather [hbm4b:s1+s14], $0x1000, s6, s14, $0x38;
	[tilespmem:$0x1F400] =	vst v63  }
0x89: {  	_ =	swait.ge [sflag:s2], $0x1000  }
0x8a: {  	s12 =	sld [smem:$0x7F9]  }
0x8b: {  	[sflag:s2] =	ssyncset.done $0x0  }
0x8c: {  	[sflag:s2] =	ssyncadd.s32 $0xFFFFF000  }
0x8d: {  	[spmem:s12] =	stream.linear.scatter [tilespmem:s19], [sflag:$0x7], $0x1000, $0x38;
	[tilespmem:$0x1F400] =	vst v63  }
0x8e: {  	_ =	swait.ge [sflag:s2], $0x1000  }
0x8f: {  	[sflag:s2] =	ssyncset.done $0x0  }
0x90: {  	s13 =	rddreg [dreg:$0x1a];
	[sflag:s2] =	ssyncadd.s32 $0xFFFFF000  }
0x91: {  	[tilespmem:s19], [sflag:$0x7] =	stream.strided.gather [hbm4b:s13+s14], $0x1000, s6, s14, $0x38;
	[tilespmem:$0x1F400] =	vst v63  }
0x92: {  	_ =	swait.ge [sflag:s2], $0x1000  }
0x93: {  	s17 =	sld [smem:$0x7FA]  }
0x94: {  	[sflag:s2] =	ssyncset.done $0x0  }
0x95: {  	[sflag:s2] =	ssyncadd.s32 $0xFFFFF000  }
0x96: {  	[spmem:s17] =	stream.linear.scatter [tilespmem:s19], [sflag:$0x7], $0x1000, $0x38;
	[tilespmem:$0x1F400] =	vst v63  }
0x97: {  	_ =	swait.ge [sflag:s2], $0x1000  }
0x98: {  	[sflag:s2] =	ssyncset.done $0x0  }
0x99: {  	s1 =	rddreg [dreg:$0x1b];
	[sflag:s2] =	ssyncadd.s32 $0xFFFFF000  }
0x9a: {  	[tilespmem:s19], [sflag:$0x7] =	stream.strided.gather [hbm4b:s1+s14], $0x1000, s6, s14, $0x38;
	[tilespmem:$0x1F400] =	vst v63  }
0x9b: {  	_ =	swait.ge [sflag:s2], $0x1000  }
0x9c: {  	s12 =	sld [smem:$0x7FB]  }
0x9d: {  	[sflag:s2] =	ssyncset.done $0x0  }
0x9e: {  	[sflag:s2] =	ssyncadd.s32 $0xFFFFF000  }
0x9f: {  	[spmem:s12] =	stream.linear.scatter [tilespmem:s19], [sflag:$0x7], $0x1000, $0x38;
	[tilespmem:$0x1F400] =	vst v63  }
0xa0: {  	_ =	swait.ge [sflag:s2], $0x1000  }
0xa1: {  	[sflag:s2] =	ssyncset.done $0x0  }
0xa2: {  	s13 =	rddreg [dreg:$0x1c];
	[sflag:s2] =	ssyncadd.s32 $0xFFFFF000  }
0xa3: {  	[tilespmem:s19], [sflag:$0x7] =	stream.strided.gather [hbm4b:s13+s14], $0x400, s6, s14, $0x38;
	[tilespmem:$0x1F400] =	vst v63  }
0xa4: {  	_ =	swait.ge [sflag:s2], $0x400  }
0xa5: {  	s17 =	sld [smem:$0x7FC]  }
0xa6: {  	[sflag:s2] =	ssyncset.done $0x0  }
.Ltmp3:
0xa7: {  	[sflag:s2] =	ssyncadd.s32 $0xFFFFFC00;
	(pc) =	sbr.rel .LBB2_4-.Ltmp3, $4  }
0xa8: {  	[spmem:s17] =	stream.linear.scatter [tilespmem:s19], [sflag:$0x7], $0x400, $0x38;
	[tilespmem:$0x1F400] =	vst v63  }
0xa9: {  	_ =	swait.ge [sflag:s2], $0x400  }
0xaa: {  	[sflag:s2] =	ssyncset.done $0x0  }
0xab: {  	[sflag:s2] =	ssyncadd.s32 $0xFFFFFC00  }
.LBB2_2:
0xac: {  	s0 =	rddreg [dreg:$0x6]  }
0xad: {  	[tilespmem:s19], [sflag:$0x7] =	stream.strided.gather [hbm4b:s0+s14], $0x1000, s6, s14, $0x38;
	[tilespmem:$0x1F400] =	vst v63  }
0xae: {  	_ =	swait.ge [sflag:s2], $0x1000  }
0xaf: {  	[sflag:s2] =	ssyncset.done $0x0  }
0xb0: {  	s12 =	rddreg [dreg:$0x15];
	[sflag:s2] =	ssyncadd.s32 $0xFFFFF000  }
0xb1: {  	[spmem:s12] =	stream.linear.scatter [tilespmem:s19], [sflag:$0x7], $0x1000, $0x38;
	[tilespmem:$0x1F400] =	vst v63  }
0xb2: {  	_ =	swait.ge [sflag:s2], $0x1000  }
0xb3: {  	[sflag:s2] =	ssyncset.done $0x0  }
0xb4: {  	s13 =	rddreg [dreg:$0x7];
	[sflag:s2] =	ssyncadd.s32 $0xFFFFF000  }
0xb5: {  	[tilespmem:s19], [sflag:$0x7] =	stream.strided.gather [hbm4b:s13+s14], $0x1000, s6, s14, $0x38;
	[tilespmem:$0x1F400] =	vst v63  }
0xb6: {  	_ =	swait.ge [sflag:s2], $0x1000  }
0xb7: {  	[sflag:s2] =	ssyncset.done $0x0  }
0xb8: {  	s17 =	rddreg [dreg:$0x1e];
	[sflag:s2] =	ssyncadd.s32 $0xFFFFF000  }
0xb9: {  	[spmem:s17] =	stream.linear.scatter [tilespmem:s19], [sflag:$0x7], $0x1000, $0x38;
	[tilespmem:$0x1F400] =	vst v63  }
0xba: {  	_ =	swait.ge [sflag:s2], $0x1000  }
0xbb: {  	[sflag:s2] =	ssyncset.done $0x0  }
0xbc: {  	s1 =	rddreg [dreg:$0x8];
	[sflag:s2] =	ssyncadd.s32 $0xFFFFF000  }
0xbd: {  	[tilespmem:s19], [sflag:$0x7] =	stream.strided.gather [hbm4b:s1+s14], $0x1000, s6, s14, $0x38;
	[tilespmem:$0x1F400] =	vst v63  }
0xbe: {  	_ =	swait.ge [sflag:s2], $0x1000  }
0xbf: {  	s12 =	sld [smem:$0x7DB]  }
0xc0: {  	[sflag:s2] =	ssyncset.done $0x0  }
0xc1: {  	[sflag:s2] =	ssyncadd.s32 $0xFFFFF000  }
0xc2: {  	[spmem:s12] =	stream.linear.scatter [tilespmem:s19], [sflag:$0x7], $0x1000, $0x38;
	[tilespmem:$0x1F400] =	vst v63  }
0xc3: {  	_ =	swait.ge [sflag:s2], $0x1000  }
0xc4: {  	[sflag:s2] =	ssyncset.done $0x0  }
0xc5: {  	s13 =	rddreg [dreg:$0x9];
	[sflag:s2] =	ssyncadd.s32 $0xFFFFF000  }
0xc6: {  	[tilespmem:s19], [sflag:$0x7] =	stream.strided.gather [hbm4b:s13+s14], $0x1000, s6, s14, $0x38;
	[tilespmem:$0x1F400] =	vst v63  }
0xc7: {  	_ =	swait.ge [sflag:s2], $0x1000  }
0xc8: {  	s17 =	sld [smem:$0x7DD]  }
0xc9: {  	[sflag:s2] =	ssyncset.done $0x0  }
0xca: {  	[sflag:s2] =	ssyncadd.s32 $0xFFFFF000  }
0xcb: {  	[spmem:s17] =	stream.linear.scatter [tilespmem:s19], [sflag:$0x7], $0x1000, $0x38;
	[tilespmem:$0x1F400] =	vst v63  }
0xcc: {  	_ =	swait.ge [sflag:s2], $0x1000  }
0xcd: {  	[sflag:s2] =	ssyncset.done $0x0  }
0xce: {  	s1 =	rddreg [dreg:$0xa];
	[sflag:s2] =	ssyncadd.s32 $0xFFFFF000  }
0xcf: {  	[tilespmem:s19], [sflag:$0x7] =	stream.strided.gather [hbm4b:s1+s14], $0x1000, s6, s14, $0x38;
	[tilespmem:$0x1F400] =	vst v63  }
0xd0: {  	_ =	swait.ge [sflag:s2], $0x1000  }
0xd1: {  	s12 =	sld [smem:$0x7DF]  }
0xd2: {  	[sflag:s2] =	ssyncset.done $0x0  }
0xd3: {  	[sflag:s2] =	ssyncadd.s32 $0xFFFFF000  }
0xd4: {  	[spmem:s12] =	stream.linear.scatter [tilespmem:s19], [sflag:$0x7], $0x1000, $0x38;
	[tilespmem:$0x1F400] =	vst v63  }
0xd5: {  	_ =	swait.ge [sflag:s2], $0x1000  }
0xd6: {  	[sflag:s2] =	ssyncset.done $0x0  }
0xd7: {  	s13 =	rddreg [dreg:$0xb];
	[sflag:s2] =	ssyncadd.s32 $0xFFFFF000  }
0xd8: {  	[tilespmem:s19], [sflag:$0x7] =	stream.strided.gather [hbm4b:s13+s14], $0x1000, s6, s14, $0x38;
	[tilespmem:$0x1F400] =	vst v63  }
0xd9: {  	_ =	swait.ge [sflag:s2], $0x1000  }
0xda: {  	s17 =	sld [smem:$0x7E1]  }
0xdb: {  	[sflag:s2] =	ssyncset.done $0x0  }
0xdc: {  	[sflag:s2] =	ssyncadd.s32 $0xFFFFF000  }
0xdd: {  	[spmem:s17] =	stream.linear.scatter [tilespmem:s19], [sflag:$0x7], $0x1000, $0x38;
	[tilespmem:$0x1F400] =	vst v63  }
0xde: {  	_ =	swait.ge [sflag:s2], $0x1000  }
0xdf: {  	[sflag:s2] =	ssyncset.done $0x0  }
0xe0: {  	s1 =	rddreg [dreg:$0xc];
	[sflag:s2] =	ssyncadd.s32 $0xFFFFF000  }
0xe1: {  	[tilespmem:s19], [sflag:$0x7] =	stream.strided.gather [hbm4b:s1+s14], $0x1000, s6, s14, $0x38;
	[tilespmem:$0x1F400] =	vst v63  }
0xe2: {  	_ =	swait.ge [sflag:s2], $0x1000  }
0xe3: {  	s12 =	sld [smem:$0x7E3]  }
0xe4: {  	[sflag:s2] =	ssyncset.done $0x0  }
0xe5: {  	[sflag:s2] =	ssyncadd.s32 $0xFFFFF000  }
0xe6: {  	[spmem:s12] =	stream.linear.scatter [tilespmem:s19], [sflag:$0x7], $0x1000, $0x38;
	[tilespmem:$0x1F400] =	vst v63  }
0xe7: {  	_ =	swait.ge [sflag:s2], $0x1000  }
0xe8: {  	[sflag:s2] =	ssyncset.done $0x0  }
0xe9: {  	s13 =	rddreg [dreg:$0xd];
	[sflag:s2] =	ssyncadd.s32 $0xFFFFF000  }
0xea: {  	[tilespmem:s19], [sflag:$0x7] =	stream.strided.gather [hbm4b:s13+s14], $0x1000, s6, s14, $0x38;
	[tilespmem:$0x1F400] =	vst v63  }
0xeb: {  	_ =	swait.ge [sflag:s2], $0x1000  }
0xec: {  	s17 =	sld [smem:$0x7E5]  }
0xed: {  	[sflag:s2] =	ssyncset.done $0x0  }
0xee: {  	[sflag:s2] =	ssyncadd.s32 $0xFFFFF000  }
0xef: {  	[spmem:s17] =	stream.linear.scatter [tilespmem:s19], [sflag:$0x7], $0x1000, $0x38;
	[tilespmem:$0x1F400] =	vst v63  }
0xf0: {  	_ =	swait.ge [sflag:s2], $0x1000  }
0xf1: {  	[sflag:s2] =	ssyncset.done $0x0  }
0xf2: {  	s1 =	rddreg [dreg:$0xe];
	[sflag:s2] =	ssyncadd.s32 $0xFFFFF000  }
0xf3: {  	[tilespmem:s19], [sflag:$0x7] =	stream.strided.gather [hbm4b:s1+s14], $0x1000, s6, s14, $0x38;
	[tilespmem:$0x1F400] =	vst v63  }
0xf4: {  	_ =	swait.ge [sflag:s2], $0x1000  }
0xf5: {  	s12 =	sld [smem:$0x7E7]  }
0xf6: {  	[sflag:s2] =	ssyncset.done $0x0  }
0xf7: {  	[sflag:s2] =	ssyncadd.s32 $0xFFFFF000  }
0xf8: {  	[spmem:s12] =	stream.linear.scatter [tilespmem:s19], [sflag:$0x7], $0x1000, $0x38;
	[tilespmem:$0x1F400] =	vst v63  }
0xf9: {  	_ =	swait.ge [sflag:s2], $0x1000  }
0xfa: {  	[sflag:s2] =	ssyncset.done $0x0  }
0xfb: {  	s13 =	rddreg [dreg:$0xf];
	[sflag:s2] =	ssyncadd.s32 $0xFFFFF000  }
0xfc: {  	[tilespmem:s19], [sflag:$0x7] =	stream.strided.gather [hbm4b:s13+s14], $0x1000, s6, s14, $0x38;
	[tilespmem:$0x1F400] =	vst v63  }
0xfd: {  	_ =	swait.ge [sflag:s2], $0x1000  }
0xfe: {  	s17 =	sld [smem:$0x7E9]  }
0xff: {  	[sflag:s2] =	ssyncset.done $0x0  }
0x100: {  	[sflag:s2] =	ssyncadd.s32 $0xFFFFF000  }
0x101: {  	[spmem:s17] =	stream.linear.scatter [tilespmem:s19], [sflag:$0x7], $0x1000, $0x38;
	[tilespmem:$0x1F400] =	vst v63  }
0x102: {  	_ =	swait.ge [sflag:s2], $0x1000  }
0x103: {  	[sflag:s2] =	ssyncset.done $0x0  }
0x104: {  	[sflag:s2] =	ssyncadd.s32 $0xFFFFF000  }
.LBB2_4:
0x105: {  	s1 =	simm.s32 $0x0;
	s13 =	simm.s32 $0x100;
	s12 =	simm.s32 $0x0  }
.LBB2_5:
0x106: {  	p2 =	sne.s32 s13, $0x3F00;
	[tilespmem:s12+$0x430] =	vst v0;
	s17 =	smov.u32 s13;
	s13 =	sadd.s32 $0x100, s13  }
.Ltmp4:
0x107: {  	[tilespmem:s12+$0x420] =	vst v0;
	(pc) =	sbr.rel @p2 .LBB2_5-.Ltmp4, $3  }
0x108: {  	[tilespmem:s12+$0x400] =	vst v0  }
0x109: {  	[tilespmem:s12+$0x410] =	vst v0;
	_ =	sdelay $0x1  }
0x10a: {  	s12 =	sshra.s32 s17, $0x2  }
0x10b: {  	[tilespmem:s12+$0x430] =	vst v0  }
0x10c: {  	[tilespmem:s12+$0x420] =	vst v0  }
0x10d: {  	[tilespmem:s12+$0x400] =	vst v0  }
0x10e: {  	[tilespmem:s12+$0x410] =	vst v0  }
.LBB2_7:
0x10f: {  	p2 =	sne.s32 s1, $0xFC0  }
.Ltmp5:
0x110: {  	_ = 	snop;
	(pc) =	sbr.rel @p2 .LBB2_7-.Ltmp5, $3  }
0x111: {  	_ =	sdelay $0x1  }
0x112: {  	s12 =	sshra.s32 s1, $0x2  }
0x113: {  	s1 =	sadd.s32 $0x40, s1;
	[tilespmem:s12+$0x8400] =	vst v1  }
0x114: {  	s1 =	simm.s32 $0x40;
	s12 =	simm.s32 $0x0  }
.LBB2_9:
0x115: {  	p2 =	sne.s32 s1, $0xFC0;
	[tilespmem:s12+$0x8800] =	vst v0;
	s12 =	smov.u32 s1;
	s1 =	sadd.s32 $0x40, s1  }
.Ltmp6:
0x116: {  	(pc) =	sbr.rel @p2 .LBB2_9-.Ltmp6, $2  }
0x117: {  	_ =	sdelay $0x2  }
0x118: {  	s12 =	sshra.s32 s12, $0x2  }
0x119: {  	[tilespmem:s12+$0x8800] =	vst v0  }
0x11a: {  	[spmem:s18] =	stream.linear.scatter [tilespmem:s4], [sflag:$0x7], $0x1000, $0x38;
	[tilespmem:$0x1F400] =	vst v63  }
0x11b: {  	_ =	swait.ge [sflag:s2], $0x1000  }
0x11c: {  	[sflag:s2] =	ssyncset.done $0x0  }
0x11d: {  	s0 =	rddreg [dreg:$0x1f];
	[sflag:s2] =	ssyncadd.s32 $0xFFFFF000  }
0x11e: {  	[spmem:s0] =	stream.linear.scatter [tilespmem:s4], [sflag:$0x7], $0x1000, $0x38;
	[tilespmem:$0x1F400] =	vst v63  }
0x11f: {  	_ =	swait.ge [sflag:s2], $0x1000  }
0x120: {  	s13 =	sld [smem:$0x7DC]  }
0x121: {  	[sflag:s2] =	ssyncset.done $0x0  }
0x122: {  	[sflag:s2] =	ssyncadd.s32 $0xFFFFF000  }
0x123: {  	[spmem:s13] =	stream.linear.scatter [tilespmem:s4], [sflag:$0x7], $0x1000, $0x38;
	[tilespmem:$0x1F400] =	vst v63  }
0x124: {  	_ =	swait.ge [sflag:s2], $0x1000  }
0x125: {  	s17 =	sld [smem:$0x7DE]  }
0x126: {  	[sflag:s2] =	ssyncset.done $0x0  }
0x127: {  	[sflag:s2] =	ssyncadd.s32 $0xFFFFF000  }
0x128: {  	[spmem:s17] =	stream.linear.scatter [tilespmem:s4], [sflag:$0x7], $0x1000, $0x38;
	[tilespmem:$0x1F400] =	vst v63  }
0x129: {  	_ =	swait.ge [sflag:s2], $0x1000  }
0x12a: {  	s18 =	sld [smem:$0x7E0]  }
0x12b: {  	[sflag:s2] =	ssyncset.done $0x0  }
0x12c: {  	[sflag:s2] =	ssyncadd.s32 $0xFFFFF000  }
0x12d: {  	[spmem:s18] =	stream.linear.scatter [tilespmem:s4], [sflag:$0x7], $0x1000, $0x38;
	[tilespmem:$0x1F400] =	vst v63  }
0x12e: {  	_ =	swait.ge [sflag:s2], $0x1000  }
0x12f: {  	s1 =	sld [smem:$0x7E2]  }
0x130: {  	[sflag:s2] =	ssyncset.done $0x0  }
0x131: {  	[sflag:s2] =	ssyncadd.s32 $0xFFFFF000  }
0x132: {  	[spmem:s1] =	stream.linear.scatter [tilespmem:s4], [sflag:$0x7], $0x1000, $0x38;
	[tilespmem:$0x1F400] =	vst v63  }
0x133: {  	_ =	swait.ge [sflag:s2], $0x1000  }
0x134: {  	s12 =	sld [smem:$0x7E4]  }
0x135: {  	[sflag:s2] =	ssyncset.done $0x0  }
0x136: {  	[sflag:s2] =	ssyncadd.s32 $0xFFFFF000  }
0x137: {  	[spmem:s12] =	stream.linear.scatter [tilespmem:s4], [sflag:$0x7], $0x1000, $0x38;
	[tilespmem:$0x1F400] =	vst v63  }
0x138: {  	_ =	swait.ge [sflag:s2], $0x1000  }
0x139: {  	s13 =	sld [smem:$0x7E6]  }
0x13a: {  	[sflag:s2] =	ssyncset.done $0x0  }
0x13b: {  	[sflag:s2] =	ssyncadd.s32 $0xFFFFF000  }
0x13c: {  	[spmem:s13] =	stream.linear.scatter [tilespmem:s4], [sflag:$0x7], $0x1000, $0x38;
	[tilespmem:$0x1F400] =	vst v63  }
0x13d: {  	_ =	swait.ge [sflag:s2], $0x1000  }
0x13e: {  	s17 =	sld [smem:$0x7E8]  }
0x13f: {  	[sflag:s2] =	ssyncset.done $0x0  }
0x140: {  	[sflag:s2] =	ssyncadd.s32 $0xFFFFF000  }
0x141: {  	[spmem:s17] =	stream.linear.scatter [tilespmem:s4], [sflag:$0x7], $0x1000, $0x38;
	[tilespmem:$0x1F400] =	vst v63  }
0x142: {  	_ =	swait.ge [sflag:s2], $0x1000  }
0x143: {  	s18 =	sld [smem:$0x7EA]  }
0x144: {  	[sflag:s2] =	ssyncset.done $0x0  }
0x145: {  	[sflag:s2] =	ssyncadd.s32 $0xFFFFF000  }
0x146: {  	[spmem:s18] =	stream.linear.scatter [tilespmem:s4], [sflag:$0x7], $0x1000, $0x38;
	[tilespmem:$0x1F400] =	vst v63  }
0x147: {  	_ =	swait.ge [sflag:s2], $0x1000  }
0x148: {  	[sflag:s2] =	ssyncset.done $0x0  }
0x149: {  	s1 =	simm.s32 $0x8800;
	[sflag:s2] =	ssyncadd.s32 $0xFFFFF000  }
0x14a: {  	[spmem:s29] =	stream.linear.scatter [tilespmem:s1], [sflag:$0x7], $0x400, $0x38;
	[tilespmem:$0x1F400] =	vst v63  }
0x14b: {  	_ =	swait.ge [sflag:s2], $0x400  }
0x14c: {  	s29 =	sld [smem:$0x7EB]  }
0x14d: {  	[sflag:s2] =	ssyncset.done $0x0  }
0x14e: {  	[sflag:s2] =	ssyncadd.s32 $0xFFFFFC00  }
0x14f: {  	[spmem:s29] =	stream.linear.scatter [tilespmem:s1], [sflag:$0x7], $0x400, $0x38;
	[tilespmem:$0x1F400] =	vst v63  }
0x150: {  	_ =	swait.ge [sflag:s2], $0x400  }
0x151: {  	s12 =	sld [smem:$0x7EC]  }
0x152: {  	[sflag:s2] =	ssyncset.done $0x0  }
0x153: {  	[sflag:s2] =	ssyncadd.s32 $0xFFFFFC00  }
0x154: {  	[spmem:s12] =	stream.linear.scatter [tilespmem:s1], [sflag:$0x7], $0x400, $0x38;
	[tilespmem:$0x1F400] =	vst v63  }
0x155: {  	_ =	swait.ge [sflag:s2], $0x400  }
0x156: {  	s13 =	sld [smem:$0x7ED]  }
0x157: {  	[sflag:s2] =	ssyncset.done $0x0  }
0x158: {  	[sflag:s2] =	ssyncadd.s32 $0xFFFFFC00  }
0x159: {  	[spmem:s13] =	stream.linear.scatter [tilespmem:s1], [sflag:$0x7], $0x400, $0x38;
	[tilespmem:$0x1F400] =	vst v63  }
0x15a: {  	_ =	swait.ge [sflag:s2], $0x400  }
0x15b: {  	s17 =	sld [smem:$0x7EE]  }
0x15c: {  	[sflag:s2] =	ssyncset.done $0x0  }
0x15d: {  	[sflag:s2] =	ssyncadd.s32 $0xFFFFFC00  }
0x15e: {  	[spmem:s17] =	stream.linear.scatter [tilespmem:s1], [sflag:$0x7], $0x400, $0x38;
	[tilespmem:$0x1F400] =	vst v63  }
0x15f: {  	_ =	swait.ge [sflag:s2], $0x400  }
0x160: {  	s18 =	sld [smem:$0x7EF]  }
0x161: {  	[sflag:s2] =	ssyncset.done $0x0  }
0x162: {  	[sflag:s2] =	ssyncadd.s32 $0xFFFFFC00  }
0x163: {  	[spmem:s18] =	stream.linear.scatter [tilespmem:s1], [sflag:$0x7], $0x400, $0x38;
	[tilespmem:$0x1F400] =	vst v63  }
0x164: {  	_ =	swait.ge [sflag:s2], $0x400  }
0x165: {  	s29 =	sld [smem:$0x7F0]  }
0x166: {  	[sflag:s2] =	ssyncset.done $0x0  }
0x167: {  	[sflag:s2] =	ssyncadd.s32 $0xFFFFFC00  }
0x168: {  	[spmem:s29] =	stream.linear.scatter [tilespmem:s1], [sflag:$0x7], $0x400, $0x38;
	[tilespmem:$0x1F400] =	vst v63  }
0x169: {  	_ =	swait.ge [sflag:s2], $0x400  }
0x16a: {  	s12 =	sld [smem:$0x7F1]  }
0x16b: {  	[sflag:s2] =	ssyncset.done $0x0  }
0x16c: {  	[sflag:s2] =	ssyncadd.s32 $0xFFFFFC00  }
0x16d: {  	[spmem:s12] =	stream.linear.scatter [tilespmem:s1], [sflag:$0x7], $0x400, $0x38;
	[tilespmem:$0x1F400] =	vst v63  }
0x16e: {  	_ =	swait.ge [sflag:s2], $0x400  }
0x16f: {  	s13 =	sld [smem:$0x7F2]  }
0x170: {  	[sflag:s2] =	ssyncset.done $0x0  }
0x171: {  	[sflag:s2] =	ssyncadd.s32 $0xFFFFFC00  }
0x172: {  	[spmem:s13] =	stream.linear.scatter [tilespmem:s1], [sflag:$0x7], $0x400, $0x38;
	[tilespmem:$0x1F400] =	vst v63  }
0x173: {  	_ =	swait.ge [sflag:s2], $0x400  }
0x174: {  	s17 =	sld [smem:$0x7F3]  }
0x175: {  	[sflag:s2] =	ssyncset.done $0x0  }
0x176: {  	[sflag:s2] =	ssyncadd.s32 $0xFFFFFC00  }
0x177: {  	[spmem:s17] =	stream.linear.scatter [tilespmem:s1], [sflag:$0x7], $0x400, $0x38;
	[tilespmem:$0x1F400] =	vst v63  }
0x178: {  	_ =	swait.ge [sflag:s2], $0x400  }
0x179: {  	[sflag:s2] =	ssyncset.done $0x0  }
0x17a: {  	[sflag:s2] =	ssyncadd.s32 $0xFFFFFC00  }
0x17b: {  	[bflag:$0x0] =	sbarrier.arrive $0xFFFF  }
0x17c: {  	s18 =	rddreg [dreg:$0x11]  }
0x17d: {  	[tilespmem:s11], [sflag:$0x7] =	stream.linear.gather [hbm4b:s18+s11], $0x100, $0x38;
	[tilespmem:$0x1F400] =	vst v63  }
0x17e: {  	_ =	swait.ge [sflag:s2], $0x100  }
0x17f: {  	[sflag:s2] =	ssyncset.done $0x0  }
0x180: {  	s29 =	rddreg [dreg:$0x12];
	[sflag:s2] =	ssyncadd.s32 $0xFFFFFF00  }
0x181: {  	[tilespmem:s8], [sflag:$0x7] =	stream.linear.gather [hbm4b:s29+s11], $0x100, $0x38;
	[tilespmem:$0x1F400] =	vst v63  }
0x182: {  	_ =	swait.ge [sflag:s2], $0x100  }
0x183: {  	[sflag:s2] =	ssyncset.done $0x0  }
0x184: {  	[sflag:s2] =	ssyncadd.s32 $0xFFFFFF00  }
0x185: {  	[tilespmem:s4], [sflag:$0x3] =	stream.indirect.gather [spmem:s15], $0x40, s11, s14, $0xb8;
	[tilespmem:$0x1F400] =	vst v63  }
0x186: {  	s1 =	simm.s32 $0x1400  }
0x187: {  	[tilespmem:s1], [sflag:$0x3] =	stream.indirect.gather [spmem:s15], $0x40, s14, s14, $0xb8;
	[tilespmem:$0x1F400] =	vst v63  }
0x188: {  	s12 =	simm.s32 $0x2400  }
0x189: {  	[tilespmem:s12], [sflag:$0x3] =	stream.indirect.gather [spmem:s15], $0x40, s6, s14, $0xb8;
	[tilespmem:$0x1F400] =	vst v63  }
0x18a: {  	s13 =	simm.s32 $0xC0;
	s17 =	simm.s32 $0x3400  }
0x18b: {  	[tilespmem:s17], [sflag:$0x3] =	stream.indirect.gather [spmem:s15], $0x40, s13, s14, $0xb8;
	[tilespmem:$0x1F400] =	vst v63  }
0x18c: {  	s18 =	rddreg [dreg:$0x13]  }
0x18d: {  	[tilespmem:s10], [sflag:$0x2] =	stream.linear.gather [hbm4b:s18+s11], $0x100, $0x38;
	[tilespmem:$0x1F400] =	vst v63  }
0x18e: {  	s29 =	rddreg [dreg:$0x14];
	s12 =	simm.s32 $0xFFFFF640  }
0x18f: {  	[tilespmem:s24], [sflag:$0x2] =	stream.linear.gather [hbm4b:s29+s11], $0x100, $0x38;
	[tilespmem:$0x1F400] =	vst v63  }
.LBB2_11:
0x190: {  	_ =	swait.ge [sflag:s26], $0x100  }
0x191: {  	[sflag:s26] =	ssyncset.done $0x0  }
0x192: {  	[sflag:s26] =	ssyncadd.s32 $0xFFFFFF00  }
0x193: {  	_ =	swait.ge [sflag:s26], $0x100  }
0x194: {  	[sflag:s26] =	ssyncset.done $0x0  }
0x195: {  	[sflag:s26] =	ssyncadd.s32 $0xFFFFFF00  }
0x196: {  	[tilespmem:s19], [sflag:$0x4] =	stream.indirect.gather [spmem:s15], $0x40, s10, s14, $0xb8;
	[tilespmem:$0x1F400] =	vst v63  }
0x197: {  	s0 =	simm.s32 $0x140  }
0x198: {  	[tilespmem:s31], [sflag:$0x4] =	stream.indirect.gather [spmem:s15], $0x40, s0, s14, $0xb8;
	[tilespmem:$0x1F400] =	vst v63  }
0x199: {  	_ = 	snop  }
0x19a: {  	[tilespmem:s5], [sflag:$0x4] =	stream.indirect.gather [spmem:s15], $0x40, s3, s14, $0xb8;
	[tilespmem:$0x1F400] =	vst v63  }
0x19b: {  	_ = 	snop  }
0x19c: {  	[tilespmem:s9], [sflag:$0x4] =	stream.indirect.gather [spmem:s15], $0x40, s7, s14, $0xb8;
	[tilespmem:$0x1F400] =	vst v63  }
0x19d: {  	_ =	swait.ge [sflag:s23], $0x1000  }
0x19e: {  	[sflag:s23] =	ssyncset.done $0x0  }
0x19f: {  	s13 =	simm.s32 @p0 $0x3;
	[sflag:s23] =	ssyncadd.s32 $0xFFFFF000  }
0x1a0: {  	[spmem:s16] =	stream.indirect.scatter.add.f32 [tilespmem:s4], [sflag:$0x5], $0x40, s8, s14, $0xb8;
	[tilespmem:$0x1F400] =	vst v63  }
0x1a1: {  	_ =	swait.ge @p0 [sflag:s13], $0x1000  }
0x1a2: {  	s18 =	simm.s32 @p0 $0x40;
	[sflag:s13] =	ssyncset.done @p0 $0x0  }
0x1a3: {  	s17 =	simm.s32 @p0 $0x240;
	s1 =	simm.s32 @p0 $0x1400;
	[sflag:s13] =	ssyncadd.s32 @p0 $0xFFFFF000  }
0x1a4: {  	[spmem:s16] =	stream.indirect.scatter.add.f32 @p0 [tilespmem:s1], [sflag:$0x5], $0x40, s17, s18, $0xb8;
	[tilespmem:$0x1F400] =	vst v63  }
0x1a5: {  	s1 =	simm.s32 @p0 $0x8400  }
0x1a6: {  	[spmem:s20] =	stream.indirect.scatter.add.f32 @p0 [tilespmem:s1], [sflag:$0x6], $0x10, s17, s18, $0xb8;
	[tilespmem:$0x1F400] =	vst v63  }
0x1a7: {  	_ =	swait.ge @p0 [sflag:s13], $0x1000  }
0x1a8: {  	[sflag:s13] =	ssyncset.done @p0 $0x0  }
0x1a9: {  	s6 =	simm.s32 @p0 $0x2400;
	s17 =	simm.s32 @p0 $0x280;
	[sflag:s13] =	ssyncadd.s32 @p0 $0xFFFFF000  }
0x1aa: {  	[spmem:s16] =	stream.indirect.scatter.add.f32 @p0 [tilespmem:s6], [sflag:$0x5], $0x40, s17, s18, $0xb8;
	[tilespmem:$0x1F400] =	vst v63  }
0x1ab: {  	_ =	swait.ge @p0 [sflag:s13], $0x1000  }
0x1ac: {  	[sflag:s13] =	ssyncset.done @p0 $0x0  }
0x1ad: {  	s6 =	simm.s32 @p0 $0x2C0;
	[sflag:s13] =	ssyncadd.s32 @p0 $0xFFFFF000;
	s13 =	simm.s32 @p0 $0x3400  }
0x1ae: {  	[spmem:s16] =	stream.indirect.scatter.add.f32 @p0 [tilespmem:s13], [sflag:$0x5], $0x40, s6, s18, $0xb8;
	[tilespmem:$0x1F400] =	vst v63  }
0x1af: {  	_ = 	snop  }
0x1b0: {  	[spmem:s20] =	stream.indirect.scatter.add.f32 @p0 [tilespmem:s1], [sflag:$0x6], $0x10, s6, s18, $0xb8;
	[tilespmem:$0x1F400] =	vst v63  }
0x1b1: {  	s17 =	simm.s32 @!p0 $0x8400;
	s13 =	simm.s32 @!p0 $0x40;
	s6 =	simm.s32 @!p0 $0x200  }
0x1b2: {  	[spmem:s20] =	stream.indirect.scatter.add.f32 @!p0 [tilespmem:s17], [sflag:$0x6], $0x10, s6, s13, $0xb8;
	[tilespmem:$0x1F400] =	vst v63  }
0x1b3: {  	s6 =	simm.s32 @!p0 $0x3  }
0x1b4: {  	_ =	swait.ge @!p0 [sflag:s6], $0x1000  }
0x1b5: {  	[sflag:s6] =	ssyncset.done @!p0 $0x0  }
0x1b6: {  	s29 =	simm.s32 @!p0 $0x1400;
	s0 =	simm.s32 @!p0 $0x240;
	[sflag:s6] =	ssyncadd.s32 @!p0 $0xFFFFF000  }
0x1b7: {  	[spmem:s16] =	stream.indirect.scatter.add.f32 @!p0 [tilespmem:s29], [sflag:$0x5], $0x40, s0, s13, $0xb8;
	[tilespmem:$0x1F400] =	vst v63  }
0x1b8: {  	_ =	swait.ge @!p0 [sflag:s6], $0x1000  }
0x1b9: {  	[sflag:s6] =	ssyncset.done @!p0 $0x0  }
0x1ba: {  	s0 =	simm.s32 @!p0 $0x280;
	s29 =	simm.s32 @!p0 $0x2400;
	[sflag:s6] =	ssyncadd.s32 @!p0 $0xFFFFF000  }
0x1bb: {  	[spmem:s16] =	stream.indirect.scatter.add.f32 @!p0 [tilespmem:s29], [sflag:$0x5], $0x40, s0, s13, $0xb8;
	[tilespmem:$0x1F400] =	vst v63  }
0x1bc: {  	_ = 	snop  }
0x1bd: {  	[spmem:s20] =	stream.indirect.scatter.add.f32 @!p0 [tilespmem:s17], [sflag:$0x6], $0x10, s0, s13, $0xb8;
	[tilespmem:$0x1F400] =	vst v63  }
0x1be: {  	_ =	swait.ge @!p0 [sflag:s6], $0x1000  }
0x1bf: {  	[sflag:s6] =	ssyncset.done @!p0 $0x0  }
0x1c0: {  	s0 =	simm.s32 @!p0 $0x2C0;
	[sflag:s6] =	ssyncadd.s32 @!p0 $0xFFFFF000;
	s6 =	simm.s32 @!p0 $0x3400  }
0x1c1: {  	[spmem:s16] =	stream.indirect.scatter.add.f32 @!p0 [tilespmem:s6], [sflag:$0x5], $0x40, s0, s13, $0xb8;
	[tilespmem:$0x1F400] =	vst v63  }
0x1c2: {  	_ =	swait.ge [sflag:s25], $0x1000  }
0x1c3: {  	[sflag:s25] =	ssyncset.done $0x0  }
0x1c4: {  	[sflag:s25] =	ssyncadd.s32 $0xFFFFF000  }
0x1c5: {  	_ =	swait.ge [sflag:s25], $0x1000  }
0x1c6: {  	[sflag:s25] =	ssyncset.done $0x0  }
0x1c7: {  	[sflag:s25] =	ssyncadd.s32 $0xFFFFF000  }
0x1c8: {  	_ =	swait.ge [sflag:s25], $0x1000  }
0x1c9: {  	[sflag:s25] =	ssyncset.done $0x0  }
0x1ca: {  	[sflag:s25] =	ssyncadd.s32 $0xFFFFF000  }
0x1cb: {  	_ =	swait.ge [sflag:s25], $0x1000  }
0x1cc: {  	[sflag:s25] =	ssyncset.done $0x0  }
0x1cd: {  	[sflag:s25] =	ssyncadd.s32 $0xFFFFF000  }
0x1ce: {  	_ =	swait.ge [sflag:s28], $0x400  }
0x1cf: {  	[sflag:s28] =	ssyncset.done $0x0  }
0x1d0: {  	[sflag:s28] =	ssyncadd.s32 $0xFFFFFC00  }
0x1d1: {  	p2 =	seq.s32 s12, $0x0;
	_ =	swait.ge [sflag:s28], $0x400  }
0x1d2: {  	s0 =	sadd.s32 @!p2 s12, s22;
	[sflag:s28] =	ssyncset.done $0x0  }
0x1d3: {  	s6 =	simm.s32 @!p2 $0x0;
	s0 =	sadd.s32 @!p2 $0xA00, s0;
	[sflag:s28] =	ssyncadd.s32 $0xFFFFFC00  }
0x1d4: {  	[tilespmem:s6], [sflag:$0x1] =	stream.linear.gather @!p2 [hbm4b:s0+s6], $0x100, $0x38;
	[tilespmem:$0x1F400] =	vst v63  }
0x1d5: {  	s0 =	sadd.s32 @!p2 s12, s21  }
0x1d6: {  	s29 =	simm.s32 @!p2 $0x200;
	s0 =	sadd.s32 @!p2 $0xA00, s0  }
0x1d7: {  	[tilespmem:s29], [sflag:$0x1] =	stream.linear.gather @!p2 [hbm4b:s0+s6], $0x100, $0x38;
	[tilespmem:$0x1F400] =	vst v63  }
0x1d8: {  	s0 =	simm.s32 @!p2 $0x1  }
0x1d9: {  	_ =	swait.ge @!p2 [sflag:s0], $0x100  }
0x1da: {  	[sflag:s0] =	ssyncset.done @!p2 $0x0  }
0x1db: {  	[sflag:s0] =	ssyncadd.s32 @!p2 $0xFFFFFF00  }
0x1dc: {  	_ =	swait.ge @!p2 [sflag:s0], $0x100  }
0x1dd: {  	[sflag:s0] =	ssyncset.done @!p2 $0x0  }
0x1de: {  	s29 =	simm.s32 @!p2 $0x400;
	[sflag:s0] =	ssyncadd.s32 @!p2 $0xFFFFFF00;
	s0 =	simm.s32 @!p2 $0x40  }
0x1df: {  	[tilespmem:s29], [sflag:$0x3] =	stream.indirect.gather @!p2 [spmem:s15], $0x40, s6, s0, $0xb8;
	[tilespmem:$0x1F400] =	vst v63  }
0x1e0: {  	s6 =	simm.s32 @!p2 $0x1400  }
0x1e1: {  	[tilespmem:s6], [sflag:$0x3] =	stream.indirect.gather @!p2 [spmem:s15], $0x40, s0, s0, $0xb8;
	[tilespmem:$0x1F400] =	vst v63  }
0x1e2: {  	s29 =	simm.s32 @!p2 $0x2400;
	s6 =	simm.s32 @!p2 $0x80  }
0x1e3: {  	[tilespmem:s29], [sflag:$0x3] =	stream.indirect.gather @!p2 [spmem:s15], $0x40, s6, s0, $0xb8;
	[tilespmem:$0x1F400] =	vst v63  }
0x1e4: {  	s6 =	simm.s32 @!p2 $0xC0;
	s29 =	simm.s32 @!p2 $0x3400  }
0x1e5: {  	[tilespmem:s29], [sflag:$0x3] =	stream.indirect.gather @!p2 [spmem:s15], $0x40, s6, s0, $0xb8;
	[tilespmem:$0x1F400] =	vst v63  }
0x1e6: {  	_ =	swait.ge [sflag:s30], $0x1000  }
0x1e7: {  	[sflag:s30] =	ssyncset.done $0x0  }
0x1e8: {  	s0 =	simm.s32 @p0 $0x4;
	[sflag:s30] =	ssyncadd.s32 $0xFFFFF000  }
0x1e9: {  	[spmem:s16] =	stream.indirect.scatter.add.f32 [tilespmem:s19], [sflag:$0x5], $0x40, s24, s14, $0xb8;
	[tilespmem:$0x1F400] =	vst v63  }
0x1ea: {  	_ =	swait.ge @p0 [sflag:s0], $0x1000  }
0x1eb: {  	[sflag:s0] =	ssyncset.done @p0 $0x0  }
0x1ec: {  	s6 =	simm.s32 @p0 $0x340;
	s29 =	simm.s32 @p0 $0x5400;
	[sflag:s0] =	ssyncadd.s32 @p0 $0xFFFFF000  }
0x1ed: {  	[spmem:s16] =	stream.indirect.scatter.add.f32 @p0 [tilespmem:s29], [sflag:$0x5], $0x40, s6, s18, $0xb8;
	[tilespmem:$0x1F400] =	vst v63  }
0x1ee: {  	_ = 	snop  }
0x1ef: {  	[spmem:s20] =	stream.indirect.scatter.add.f32 @p0 [tilespmem:s1], [sflag:$0x6], $0x10, s6, s18, $0xb8;
	[tilespmem:$0x1F400] =	vst v63  }
0x1f0: {  	_ =	swait.ge @p0 [sflag:s0], $0x1000  }
0x1f1: {  	[sflag:s0] =	ssyncset.done @p0 $0x0  }
0x1f2: {  	s29 =	simm.s32 @p0 $0x6400;
	s6 =	simm.s32 @p0 $0x380;
	[sflag:s0] =	ssyncadd.s32 @p0 $0xFFFFF000  }
0x1f3: {  	[spmem:s16] =	stream.indirect.scatter.add.f32 @p0 [tilespmem:s29], [sflag:$0x5], $0x40, s6, s18, $0xb8;
	[tilespmem:$0x1F400] =	vst v63  }
0x1f4: {  	_ =	swait.ge @p0 [sflag:s0], $0x1000  }
0x1f5: {  	[sflag:s0] =	ssyncset.done @p0 $0x0  }
0x1f6: {  	s6 =	simm.s32 @p0 $0x7400;
	[sflag:s0] =	ssyncadd.s32 @p0 $0xFFFFF000;
	s0 =	simm.s32 @p0 $0x3C0  }
0x1f7: {  	[spmem:s16] =	stream.indirect.scatter.add.f32 @p0 [tilespmem:s6], [sflag:$0x5], $0x40, s0, s18, $0xb8;
	[tilespmem:$0x1F400] =	vst v63  }
0x1f8: {  	_ = 	snop  }
0x1f9: {  	[spmem:s20] =	stream.indirect.scatter.add.f32 @p0 [tilespmem:s1], [sflag:$0x6], $0x10, s0, s18, $0xb8;
	[tilespmem:$0x1F400] =	vst v63  }
0x1fa: {  	s0 =	simm.s32 @!p0 $0x300  }
0x1fb: {  	[spmem:s20] =	stream.indirect.scatter.add.f32 @!p0 [tilespmem:s17], [sflag:$0x6], $0x10, s0, s13, $0xb8;
	[tilespmem:$0x1F400] =	vst v63  }
0x1fc: {  	s0 =	simm.s32 @!p0 $0x4  }
0x1fd: {  	_ =	swait.ge @!p0 [sflag:s0], $0x1000  }
0x1fe: {  	[sflag:s0] =	ssyncset.done @!p0 $0x0  }
0x1ff: {  	s6 =	simm.s32 @!p0 $0x5400;
	s1 =	simm.s32 @!p0 $0x340;
	[sflag:s0] =	ssyncadd.s32 @!p0 $0xFFFFF000  }
0x200: {  	[spmem:s16] =	stream.indirect.scatter.add.f32 @!p0 [tilespmem:s6], [sflag:$0x5], $0x40, s1, s13, $0xb8;
	[tilespmem:$0x1F400] =	vst v63  }
0x201: {  	_ =	swait.ge @!p0 [sflag:s0], $0x1000  }
0x202: {  	[sflag:s0] =	ssyncset.done @!p0 $0x0  }
0x203: {  	s1 =	simm.s32 @!p0 $0x380;
	s6 =	simm.s32 @!p0 $0x6400;
	[sflag:s0] =	ssyncadd.s32 @!p0 $0xFFFFF000  }
0x204: {  	[spmem:s16] =	stream.indirect.scatter.add.f32 @!p0 [tilespmem:s6], [sflag:$0x5], $0x40, s1, s13, $0xb8;
	[tilespmem:$0x1F400] =	vst v63  }
0x205: {  	_ = 	snop  }
0x206: {  	[spmem:s20] =	stream.indirect.scatter.add.f32 @!p0 [tilespmem:s17], [sflag:$0x6], $0x10, s1, s13, $0xb8;
	[tilespmem:$0x1F400] =	vst v63  }
0x207: {  	_ =	swait.ge @!p0 [sflag:s0], $0x1000  }
0x208: {  	[sflag:s0] =	ssyncset.done @!p0 $0x0  }
0x209: {  	s1 =	simm.s32 @!p0 $0x7400;
	[sflag:s0] =	ssyncadd.s32 @!p0 $0xFFFFF000;
	s0 =	simm.s32 @!p0 $0x3C0  }
0x20a: {  	[spmem:s16] =	stream.indirect.scatter.add.f32 @!p0 [tilespmem:s1], [sflag:$0x5], $0x40, s0, s13, $0xb8;
	[tilespmem:$0x1F400] =	vst v63  }
0x20b: {  	_ =	swait.ge [sflag:s25], $0x1000  }
0x20c: {  	[sflag:s25] =	ssyncset.done $0x0  }
0x20d: {  	[sflag:s25] =	ssyncadd.s32 $0xFFFFF000  }
0x20e: {  	_ =	swait.ge [sflag:s25], $0x1000  }
0x20f: {  	[sflag:s25] =	ssyncset.done $0x0  }
0x210: {  	[sflag:s25] =	ssyncadd.s32 $0xFFFFF000  }
0x211: {  	_ =	swait.ge [sflag:s25], $0x1000  }
0x212: {  	[sflag:s25] =	ssyncset.done $0x0  }
0x213: {  	[sflag:s25] =	ssyncadd.s32 $0xFFFFF000  }
0x214: {  	_ =	swait.ge [sflag:s25], $0x1000  }
0x215: {  	[sflag:s25] =	ssyncset.done $0x0  }
0x216: {  	[sflag:s25] =	ssyncadd.s32 $0xFFFFF000  }
0x217: {  	_ =	swait.ge [sflag:s28], $0x400  }
.Ltmp7:
0x218: {  	[sflag:s28] =	ssyncset.done $0x0;
	(pc) =	sbr.rel @p2 .LBB2_13-.Ltmp7, $4  }
0x219: {  	[sflag:s28] =	ssyncadd.s32 $0xFFFFFC00  }
0x21a: {  	_ =	swait.ge [sflag:s28], $0x400  }
0x21b: {  	[sflag:s28] =	ssyncset.done $0x0  }
0x21c: {  	[sflag:s28] =	ssyncadd.s32 $0xFFFFFC00  }
.Ltmp8:
0x21d: {  	s0 =	sadd.s32 s12, s22;
	(pc) =	sbr.rel .LBB2_11-.Ltmp8, $4  }
0x21e: {  	s29 =	sadd.s32 s12, s21;
	s0 =	sadd.s32 $0xA20, s0  }
0x21f: {  	[tilespmem:s10], [sflag:$0x2] =	stream.linear.gather [hbm4b:s0+s11], $0x100, $0x38;
	[tilespmem:$0x1F400] =	vst v63  }
0x220: {  	s12 =	sadd.s32 $0x40, s12;
	s0 =	sadd.s32 $0xA20, s29  }
0x221: {  	[tilespmem:s24], [sflag:$0x2] =	stream.linear.gather [hbm4b:s0+s11], $0x100, $0x38;
	[tilespmem:$0x1F400] =	vst v63  }
.LBB2_14:
0x222: {  	_ =	sfence.sel $0x180000  }
0x223: {  	[bflag:$0x0] =	sbarrier.arrive $0xFFFF  }
0x224: {  	_ =	strace $0x90000047  }
0x225: {  	s0 =	stileid.u32;
	[bflag:$0x2] =	sbarrier.arrive $0xFFFF  }
0x226: {  	p0 =	sne.s32 s0, $0x0;
	s0 =	rddreg [dreg:$0x5]  }
0x227: {  	s0 =	sadd.s32 @!p0 $0x100000, s0  }
0x228: {  	[sflag:s0] =	ssyncadd.tile.s32 @!p0 $0x1;
	_ =	shalt  }
.Lfunc_end2:
_tile_overlayer_lowered:
.L_overlay_start_2:
0x229: {  	(tag) =	ssettag $0x2  }
0x22a: {  	s0 =	rddreg [dreg:$0x0];
	s2 =	stileid.u32  }
0x22b: {  	s1 =	rddreg [dreg:$0x1];
	p0 =	sne.s32 s2, $0x0  }
0x22c: {  	s3 =	rddreg [dreg:$0x2];
	[bflag:$0x3] =	sbarrier.arrive $0xFFFF;
	s2 =	simm.s32 @!p0 $0x1C07  }
0x22d: {  	[timem:s3], [sflag:s2] =	dma.local @!p0 [hbm:s0], s1  }
0x22e: {  	s0 =	simm.s32 @!p0 $0x7  }
0x22f: {  	_ =	swait.ge @!p0 [sflag:s0], s1  }
0x230: {  	s1 =	ssub.s32 @!p0 $0x0, s1;
	[sflag:s0] =	ssyncset.done @!p0 $0x0  }
0x231: {  	[sflag:s0] =	ssyncadd.s32 @!p0 s1  }
0x232: {  	[bflag:$0x3] =	sbarrier.arrive $0xFFFF  }
0x233: {  	_ =	shalt  }

// kernel: kernel.9.cloned.1.call-start
scs
__scs_entry_jumppad:
0x0: {  	(pc) =	sbr.rel $0x88, $3  }
0x1: {  	(tag) =	ssettag $0x0;
	lr =	simm.s32 $0x1  }
0x2: {  	[smem:$0x3F95] =	sst lr;
	_ =	strace $0xD0000000  }
0x3: {  	_ = 	snop  }
0x4: {  	_ = 	snop  }
0x5: {  	_ = 	snop  }
0x6: {  	_ = 	snop  }
0x7: {  	_ = 	snop  }
__scs_overlays_trampoline_lowered:
0x8: {  	[smem:$0x3FA4] =	sst s0  }
0x9: {  	[smem:$0x3FA5] =	sst s1  }
0xa: {  	[smem:$0x3FA6] =	sst s2  }
0xb: {  	[smem:$0x3FA7] =	sst s3  }
0xc: {  	[smem:$0x3FA8] =	sst s4  }
0xd: {  	[smem:$0x3FA9] =	sst s5  }
0xe: {  	[smem:$0x3FAA] =	sst s6  }
0xf: {  	[smem:$0x3FAB] =	sst s7  }
0x10: {  	[smem:$0x3FAC] =	sst s8  }
0x11: {  	[smem:$0x3FAD] =	sst s9;
	s0 =	simm.s32 @!p0 $0x0  }
0x12: {  	s1 =	sld [smem:$0x3F93];
	s0 =	simm.s32 @p0 $0x1  }
0x13: {  	[smem:$0x3FAE] =	sst s0;
	s0 =	simm.s32 @!p1 $0x0  }
0x14: {  	s2 =	sld [smem:$0x3F92];
	s0 =	simm.s32 @p1 $0x1  }
0x15: {  	[smem:$0x3FAF] =	sst s0;
	s0 =	simm.s32 @!p2 $0x0  }
0x16: {  	s3 =	sld [smem:$0x3FDB];
	s0 =	simm.s32 @p2 $0x1  }
0x17: {  	s4 =	simm.s32 $0x1BF5;
	[smem:$0x3FB1] =	sst s0  }
0x18: {  	s0 =	sld [smem:$0x3F94];
	_ =	swait.ge [sflag:s4], $0x0  }
0x19: {  	s7 =	sld [smem:$0x3F95]  }
0x1a: {  	s8 =	sadd.s32 $0xFFFFE003, lr  }
0x1b: {  	s9 =	sadd.s32 $0xFFFFFEF7, lr;
	s5 =	simm.s32 $0xFFFFFFFF;
	p2 =	slt.u32 s8, $0xFFFFF086  }
0x1c: {  	p1 =	slt.u32 s9, $0xF7A;
	s5 =	simm.s32 @!p2 $0x0  }
0x1d: {  	s5 =	simm.s32 @p1 $0x1;
	p0 =	seq.s32 s7, s2  }
0x1e: {  	s7 =	smul.u32 @!p0 $0xF7A, s2;
	p2 =	seq.s32 @!p0 s5, $0x0  }
0x1f: {  	s9 =	smul.u32 $0xF7A, s1;
	s8 =	simm.s32 @!p0 $0x1BF5;
	p2 =	por !p2, p0  }
0x20: {  	[sflag:s8] =	ssyncset.s32 @!p0 $0xFFFFF086;
	s6 =	sadd.s32 @!p0 s3, s7;
	s7 =	simm.s32 @!p0 $0x108  }
0x21: {  	s3 =	sadd.s32 s3, s9;
	s6 =	sadd.s32 @!p0 $0x88, s6;
	s7 =	simm.s32 @p2 $0x1082  }
0x22: {  	[simem:s7], [sflag:s8] =	dma.local @!p0 [hbm:s6], $0xF7A  }
0x23: {  	s9 =	sor.u32 $0xD0000000, s2;
	s6 =	simm.s32 $0x108;
	_ =	swait.ge @!p0 [sflag:s8], $0x0  }
0x24: {  	s3 =	sadd.s32 $0x88, s3;
	s6 =	simm.s32 @!p1 $0x1082;
	[sflag:s4] =	ssyncset.s32 $0xFFFFF086  }
0x25: {  	[simem:s6], [sflag:s4] =	dma.local [hbm:s3], $0xF7A  }
0x26: {  	[smem:$0x3F95] =	sst s1;
	(tag) =	ssettag s2;
	_ =	strace s9  }
0x27: {  	s1 =	sld [smem:$0x3FA5]  }
0x28: {  	s2 =	sld [smem:$0x3FA6]  }
0x29: {  	s4 =	sld [smem:$0x3FA8]  }
0x2a: {  	p0 =	seq.s32 s5, $0x0;
	s5 =	sld [smem:$0x3FA9]  }
0x2b: {  	s6 =	sld [smem:$0x3FAA]  }
0x2c: {  	s7 =	sld [smem:$0x3FAB]  }
0x2d: {  	s3 =	simm.s32 $0x108;
	s8 =	sld [smem:$0x3FAC]  }
0x2e: {  	s3 =	simm.s32 @!p0 $0x1082;
	s9 =	sld [smem:$0x3FAD]  }
0x2f: {  	lr =	sadd.s32 s0, s3;
	s0 =	sld [smem:$0x3FA4]  }
0x30: {  	s3 =	sld [smem:$0x3FA7]  }
0x31: {  	[smem:$0x3FB0] =	sst s10  }
0x32: {  	s10 =	sld [smem:$0x3FAE];
	_ =	sdelay $0x3  }
0x33: {  	p0 =	seq.s32 s10, $0x1;
	s10 =	sld [smem:$0x3FB0];
	_ =	sdelay $0x3  }
0x34: {  	[smem:$0x3FB0] =	sst s10  }
0x35: {  	s10 =	sld [smem:$0x3FAF];
	_ =	sdelay $0x3  }
0x36: {  	p1 =	seq.s32 s10, $0x1;
	s10 =	sld [smem:$0x3FB0];
	_ =	sdelay $0x3  }
0x37: {  	[smem:$0x3FB0] =	sst s10  }
0x38: {  	s10 =	sld [smem:$0x3FB1]  }
0x39: {  	_ = 	snop;
	(pc) =	sbr.ind lr, $3  }
0x3a: {  	_ = 	snop  }
0x3b: {  	_ = 	snop  }
0x3c: {  	p2 =	seq.s32 s10, $0x1;
	s10 =	sld [smem:$0x3FB0]  }
0x3d: {  	_ =	shalt  }
0x3e: {  	_ =	shalt  }
0x3f: {  	_ =	shalt  }
0x40: {  	_ =	shalt  }
0x41: {  	_ =	shalt  }
0x42: {  	_ =	shalt  }
0x43: {  	_ =	shalt  }
0x44: {  	_ =	shalt  }
0x45: {  	_ =	shalt  }
0x46: {  	_ =	shalt  }
0x47: {  	_ =	shalt  }
0x48: {  	_ =	shalt  }
0x49: {  	_ =	shalt  }
0x4a: {  	_ =	shalt  }
0x4b: {  	_ =	shalt  }
0x4c: {  	_ =	shalt  }
0x4d: {  	_ =	shalt  }
0x4e: {  	_ =	shalt  }
0x4f: {  	_ =	shalt  }
0x50: {  	_ =	shalt  }
0x51: {  	_ =	shalt  }
0x52: {  	_ =	shalt  }
0x53: {  	_ =	shalt  }
0x54: {  	_ =	shalt  }
0x55: {  	_ =	shalt  }
0x56: {  	_ =	shalt  }
0x57: {  	_ =	shalt  }
0x58: {  	_ =	shalt  }
0x59: {  	_ =	shalt  }
0x5a: {  	_ =	shalt  }
0x5b: {  	_ =	shalt  }
0x5c: {  	_ =	shalt  }
0x5d: {  	_ =	shalt  }
0x5e: {  	_ =	shalt  }
0x5f: {  	_ =	shalt  }
0x60: {  	_ =	shalt  }
0x61: {  	_ =	shalt  }
0x62: {  	_ =	shalt  }
0x63: {  	_ =	shalt  }
0x64: {  	_ =	shalt  }
0x65: {  	_ =	shalt  }
0x66: {  	_ =	shalt  }
0x67: {  	_ =	shalt  }
0x68: {  	_ =	shalt  }
0x69: {  	_ =	shalt  }
0x6a: {  	_ =	shalt  }
0x6b: {  	_ =	shalt  }
0x6c: {  	_ =	shalt  }
0x6d: {  	_ =	shalt  }
0x6e: {  	_ =	shalt  }
0x6f: {  	_ =	shalt  }
0x70: {  	_ =	shalt  }
0x71: {  	_ =	shalt  }
0x72: {  	_ =	shalt  }
0x73: {  	_ =	shalt  }
0x74: {  	_ =	shalt  }
0x75: {  	_ =	shalt  }
0x76: {  	_ =	shalt  }
0x77: {  	_ =	shalt  }
0x78: {  	_ =	shalt  }
0x79: {  	_ =	shalt  }
0x7a: {  	_ =	shalt  }
0x7b: {  	_ =	shalt  }
0x7c: {  	_ =	shalt  }
0x7d: {  	_ =	shalt  }
0x7e: {  	_ =	shalt  }
0x7f: {  	_ =	shalt  }
0x80: {  	_ =	shalt  }
0x81: {  	_ =	shalt  }
0x82: {  	_ =	shalt  }
0x83: {  	_ =	shalt  }
0x84: {  	_ =	shalt  }
0x85: {  	_ =	shalt  }
0x86: {  	_ =	shalt  }
0x87: {  	_ =	shalt  }
.Lfunc_end0:
.L_simem_size_0:
called_computation.1_lowered:
.L_overlay_start_0:
0x88: {  	s2 =	sld [smem:$0x3FD9]  }
0x89: {  	s3 =	sld [smem:$0x3FFE];
	_ =	sdelay $0x1  }
0x8a: {  	s1 =	srdreg.scid  }
0x8b: {  	s0 =	sand.u32 $0x1, s1  }
0x8c: {  	s16 =	sshll.u32 s0, $0xA;
	s2 =	sadd.s32 s3, s2  }
0x8d: {  	s2 =	sadd.s32 s2, s16  }
0x8e: {  	[smem:$0x3FBC] =	sst s2  }
0x8f: {  	_ = 	snop  }
0x90: {  	(tm) =	ssettm $0x1  }
0x91: {  	s17 =	sld [smem:$0x3FFB];
	_ =	sdelay $0x3  }
0x92: {  	_ =	strace s17  }
0x93: {  	s2 =	sld [smem:$0x3FFC];
	_ =	sdelay $0x3  }
0x94: {  	_ =	strace s2  }
0x95: {  	s2 =	sld [smem:$0x3FFD];
	_ =	sdelay $0x3  }
0x96: {  	_ =	strace s2  }
0x97: {  	_ =	strace $0x8FFFFFFF  }
0x98: {  	s18 =	sld [smem:$0x3FDB];
	_ =	sdelay $0x1  }
0x99: {  	s19 =	simm.s32 $_scs_section_size  }
0x9a: {  	s4 =	simm.s32 $_size__tile_overlayer_lowered;
	s5 =	simm.s32 $_tile_overlayer_lowered  }
0x9b: {  	s22 =	simm.s32 $0x1BFF;
	s21 =	sshll.u32 s5, $0x1;
	s2 =	sadd.s32 s19, s18  }
0x9c: {  	s6 =	simm.s32 $0x0;
	s20 =	sshll.u32 s4, $0x1;
	s4 =	sadd.s32 s21, s2  }
0x9d: {  	[timem:s6], [sflag:s22] =	dma.local [hbm:s4], s20  }
0x9e: {  	_ =	swait.ge [sflag:s22], s20  }
0x9f: {  	s3 =	ssub.s32 $0x0, s20;
	[sflag:s22] =	ssyncset.done $0x0  }
0xa0: {  	[sflag:s22] =	ssyncadd.s32 s3;
	_ =	sdelay $0x1  }
0xa1: {  	s23 =	simm.s32 $0x1B8B  }
0xa2: {  	_ =	swait.ge [sflag:s23], $0x1  }
0xa3: {  	[sflag:s23] =	ssyncset.done $0x0  }
0xa4: {  	s25 =	simm.s32 $0x1B8E;
	s24 =	sld [smem:$0x3FFE];
	[sflag:s23] =	ssyncadd.s32 $0xFFFFFFFF  }
0xa5: {  	s26 =	simm.s32 $execute0_lowered;
	[smem:$0x3FD2] =	sst s25  }
0xa6: {  	s4 =	sshll.u32 s26, $0x1;
	_ =	strace $0x80000049;
	[dreg:$0x1] =	wrdreg $0xFFFFFFFF  }
0xa7: {  	s28 =	simm.s32 $_size_execute0_lowered;
	s2 =	sadd.s32 s2, s4;
	[dreg:$0x0] =	wrdreg $0x0  }
0xa8: {  	s4 =	sshll.u32 s28, $0x1;
	[dreg:$0x2] =	wrdreg s2  }
0xa9: {  	[dreg:$0x3] =	wrdreg s4  }
0xaa: {  	[dreg:$0x4] =	wrdreg $0xC0  }
0xab: {  	_ =	task [dreg:s6], $0x5FFFF  }
0xac: {  	[dreg:$0x1] =	wrdreg $0xFFFFFFFF  }
0xad: {  	[dreg:$0x0] =	wrdreg $0x60  }
0xae: {  	[dreg:$0x2] =	wrdreg s24  }
0xaf: {  	[dreg:$0x3] =	wrdreg $0xB8000  }
0xb0: {  	[dreg:$0x4] =	wrdreg $0x90000  }
0xb1: {  	[dreg:$0x5] =	wrdreg $0x9  }
0xb2: {  	_ =	task.clear_ibuf [dreg:s6], $0x6FFFF;
	_ =	strace $0x90000049  }
0xb3: {  	s29 =	simm.s32 $0x9;
	_ =	strace $0x8000004B  }
0xb4: {  	_ =	swait.ge [sflag:s29], $0x1  }
0xb5: {  	[sflag:s29] =	ssyncadd.s32 $0xFFFFFFFF  }
0xb6: {  	_ =	strace $0x9000004B  }
0xb7: {  	_ =	sfence  }
0xb8: {  	s30 =	sld [smem:$0x0];
	_ =	sdelay $0x2  }
0xb9: {  	s31 =	sshll.u32 s1, $0xD;
	s1 =	sshrl.u32 s1, $0x2  }
0xba: {  	s3 =	sand.u32 $0x4000, s31;
	s1 =	sadd.s32 s1, s30  }
0xbb: {  	s0 =	sor.u32 s3, s0;
	s1 =	sshll.u32 s1, $0x11  }
0xbc: {  	s0 =	sor.u32 s1, s0  }
0xbd: {  	s0 =	sadd.s32 $0x8F2B, s0  }
0xbe: {  	[sflag:s0] =	ssyncadd.remote.s32 $0x1  }
0xbf: {  	_ =	sfence.sel $0xFFFF  }
0xc0: {  	[dreg:$0x0] =	wrdreg $0xFFFFFFFF;
	(pc) =	sbr.abs _section_cstart, $3  }
0xc1: {  	[dreg:$0x1] =	wrdreg $0xFFFFFFFF  }
0xc2: {  	_ =	task.clear_ibuf [dreg:s6], $0x2FFFF;
	_ =	strace $0x9FFFFFFF  }
0xc3: {  	(tm) =	ssettm $0x7FFFFFFF  }
tec
execute0_lowered:
.L_overlay_start_1:
0x0: {  	(tag) =	ssettag $0x1  }
0x1: {  	s0 =	rddreg [dreg:$0x0]  }
0x2: {  	s2 =	rddreg [dreg:$0x1]  }
0x3: {  	s3 =	rddreg [dreg:$0x2]  }
0x4: {  	s1 =	srdreg.scid;
	s11 =	stileid.u32;
	s7 =	simm.s32 $0x0  }
0x5: {  	s1 =	sand.u32 $0x1, s1;
	s4 =	smul.u32 $0x2800, s11;
	s5 =	sshll.u32 s11, $0x1  }
0x6: {  	[smem:$0x7FF] =	sst s7;
	s22 =	sadd.s32 $0x15600, s0;
	s21 =	smul.u32 $0xA000, s11  }
0x7: {  	p0 =	seq.s32 s11, $0xF;
	s29 =	sadd.s32 $0x25800, s2;
	s30 =	sadd.s32 $0x26000, s2  }
0x8: {  	s31 =	sadd.s32 $0x26800, s2;
	s11 =	simm.s32 $0x8000;
	s6 =	smul.u32 $0x28000, s1  }
0x9: {  	s5 =	sor.u32 s1, s5;
	_ =	strace $0x8000004A;
	s1 =	ssub.s32 $0x2, s1  }
0xa: {  	s5 =	smul.u32 $0x500, s5;
	s8 =	sshrl.u32 s1, $0x1;
	s24 =	sshrl.u32 s4, $0x3  }
0xb: {  	s26 =	sadd.s32 $0x800, s4;
	s12 =	sadd.s32 s4, s2;
	s9 =	sadd.s32 $0x1000, s4  }
0xc: {  	s10 =	sadd.s32 $0x1800, s4;
	s18 =	sadd.s32 $0x2000, s4;
	s6 =	sadd.s32 s4, s6  }
0xd: {  	s1 =	ssub.s32 s1, s8;
	s25 =	sadd.s32 s22, s24;
	[dreg:$0x7] =	wrdreg s12  }
0xe: {  	s13 =	sshrl.u32 s26, $0x3;
	s14 =	sshrl.u32 s9, $0x3;
	s16 =	sshrl.u32 s10, $0x3  }
0xf: {  	s17 =	sadd.s32 s9, s2;
	s19 =	sadd.s32 s10, s2;
	s20 =	sshrl.u32 s18, $0x3  }
0x10: {  	s24 =	sadd.s32 $0x1A300, s0;
	s9 =	simm.s32 $0x7000;
	s10 =	simm.s32 $0x7800  }
0x11: {  	s12 =	simm.s32 $0x8800;
	s6 =	sshrl.u32 s6, $0x3;
	[dreg:$0x6] =	wrdreg s25  }
0x12: {  	s5 =	sadd.s32 s5, s0;
	s8 =	sadd.s32 s22, s13;
	[dreg:$0xb] =	wrdreg s17  }
0x13: {  	s15 =	sadd.s32 s22, s14;
	[dreg:$0xd] =	wrdreg s19;
	s7 =	sadd.s32 s22, s20  }
0x14: {  	[dreg:$0x12] =	wrdreg s24;
	s25 =	sshrl.u32 s21, $0x2;
	s20 =	sadd.s32 $0x1A400, s0  }
0x15: {  	s21 =	sadd.s32 s4, s3;
	s28 =	smax.u32 s1, $0x1;
	s1 =	simm.s32 $0x3  }
0x16: {  	s4 =	simm.s32 $0x5000;
	s13 =	simm.s32 $0x1;
	[dreg:$0x8] =	wrdreg s8  }
0x17: {  	s14 =	simm.s32 $0x2;
	s6 =	sadd.s32 s6, s0;
	[dreg:$0xa] =	wrdreg s15  }
0x18: {  	s23 =	sadd.s32 $0xB600, s5;
	s5 =	sadd.s32 $0x1600, s5;
	[dreg:$0xe] =	wrdreg s7  }
0x19: {  	s7 =	simm.s32 $0x6000;
	s8 =	simm.s32 $0x6800;
	[dreg:$0x4] =	wrdreg s23  }
0x1a: {  	s15 =	simm.s32 $0x0;
	[dreg:$0x5] =	wrdreg s5;
	s5 =	sadd.s32 s26, s2  }
0x1b: {  	s23 =	sadd.s32 $0x1A200, s0;
	s26 =	sadd.s32 s25, s3;
	[dreg:$0x9] =	wrdreg s5  }
0x1c: {  	s5 =	sadd.s32 s22, s16;
	s22 =	sadd.s32 $0x1A100, s0;
	[dreg:$0x11] =	wrdreg s23  }
0x1d: {  	s23 =	sadd.s32 $0x1000, s26;
	s24 =	sadd.s32 $0x1800, s26;
	s25 =	sadd.s32 $0x2000, s26  }
0x1e: {  	s0 =	sadd.s32 $0x27000, s2;
	[dreg:$0xc] =	wrdreg s5;
	s5 =	sadd.s32 s18, s2  }
0x1f: {  	[dreg:$0x10] =	wrdreg s22;
	s22 =	sadd.s32 $0x800, s26;
	s26 =	sadd.s32 $0x1A600, s6  }
0x20: {  	v0 =	vimm.f32 $0.0e+00;
	s6 =	simm.s32 $0x5800;
	[dreg:$0xf] =	wrdreg s5;
	s5 =	simm.s32 $0x80  }
.LBB2_1:
0x21: {  	s16 =	simm.s32 $0x0;
	s17 =	rddreg [dreg:$0x4]  }
0x22: {  	[tilespmem:s16], [sflag:$0x3] =	stream.linear.gather [hbm4b:s17+s16], $0x2800, $0x38;
	[tilespmem:$0xE000] =	vst v63  }
0x23: {  	_ =	swait.ge [sflag:s1], $0x2800  }
0x24: {  	[sflag:s1] =	ssyncset.done $0x0  }
0x25: {  	s18 =	simm.s32 $0x2800;
	s19 =	rddreg [dreg:$0x5];
	[sflag:s1] =	ssyncadd.s32 $0xFFFFD800  }
0x26: {  	[tilespmem:s18], [sflag:$0x3] =	stream.linear.gather [hbm4b:s19+s16], $0x2800, $0x38;
	[tilespmem:$0xE000] =	vst v63  }
0x27: {  	_ =	swait.ge [sflag:s1], $0x2800  }
0x28: {  	s17 =	simm.s32 @p0 $0x5800;
	[sflag:s1] =	ssyncset.done $0x0  }
0x29: {  	s16 =	simm.s32 @p0 $0x0;
	s18 =	rddreg [dreg:$0x10];
	[sflag:s1] =	ssyncadd.s32 $0xFFFFD800  }
0x2a: {  	[tilespmem:s17], [sflag:$0x3] =	stream.linear.gather @p0 [hbm4b:s18+s16], $0x800, $0x38;
	[tilespmem:$0xE000] =	vst v63  }
0x2b: {  	s18 =	simm.s32 @p0 $0x3  }
0x2c: {  	_ =	swait.ge @p0 [sflag:s18], $0x800  }
0x2d: {  	[sflag:s18] =	ssyncset.done @p0 $0x0  }
0x2e: {  	[sflag:s18] =	ssyncadd.s32 @p0 $0xFFFFF800  }
0x2f: {  	[spmem:s29] =	stream.linear.scatter @p0 [tilespmem:s17], [sflag:$0x3], $0x800, $0x38;
	[tilespmem:$0xE000] =	vst v63  }
0x30: {  	_ =	swait.ge @p0 [sflag:s18], $0x800  }
0x31: {  	[sflag:s18] =	ssyncset.done @p0 $0x0  }
0x32: {  	s19 =	rddreg [dreg:$0x11];
	[sflag:s18] =	ssyncadd.s32 @p0 $0xFFFFF800  }
0x33: {  	[tilespmem:s17], [sflag:$0x3] =	stream.linear.gather @p0 [hbm4b:s19+s16], $0x800, $0x38;
	[tilespmem:$0xE000] =	vst v63  }
0x34: {  	_ =	swait.ge @p0 [sflag:s18], $0x800  }
0x35: {  	[sflag:s18] =	ssyncset.done @p0 $0x0  }
0x36: {  	[sflag:s18] =	ssyncadd.s32 @p0 $0xFFFFF800  }
0x37: {  	[spmem:s30] =	stream.linear.scatter @p0 [tilespmem:s17], [sflag:$0x3], $0x800, $0x38;
	[tilespmem:$0xE000] =	vst v63  }
0x38: {  	_ =	swait.ge @p0 [sflag:s18], $0x800  }
0x39: {  	[sflag:s18] =	ssyncset.done @p0 $0x0  }
0x3a: {  	s19 =	rddreg [dreg:$0x12];
	[sflag:s18] =	ssyncadd.s32 @p0 $0xFFFFF800  }
0x3b: {  	[tilespmem:s17], [sflag:$0x3] =	stream.linear.gather @p0 [hbm4b:s19+s16], $0x800, $0x38;
	[tilespmem:$0xE000] =	vst v63  }
0x3c: {  	_ =	swait.ge @p0 [sflag:s18], $0x800  }
0x3d: {  	[sflag:s18] =	ssyncset.done @p0 $0x0  }
0x3e: {  	[sflag:s18] =	ssyncadd.s32 @p0 $0xFFFFF800  }
0x3f: {  	[spmem:s31] =	stream.linear.scatter @p0 [tilespmem:s17], [sflag:$0x3], $0x800, $0x38;
	[tilespmem:$0xE000] =	vst v63  }
0x40: {  	_ =	swait.ge @p0 [sflag:s18], $0x800  }
0x41: {  	[sflag:s18] =	ssyncset.done @p0 $0x0  }
0x42: {  	[sflag:s18] =	ssyncadd.s32 @p0 $0xFFFFF800  }
0x43: {  	[tilespmem:s17], [sflag:$0x3] =	stream.linear.gather @p0 [hbm4b:s20+s16], $0x100, $0x38;
	[tilespmem:$0xE000] =	vst v63  }
0x44: {  	_ =	swait.ge @p0 [sflag:s18], $0x100  }
0x45: {  	[sflag:s18] =	ssyncset.done @p0 $0x0  }
0x46: {  	[sflag:s18] =	ssyncadd.s32 @p0 $0xFFFFFF00  }
0x47: {  	[spmem:s0] =	stream.linear.scatter @p0 [tilespmem:s17], [sflag:$0x3], $0x100, $0x38;
	[tilespmem:$0xE000] =	vst v63  }
0x48: {  	_ =	swait.ge @p0 [sflag:s18], $0x100  }
0x49: {  	s16 =	simm.s32 @!p0 $0x0;
	[sflag:s18] =	ssyncset.done @p0 $0x0  }
0x4a: {  	s17 =	simm.s32 @!p0 $0x5800;
	[sflag:s18] =	ssyncadd.s32 @p0 $0xFFFFFF00;
	s18 =	rddreg [dreg:$0x6]  }
0x4b: {  	[tilespmem:s17], [sflag:$0x3] =	stream.linear.gather @!p0 [hbm4b:s18+s16], $0x800, $0x38;
	[tilespmem:$0xE000] =	vst v63  }
0x4c: {  	s18 =	simm.s32 @!p0 $0x3  }
0x4d: {  	_ =	swait.ge @!p0 [sflag:s18], $0x800  }
0x4e: {  	[sflag:s18] =	ssyncset.done @!p0 $0x0  }
0x4f: {  	s19 =	rddreg [dreg:$0x7];
	[sflag:s18] =	ssyncadd.s32 @!p0 $0xFFFFF800  }
0x50: {  	[spmem:s19] =	stream.linear.scatter @!p0 [tilespmem:s17], [sflag:$0x3], $0x800, $0x38;
	[tilespmem:$0xE000] =	vst v63  }
0x51: {  	_ =	swait.ge @!p0 [sflag:s18], $0x800  }
0x52: {  	[sflag:s18] =	ssyncset.done @!p0 $0x0  }
0x53: {  	s19 =	rddreg [dreg:$0x8];
	[sflag:s18] =	ssyncadd.s32 @!p0 $0xFFFFF800  }
0x54: {  	[tilespmem:s17], [sflag:$0x3] =	stream.linear.gather @!p0 [hbm4b:s19+s16], $0x800, $0x38;
	[tilespmem:$0xE000] =	vst v63  }
0x55: {  	_ =	swait.ge @!p0 [sflag:s18], $0x800  }
0x56: {  	[sflag:s18] =	ssyncset.done @!p0 $0x0  }
0x57: {  	s19 =	rddreg [dreg:$0x9];
	[sflag:s18] =	ssyncadd.s32 @!p0 $0xFFFFF800  }
0x58: {  	[spmem:s19] =	stream.linear.scatter @!p0 [tilespmem:s17], [sflag:$0x3], $0x800, $0x38;
	[tilespmem:$0xE000] =	vst v63  }
0x59: {  	_ =	swait.ge @!p0 [sflag:s18], $0x800  }
0x5a: {  	[sflag:s18] =	ssyncset.done @!p0 $0x0  }
0x5b: {  	s19 =	rddreg [dreg:$0xa];
	[sflag:s18] =	ssyncadd.s32 @!p0 $0xFFFFF800  }
0x5c: {  	[tilespmem:s17], [sflag:$0x3] =	stream.linear.gather @!p0 [hbm4b:s19+s16], $0x800, $0x38;
	[tilespmem:$0xE000] =	vst v63  }
0x5d: {  	_ =	swait.ge @!p0 [sflag:s18], $0x800  }
0x5e: {  	[sflag:s18] =	ssyncset.done @!p0 $0x0  }
0x5f: {  	s19 =	rddreg [dreg:$0xb];
	[sflag:s18] =	ssyncadd.s32 @!p0 $0xFFFFF800  }
0x60: {  	[spmem:s19] =	stream.linear.scatter @!p0 [tilespmem:s17], [sflag:$0x3], $0x800, $0x38;
	[tilespmem:$0xE000] =	vst v63  }
0x61: {  	_ =	swait.ge @!p0 [sflag:s18], $0x800  }
0x62: {  	[sflag:s18] =	ssyncset.done @!p0 $0x0  }
0x63: {  	s19 =	rddreg [dreg:$0xc];
	[sflag:s18] =	ssyncadd.s32 @!p0 $0xFFFFF800  }
0x64: {  	[tilespmem:s17], [sflag:$0x3] =	stream.linear.gather @!p0 [hbm4b:s19+s16], $0x800, $0x38;
	[tilespmem:$0xE000] =	vst v63  }
0x65: {  	_ =	swait.ge @!p0 [sflag:s18], $0x800  }
0x66: {  	[sflag:s18] =	ssyncset.done @!p0 $0x0  }
0x67: {  	s19 =	rddreg [dreg:$0xd];
	[sflag:s18] =	ssyncadd.s32 @!p0 $0xFFFFF800  }
0x68: {  	[spmem:s19] =	stream.linear.scatter @!p0 [tilespmem:s17], [sflag:$0x3], $0x800, $0x38;
	[tilespmem:$0xE000] =	vst v63  }
0x69: {  	_ =	swait.ge @!p0 [sflag:s18], $0x800  }
0x6a: {  	[sflag:s18] =	ssyncset.done @!p0 $0x0  }
0x6b: {  	s19 =	rddreg [dreg:$0xe];
	[sflag:s18] =	ssyncadd.s32 @!p0 $0xFFFFF800  }
0x6c: {  	[tilespmem:s17], [sflag:$0x3] =	stream.linear.gather @!p0 [hbm4b:s19+s16], $0x800, $0x38;
	[tilespmem:$0xE000] =	vst v63  }
0x6d: {  	_ =	swait.ge @!p0 [sflag:s18], $0x800  }
0x6e: {  	[sflag:s18] =	ssyncset.done @!p0 $0x0  }
0x6f: {  	s16 =	rddreg [dreg:$0xf];
	[sflag:s18] =	ssyncadd.s32 @!p0 $0xFFFFF800  }
0x70: {  	[spmem:s16] =	stream.linear.scatter @!p0 [tilespmem:s17], [sflag:$0x3], $0x800, $0x38;
	[tilespmem:$0xE000] =	vst v63  }
0x71: {  	_ =	swait.ge @!p0 [sflag:s18], $0x800  }
0x72: {  	[sflag:s18] =	ssyncset.done @!p0 $0x0  }
0x73: {  	s16 =	simm.s32 $0x40;
	s17 =	simm.s32 $0x0;
	[sflag:s18] =	ssyncadd.s32 @!p0 $0xFFFFF800  }
.LBB2_2:
0x74: {  	p1 =	sne.s32 s16, $0x1FC0;
	[tilespmem:s17+$0x5000] =	vst v0;
	s17 =	smov.u32 s16;
	s16 =	sadd.s32 $0x40, s16  }
.Ltmp0:
0x75: {  	(pc) =	sbr.rel @p1 .LBB2_2-.Ltmp0, $2  }
0x76: {  	_ =	sdelay $0x2  }
0x77: {  	s17 =	sshra.s32 s17, $0x2  }
0x78: {  	[tilespmem:s17+$0x5000] =	vst v0  }
0x79: {  	[spmem:s21] =	stream.linear.scatter [tilespmem:s4], [sflag:$0x3], $0x800, $0x38;
	[tilespmem:$0xE000] =	vst v63  }
0x7a: {  	_ =	swait.ge [sflag:s1], $0x800  }
0x7b: {  	[sflag:s1] =	ssyncset.done $0x0  }
0x7c: {  	[sflag:s1] =	ssyncadd.s32 $0xFFFFF800  }
0x7d: {  	[spmem:s22] =	stream.linear.scatter [tilespmem:s4], [sflag:$0x3], $0x800, $0x38;
	[tilespmem:$0xE000] =	vst v63  }
0x7e: {  	_ =	swait.ge [sflag:s1], $0x800  }
0x7f: {  	[sflag:s1] =	ssyncset.done $0x0  }
0x80: {  	[sflag:s1] =	ssyncadd.s32 $0xFFFFF800  }
0x81: {  	[spmem:s23] =	stream.linear.scatter [tilespmem:s4], [sflag:$0x3], $0x800, $0x38;
	[tilespmem:$0xE000] =	vst v63  }
0x82: {  	_ =	swait.ge [sflag:s1], $0x800  }
0x83: {  	[sflag:s1] =	ssyncset.done $0x0  }
0x84: {  	[sflag:s1] =	ssyncadd.s32 $0xFFFFF800  }
0x85: {  	[spmem:s24] =	stream.linear.scatter [tilespmem:s4], [sflag:$0x3], $0x800, $0x38;
	[tilespmem:$0xE000] =	vst v63  }
0x86: {  	_ =	swait.ge [sflag:s1], $0x800  }
0x87: {  	[sflag:s1] =	ssyncset.done $0x0  }
0x88: {  	[sflag:s1] =	ssyncadd.s32 $0xFFFFF800  }
0x89: {  	[spmem:s25] =	stream.linear.scatter [tilespmem:s4], [sflag:$0x3], $0x800, $0x38;
	[tilespmem:$0xE000] =	vst v63  }
0x8a: {  	_ =	swait.ge [sflag:s1], $0x800  }
0x8b: {  	[sflag:s1] =	ssyncset.done $0x0  }
0x8c: {  	[sflag:s1] =	ssyncadd.s32 $0xFFFFF800  }
0x8d: {  	s16 =	simm.s32 $0x0;
	[bflag:$0x0] =	sbarrier.arrive $0xFFFF  }
0x8e: {  	[tilespmem:s4], [sflag:$0x1] =	stream.indirect.gather [spmem:s2], $0x10, s16, s5, $0xb8;
	[tilespmem:$0xE000] =	vst v63  }
0x8f: {  	_ = 	snop  }
0x90: {  	[tilespmem:s6], [sflag:$0x1] =	stream.indirect.gather [spmem:s2], $0x10, s5, s5, $0xb8;
	[tilespmem:$0xE000] =	vst v63  }
0x91: {  	s17 =	simm.s32 $0x100  }
0x92: {  	[tilespmem:s7], [sflag:$0x1] =	stream.indirect.gather [spmem:s2], $0x10, s17, s5, $0xb8;
	[tilespmem:$0xE000] =	vst v63  }
0x93: {  	s18 =	simm.s32 $0x180  }
0x94: {  	[tilespmem:s8], [sflag:$0x1] =	stream.indirect.gather [spmem:s2], $0x10, s18, s5, $0xb8;
	[tilespmem:$0xE000] =	vst v63  }
0x95: {  	s19 =	simm.s32 $0x200  }
0x96: {  	[tilespmem:s9], [sflag:$0x1] =	stream.indirect.gather [spmem:s2], $0x10, s19, s5, $0xb8;
	[tilespmem:$0xE000] =	vst v63  }
0x97: {  	s17 =	simm.s32 $0x280  }
0x98: {  	[tilespmem:s10], [sflag:$0x1] =	stream.indirect.gather [spmem:s2], $0x10, s17, s5, $0xb8;
	[tilespmem:$0xE000] =	vst v63  }
0x99: {  	s18 =	simm.s32 $0x300  }
0x9a: {  	[tilespmem:s11], [sflag:$0x1] =	stream.indirect.gather [spmem:s2], $0x10, s18, s5, $0xb8;
	[tilespmem:$0xE000] =	vst v63  }
0x9b: {  	s19 =	simm.s32 $0x380  }
0x9c: {  	[tilespmem:s12], [sflag:$0x1] =	stream.indirect.gather [spmem:s2], $0x10, s19, s5, $0xb8;
	[tilespmem:$0xE000] =	vst v63  }
0x9d: {  	_ =	swait.ge [sflag:s13], $0x800  }
0x9e: {  	[sflag:s13] =	ssyncset.done $0x0  }
0x9f: {  	s17 =	simm.s32 $0x2800;
	[sflag:s13] =	ssyncadd.s32 $0xFFFFF800  }
0xa0: {  	[spmem:s3] =	stream.indirect.scatter.add.f32 [tilespmem:s4], [sflag:$0x2], $0x10, s17, s5, $0xb8;
	[tilespmem:$0xE000] =	vst v63  }
0xa1: {  	_ =	swait.ge [sflag:s13], $0x800  }
0xa2: {  	[sflag:s13] =	ssyncset.done $0x0  }
0xa3: {  	s18 =	simm.s32 $0x2880;
	[sflag:s13] =	ssyncadd.s32 $0xFFFFF800  }
0xa4: {  	[spmem:s3] =	stream.indirect.scatter.add.f32 [tilespmem:s6], [sflag:$0x2], $0x10, s18, s5, $0xb8;
	[tilespmem:$0xE000] =	vst v63  }
0xa5: {  	_ =	swait.ge [sflag:s13], $0x800  }
0xa6: {  	[sflag:s13] =	ssyncset.done $0x0  }
0xa7: {  	s19 =	simm.s32 $0x2900;
	[sflag:s13] =	ssyncadd.s32 $0xFFFFF800  }
0xa8: {  	[spmem:s3] =	stream.indirect.scatter.add.f32 [tilespmem:s7], [sflag:$0x2], $0x10, s19, s5, $0xb8;
	[tilespmem:$0xE000] =	vst v63  }
0xa9: {  	_ =	swait.ge [sflag:s13], $0x800  }
0xaa: {  	[sflag:s13] =	ssyncset.done $0x0  }
0xab: {  	s17 =	simm.s32 $0x2980;
	[sflag:s13] =	ssyncadd.s32 $0xFFFFF800  }
0xac: {  	[spmem:s3] =	stream.indirect.scatter.add.f32 [tilespmem:s8], [sflag:$0x2], $0x10, s17, s5, $0xb8;
	[tilespmem:$0xE000] =	vst v63  }
0xad: {  	_ =	swait.ge [sflag:s13], $0x800  }
0xae: {  	[sflag:s13] =	ssyncset.done $0x0  }
0xaf: {  	s18 =	simm.s32 $0x2A00;
	[sflag:s13] =	ssyncadd.s32 $0xFFFFF800  }
0xb0: {  	[spmem:s3] =	stream.indirect.scatter.add.f32 [tilespmem:s9], [sflag:$0x2], $0x10, s18, s5, $0xb8;
	[tilespmem:$0xE000] =	vst v63  }
0xb1: {  	_ =	swait.ge [sflag:s13], $0x800  }
0xb2: {  	[sflag:s13] =	ssyncset.done $0x0  }
0xb3: {  	s19 =	simm.s32 $0x2A80;
	[sflag:s13] =	ssyncadd.s32 $0xFFFFF800  }
0xb4: {  	[spmem:s3] =	stream.indirect.scatter.add.f32 [tilespmem:s10], [sflag:$0x2], $0x10, s19, s5, $0xb8;
	[tilespmem:$0xE000] =	vst v63  }
0xb5: {  	_ =	swait.ge [sflag:s13], $0x800  }
0xb6: {  	[sflag:s13] =	ssyncset.done $0x0  }
0xb7: {  	s17 =	simm.s32 $0x2B00;
	[sflag:s13] =	ssyncadd.s32 $0xFFFFF800  }
0xb8: {  	[spmem:s3] =	stream.indirect.scatter.add.f32 [tilespmem:s11], [sflag:$0x2], $0x10, s17, s5, $0xb8;
	[tilespmem:$0xE000] =	vst v63  }
0xb9: {  	_ =	swait.ge [sflag:s13], $0x800  }
0xba: {  	[sflag:s13] =	ssyncset.done $0x0  }
0xbb: {  	s18 =	simm.s32 $0x2B80;
	[sflag:s13] =	ssyncadd.s32 $0xFFFFF800  }
0xbc: {  	[spmem:s3] =	stream.indirect.scatter.add.f32 [tilespmem:s12], [sflag:$0x2], $0x10, s18, s5, $0xb8;
	[tilespmem:$0xE000] =	vst v63  }
0xbd: {  	_ =	swait.ge [sflag:s14], $0x800  }
0xbe: {  	[sflag:s14] =	ssyncset.done $0x0  }
0xbf: {  	[sflag:s14] =	ssyncadd.s32 $0xFFFFF800  }
0xc0: {  	_ =	swait.ge [sflag:s14], $0x800  }
0xc1: {  	[sflag:s14] =	ssyncset.done $0x0  }
0xc2: {  	[sflag:s14] =	ssyncadd.s32 $0xFFFFF800  }
0xc3: {  	_ =	swait.ge [sflag:s14], $0x800  }
0xc4: {  	[sflag:s14] =	ssyncset.done $0x0  }
0xc5: {  	[sflag:s14] =	ssyncadd.s32 $0xFFFFF800  }
0xc6: {  	_ =	swait.ge [sflag:s14], $0x800  }
0xc7: {  	[sflag:s14] =	ssyncset.done $0x0  }
0xc8: {  	[sflag:s14] =	ssyncadd.s32 $0xFFFFF800  }
0xc9: {  	_ =	swait.ge [sflag:s14], $0x800  }
0xca: {  	[sflag:s14] =	ssyncset.done $0x0  }
0xcb: {  	[sflag:s14] =	ssyncadd.s32 $0xFFFFF800  }
0xcc: {  	_ =	swait.ge [sflag:s14], $0x800  }
0xcd: {  	[sflag:s14] =	ssyncset.done $0x0  }
0xce: {  	[sflag:s14] =	ssyncadd.s32 $0xFFFFF800  }
0xcf: {  	_ =	swait.ge [sflag:s14], $0x800  }
0xd0: {  	[sflag:s14] =	ssyncset.done $0x0  }
0xd1: {  	[sflag:s14] =	ssyncadd.s32 $0xFFFFF800  }
0xd2: {  	_ =	swait.ge [sflag:s14], $0x800  }
0xd3: {  	[sflag:s14] =	ssyncset.done $0x0  }
0xd4: {  	s19 =	simm.s32 $0x400;
	[sflag:s14] =	ssyncadd.s32 $0xFFFFF800  }
0xd5: {  	[tilespmem:s4], [sflag:$0x1] =	stream.indirect.gather [spmem:s2], $0x10, s19, s5, $0xb8;
	[tilespmem:$0xE000] =	vst v63  }
0xd6: {  	s17 =	simm.s32 $0x480  }
0xd7: {  	[tilespmem:s6], [sflag:$0x1] =	stream.indirect.gather [spmem:s2], $0x10, s17, s5, $0xb8;
	[tilespmem:$0xE000] =	vst v63  }
0xd8: {  	s18 =	simm.s32 $0x500  }
0xd9: {  	[tilespmem:s7], [sflag:$0x1] =	stream.indirect.gather [spmem:s2], $0x10, s18, s5, $0xb8;
	[tilespmem:$0xE000] =	vst v63  }
0xda: {  	s19 =	simm.s32 $0x580  }
0xdb: {  	[tilespmem:s8], [sflag:$0x1] =	stream.indirect.gather [spmem:s2], $0x10, s19, s5, $0xb8;
	[tilespmem:$0xE000] =	vst v63  }
0xdc: {  	s17 =	simm.s32 $0x600  }
0xdd: {  	[tilespmem:s9], [sflag:$0x1] =	stream.indirect.gather [spmem:s2], $0x10, s17, s5, $0xb8;
	[tilespmem:$0xE000] =	vst v63  }
0xde: {  	s18 =	simm.s32 $0x680  }
0xdf: {  	[tilespmem:s10], [sflag:$0x1] =	stream.indirect.gather [spmem:s2], $0x10, s18, s5, $0xb8;
	[tilespmem:$0xE000] =	vst v63  }
0xe0: {  	s16 =	simm.s32 $0x1000;
	s19 =	simm.s32 $0x700;
	s17 =	simm.s32 $0x780  }
0xe1: {  	[tilespmem:s11], [sflag:$0x1] =	stream.indirect.gather [spmem:s2], $0x10, s19, s5, $0xb8;
	[tilespmem:$0xE000] =	vst v63  }
.LBB2_4:
0xe2: {  	[tilespmem:s12], [sflag:$0x1] =	stream.indirect.gather [spmem:s2], $0x10, s17, s5, $0xb8;
	[tilespmem:$0xE000] =	vst v63  }
0xe3: {  	s17 =	smov.u32 s16  }
0xe4: {  	p1 =	sne.s32 s16, $0x8000;
	s16 =	sadd.s32 $0x1000, s16;
	_ =	swait.ge [sflag:s13], $0x800  }
0xe5: {  	s17 =	sshra.s32 s17, $0x2;
	[sflag:s13] =	ssyncset.done $0x0  }
0xe6: {  	s18 =	sadd.s32 $0x2800, s17;
	[sflag:s13] =	ssyncadd.s32 $0xFFFFF800  }
0xe7: {  	[spmem:s3] =	stream.indirect.scatter.add.f32 [tilespmem:s4], [sflag:$0x2], $0x10, s18, s5, $0xb8;
	[tilespmem:$0xE000] =	vst v63  }
0xe8: {  	_ =	swait.ge [sflag:s13], $0x800  }
0xe9: {  	[sflag:s13] =	ssyncset.done $0x0  }
0xea: {  	s18 =	sadd.s32 $0x2880, s17;
	[sflag:s13] =	ssyncadd.s32 $0xFFFFF800  }
0xeb: {  	[spmem:s3] =	stream.indirect.scatter.add.f32 [tilespmem:s6], [sflag:$0x2], $0x10, s18, s5, $0xb8;
	[tilespmem:$0xE000] =	vst v63  }
0xec: {  	_ =	swait.ge [sflag:s13], $0x800  }
0xed: {  	[sflag:s13] =	ssyncset.done $0x0  }
0xee: {  	s18 =	sadd.s32 $0x2900, s17;
	[sflag:s13] =	ssyncadd.s32 $0xFFFFF800  }
0xef: {  	[spmem:s3] =	stream.indirect.scatter.add.f32 [tilespmem:s7], [sflag:$0x2], $0x10, s18, s5, $0xb8;
	[tilespmem:$0xE000] =	vst v63  }
0xf0: {  	_ =	swait.ge [sflag:s13], $0x800  }
0xf1: {  	[sflag:s13] =	ssyncset.done $0x0  }
0xf2: {  	s18 =	sadd.s32 $0x2980, s17;
	[sflag:s13] =	ssyncadd.s32 $0xFFFFF800  }
0xf3: {  	[spmem:s3] =	stream.indirect.scatter.add.f32 [tilespmem:s8], [sflag:$0x2], $0x10, s18, s5, $0xb8;
	[tilespmem:$0xE000] =	vst v63  }
0xf4: {  	_ =	swait.ge [sflag:s13], $0x800  }
0xf5: {  	[sflag:s13] =	ssyncset.done $0x0  }
0xf6: {  	s18 =	sadd.s32 $0x2A00, s17;
	[sflag:s13] =	ssyncadd.s32 $0xFFFFF800  }
0xf7: {  	[spmem:s3] =	stream.indirect.scatter.add.f32 [tilespmem:s9], [sflag:$0x2], $0x10, s18, s5, $0xb8;
	[tilespmem:$0xE000] =	vst v63  }
0xf8: {  	_ =	swait.ge [sflag:s13], $0x800  }
0xf9: {  	[sflag:s13] =	ssyncset.done $0x0  }
0xfa: {  	s18 =	sadd.s32 $0x2A80, s17;
	[sflag:s13] =	ssyncadd.s32 $0xFFFFF800  }
0xfb: {  	[spmem:s3] =	stream.indirect.scatter.add.f32 [tilespmem:s10], [sflag:$0x2], $0x10, s18, s5, $0xb8;
	[tilespmem:$0xE000] =	vst v63  }
0xfc: {  	_ =	swait.ge [sflag:s13], $0x800  }
0xfd: {  	[sflag:s13] =	ssyncset.done $0x0  }
0xfe: {  	s18 =	sadd.s32 $0x2B00, s17;
	[sflag:s13] =	ssyncadd.s32 $0xFFFFF800  }
0xff: {  	[spmem:s3] =	stream.indirect.scatter.add.f32 [tilespmem:s11], [sflag:$0x2], $0x10, s18, s5, $0xb8;
	[tilespmem:$0xE000] =	vst v63  }
0x100: {  	_ =	swait.ge [sflag:s13], $0x800  }
0x101: {  	[sflag:s13] =	ssyncset.done $0x0  }
0x102: {  	s18 =	sadd.s32 $0x2B80, s17;
	[sflag:s13] =	ssyncadd.s32 $0xFFFFF800  }
0x103: {  	[spmem:s3] =	stream.indirect.scatter.add.f32 [tilespmem:s12], [sflag:$0x2], $0x10, s18, s5, $0xb8;
	[tilespmem:$0xE000] =	vst v63  }
0x104: {  	_ =	swait.ge [sflag:s14], $0x800  }
0x105: {  	[sflag:s14] =	ssyncset.done $0x0  }
0x106: {  	[sflag:s14] =	ssyncadd.s32 $0xFFFFF800  }
0x107: {  	_ =	swait.ge [sflag:s14], $0x800  }
0x108: {  	[sflag:s14] =	ssyncset.done $0x0  }
0x109: {  	[sflag:s14] =	ssyncadd.s32 $0xFFFFF800  }
0x10a: {  	_ =	swait.ge [sflag:s14], $0x800  }
0x10b: {  	[sflag:s14] =	ssyncset.done $0x0  }
0x10c: {  	[sflag:s14] =	ssyncadd.s32 $0xFFFFF800  }
0x10d: {  	_ =	swait.ge [sflag:s14], $0x800  }
0x10e: {  	[sflag:s14] =	ssyncset.done $0x0  }
0x10f: {  	[sflag:s14] =	ssyncadd.s32 $0xFFFFF800  }
0x110: {  	_ =	swait.ge [sflag:s14], $0x800  }
0x111: {  	[sflag:s14] =	ssyncset.done $0x0  }
0x112: {  	[sflag:s14] =	ssyncadd.s32 $0xFFFFF800  }
0x113: {  	_ =	swait.ge [sflag:s14], $0x800  }
0x114: {  	[sflag:s14] =	ssyncset.done $0x0  }
0x115: {  	[sflag:s14] =	ssyncadd.s32 $0xFFFFF800  }
0x116: {  	_ =	swait.ge [sflag:s14], $0x800  }
0x117: {  	[sflag:s14] =	ssyncset.done $0x0  }
0x118: {  	[sflag:s14] =	ssyncadd.s32 $0xFFFFF800  }
0x119: {  	_ =	swait.ge [sflag:s14], $0x800  }
0x11a: {  	[sflag:s14] =	ssyncset.done $0x0  }
0x11b: {  	s18 =	sadd.s32 $0x400, s17;
	[sflag:s14] =	ssyncadd.s32 $0xFFFFF800  }
0x11c: {  	[tilespmem:s4], [sflag:$0x1] =	stream.indirect.gather [spmem:s2], $0x10, s18, s5, $0xb8;
	[tilespmem:$0xE000] =	vst v63  }
0x11d: {  	s18 =	sadd.s32 $0x480, s17  }
0x11e: {  	[tilespmem:s6], [sflag:$0x1] =	stream.indirect.gather [spmem:s2], $0x10, s18, s5, $0xb8;
	[tilespmem:$0xE000] =	vst v63  }
0x11f: {  	s18 =	sadd.s32 $0x500, s17  }
0x120: {  	[tilespmem:s7], [sflag:$0x1] =	stream.indirect.gather [spmem:s2], $0x10, s18, s5, $0xb8;
	[tilespmem:$0xE000] =	vst v63  }
0x121: {  	s18 =	sadd.s32 $0x580, s17  }
0x122: {  	[tilespmem:s8], [sflag:$0x1] =	stream.indirect.gather [spmem:s2], $0x10, s18, s5, $0xb8;
	[tilespmem:$0xE000] =	vst v63  }
0x123: {  	s18 =	sadd.s32 $0x600, s17  }
0x124: {  	[tilespmem:s9], [sflag:$0x1] =	stream.indirect.gather [spmem:s2], $0x10, s18, s5, $0xb8;
	[tilespmem:$0xE000] =	vst v63  }
.Ltmp1:
0x125: {  	s18 =	sadd.s32 $0x680, s17;
	(pc) =	sbr.rel @p1 .LBB2_4-.Ltmp1, $4  }
0x126: {  	[tilespmem:s10], [sflag:$0x1] =	stream.indirect.gather [spmem:s2], $0x10, s18, s5, $0xb8;
	[tilespmem:$0xE000] =	vst v63  }
0x127: {  	s18 =	sadd.s32 $0x700, s17  }
0x128: {  	[tilespmem:s11], [sflag:$0x1] =	stream.indirect.gather [spmem:s2], $0x10, s18, s5, $0xb8;
	[tilespmem:$0xE000] =	vst v63  }
0x129: {  	s17 =	sadd.s32 $0x780, s17  }
0x12a: {  	[tilespmem:s12], [sflag:$0x1] =	stream.indirect.gather [spmem:s2], $0x10, s17, s5, $0xb8;
	[tilespmem:$0xE000] =	vst v63  }
0x12b: {  	_ =	swait.ge [sflag:s13], $0x800  }
0x12c: {  	[sflag:s13] =	ssyncset.done $0x0  }
0x12d: {  	s16 =	simm.s32 $0x4C00;
	[sflag:s13] =	ssyncadd.s32 $0xFFFFF800  }
0x12e: {  	[spmem:s3] =	stream.indirect.scatter.add.f32 [tilespmem:s4], [sflag:$0x2], $0x10, s16, s5, $0xb8;
	[tilespmem:$0xE000] =	vst v63  }
0x12f: {  	_ =	swait.ge [sflag:s13], $0x800  }
0x130: {  	[sflag:s13] =	ssyncset.done $0x0  }
0x131: {  	s17 =	simm.s32 $0x4C80;
	[sflag:s13] =	ssyncadd.s32 $0xFFFFF800  }
0x132: {  	[spmem:s3] =	stream.indirect.scatter.add.f32 [tilespmem:s6], [sflag:$0x2], $0x10, s17, s5, $0xb8;
	[tilespmem:$0xE000] =	vst v63  }
0x133: {  	_ =	swait.ge [sflag:s13], $0x800  }
0x134: {  	[sflag:s13] =	ssyncset.done $0x0  }
0x135: {  	s18 =	simm.s32 $0x4D00;
	[sflag:s13] =	ssyncadd.s32 $0xFFFFF800  }
0x136: {  	[spmem:s3] =	stream.indirect.scatter.add.f32 [tilespmem:s7], [sflag:$0x2], $0x10, s18, s5, $0xb8;
	[tilespmem:$0xE000] =	vst v63  }
0x137: {  	_ =	swait.ge [sflag:s13], $0x800  }
0x138: {  	[sflag:s13] =	ssyncset.done $0x0  }
0x139: {  	s19 =	simm.s32 $0x4D80;
	[sflag:s13] =	ssyncadd.s32 $0xFFFFF800  }
0x13a: {  	[spmem:s3] =	stream.indirect.scatter.add.f32 [tilespmem:s8], [sflag:$0x2], $0x10, s19, s5, $0xb8;
	[tilespmem:$0xE000] =	vst v63  }
0x13b: {  	_ =	swait.ge [sflag:s13], $0x800  }
0x13c: {  	[sflag:s13] =	ssyncset.done $0x0  }
0x13d: {  	s17 =	simm.s32 $0x4E00;
	[sflag:s13] =	ssyncadd.s32 $0xFFFFF800  }
0x13e: {  	[spmem:s3] =	stream.indirect.scatter.add.f32 [tilespmem:s9], [sflag:$0x2], $0x10, s17, s5, $0xb8;
	[tilespmem:$0xE000] =	vst v63  }
0x13f: {  	_ =	swait.ge [sflag:s13], $0x800  }
0x140: {  	[sflag:s13] =	ssyncset.done $0x0  }
0x141: {  	s18 =	simm.s32 $0x4E80;
	[sflag:s13] =	ssyncadd.s32 $0xFFFFF800  }
0x142: {  	[spmem:s3] =	stream.indirect.scatter.add.f32 [tilespmem:s10], [sflag:$0x2], $0x10, s18, s5, $0xb8;
	[tilespmem:$0xE000] =	vst v63  }
0x143: {  	_ =	swait.ge [sflag:s13], $0x800  }
0x144: {  	[sflag:s13] =	ssyncset.done $0x0  }
0x145: {  	s19 =	simm.s32 $0x4F00;
	[sflag:s13] =	ssyncadd.s32 $0xFFFFF800  }
0x146: {  	[spmem:s3] =	stream.indirect.scatter.add.f32 [tilespmem:s11], [sflag:$0x2], $0x10, s19, s5, $0xb8;
	[tilespmem:$0xE000] =	vst v63  }
0x147: {  	_ =	swait.ge [sflag:s13], $0x800  }
0x148: {  	[sflag:s13] =	ssyncset.done $0x0  }
0x149: {  	s17 =	simm.s32 $0x4F80;
	[sflag:s13] =	ssyncadd.s32 $0xFFFFF800  }
0x14a: {  	[spmem:s3] =	stream.indirect.scatter.add.f32 [tilespmem:s12], [sflag:$0x2], $0x10, s17, s5, $0xb8;
	[tilespmem:$0xE000] =	vst v63  }
0x14b: {  	_ =	swait.ge [sflag:s14], $0x800  }
0x14c: {  	[sflag:s14] =	ssyncset.done $0x0  }
0x14d: {  	[sflag:s14] =	ssyncadd.s32 $0xFFFFF800  }
0x14e: {  	_ =	swait.ge [sflag:s14], $0x800  }
0x14f: {  	[sflag:s14] =	ssyncset.done $0x0  }
0x150: {  	[sflag:s14] =	ssyncadd.s32 $0xFFFFF800  }
0x151: {  	_ =	swait.ge [sflag:s14], $0x800  }
0x152: {  	[sflag:s14] =	ssyncset.done $0x0  }
0x153: {  	[sflag:s14] =	ssyncadd.s32 $0xFFFFF800  }
0x154: {  	_ =	swait.ge [sflag:s14], $0x800  }
0x155: {  	[sflag:s14] =	ssyncset.done $0x0  }
0x156: {  	[sflag:s14] =	ssyncadd.s32 $0xFFFFF800  }
0x157: {  	_ =	swait.ge [sflag:s14], $0x800  }
0x158: {  	[sflag:s14] =	ssyncset.done $0x0  }
0x159: {  	[sflag:s14] =	ssyncadd.s32 $0xFFFFF800  }
0x15a: {  	_ =	swait.ge [sflag:s14], $0x800  }
0x15b: {  	[sflag:s14] =	ssyncset.done $0x0  }
0x15c: {  	[sflag:s14] =	ssyncadd.s32 $0xFFFFF800  }
0x15d: {  	_ =	swait.ge [sflag:s14], $0x800  }
0x15e: {  	[sflag:s14] =	ssyncset.done $0x0  }
0x15f: {  	[sflag:s14] =	ssyncadd.s32 $0xFFFFF800  }
0x160: {  	s18 =	stileid.u32;
	_ =	swait.ge [sflag:s14], $0x800  }
0x161: {  	s15 =	sadd.s32 $0x1, s15;
	s16 =	sshll.u32 s18, $0x6;
	[sflag:s14] =	ssyncset.done $0x0  }
0x162: {  	p1 =	sne.s32 s15, s28;
	s16 =	sor.u32 $0x1C03, s16;
	[sflag:s14] =	ssyncadd.s32 $0xFFFFF800  }
.Ltmp2:
0x163: {  	s19 =	sshrl.u32 s21, $0x3;
	[bflag:$0x0] =	sbarrier.arrive $0xFFFF;
	(pc) =	sbr.rel @p1 .LBB2_1-.Ltmp2, $4  }
0x164: {  	[hbm:s26], [sflag:s16] =	dma.local [spmem:s19], $0x500  }
0x165: {  	_ =	swait.ge [sflag:s1], $0x500  }
0x166: {  	[sflag:s1] =	ssyncset.done $0x0  }
0x167: {  	[sflag:s1] =	ssyncadd.s32 $0xFFFFFB00  }
0x168: {  	_ =	sfence.sel $0x180000  }
0x169: {  	[bflag:$0x0] =	sbarrier.arrive $0xFFFF  }
0x16a: {  	_ =	strace $0x9000004A  }
0x16b: {  	s0 =	stileid.u32;
	[bflag:$0x2] =	sbarrier.arrive $0xFFFF  }
0x16c: {  	p0 =	sne.s32 s0, $0x0;
	s0 =	rddreg [dreg:$0x3]  }
0x16d: {  	s0 =	sadd.s32 @!p0 $0x100000, s0  }
0x16e: {  	[sflag:s0] =	ssyncadd.tile.s32 @!p0 $0x1;
	_ =	shalt  }
.Lfunc_end2:
_tile_overlayer_lowered:
.L_overlay_start_2:
0x16f: {  	(tag) =	ssettag $0x2  }
0x170: {  	s0 =	rddreg [dreg:$0x0];
	s2 =	stileid.u32  }
0x171: {  	s1 =	rddreg [dreg:$0x1];
	p0 =	sne.s32 s2, $0x0  }
0x172: {  	s3 =	rddreg [dreg:$0x2];
	[bflag:$0x3] =	sbarrier.arrive $0xFFFF;
	s2 =	simm.s32 @!p0 $0x1C03  }
0x173: {  	[timem:s3], [sflag:s2] =	dma.local @!p0 [hbm:s0], s1  }
0x174: {  	s0 =	simm.s32 @!p0 $0x3  }
0x175: {  	_ =	swait.ge @!p0 [sflag:s0], s1  }
0x176: {  	s1 =	ssub.s32 @!p0 $0x0, s1;
	[sflag:s0] =	ssyncset.done @!p0 $0x0  }
0x177: {  	[sflag:s0] =	ssyncadd.s32 @!p0 s1  }
0x178: {  	[bflag:$0x3] =	sbarrier.arrive $0xFFFF  }
0x179: {  	_ =	shalt  }

</sc_bundles>
